<compile_context>
chip_gen: v7x
topology: tpu7x:2x2x1
jax: 0.10.2.dev20260603
libtpu: 0.0.44.dev20260713+nightly
codegen_flags: <defaults>
</compile_context>

<pallas_src>
import functools

import jax
import jax.numpy as jnp
from jax import lax
from jax.experimental import pallas as pl
from jax.experimental.pallas import tpu as pltpu
from jax.experimental.pallas import tpu_sc as plsc

B = 16384
N_STIMULI = 30
N_DIM = 10
NPAD = 32
BETA = 10.0

NUM_CORES = 2
NUM_SUBCORES = 16
NW = NUM_CORES * NUM_SUBCORES
RPW = B // NW
LANES = 16
CHUNKS = RPW // LANES


def _table_body(ett_ref, w0_ref, w1_ref, out_ref):
    ett = jnp.concatenate(
        [ett_ref[...], jnp.zeros((N_DIM, 1), jnp.float32)], axis=1)
    et = ett.T
    d2_0 = jnp.zeros((NPAD, NPAD), jnp.float32)
    d2_1 = jnp.zeros((NPAD, NPAD), jnp.float32)
    for d in range(N_DIM):
        diff = et[:, d:d + 1] - ett[d:d + 1, :]
        sq = diff * diff
        d2_0 = d2_0 + w0_ref[0:1, d:d + 1] * sq
        d2_1 = d2_1 + w1_ref[0:1, d:d + 1] * sq
    for t, d2 in enumerate((d2_0, d2_1)):
        s = jnp.exp(-BETA * jnp.sqrt(d2))
        for qb in range(4):
            row = jnp.concatenate(
                [s[8 * qb + j: 8 * qb + j + 1, :] for j in range(8)], axis=1)
            out_ref[pl.ds(t * 1024 + qb * 256, 256)] = row.reshape(256)


def _make_tables(embed_table, w0, w1):
    return pl.pallas_call(
        _table_body,
        out_shape=jax.ShapeDtypeStruct((2 * NPAD * NPAD,), jnp.float32),
    )(embed_table.T, w0.reshape(1, N_DIM), w1.reshape(1, N_DIM))


def _sc_body(stim_hbm, gates_hbm, tab_hbm, out_hbm,
             sr_v, g_v, tab_v, out_v, sem):
    wid = lax.axis_index("s") * NUM_CORES + lax.axis_index("c")
    base = wid * RPW
    copies = [
        pltpu.async_copy(stim_hbm.at[:, pl.ds(base, RPW)], sr_v, sem),
        pltpu.async_copy(gates_hbm.at[pl.ds(2 * base, 2 * RPW)], g_v, sem),
        pltpu.async_copy(tab_hbm, tab_v, sem),
    ]
    for c in copies:
        c.wait()

    outs = []
    for j in range(RPW // 128):
        for cc in range(8):
            o = (j * 8 + cc) * LANES
            go = j * 256 + cc * LANES
            q = sr_v[0, pl.ds(o, LANES)]
            g0 = g_v[pl.ds(go, LANES)]
            g1 = g_v[pl.ds(go + 128, LANES)]
            qt = q * NPAD
            s = []
            for k in range(4):
                r = sr_v[k + 1, pl.ds(o, LANES)]
                p = qt + r
                s0 = plsc.load_gather(tab_v, [p])
                s1 = plsc.load_gather(tab_v, [p + NPAD * NPAD])
                s.append(g0 * s0 + g1 * s1)
            inv = 1.0 / ((s[0] + s[1]) + (s[2] + s[3]))
            for k in range(4):
                out_v[pl.ds(j * 512 + k * 128 + cc * LANES, LANES)] = s[k] * inv
        outs.append(pltpu.async_copy(out_v.at[pl.ds(j * 512, 512)],
                                     out_hbm.at[pl.ds(4 * base + j * 512, 512)],
                                     sem))
    for c in outs:
        c.wait()


@functools.lru_cache(maxsize=1)
def _sc_rank():
    return pl.kernel(
        _sc_body,
        out_type=jax.ShapeDtypeStruct((4 * B,), jnp.float32),
        mesh=plsc.VectorSubcoreMesh(core_axis_name="c", subcore_axis_name="s",
                                    num_cores=NUM_CORES),
        compiler_params=pltpu.CompilerParams(needs_layout_passes=False),
        scratch_types=[
            pltpu.VMEM((5, RPW), jnp.int32),
            pltpu.VMEM((2 * RPW,), jnp.float32),
            pltpu.VMEM((2 * NPAD * NPAD,), jnp.float32),
            pltpu.VMEM((4 * RPW,), jnp.float32),
            pltpu.SemaphoreType.DMA,
        ],
    )


def kernel(given4rank1_stimulus_set, kernel_gate_weights, embed_table, w0, w1):
    tables = _make_tables(embed_table, w0, w1)
    gates_tiles = jnp.transpose(
        kernel_gate_weights.reshape(B // 128, 128, 2), (0, 2, 1)).reshape(-1)
    flat = _sc_rank()(
        given4rank1_stimulus_set.astype(jnp.int32).T,
        gates_tiles,
        tables,
    )
    return jnp.transpose(flat.reshape(B // 128, 4, 128), (0, 2, 1)).reshape(B, 4)

# --- scband reference (transcript-rebuilt; emitter-appended) ---
"""Pipeline reference for scband-rank-model-b-19250043421193 (READ-ONLY COPY).

The authoritative reference and input builder live on the scoring server;
editing this copy changes nothing except your own understanding.
"""

import jax, jax.numpy as jnp
import numpy as np

B = 16384
N_STIMULI = 30
N_DIM = 10
RHO = 2.0
BETA = 10.0
TAU = 1.0
GAMMA = 0.0


def setup_inputs(seed: int = 0) -> dict:
    key = jax.random.key(seed)
    k1, k2, k3 = jax.random.split(key, 3)
    # stimulus indices in [1, 30]; index 0 is the mask token (mask_zero=True), so we avoid it
    given4rank1_stimulus_set = jax.random.randint(k1, (B, 5), 1, N_STIMULI + 1)
    kernel_gate_weights = jax.random.uniform(k2, (B, 2), dtype=jnp.float32)
    # learned embedding table (n_stimuli + 1, n_dim)
    embed_table = jax.random.normal(k3, (N_STIMULI + 1, N_DIM), dtype=jnp.float32) * 0.05
    # fixed (non-trainable) Minkowski weights of the two braided proximity subnets
    w0 = jnp.array([1.2, 1.0, 0.1, 0.1, 0.1, 0.1, 0.1, 0.1, 0.1, 0.1], dtype=jnp.float32)
    w1 = jnp.array([0.1, 0.1, 0.1, 0.1, 0.1, 0.1, 0.1, 0.1, 1.0, 1.2], dtype=jnp.float32)
    return {
        'given4rank1_stimulus_set': given4rank1_stimulus_set,
        'kernel_gate_weights': kernel_gate_weights,
        'embed_table': embed_table,
        'w0': w0,
        'w1': w1,
    }


def _exp_similarity(d):
    # ExponentialSimilarity: gamma + exp(-beta * d ** tau)
    return GAMMA + jnp.exp(-BETA * jnp.power(d, TAU))


def _minkowski(z_q, z_r, w):
    # weighted Minkowski distance with rho=2
    diff = jnp.abs(z_q - z_r)  # [B, 4, n_dim]
    d = jnp.power(jnp.sum(w * jnp.power(diff, RHO), axis=-1), 1.0 / RHO)  # [B, 4]
    return d


def reference(given4rank1_stimulus_set, kernel_gate_weights, embed_table, w0, w1):
    # percept: embedding lookup -> [B, 5, n_dim]
    z = jnp.take(embed_table, given4rank1_stimulus_set, axis=0)
    # split along stimuli axis into query (1) and references (4)
    z_q = z[:, :1, :]   # [B, 1, n_dim]
    z_r = z[:, 1:, :]   # [B, 4, n_dim]
    # BraidGate over two Minkowski+ExponentialSimilarity subnets, gated by kernel_gate_weights
    s0 = _exp_similarity(_minkowski(z_q, z_r, w0))  # [B, 4]
    s1 = _exp_similarity(_minkowski(z_q, z_r, w1))  # [B, 4]
    s = kernel_gate_weights[:, 0:1] * s0 + kernel_gate_weights[:, 1:2] * s1  # [B, 4]
    # SoftRank(n_select=1): Luce choice probabilities over the 4 references
    prob = s / jnp.sum(s, axis=1, keepdims=True)
    return prob

if __name__ == "__main__":
    import jax
    _d = setup_inputs()
    print(jax.jit(kernel)(*tuple(_d.values())))

</pallas_src>

<mosaic_0001>
#map = affine_map<(d0, d1) -> (0, 0)>
#map1 = affine_map<(d0, d1) -> (0)>
module attributes {stable_mosaic.version = 14 : i64} {
  func.func @_sc_body(%arg0: i32, %arg1: i32, %arg2: memref<5x16384xi32, #tpu.memory_space<hbm>>, %arg3: memref<32768xf32, #tpu.memory_space<hbm>>, %arg4: memref<2048xf32, #tpu.memory_space<hbm>>, %arg5: memref<65536xf32, #tpu.memory_space<hbm>>, %arg6: memref<5x512xi32, #tpu.memory_space<vmem>>, %arg7: memref<1024xf32, #tpu.memory_space<vmem>>, %arg8: memref<2048xf32, #tpu.memory_space<vmem>>, %arg9: memref<2048xf32, #tpu.memory_space<vmem>>, %arg10: memref<!tpu.dma_semaphore, #tpu.memory_space<semaphore_mem>>) attributes {dimension_semantics = [#tpu.dimension_semantics<core_parallel>, #tpu.dimension_semantics<subcore_parallel>], iteration_bounds = array<i64: 2, 16>, scalar_prefetch = 0 : i64, scratch_operands = 5 : i64, tpu.core_type = #tpu.core_type<sc_vector_subcore>, window_params = [{transform_indices = #map}, {transform_indices = #map1}, {transform_indices = #map1}, {transform_indices = #map1}]} {
    %mul3A = arith.constant 2 : i32
    %mul3A_0 = arith.muli %arg1, %mul3A : i32
    %add3A = arith.addi %mul3A_0, %arg0 : i32
    %mul3A_1 = arith.constant 512 : i32
    %mul3A_2 = arith.muli %add3A, %mul3A_1 : i32
    %dma_start3A = arith.constant 0 : i32
    %dma_start3A_3 = tpu.memref_slice %arg2[%dma_start3A, %mul3A_2] : memref<5x16384xi32, #tpu.memory_space<hbm>> -> memref<5x512xi32, #tpu.memory_space<hbm>>
    %dma_start3A_4 = arith.constant 0 : i32
    %dma_start3A_5 = tpu.memref_slice %arg2[%dma_start3A_4, %mul3A_2] : memref<5x16384xi32, #tpu.memory_space<hbm>> -> memref<5x512xi32, #tpu.memory_space<hbm>>
    tpu.enqueue_dma source(%dma_start3A_5 : memref<5x512xi32, #tpu.memory_space<hbm>>) target(%arg6 : memref<5x512xi32, #tpu.memory_space<vmem>>) target_semaphore(%arg10 : memref<!tpu.dma_semaphore, #tpu.memory_space<semaphore_mem>>)
    %mul3A_6 = arith.constant 2 : i32
    %mul3A_7 = arith.muli %mul3A_6, %mul3A_2 : i32
    %dma_start3A_8 = tpu.memref_slice %arg3[%mul3A_7] : memref<32768xf32, #tpu.memory_space<hbm>> -> memref<1024xf32, #tpu.memory_space<hbm>>
    %dma_start3A_9 = tpu.memref_slice %arg3[%mul3A_7] : memref<32768xf32, #tpu.memory_space<hbm>> -> memref<1024xf32, #tpu.memory_space<hbm>>
    tpu.enqueue_dma source(%dma_start3A_9 : memref<1024xf32, #tpu.memory_space<hbm>>) target(%arg7 : memref<1024xf32, #tpu.memory_space<vmem>>) target_semaphore(%arg10 : memref<!tpu.dma_semaphore, #tpu.memory_space<semaphore_mem>>)
    tpu.enqueue_dma source(%arg4 : memref<2048xf32, #tpu.memory_space<hbm>>) target(%arg8 : memref<2048xf32, #tpu.memory_space<vmem>>) target_semaphore(%arg10 : memref<!tpu.dma_semaphore, #tpu.memory_space<semaphore_mem>>)
    %dma_wait3A = arith.constant 0 : i32
    %dma_wait3A_10 = tpu.memref_slice %arg2[%dma_wait3A, %mul3A_2] : memref<5x16384xi32, #tpu.memory_space<hbm>> -> memref<5x512xi32, #tpu.memory_space<hbm>>
    %dma_wait3A_11 = arith.constant 0 : i32
    %dma_wait3A_12 = tpu.memref_slice %arg2[%dma_wait3A_11, %mul3A_2] : memref<5x16384xi32, #tpu.memory_space<hbm>> -> memref<5x512xi32, #tpu.memory_space<hbm>>
    tpu.wait_dma2 semaphore(%arg10 : memref<!tpu.dma_semaphore, #tpu.memory_space<semaphore_mem>>) src(%dma_wait3A_12 : memref<5x512xi32, #tpu.memory_space<hbm>>) dst(%arg6 : memref<5x512xi32, #tpu.memory_space<vmem>>)
    %dma_wait3A_13 = tpu.memref_slice %arg3[%mul3A_7] : memref<32768xf32, #tpu.memory_space<hbm>> -> memref<1024xf32, #tpu.memory_space<hbm>>
    %dma_wait3A_14 = tpu.memref_slice %arg3[%mul3A_7] : memref<32768xf32, #tpu.memory_space<hbm>> -> memref<1024xf32, #tpu.memory_space<hbm>>
    tpu.wait_dma2 semaphore(%arg10 : memref<!tpu.dma_semaphore, #tpu.memory_space<semaphore_mem>>) src(%dma_wait3A_14 : memref<1024xf32, #tpu.memory_space<hbm>>) dst(%arg7 : memref<1024xf32, #tpu.memory_space<vmem>>)
    tpu.wait_dma2 semaphore(%arg10 : memref<!tpu.dma_semaphore, #tpu.memory_space<semaphore_mem>>) src(%arg4 : memref<2048xf32, #tpu.memory_space<hbm>>) dst(%arg8 : memref<2048xf32, #tpu.memory_space<vmem>>)
    %get3A = arith.constant 0 : i32
    %get3A_15 = arith.index_cast %get3A : i32 to index
    %get3A_16 = arith.constant 0 : index
    %get3A_17 = tpu.vector_load %arg6[%get3A_15, %get3A_16] {strides = array<i32>} : memref<5x512xi32, #tpu.memory_space<vmem>>, vector<16xi32>,
    %get3A_18 = arith.constant 0 : index
    %get3A_19 = tpu.vector_load %arg7[%get3A_18] {strides = array<i32>} : memref<1024xf32, #tpu.memory_space<vmem>>, vector<16xf32>,
    %get3A_20 = arith.constant 128 : index
    %get3A_21 = tpu.vector_load %arg7[%get3A_20] {strides = array<i32>} : memref<1024xf32, #tpu.memory_space<vmem>>, vector<16xf32>,
    %mul3A_22 = arith.constant 32 : i32
    %mul3A_23 = vector.broadcast %mul3A_22 : i32 to vector<16xi32>
    %mul3A_24 = arith.muli %get3A_17, %mul3A_23 : vector<16xi32>
    %get3A_25 = arith.constant 1 : i32
    %get3A_26 = arith.index_cast %get3A_25 : i32 to index
    %get3A_27 = arith.constant 0 : index
    %get3A_28 = tpu.vector_load %arg6[%get3A_26, %get3A_27] {strides = array<i32>} : memref<5x512xi32, #tpu.memory_space<vmem>>, vector<16xi32>,
    %add3A_29 = arith.addi %mul3A_24, %get3A_28 : vector<16xi32>
    %gather3A = tpu.vector_load_idx %arg8[%add3A_29] : memref<2048xf32, #tpu.memory_space<vmem>>[vector<16xi32>], vector<16xf32>,
    %add3A_30 = arith.constant 1024 : i32
    %add3A_31 = vector.broadcast %add3A_30 : i32 to vector<16xi32>
    %add3A_32 = arith.addi %add3A_29, %add3A_31 : vector<16xi32>
    %gather3A_33 = tpu.vector_load_idx %arg8[%add3A_32] : memref<2048xf32, #tpu.memory_space<vmem>>[vector<16xi32>], vector<16xf32>,
    %mul3A_34 = arith.mulf %get3A_19, %gather3A : vector<16xf32>
    %mul3A_35 = arith.mulf %get3A_21, %gather3A_33 : vector<16xf32>
    %add3A_36 = arith.addf %mul3A_34, %mul3A_35 : vector<16xf32>
    %get3A_37 = arith.constant 2 : i32
    %get3A_38 = arith.index_cast %get3A_37 : i32 to index
    %get3A_39 = arith.constant 0 : index
    %get3A_40 = tpu.vector_load %arg6[%get3A_38, %get3A_39] {strides = array<i32>} : memref<5x512xi32, #tpu.memory_space<vmem>>, vector<16xi32>,
    %add3A_41 = arith.addi %mul3A_24, %get3A_40 : vector<16xi32>
    %gather3A_42 = tpu.vector_load_idx %arg8[%add3A_41] : memref<2048xf32, #tpu.memory_space<vmem>>[vector<16xi32>], vector<16xf32>,
    %add3A_43 = arith.constant 1024 : i32
    %add3A_44 = vector.broadcast %add3A_43 : i32 to vector<16xi32>
    %add3A_45 = arith.addi %add3A_41, %add3A_44 : vector<16xi32>
    %gather3A_46 = tpu.vector_load_idx %arg8[%add3A_45] : memref<2048xf32, #tpu.memory_space<vmem>>[vector<16xi32>], vector<16xf32>,
    %mul3A_47 = arith.mulf %get3A_19, %gather3A_42 : vector<16xf32>
    %mul3A_48 = arith.mulf %get3A_21, %gather3A_46 : vector<16xf32>
    %add3A_49 = arith.addf %mul3A_47, %mul3A_48 : vector<16xf32>
    %get3A_50 = arith.constant 3 : i32
    %get3A_51 = arith.index_cast %get3A_50 : i32 to index
    %get3A_52 = arith.constant 0 : index
    %get3A_53 = tpu.vector_load %arg6[%get3A_51, %get3A_52] {strides = array<i32>} : memref<5x512xi32, #tpu.memory_space<vmem>>, vector<16xi32>,
    %add3A_54 = arith.addi %mul3A_24, %get3A_53 : vector<16xi32>
    %gather3A_55 = tpu.vector_load_idx %arg8[%add3A_54] : memref<2048xf32, #tpu.memory_space<vmem>>[vector<16xi32>], vector<16xf32>,
    %add3A_56 = arith.constant 1024 : i32
    %add3A_57 = vector.broadcast %add3A_56 : i32 to vector<16xi32>
    %add3A_58 = arith.addi %add3A_54, %add3A_57 : vector<16xi32>
    %gather3A_59 = tpu.vector_load_idx %arg8[%add3A_58] : memref<2048xf32, #tpu.memory_space<vmem>>[vector<16xi32>], vector<16xf32>,
    %mul3A_60 = arith.mulf %get3A_19, %gather3A_55 : vector<16xf32>
    %mul3A_61 = arith.mulf %get3A_21, %gather3A_59 : vector<16xf32>
    %add3A_62 = arith.addf %mul3A_60, %mul3A_61 : vector<16xf32>
    %get3A_63 = arith.constant 4 : i32
    %get3A_64 = arith.index_cast %get3A_63 : i32 to index
    %get3A_65 = arith.constant 0 : index
    %get3A_66 = tpu.vector_load %arg6[%get3A_64, %get3A_65] {strides = array<i32>} : memref<5x512xi32, #tpu.memory_space<vmem>>, vector<16xi32>,
    %add3A_67 = arith.addi %mul3A_24, %get3A_66 : vector<16xi32>
    %gather3A_68 = tpu.vector_load_idx %arg8[%add3A_67] : memref<2048xf32, #tpu.memory_space<vmem>>[vector<16xi32>], vector<16xf32>,
    %add3A_69 = arith.constant 1024 : i32
    %add3A_70 = vector.broadcast %add3A_69 : i32 to vector<16xi32>
    %add3A_71 = arith.addi %add3A_67, %add3A_70 : vector<16xi32>
    %gather3A_72 = tpu.vector_load_idx %arg8[%add3A_71] : memref<2048xf32, #tpu.memory_space<vmem>>[vector<16xi32>], vector<16xf32>,
    %mul3A_73 = arith.mulf %get3A_19, %gather3A_68 : vector<16xf32>
    %mul3A_74 = arith.mulf %get3A_21, %gather3A_72 : vector<16xf32>
    %add3A_75 = arith.addf %mul3A_73, %mul3A_74 : vector<16xf32>
    %add3A_76 = arith.addf %add3A_36, %add3A_49 : vector<16xf32>
    %add3A_77 = arith.addf %add3A_62, %add3A_75 : vector<16xf32>
    %add3A_78 = arith.addf %add3A_76, %add3A_77 : vector<16xf32>
    %div3A = arith.constant 1.000000e+00 : f32
    %div3A_79 = vector.broadcast %div3A : f32 to vector<16xf32>
    %div3A_80 = arith.divf %div3A_79, %add3A_78 : vector<16xf32>
    %mul3A_81 = arith.mulf %add3A_36, %div3A_80 : vector<16xf32>
    %swap3A = arith.constant 0 : index
    %swap3A_82 = tpu.vector_load %arg9[%swap3A] {strides = array<i32>} : memref<2048xf32, #tpu.memory_space<vmem>>, vector<16xf32>,
    tpu.vector_store %arg9[%swap3A], %mul3A_81 {strides = array<i32>} : memref<2048xf32, #tpu.memory_space<vmem>>, vector<16xf32>,
    %mul3A_83 = arith.mulf %add3A_49, %div3A_80 : vector<16xf32>
    %swap3A_84 = arith.constant 128 : index
    %swap3A_85 = tpu.vector_load %arg9[%swap3A_84] {strides = array<i32>} : memref<2048xf32, #tpu.memory_space<vmem>>, vector<16xf32>,
    tpu.vector_store %arg9[%swap3A_84], %mul3A_83 {strides = array<i32>} : memref<2048xf32, #tpu.memory_space<vmem>>, vector<16xf32>,
    %mul3A_86 = arith.mulf %add3A_62, %div3A_80 : vector<16xf32>
    %swap3A_87 = arith.constant 256 : index
    %swap3A_88 = tpu.vector_load %arg9[%swap3A_87] {strides = array<i32>} : memref<2048xf32, #tpu.memory_space<vmem>>, vector<16xf32>,
    tpu.vector_store %arg9[%swap3A_87], %mul3A_86 {strides = array<i32>} : memref<2048xf32, #tpu.memory_space<vmem>>, vector<16xf32>,
    %mul3A_89 = arith.mulf %add3A_75, %div3A_80 : vector<16xf32>
    %swap3A_90 = arith.constant 384 : index
    %swap3A_91 = tpu.vector_load %arg9[%swap3A_90] {strides = array<i32>} : memref<2048xf32, #tpu.memory_space<vmem>>, vector<16xf32>,
    tpu.vector_store %arg9[%swap3A_90], %mul3A_89 {strides = array<i32>} : memref<2048xf32, #tpu.memory_space<vmem>>, vector<16xf32>,
    %get3A_92 = arith.constant 0 : i32
    %get3A_93 = arith.index_cast %get3A_92 : i32 to index
    %get3A_94 = arith.constant 16 : index
    %get3A_95 = tpu.vector_load %arg6[%get3A_93, %get3A_94] {strides = array<i32>} : memref<5x512xi32, #tpu.memory_space<vmem>>, vector<16xi32>,
    %get3A_96 = arith.constant 16 : index
    %get3A_97 = tpu.vector_load %arg7[%get3A_96] {strides = array<i32>} : memref<1024xf32, #tpu.memory_space<vmem>>, vector<16xf32>,
    %get3A_98 = arith.constant 144 : index
    %get3A_99 = tpu.vector_load %arg7[%get3A_98] {strides = array<i32>} : memref<1024xf32, #tpu.memory_space<vmem>>, vector<16xf32>,
    %mul3A_100 = arith.constant 32 : i32
    %mul3A_101 = vector.broadcast %mul3A_100 : i32 to vector<16xi32>
    %mul3A_102 = arith.muli %get3A_95, %mul3A_101 : vector<16xi32>
    %get3A_103 = arith.constant 1 : i32
    %get3A_104 = arith.index_cast %get3A_103 : i32 to index
    %get3A_105 = arith.constant 16 : index
    %get3A_106 = tpu.vector_load %arg6[%get3A_104, %get3A_105] {strides = array<i32>} : memref<5x512xi32, #tpu.memory_space<vmem>>, vector<16xi32>,
    %add3A_107 = arith.addi %mul3A_102, %get3A_106 : vector<16xi32>
    %gather3A_108 = tpu.vector_load_idx %arg8[%add3A_107] : memref<2048xf32, #tpu.memory_space<vmem>>[vector<16xi32>], vector<16xf32>,
    %add3A_109 = arith.constant 1024 : i32
    %add3A_110 = vector.broadcast %add3A_109 : i32 to vector<16xi32>
    %add3A_111 = arith.addi %add3A_107, %add3A_110 : vector<16xi32>
    %gather3A_112 = tpu.vector_load_idx %arg8[%add3A_111] : memref<2048xf32, #tpu.memory_space<vmem>>[vector<16xi32>], vector<16xf32>,
    %mul3A_113 = arith.mulf %get3A_97, %gather3A_108 : vector<16xf32>
    %mul3A_114 = arith.mulf %get3A_99, %gather3A_112 : vector<16xf32>
    %add3A_115 = arith.addf %mul3A_113, %mul3A_114 : vector<16xf32>
    %get3A_116 = arith.constant 2 : i32
    %get3A_117 = arith.index_cast %get3A_116 : i32 to index
    %get3A_118 = arith.constant 16 : index
    %get3A_119 = tpu.vector_load %arg6[%get3A_117, %get3A_118] {strides = array<i32>} : memref<5x512xi32, #tpu.memory_space<vmem>>, vector<16xi32>,
    %add3A_120 = arith.addi %mul3A_102, %get3A_119 : vector<16xi32>
    %gather3A_121 = tpu.vector_load_idx %arg8[%add3A_120] : memref<2048xf32, #tpu.memory_space<vmem>>[vector<16xi32>], vector<16xf32>,
    %add3A_122 = arith.constant 1024 : i32
    %add3A_123 = vector.broadcast %add3A_122 : i32 to vector<16xi32>
    %add3A_124 = arith.addi %add3A_120, %add3A_123 : vector<16xi32>
    %gather3A_125 = tpu.vector_load_idx %arg8[%add3A_124] : memref<2048xf32, #tpu.memory_space<vmem>>[vector<16xi32>], vector<16xf32>,
    %mul3A_126 = arith.mulf %get3A_97, %gather3A_121 : vector<16xf32>
    %mul3A_127 = arith.mulf %get3A_99, %gather3A_125 : vector<16xf32>
    %add3A_128 = arith.addf %mul3A_126, %mul3A_127 : vector<16xf32>
    %get3A_129 = arith.constant 3 : i32
    %get3A_130 = arith.index_cast %get3A_129 : i32 to index
    %get3A_131 = arith.constant 16 : index
    %get3A_132 = tpu.vector_load %arg6[%get3A_130, %get3A_131] {strides = array<i32>} : memref<5x512xi32, #tpu.memory_space<vmem>>, vector<16xi32>,
    %add3A_133 = arith.addi %mul3A_102, %get3A_132 : vector<16xi32>
    %gather3A_134 = tpu.vector_load_idx %arg8[%add3A_133] : memref<2048xf32, #tpu.memory_space<vmem>>[vector<16xi32>], vector<16xf32>,
    %add3A_135 = arith.constant 1024 : i32
    %add3A_136 = vector.broadcast %add3A_135 : i32 to vector<16xi32>
    %add3A_137 = arith.addi %add3A_133, %add3A_136 : vector<16xi32>
    %gather3A_138 = tpu.vector_load_idx %arg8[%add3A_137] : memref<2048xf32, #tpu.memory_space<vmem>>[vector<16xi32>], vector<16xf32>,
    %mul3A_139 = arith.mulf %get3A_97, %gather3A_134 : vector<16xf32>
    %mul3A_140 = arith.mulf %get3A_99, %gather3A_138 : vector<16xf32>
    %add3A_141 = arith.addf %mul3A_139, %mul3A_140 : vector<16xf32>
    %get3A_142 = arith.constant 4 : i32
    %get3A_143 = arith.index_cast %get3A_142 : i32 to index
    %get3A_144 = arith.constant 16 : index
    %get3A_145 = tpu.vector_load %arg6[%get3A_143, %get3A_144] {strides = array<i32>} : memref<5x512xi32, #tpu.memory_space<vmem>>, vector<16xi32>,
    %add3A_146 = arith.addi %mul3A_102, %get3A_145 : vector<16xi32>
    %gather3A_147 = tpu.vector_load_idx %arg8[%add3A_146] : memref<2048xf32, #tpu.memory_space<vmem>>[vector<16xi32>], vector<16xf32>,
    %add3A_148 = arith.constant 1024 : i32
    %add3A_149 = vector.broadcast %add3A_148 : i32 to vector<16xi32>
    %add3A_150 = arith.addi %add3A_146, %add3A_149 : vector<16xi32>
    %gather3A_151 = tpu.vector_load_idx %arg8[%add3A_150] : memref<2048xf32, #tpu.memory_space<vmem>>[vector<16xi32>], vector<16xf32>,
    %mul3A_152 = arith.mulf %get3A_97, %gather3A_147 : vector<16xf32>
    %mul3A_153 = arith.mulf %get3A_99, %gather3A_151 : vector<16xf32>
    %add3A_154 = arith.addf %mul3A_152, %mul3A_153 : vector<16xf32>
    %add3A_155 = arith.addf %add3A_115, %add3A_128 : vector<16xf32>
    %add3A_156 = arith.addf %add3A_141, %add3A_154 : vector<16xf32>
    %add3A_157 = arith.addf %add3A_155, %add3A_156 : vector<16xf32>
    %div3A_158 = arith.constant 1.000000e+00 : f32
    %div3A_159 = vector.broadcast %div3A_158 : f32 to vector<16xf32>
    %div3A_160 = arith.divf %div3A_159, %add3A_157 : vector<16xf32>
    %mul3A_161 = arith.mulf %add3A_115, %div3A_160 : vector<16xf32>
    %swap3A_162 = arith.constant 16 : index
    %swap3A_163 = tpu.vector_load %arg9[%swap3A_162] {strides = array<i32>} : memref<2048xf32, #tpu.memory_space<vmem>>, vector<16xf32>,
    tpu.vector_store %arg9[%swap3A_162], %mul3A_161 {strides = array<i32>} : memref<2048xf32, #tpu.memory_space<vmem>>, vector<16xf32>,
    %mul3A_164 = arith.mulf %add3A_128, %div3A_160 : vector<16xf32>
    %swap3A_165 = arith.constant 144 : index
    %swap3A_166 = tpu.vector_load %arg9[%swap3A_165] {strides = array<i32>} : memref<2048xf32, #tpu.memory_space<vmem>>, vector<16xf32>,
    tpu.vector_store %arg9[%swap3A_165], %mul3A_164 {strides = array<i32>} : memref<2048xf32, #tpu.memory_space<vmem>>, vector<16xf32>,
    %mul3A_167 = arith.mulf %add3A_141, %div3A_160 : vector<16xf32>
    %swap3A_168 = arith.constant 272 : index
    %swap3A_169 = tpu.vector_load %arg9[%swap3A_168] {strides = array<i32>} : memref<2048xf32, #tpu.memory_space<vmem>>, vector<16xf32>,
    tpu.vector_store %arg9[%swap3A_168], %mul3A_167 {strides = array<i32>} : memref<2048xf32, #tpu.memory_space<vmem>>, vector<16xf32>,
    %mul3A_170 = arith.mulf %add3A_154, %div3A_160 : vector<16xf32>
    %swap3A_171 = arith.constant 400 : index
    %swap3A_172 = tpu.vector_load %arg9[%swap3A_171] {strides = array<i32>} : memref<2048xf32, #tpu.memory_space<vmem>>, vector<16xf32>,
    tpu.vector_store %arg9[%swap3A_171], %mul3A_170 {strides = array<i32>} : memref<2048xf32, #tpu.memory_space<vmem>>, vector<16xf32>,
    %get3A_173 = arith.constant 0 : i32
    %get3A_174 = arith.index_cast %get3A_173 : i32 to index
    %get3A_175 = arith.constant 32 : index
    %get3A_176 = tpu.vector_load %arg6[%get3A_174, %get3A_175] {strides = array<i32>} : memref<5x512xi32, #tpu.memory_space<vmem>>, vector<16xi32>,
    %get3A_177 = arith.constant 32 : index
    %get3A_178 = tpu.vector_load %arg7[%get3A_177] {strides = array<i32>} : memref<1024xf32, #tpu.memory_space<vmem>>, vector<16xf32>,
    %get3A_179 = arith.constant 160 : index
    %get3A_180 = tpu.vector_load %arg7[%get3A_179] {strides = array<i32>} : memref<1024xf32, #tpu.memory_space<vmem>>, vector<16xf32>,
    %mul3A_181 = arith.constant 32 : i32
    %mul3A_182 = vector.broadcast %mul3A_181 : i32 to vector<16xi32>
    %mul3A_183 = arith.muli %get3A_176, %mul3A_182 : vector<16xi32>
    %get3A_184 = arith.constant 1 : i32
    %get3A_185 = arith.index_cast %get3A_184 : i32 to index
    %get3A_186 = arith.constant 32 : index
    %get3A_187 = tpu.vector_load %arg6[%get3A_185, %get3A_186] {strides = array<i32>} : memref<5x512xi32, #tpu.memory_space<vmem>>, vector<16xi32>,
    %add3A_188 = arith.addi %mul3A_183, %get3A_187 : vector<16xi32>
    %gather3A_189 = tpu.vector_load_idx %arg8[%add3A_188] : memref<2048xf32, #tpu.memory_space<vmem>>[vector<16xi32>], vector<16xf32>,
    %add3A_190 = arith.constant 1024 : i32
    %add3A_191 = vector.broadcast %add3A_190 : i32 to vector<16xi32>
    %add3A_192 = arith.addi %add3A_188, %add3A_191 : vector<16xi32>
    %gather3A_193 = tpu.vector_load_idx %arg8[%add3A_192] : memref<2048xf32, #tpu.memory_space<vmem>>[vector<16xi32>], vector<16xf32>,
    %mul3A_194 = arith.mulf %get3A_178, %gather3A_189 : vector<16xf32>
    %mul3A_195 = arith.mulf %get3A_180, %gather3A_193 : vector<16xf32>
    %add3A_196 = arith.addf %mul3A_194, %mul3A_195 : vector<16xf32>
    %get3A_197 = arith.constant 2 : i32
    %get3A_198 = arith.index_cast %get3A_197 : i32 to index
    %get3A_199 = arith.constant 32 : index
    %get3A_200 = tpu.vector_load %arg6[%get3A_198, %get3A_199] {strides = array<i32>} : memref<5x512xi32, #tpu.memory_space<vmem>>, vector<16xi32>,
    %add3A_201 = arith.addi %mul3A_183, %get3A_200 : vector<16xi32>
    %gather3A_202 = tpu.vector_load_idx %arg8[%add3A_201] : memref<2048xf32, #tpu.memory_space<vmem>>[vector<16xi32>], vector<16xf32>,
    %add3A_203 = arith.constant 1024 : i32
    %add3A_204 = vector.broadcast %add3A_203 : i32 to vector<16xi32>
    %add3A_205 = arith.addi %add3A_201, %add3A_204 : vector<16xi32>
    %gather3A_206 = tpu.vector_load_idx %arg8[%add3A_205] : memref<2048xf32, #tpu.memory_space<vmem>>[vector<16xi32>], vector<16xf32>,
    %mul3A_207 = arith.mulf %get3A_178, %gather3A_202 : vector<16xf32>
    %mul3A_208 = arith.mulf %get3A_180, %gather3A_206 : vector<16xf32>
    %add3A_209 = arith.addf %mul3A_207, %mul3A_208 : vector<16xf32>
    %get3A_210 = arith.constant 3 : i32
    %get3A_211 = arith.index_cast %get3A_210 : i32 to index
    %get3A_212 = arith.constant 32 : index
    %get3A_213 = tpu.vector_load %arg6[%get3A_211, %get3A_212] {strides = array<i32>} : memref<5x512xi32, #tpu.memory_space<vmem>>, vector<16xi32>,
    %add3A_214 = arith.addi %mul3A_183, %get3A_213 : vector<16xi32>
    %gather3A_215 = tpu.vector_load_idx %arg8[%add3A_214] : memref<2048xf32, #tpu.memory_space<vmem>>[vector<16xi32>], vector<16xf32>,
    %add3A_216 = arith.constant 1024 : i32
    %add3A_217 = vector.broadcast %add3A_216 : i32 to vector<16xi32>
    %add3A_218 = arith.addi %add3A_214, %add3A_217 : vector<16xi32>
    %gather3A_219 = tpu.vector_load_idx %arg8[%add3A_218] : memref<2048xf32, #tpu.memory_space<vmem>>[vector<16xi32>], vector<16xf32>,
    %mul3A_220 = arith.mulf %get3A_178, %gather3A_215 : vector<16xf32>
    %mul3A_221 = arith.mulf %get3A_180, %gather3A_219 : vector<16xf32>
    %add3A_222 = arith.addf %mul3A_220, %mul3A_221 : vector<16xf32>
    %get3A_223 = arith.constant 4 : i32
    %get3A_224 = arith.index_cast %get3A_223 : i32 to index
    %get3A_225 = arith.constant 32 : index
    %get3A_226 = tpu.vector_load %arg6[%get3A_224, %get3A_225] {strides = array<i32>} : memref<5x512xi32, #tpu.memory_space<vmem>>, vector<16xi32>,
    %add3A_227 = arith.addi %mul3A_183, %get3A_226 : vector<16xi32>
    %gather3A_228 = tpu.vector_load_idx %arg8[%add3A_227] : memref<2048xf32, #tpu.memory_space<vmem>>[vector<16xi32>], vector<16xf32>,
    %add3A_229 = arith.constant 1024 : i32
    %add3A_230 = vector.broadcast %add3A_229 : i32 to vector<16xi32>
    %add3A_231 = arith.addi %add3A_227, %add3A_230 : vector<16xi32>
    %gather3A_232 = tpu.vector_load_idx %arg8[%add3A_231] : memref<2048xf32, #tpu.memory_space<vmem>>[vector<16xi32>], vector<16xf32>,
    %mul3A_233 = arith.mulf %get3A_178, %gather3A_228 : vector<16xf32>
    %mul3A_234 = arith.mulf %get3A_180, %gather3A_232 : vector<16xf32>
    %add3A_235 = arith.addf %mul3A_233, %mul3A_234 : vector<16xf32>
    %add3A_236 = arith.addf %add3A_196, %add3A_209 : vector<16xf32>
    %add3A_237 = arith.addf %add3A_222, %add3A_235 : vector<16xf32>
    %add3A_238 = arith.addf %add3A_236, %add3A_237 : vector<16xf32>
    %div3A_239 = arith.constant 1.000000e+00 : f32
    %div3A_240 = vector.broadcast %div3A_239 : f32 to vector<16xf32>
    %div3A_241 = arith.divf %div3A_240, %add3A_238 : vector<16xf32>
    %mul3A_242 = arith.mulf %add3A_196, %div3A_241 : vector<16xf32>
    %swap3A_243 = arith.constant 32 : index
    %swap3A_244 = tpu.vector_load %arg9[%swap3A_243] {strides = array<i32>} : memref<2048xf32, #tpu.memory_space<vmem>>, vector<16xf32>,
    tpu.vector_store %arg9[%swap3A_243], %mul3A_242 {strides = array<i32>} : memref<2048xf32, #tpu.memory_space<vmem>>, vector<16xf32>,
    %mul3A_245 = arith.mulf %add3A_209, %div3A_241 : vector<16xf32>
    %swap3A_246 = arith.constant 160 : index
    %swap3A_247 = tpu.vector_load %arg9[%swap3A_246] {strides = array<i32>} : memref<2048xf32, #tpu.memory_space<vmem>>, vector<16xf32>,
    tpu.vector_store %arg9[%swap3A_246], %mul3A_245 {strides = array<i32>} : memref<2048xf32, #tpu.memory_space<vmem>>, vector<16xf32>,
    %mul3A_248 = arith.mulf %add3A_222, %div3A_241 : vector<16xf32>
    %swap3A_249 = arith.constant 288 : index
    %swap3A_250 = tpu.vector_load %arg9[%swap3A_249] {strides = array<i32>} : memref<2048xf32, #tpu.memory_space<vmem>>, vector<16xf32>,
    tpu.vector_store %arg9[%swap3A_249], %mul3A_248 {strides = array<i32>} : memref<2048xf32, #tpu.memory_space<vmem>>, vector<16xf32>,
    %mul3A_251 = arith.mulf %add3A_235, %div3A_241 : vector<16xf32>
    %swap3A_252 = arith.constant 416 : index
    %swap3A_253 = tpu.vector_load %arg9[%swap3A_252] {strides = array<i32>} : memref<2048xf32, #tpu.memory_space<vmem>>, vector<16xf32>,
    tpu.vector_store %arg9[%swap3A_252], %mul3A_251 {strides = array<i32>} : memref<2048xf32, #tpu.memory_space<vmem>>, vector<16xf32>,
    %get3A_254 = arith.constant 0 : i32
    %get3A_255 = arith.index_cast %get3A_254 : i32 to index
    %get3A_256 = arith.constant 48 : index
    %get3A_257 = tpu.vector_load %arg6[%get3A_255, %get3A_256] {strides = array<i32>} : memref<5x512xi32, #tpu.memory_space<vmem>>, vector<16xi32>,
    %get3A_258 = arith.constant 48 : index
    %get3A_259 = tpu.vector_load %arg7[%get3A_258] {strides = array<i32>} : memref<1024xf32, #tpu.memory_space<vmem>>, vector<16xf32>,
    %get3A_260 = arith.constant 176 : index
    %get3A_261 = tpu.vector_load %arg7[%get3A_260] {strides = array<i32>} : memref<1024xf32, #tpu.memory_space<vmem>>, vector<16xf32>,
    %mul3A_262 = arith.constant 32 : i32
    %mul3A_263 = vector.broadcast %mul3A_262 : i32 to vector<16xi32>
    %mul3A_264 = arith.muli %get3A_257, %mul3A_263 : vector<16xi32>
    %get3A_265 = arith.constant 1 : i32
    %get3A_266 = arith.index_cast %get3A_265 : i32 to index
    %get3A_267 = arith.constant 48 : index
    %get3A_268 = tpu.vector_load %arg6[%get3A_266, %get3A_267] {strides = array<i32>} : memref<5x512xi32, #tpu.memory_space<vmem>>, vector<16xi32>,
    %add3A_269 = arith.addi %mul3A_264, %get3A_268 : vector<16xi32>
    %gather3A_270 = tpu.vector_load_idx %arg8[%add3A_269] : memref<2048xf32, #tpu.memory_space<vmem>>[vector<16xi32>], vector<16xf32>,
    %add3A_271 = arith.constant 1024 : i32
    %add3A_272 = vector.broadcast %add3A_271 : i32 to vector<16xi32>
    %add3A_273 = arith.addi %add3A_269, %add3A_272 : vector<16xi32>
    %gather3A_274 = tpu.vector_load_idx %arg8[%add3A_273] : memref<2048xf32, #tpu.memory_space<vmem>>[vector<16xi32>], vector<16xf32>,
    %mul3A_275 = arith.mulf %get3A_259, %gather3A_270 : vector<16xf32>
    %mul3A_276 = arith.mulf %get3A_261, %gather3A_274 : vector<16xf32>
    %add3A_277 = arith.addf %mul3A_275, %mul3A_276 : vector<16xf32>
    %get3A_278 = arith.constant 2 : i32
    %get3A_279 = arith.index_cast %get3A_278 : i32 to index
    %get3A_280 = arith.constant 48 : index
    %get3A_281 = tpu.vector_load %arg6[%get3A_279, %get3A_280] {strides = array<i32>} : memref<5x512xi32, #tpu.memory_space<vmem>>, vector<16xi32>,
    %add3A_282 = arith.addi %mul3A_264, %get3A_281 : vector<16xi32>
    %gather3A_283 = tpu.vector_load_idx %arg8[%add3A_282] : memref<2048xf32, #tpu.memory_space<vmem>>[vector<16xi32>], vector<16xf32>,
    %add3A_284 = arith.constant 1024 : i32
    %add3A_285 = vector.broadcast %add3A_284 : i32 to vector<16xi32>
    %add3A_286 = arith.addi %add3A_282, %add3A_285 : vector<16xi32>
    %gather3A_287 = tpu.vector_load_idx %arg8[%add3A_286] : memref<2048xf32, #tpu.memory_space<vmem>>[vector<16xi32>], vector<16xf32>,
    %mul3A_288 = arith.mulf %get3A_259, %gather3A_283 : vector<16xf32>
    %mul3A_289 = arith.mulf %get3A_261, %gather3A_287 : vector<16xf32>
    %add3A_290 = arith.addf %mul3A_288, %mul3A_289 : vector<16xf32>
    %get3A_291 = arith.constant 3 : i32
    %get3A_292 = arith.index_cast %get3A_291 : i32 to index
    %get3A_293 = arith.constant 48 : index
    %get3A_294 = tpu.vector_load %arg6[%get3A_292, %get3A_293] {strides = array<i32>} : memref<5x512xi32, #tpu.memory_space<vmem>>, vector<16xi32>,
    %add3A_295 = arith.addi %mul3A_264, %get3A_294 : vector<16xi32>
    %gather3A_296 = tpu.vector_load_idx %arg8[%add3A_295] : memref<2048xf32, #tpu.memory_space<vmem>>[vector<16xi32>], vector<16xf32>,
    %add3A_297 = arith.constant 1024 : i32
    %add3A_298 = vector.broadcast %add3A_297 : i32 to vector<16xi32>
    %add3A_299 = arith.addi %add3A_295, %add3A_298 : vector<16xi32>
    %gather3A_300 = tpu.vector_load_idx %arg8[%add3A_299] : memref<2048xf32, #tpu.memory_space<vmem>>[vector<16xi32>], vector<16xf32>,
    %mul3A_301 = arith.mulf %get3A_259, %gather3A_296 : vector<16xf32>
    %mul3A_302 = arith.mulf %get3A_261, %gather3A_300 : vector<16xf32>
    %add3A_303 = arith.addf %mul3A_301, %mul3A_302 : vector<16xf32>
    %get3A_304 = arith.constant 4 : i32
    %get3A_305 = arith.index_cast %get3A_304 : i32 to index
    %get3A_306 = arith.constant 48 : index
    %get3A_307 = tpu.vector_load %arg6[%get3A_305, %get3A_306] {strides = array<i32>} : memref<5x512xi32, #tpu.memory_space<vmem>>, vector<16xi32>,
    %add3A_308 = arith.addi %mul3A_264, %get3A_307 : vector<16xi32>
    %gather3A_309 = tpu.vector_load_idx %arg8[%add3A_308] : memref<2048xf32, #tpu.memory_space<vmem>>[vector<16xi32>], vector<16xf32>,
    %add3A_310 = arith.constant 1024 : i32
    %add3A_311 = vector.broadcast %add3A_310 : i32 to vector<16xi32>
    %add3A_312 = arith.addi %add3A_308, %add3A_311 : vector<16xi32>
    %gather3A_313 = tpu.vector_load_idx %arg8[%add3A_312] : memref<2048xf32, #tpu.memory_space<vmem>>[vector<16xi32>], vector<16xf32>,
    %mul3A_314 = arith.mulf %get3A_259, %gather3A_309 : vector<16xf32>
    %mul3A_315 = arith.mulf %get3A_261, %gather3A_313 : vector<16xf32>
    %add3A_316 = arith.addf %mul3A_314, %mul3A_315 : vector<16xf32>
    %add3A_317 = arith.addf %add3A_277, %add3A_290 : vector<16xf32>
    %add3A_318 = arith.addf %add3A_303, %add3A_316 : vector<16xf32>
    %add3A_319 = arith.addf %add3A_317, %add3A_318 : vector<16xf32>
    %div3A_320 = arith.constant 1.000000e+00 : f32
    %div3A_321 = vector.broadcast %div3A_320 : f32 to vector<16xf32>
    %div3A_322 = arith.divf %div3A_321, %add3A_319 : vector<16xf32>
    %mul3A_323 = arith.mulf %add3A_277, %div3A_322 : vector<16xf32>
    %swap3A_324 = arith.constant 48 : index
    %swap3A_325 = tpu.vector_load %arg9[%swap3A_324] {strides = array<i32>} : memref<2048xf32, #tpu.memory_space<vmem>>, vector<16xf32>,
    tpu.vector_store %arg9[%swap3A_324], %mul3A_323 {strides = array<i32>} : memref<2048xf32, #tpu.memory_space<vmem>>, vector<16xf32>,
    %mul3A_326 = arith.mulf %add3A_290, %div3A_322 : vector<16xf32>
    %swap3A_327 = arith.constant 176 : index
    %swap3A_328 = tpu.vector_load %arg9[%swap3A_327] {strides = array<i32>} : memref<2048xf32, #tpu.memory_space<vmem>>, vector<16xf32>,
    tpu.vector_store %arg9[%swap3A_327], %mul3A_326 {strides = array<i32>} : memref<2048xf32, #tpu.memory_space<vmem>>, vector<16xf32>,
    %mul3A_329 = arith.mulf %add3A_303, %div3A_322 : vector<16xf32>
    %swap3A_330 = arith.constant 304 : index
    %swap3A_331 = tpu.vector_load %arg9[%swap3A_330] {strides = array<i32>} : memref<2048xf32, #tpu.memory_space<vmem>>, vector<16xf32>,
    tpu.vector_store %arg9[%swap3A_330], %mul3A_329 {strides = array<i32>} : memref<2048xf32, #tpu.memory_space<vmem>>, vector<16xf32>,
    %mul3A_332 = arith.mulf %add3A_316, %div3A_322 : vector<16xf32>
    %swap3A_333 = arith.constant 432 : index
    %swap3A_334 = tpu.vector_load %arg9[%swap3A_333] {strides = array<i32>} : memref<2048xf32, #tpu.memory_space<vmem>>, vector<16xf32>,
    tpu.vector_store %arg9[%swap3A_333], %mul3A_332 {strides = array<i32>} : memref<2048xf32, #tpu.memory_space<vmem>>, vector<16xf32>,
    %get3A_335 = arith.constant 0 : i32
    %get3A_336 = arith.index_cast %get3A_335 : i32 to index
    %get3A_337 = arith.constant 64 : index
    %get3A_338 = tpu.vector_load %arg6[%get3A_336, %get3A_337] {strides = array<i32>} : memref<5x512xi32, #tpu.memory_space<vmem>>, vector<16xi32>,
    %get3A_339 = arith.constant 64 : index
    %get3A_340 = tpu.vector_load %arg7[%get3A_339] {strides = array<i32>} : memref<1024xf32, #tpu.memory_space<vmem>>, vector<16xf32>,
    %get3A_341 = arith.constant 192 : index
    %get3A_342 = tpu.vector_load %arg7[%get3A_341] {strides = array<i32>} : memref<1024xf32, #tpu.memory_space<vmem>>, vector<16xf32>,
    %mul3A_343 = arith.constant 32 : i32
    %mul3A_344 = vector.broadcast %mul3A_343 : i32 to vector<16xi32>
    %mul3A_345 = arith.muli %get3A_338, %mul3A_344 : vector<16xi32>
    %get3A_346 = arith.constant 1 : i32
    %get3A_347 = arith.index_cast %get3A_346 : i32 to index
    %get3A_348 = arith.constant 64 : index
    %get3A_349 = tpu.vector_load %arg6[%get3A_347, %get3A_348] {strides = array<i32>} : memref<5x512xi32, #tpu.memory_space<vmem>>, vector<16xi32>,
    %add3A_350 = arith.addi %mul3A_345, %get3A_349 : vector<16xi32>
    %gather3A_351 = tpu.vector_load_idx %arg8[%add3A_350] : memref<2048xf32, #tpu.memory_space<vmem>>[vector<16xi32>], vector<16xf32>,
    %add3A_352 = arith.constant 1024 : i32
    %add3A_353 = vector.broadcast %add3A_352 : i32 to vector<16xi32>
    %add3A_354 = arith.addi %add3A_350, %add3A_353 : vector<16xi32>
    %gather3A_355 = tpu.vector_load_idx %arg8[%add3A_354] : memref<2048xf32, #tpu.memory_space<vmem>>[vector<16xi32>], vector<16xf32>,
    %mul3A_356 = arith.mulf %get3A_340, %gather3A_351 : vector<16xf32>
    %mul3A_357 = arith.mulf %get3A_342, %gather3A_355 : vector<16xf32>
    %add3A_358 = arith.addf %mul3A_356, %mul3A_357 : vector<16xf32>
    %get3A_359 = arith.constant 2 : i32
    %get3A_360 = arith.index_cast %get3A_359 : i32 to index
    %get3A_361 = arith.constant 64 : index
    %get3A_362 = tpu.vector_load %arg6[%get3A_360, %get3A_361] {strides = array<i32>} : memref<5x512xi32, #tpu.memory_space<vmem>>, vector<16xi32>,
    %add3A_363 = arith.addi %mul3A_345, %get3A_362 : vector<16xi32>
    %gather3A_364 = tpu.vector_load_idx %arg8[%add3A_363] : memref<2048xf32, #tpu.memory_space<vmem>>[vector<16xi32>], vector<16xf32>,
    %add3A_365 = arith.constant 1024 : i32
    %add3A_366 = vector.broadcast %add3A_365 : i32 to vector<16xi32>
    %add3A_367 = arith.addi %add3A_363, %add3A_366 : vector<16xi32>
    %gather3A_368 = tpu.vector_load_idx %arg8[%add3A_367] : memref<2048xf32, #tpu.memory_space<vmem>>[vector<16xi32>], vector<16xf32>,
    %mul3A_369 = arith.mulf %get3A_340, %gather3A_364 : vector<16xf32>
    %mul3A_370 = arith.mulf %get3A_342, %gather3A_368 : vector<16xf32>
    %add3A_371 = arith.addf %mul3A_369, %mul3A_370 : vector<16xf32>
    %get3A_372 = arith.constant 3 : i32
    %get3A_373 = arith.index_cast %get3A_372 : i32 to index
    %get3A_374 = arith.constant 64 : index
    %get3A_375 = tpu.vector_load %arg6[%get3A_373, %get3A_374] {strides = array<i32>} : memref<5x512xi32, #tpu.memory_space<vmem>>, vector<16xi32>,
    %add3A_376 = arith.addi %mul3A_345, %get3A_375 : vector<16xi32>
    %gather3A_377 = tpu.vector_load_idx %arg8[%add3A_376] : memref<2048xf32, #tpu.memory_space<vmem>>[vector<16xi32>], vector<16xf32>,
    %add3A_378 = arith.constant 1024 : i32
    %add3A_379 = vector.broadcast %add3A_378 : i32 to vector<16xi32>
    %add3A_380 = arith.addi %add3A_376, %add3A_379 : vector<16xi32>
    %gather3A_381 = tpu.vector_load_idx %arg8[%add3A_380] : memref<2048xf32, #tpu.memory_space<vmem>>[vector<16xi32>], vector<16xf32>,
    %mul3A_382 = arith.mulf %get3A_340, %gather3A_377 : vector<16xf32>
    %mul3A_383 = arith.mulf %get3A_342, %gather3A_381 : vector<16xf32>
    %add3A_384 = arith.addf %mul3A_382, %mul3A_383 : vector<16xf32>
    %get3A_385 = arith.constant 4 : i32
    %get3A_386 = arith.index_cast %get3A_385 : i32 to index
    %get3A_387 = arith.constant 64 : index
    %get3A_388 = tpu.vector_load %arg6[%get3A_386, %get3A_387] {strides = array<i32>} : memref<5x512xi32, #tpu.memory_space<vmem>>, vector<16xi32>,
    %add3A_389 = arith.addi %mul3A_345, %get3A_388 : vector<16xi32>
    %gather3A_390 = tpu.vector_load_idx %arg8[%add3A_389] : memref<2048xf32, #tpu.memory_space<vmem>>[vector<16xi32>], vector<16xf32>,
    %add3A_391 = arith.constant 1024 : i32
    %add3A_392 = vector.broadcast %add3A_391 : i32 to vector<16xi32>
    %add3A_393 = arith.addi %add3A_389, %add3A_392 : vector<16xi32>
    %gather3A_394 = tpu.vector_load_idx %arg8[%add3A_393] : memref<2048xf32, #tpu.memory_space<vmem>>[vector<16xi32>], vector<16xf32>,
    %mul3A_395 = arith.mulf %get3A_340, %gather3A_390 : vector<16xf32>
    %mul3A_396 = arith.mulf %get3A_342, %gather3A_394 : vector<16xf32>
    %add3A_397 = arith.addf %mul3A_395, %mul3A_396 : vector<16xf32>
    %add3A_398 = arith.addf %add3A_358, %add3A_371 : vector<16xf32>
    %add3A_399 = arith.addf %add3A_384, %add3A_397 : vector<16xf32>
    %add3A_400 = arith.addf %add3A_398, %add3A_399 : vector<16xf32>
    %div3A_401 = arith.constant 1.000000e+00 : f32
    %div3A_402 = vector.broadcast %div3A_401 : f32 to vector<16xf32>
    %div3A_403 = arith.divf %div3A_402, %add3A_400 : vector<16xf32>
    %mul3A_404 = arith.mulf %add3A_358, %div3A_403 : vector<16xf32>
    %swap3A_405 = arith.constant 64 : index
    %swap3A_406 = tpu.vector_load %arg9[%swap3A_405] {strides = array<i32>} : memref<2048xf32, #tpu.memory_space<vmem>>, vector<16xf32>,
    tpu.vector_store %arg9[%swap3A_405], %mul3A_404 {strides = array<i32>} : memref<2048xf32, #tpu.memory_space<vmem>>, vector<16xf32>,
    %mul3A_407 = arith.mulf %add3A_371, %div3A_403 : vector<16xf32>
    %swap3A_408 = arith.constant 192 : index
    %swap3A_409 = tpu.vector_load %arg9[%swap3A_408] {strides = array<i32>} : memref<2048xf32, #tpu.memory_space<vmem>>, vector<16xf32>,
    tpu.vector_store %arg9[%swap3A_408], %mul3A_407 {strides = array<i32>} : memref<2048xf32, #tpu.memory_space<vmem>>, vector<16xf32>,
    %mul3A_410 = arith.mulf %add3A_384, %div3A_403 : vector<16xf32>
    %swap3A_411 = arith.constant 320 : index
    %swap3A_412 = tpu.vector_load %arg9[%swap3A_411] {strides = array<i32>} : memref<2048xf32, #tpu.memory_space<vmem>>, vector<16xf32>,
    tpu.vector_store %arg9[%swap3A_411], %mul3A_410 {strides = array<i32>} : memref<2048xf32, #tpu.memory_space<vmem>>, vector<16xf32>,
    %mul3A_413 = arith.mulf %add3A_397, %div3A_403 : vector<16xf32>
    %swap3A_414 = arith.constant 448 : index
    %swap3A_415 = tpu.vector_load %arg9[%swap3A_414] {strides = array<i32>} : memref<2048xf32, #tpu.memory_space<vmem>>, vector<16xf32>,
    tpu.vector_store %arg9[%swap3A_414], %mul3A_413 {strides = array<i32>} : memref<2048xf32, #tpu.memory_space<vmem>>, vector<16xf32>,
    %get3A_416 = arith.constant 0 : i32
    %get3A_417 = arith.index_cast %get3A_416 : i32 to index
    %get3A_418 = arith.constant 80 : index
    %get3A_419 = tpu.vector_load %arg6[%get3A_417, %get3A_418] {strides = array<i32>} : memref<5x512xi32, #tpu.memory_space<vmem>>, vector<16xi32>,
    %get3A_420 = arith.constant 80 : index
    %get3A_421 = tpu.vector_load %arg7[%get3A_420] {strides = array<i32>} : memref<1024xf32, #tpu.memory_space<vmem>>, vector<16xf32>,
    %get3A_422 = arith.constant 208 : index
    %get3A_423 = tpu.vector_load %arg7[%get3A_422] {strides = array<i32>} : memref<1024xf32, #tpu.memory_space<vmem>>, vector<16xf32>,
    %mul3A_424 = arith.constant 32 : i32
    %mul3A_425 = vector.broadcast %mul3A_424 : i32 to vector<16xi32>
    %mul3A_426 = arith.muli %get3A_419, %mul3A_425 : vector<16xi32>
    %get3A_427 = arith.constant 1 : i32
    %get3A_428 = arith.index_cast %get3A_427 : i32 to index
    %get3A_429 = arith.constant 80 : index
    %get3A_430 = tpu.vector_load %arg6[%get3A_428, %get3A_429] {strides = array<i32>} : memref<5x512xi32, #tpu.memory_space<vmem>>, vector<16xi32>,
    %add3A_431 = arith.addi %mul3A_426, %get3A_430 : vector<16xi32>
    %gather3A_432 = tpu.vector_load_idx %arg8[%add3A_431] : memref<2048xf32, #tpu.memory_space<vmem>>[vector<16xi32>], vector<16xf32>,
    %add3A_433 = arith.constant 1024 : i32
    %add3A_434 = vector.broadcast %add3A_433 : i32 to vector<16xi32>
    %add3A_435 = arith.addi %add3A_431, %add3A_434 : vector<16xi32>
    %gather3A_436 = tpu.vector_load_idx %arg8[%add3A_435] : memref<2048xf32, #tpu.memory_space<vmem>>[vector<16xi32>], vector<16xf32>,
    %mul3A_437 = arith.mulf %get3A_421, %gather3A_432 : vector<16xf32>
    %mul3A_438 = arith.mulf %get3A_423, %gather3A_436 : vector<16xf32>
    %add3A_439 = arith.addf %mul3A_437, %mul3A_438 : vector<16xf32>
    %get3A_440 = arith.constant 2 : i32
    %get3A_441 = arith.index_cast %get3A_440 : i32 to index
    %get3A_442 = arith.constant 80 : index
    %get3A_443 = tpu.vector_load %arg6[%get3A_441, %get3A_442] {strides = array<i32>} : memref<5x512xi32, #tpu.memory_space<vmem>>, vector<16xi32>,
    %add3A_444 = arith.addi %mul3A_426, %get3A_443 : vector<16xi32>
    %gather3A_445 = tpu.vector_load_idx %arg8[%add3A_444] : memref<2048xf32, #tpu.memory_space<vmem>>[vector<16xi32>], vector<16xf32>,
    %add3A_446 = arith.constant 1024 : i32
    %add3A_447 = vector.broadcast %add3A_446 : i32 to vector<16xi32>
    %add3A_448 = arith.addi %add3A_444, %add3A_447 : vector<16xi32>
    %gather3A_449 = tpu.vector_load_idx %arg8[%add3A_448] : memref<2048xf32, #tpu.memory_space<vmem>>[vector<16xi32>], vector<16xf32>,
    %mul3A_450 = arith.mulf %get3A_421, %gather3A_445 : vector<16xf32>
    %mul3A_451 = arith.mulf %get3A_423, %gather3A_449 : vector<16xf32>
    %add3A_452 = arith.addf %mul3A_450, %mul3A_451 : vector<16xf32>
    %get3A_453 = arith.constant 3 : i32
    %get3A_454 = arith.index_cast %get3A_453 : i32 to index
    %get3A_455 = arith.constant 80 : index
    %get3A_456 = tpu.vector_load %arg6[%get3A_454, %get3A_455] {strides = array<i32>} : memref<5x512xi32, #tpu.memory_space<vmem>>, vector<16xi32>,
    %add3A_457 = arith.addi %mul3A_426, %get3A_456 : vector<16xi32>
    %gather3A_458 = tpu.vector_load_idx %arg8[%add3A_457] : memref<2048xf32, #tpu.memory_space<vmem>>[vector<16xi32>], vector<16xf32>,
    %add3A_459 = arith.constant 1024 : i32
    %add3A_460 = vector.broadcast %add3A_459 : i32 to vector<16xi32>
    %add3A_461 = arith.addi %add3A_457, %add3A_460 : vector<16xi32>
    %gather3A_462 = tpu.vector_load_idx %arg8[%add3A_461] : memref<2048xf32, #tpu.memory_space<vmem>>[vector<16xi32>], vector<16xf32>,
    %mul3A_463 = arith.mulf %get3A_421, %gather3A_458 : vector<16xf32>
    %mul3A_464 = arith.mulf %get3A_423, %gather3A_462 : vector<16xf32>
    %add3A_465 = arith.addf %mul3A_463, %mul3A_464 : vector<16xf32>
    %get3A_466 = arith.constant 4 : i32
    %get3A_467 = arith.index_cast %get3A_466 : i32 to index
    %get3A_468 = arith.constant 80 : index
    %get3A_469 = tpu.vector_load %arg6[%get3A_467, %get3A_468] {strides = array<i32>} : memref<5x512xi32, #tpu.memory_space<vmem>>, vector<16xi32>,
    %add3A_470 = arith.addi %mul3A_426, %get3A_469 : vector<16xi32>
    %gather3A_471 = tpu.vector_load_idx %arg8[%add3A_470] : memref<2048xf32, #tpu.memory_space<vmem>>[vector<16xi32>], vector<16xf32>,
    %add3A_472 = arith.constant 1024 : i32
    %add3A_473 = vector.broadcast %add3A_472 : i32 to vector<16xi32>
    %add3A_474 = arith.addi %add3A_470, %add3A_473 : vector<16xi32>
    %gather3A_475 = tpu.vector_load_idx %arg8[%add3A_474] : memref<2048xf32, #tpu.memory_space<vmem>>[vector<16xi32>], vector<16xf32>,
    %mul3A_476 = arith.mulf %get3A_421, %gather3A_471 : vector<16xf32>
    %mul3A_477 = arith.mulf %get3A_423, %gather3A_475 : vector<16xf32>
    %add3A_478 = arith.addf %mul3A_476, %mul3A_477 : vector<16xf32>
    %add3A_479 = arith.addf %add3A_439, %add3A_452 : vector<16xf32>
    %add3A_480 = arith.addf %add3A_465, %add3A_478 : vector<16xf32>
    %add3A_481 = arith.addf %add3A_479, %add3A_480 : vector<16xf32>
    %div3A_482 = arith.constant 1.000000e+00 : f32
    %div3A_483 = vector.broadcast %div3A_482 : f32 to vector<16xf32>
    %div3A_484 = arith.divf %div3A_483, %add3A_481 : vector<16xf32>
    %mul3A_485 = arith.mulf %add3A_439, %div3A_484 : vector<16xf32>
    %swap3A_486 = arith.constant 80 : index
    %swap3A_487 = tpu.vector_load %arg9[%swap3A_486] {strides = array<i32>} : memref<2048xf32, #tpu.memory_space<vmem>>, vector<16xf32>,
    tpu.vector_store %arg9[%swap3A_486], %mul3A_485 {strides = array<i32>} : memref<2048xf32, #tpu.memory_space<vmem>>, vector<16xf32>,
    %mul3A_488 = arith.mulf %add3A_452, %div3A_484 : vector<16xf32>
    %swap3A_489 = arith.constant 208 : index
    %swap3A_490 = tpu.vector_load %arg9[%swap3A_489] {strides = array<i32>} : memref<2048xf32, #tpu.memory_space<vmem>>, vector<16xf32>,
    tpu.vector_store %arg9[%swap3A_489], %mul3A_488 {strides = array<i32>} : memref<2048xf32, #tpu.memory_space<vmem>>, vector<16xf32>,
    %mul3A_491 = arith.mulf %add3A_465, %div3A_484 : vector<16xf32>
    %swap3A_492 = arith.constant 336 : index
    %swap3A_493 = tpu.vector_load %arg9[%swap3A_492] {strides = array<i32>} : memref<2048xf32, #tpu.memory_space<vmem>>, vector<16xf32>,
    tpu.vector_store %arg9[%swap3A_492], %mul3A_491 {strides = array<i32>} : memref<2048xf32, #tpu.memory_space<vmem>>, vector<16xf32>,
    %mul3A_494 = arith.mulf %add3A_478, %div3A_484 : vector<16xf32>
    %swap3A_495 = arith.constant 464 : index
    %swap3A_496 = tpu.vector_load %arg9[%swap3A_495] {strides = array<i32>} : memref<2048xf32, #tpu.memory_space<vmem>>, vector<16xf32>,
    tpu.vector_store %arg9[%swap3A_495], %mul3A_494 {strides = array<i32>} : memref<2048xf32, #tpu.memory_space<vmem>>, vector<16xf32>,
    %get3A_497 = arith.constant 0 : i32
    %get3A_498 = arith.index_cast %get3A_497 : i32 to index
    %get3A_499 = arith.constant 96 : index
    %get3A_500 = tpu.vector_load %arg6[%get3A_498, %get3A_499] {strides = array<i32>} : memref<5x512xi32, #tpu.memory_space<vmem>>, vector<16xi32>,
    %get3A_501 = arith.constant 96 : index
    %get3A_502 = tpu.vector_load %arg7[%get3A_501] {strides = array<i32>} : memref<1024xf32, #tpu.memory_space<vmem>>, vector<16xf32>,
    %get3A_503 = arith.constant 224 : index
    %get3A_504 = tpu.vector_load %arg7[%get3A_503] {strides = array<i32>} : memref<1024xf32, #tpu.memory_space<vmem>>, vector<16xf32>,
    %mul3A_505 = arith.constant 32 : i32
    %mul3A_506 = vector.broadcast %mul3A_505 : i32 to vector<16xi32>
    %mul3A_507 = arith.muli %get3A_500, %mul3A_506 : vector<16xi32>
    %get3A_508 = arith.constant 1 : i32
    %get3A_509 = arith.index_cast %get3A_508 : i32 to index
    %get3A_510 = arith.constant 96 : index
    %get3A_511 = tpu.vector_load %arg6[%get3A_509, %get3A_510] {strides = array<i32>} : memref<5x512xi32, #tpu.memory_space<vmem>>, vector<16xi32>,
    %add3A_512 = arith.addi %mul3A_507, %get3A_511 : vector<16xi32>
    %gather3A_513 = tpu.vector_load_idx %arg8[%add3A_512] : memref<2048xf32, #tpu.memory_space<vmem>>[vector<16xi32>], vector<16xf32>,
    %add3A_514 = arith.constant 1024 : i32
    %add3A_515 = vector.broadcast %add3A_514 : i32 to vector<16xi32>
    %add3A_516 = arith.addi %add3A_512, %add3A_515 : vector<16xi32>
    %gather3A_517 = tpu.vector_load_idx %arg8[%add3A_516] : memref<2048xf32, #tpu.memory_space<vmem>>[vector<16xi32>], vector<16xf32>,
    %mul3A_518 = arith.mulf %get3A_502, %gather3A_513 : vector<16xf32>
    %mul3A_519 = arith.mulf %get3A_504, %gather3A_517 : vector<16xf32>
    %add3A_520 = arith.addf %mul3A_518, %mul3A_519 : vector<16xf32>
    %get3A_521 = arith.constant 2 : i32
    %get3A_522 = arith.index_cast %get3A_521 : i32 to index
    %get3A_523 = arith.constant 96 : index
    %get3A_524 = tpu.vector_load %arg6[%get3A_522, %get3A_523] {strides = array<i32>} : memref<5x512xi32, #tpu.memory_space<vmem>>, vector<16xi32>,
    %add3A_525 = arith.addi %mul3A_507, %get3A_524 : vector<16xi32>
    %gather3A_526 = tpu.vector_load_idx %arg8[%add3A_525] : memref<2048xf32, #tpu.memory_space<vmem>>[vector<16xi32>], vector<16xf32>,
    %add3A_527 = arith.constant 1024 : i32
    %add3A_528 = vector.broadcast %add3A_527 : i32 to vector<16xi32>
    %add3A_529 = arith.addi %add3A_525, %add3A_528 : vector<16xi32>
    %gather3A_530 = tpu.vector_load_idx %arg8[%add3A_529] : memref<2048xf32, #tpu.memory_space<vmem>>[vector<16xi32>], vector<16xf32>,
    %mul3A_531 = arith.mulf %get3A_502, %gather3A_526 : vector<16xf32>
    %mul3A_532 = arith.mulf %get3A_504, %gather3A_530 : vector<16xf32>
    %add3A_533 = arith.addf %mul3A_531, %mul3A_532 : vector<16xf32>
    %get3A_534 = arith.constant 3 : i32
    %get3A_535 = arith.index_cast %get3A_534 : i32 to index
    %get3A_536 = arith.constant 96 : index
    %get3A_537 = tpu.vector_load %arg6[%get3A_535, %get3A_536] {strides = array<i32>} : memref<5x512xi32, #tpu.memory_space<vmem>>, vector<16xi32>,
    %add3A_538 = arith.addi %mul3A_507, %get3A_537 : vector<16xi32>
    %gather3A_539 = tpu.vector_load_idx %arg8[%add3A_538] : memref<2048xf32, #tpu.memory_space<vmem>>[vector<16xi32>], vector<16xf32>,
    %add3A_540 = arith.constant 1024 : i32
    %add3A_541 = vector.broadcast %add3A_540 : i32 to vector<16xi32>
    %add3A_542 = arith.addi %add3A_538, %add3A_541 : vector<16xi32>
    %gather3A_543 = tpu.vector_load_idx %arg8[%add3A_542] : memref<2048xf32, #tpu.memory_space<vmem>>[vector<16xi32>], vector<16xf32>,
    %mul3A_544 = arith.mulf %get3A_502, %gather3A_539 : vector<16xf32>
    %mul3A_545 = arith.mulf %get3A_504, %gather3A_543 : vector<16xf32>
    %add3A_546 = arith.addf %mul3A_544, %mul3A_545 : vector<16xf32>
    %get3A_547 = arith.constant 4 : i32
    %get3A_548 = arith.index_cast %get3A_547 : i32 to index
    %get3A_549 = arith.constant 96 : index
    %get3A_550 = tpu.vector_load %arg6[%get3A_548, %get3A_549] {strides = array<i32>} : memref<5x512xi32, #tpu.memory_space<vmem>>, vector<16xi32>,
    %add3A_551 = arith.addi %mul3A_507, %get3A_550 : vector<16xi32>
    %gather3A_552 = tpu.vector_load_idx %arg8[%add3A_551] : memref<2048xf32, #tpu.memory_space<vmem>>[vector<16xi32>], vector<16xf32>,
    %add3A_553 = arith.constant 1024 : i32
    %add3A_554 = vector.broadcast %add3A_553 : i32 to vector<16xi32>
    %add3A_555 = arith.addi %add3A_551, %add3A_554 : vector<16xi32>
    %gather3A_556 = tpu.vector_load_idx %arg8[%add3A_555] : memref<2048xf32, #tpu.memory_space<vmem>>[vector<16xi32>], vector<16xf32>,
    %mul3A_557 = arith.mulf %get3A_502, %gather3A_552 : vector<16xf32>
    %mul3A_558 = arith.mulf %get3A_504, %gather3A_556 : vector<16xf32>
    %add3A_559 = arith.addf %mul3A_557, %mul3A_558 : vector<16xf32>
    %add3A_560 = arith.addf %add3A_520, %add3A_533 : vector<16xf32>
    %add3A_561 = arith.addf %add3A_546, %add3A_559 : vector<16xf32>
    %add3A_562 = arith.addf %add3A_560, %add3A_561 : vector<16xf32>
    %div3A_563 = arith.constant 1.000000e+00 : f32
    %div3A_564 = vector.broadcast %div3A_563 : f32 to vector<16xf32>
    %div3A_565 = arith.divf %div3A_564, %add3A_562 : vector<16xf32>
    %mul3A_566 = arith.mulf %add3A_520, %div3A_565 : vector<16xf32>
    %swap3A_567 = arith.constant 96 : index
    %swap3A_568 = tpu.vector_load %arg9[%swap3A_567] {strides = array<i32>} : memref<2048xf32, #tpu.memory_space<vmem>>, vector<16xf32>,
    tpu.vector_store %arg9[%swap3A_567], %mul3A_566 {strides = array<i32>} : memref<2048xf32, #tpu.memory_space<vmem>>, vector<16xf32>,
    %mul3A_569 = arith.mulf %add3A_533, %div3A_565 : vector<16xf32>
    %swap3A_570 = arith.constant 224 : index
    %swap3A_571 = tpu.vector_load %arg9[%swap3A_570] {strides = array<i32>} : memref<2048xf32, #tpu.memory_space<vmem>>, vector<16xf32>,
    tpu.vector_store %arg9[%swap3A_570], %mul3A_569 {strides = array<i32>} : memref<2048xf32, #tpu.memory_space<vmem>>, vector<16xf32>,
    %mul3A_572 = arith.mulf %add3A_546, %div3A_565 : vector<16xf32>
    %swap3A_573 = arith.constant 352 : index
    %swap3A_574 = tpu.vector_load %arg9[%swap3A_573] {strides = array<i32>} : memref<2048xf32, #tpu.memory_space<vmem>>, vector<16xf32>,
    tpu.vector_store %arg9[%swap3A_573], %mul3A_572 {strides = array<i32>} : memref<2048xf32, #tpu.memory_space<vmem>>, vector<16xf32>,
    %mul3A_575 = arith.mulf %add3A_559, %div3A_565 : vector<16xf32>
    %swap3A_576 = arith.constant 480 : index
    %swap3A_577 = tpu.vector_load %arg9[%swap3A_576] {strides = array<i32>} : memref<2048xf32, #tpu.memory_space<vmem>>, vector<16xf32>,
    tpu.vector_store %arg9[%swap3A_576], %mul3A_575 {strides = array<i32>} : memref<2048xf32, #tpu.memory_space<vmem>>, vector<16xf32>,
    %get3A_578 = arith.constant 0 : i32
    %get3A_579 = arith.index_cast %get3A_578 : i32 to index
    %get3A_580 = arith.constant 112 : index
    %get3A_581 = tpu.vector_load %arg6[%get3A_579, %get3A_580] {strides = array<i32>} : memref<5x512xi32, #tpu.memory_space<vmem>>, vector<16xi32>,
    %get3A_582 = arith.constant 112 : index
    %get3A_583 = tpu.vector_load %arg7[%get3A_582] {strides = array<i32>} : memref<1024xf32, #tpu.memory_space<vmem>>, vector<16xf32>,
    %get3A_584 = arith.constant 240 : index
    %get3A_585 = tpu.vector_load %arg7[%get3A_584] {strides = array<i32>} : memref<1024xf32, #tpu.memory_space<vmem>>, vector<16xf32>,
    %mul3A_586 = arith.constant 32 : i32
    %mul3A_587 = vector.broadcast %mul3A_586 : i32 to vector<16xi32>
    %mul3A_588 = arith.muli %get3A_581, %mul3A_587 : vector<16xi32>
    %get3A_589 = arith.constant 1 : i32
    %get3A_590 = arith.index_cast %get3A_589 : i32 to index
    %get3A_591 = arith.constant 112 : index
    %get3A_592 = tpu.vector_load %arg6[%get3A_590, %get3A_591] {strides = array<i32>} : memref<5x512xi32, #tpu.memory_space<vmem>>, vector<16xi32>,
    %add3A_593 = arith.addi %mul3A_588, %get3A_592 : vector<16xi32>
    %gather3A_594 = tpu.vector_load_idx %arg8[%add3A_593] : memref<2048xf32, #tpu.memory_space<vmem>>[vector<16xi32>], vector<16xf32>,
    %add3A_595 = arith.constant 1024 : i32
    %add3A_596 = vector.broadcast %add3A_595 : i32 to vector<16xi32>
    %add3A_597 = arith.addi %add3A_593, %add3A_596 : vector<16xi32>
    %gather3A_598 = tpu.vector_load_idx %arg8[%add3A_597] : memref<2048xf32, #tpu.memory_space<vmem>>[vector<16xi32>], vector<16xf32>,
    %mul3A_599 = arith.mulf %get3A_583, %gather3A_594 : vector<16xf32>
    %mul3A_600 = arith.mulf %get3A_585, %gather3A_598 : vector<16xf32>
    %add3A_601 = arith.addf %mul3A_599, %mul3A_600 : vector<16xf32>
    %get3A_602 = arith.constant 2 : i32
    %get3A_603 = arith.index_cast %get3A_602 : i32 to index
    %get3A_604 = arith.constant 112 : index
    %get3A_605 = tpu.vector_load %arg6[%get3A_603, %get3A_604] {strides = array<i32>} : memref<5x512xi32, #tpu.memory_space<vmem>>, vector<16xi32>,
    %add3A_606 = arith.addi %mul3A_588, %get3A_605 : vector<16xi32>
    %gather3A_607 = tpu.vector_load_idx %arg8[%add3A_606] : memref<2048xf32, #tpu.memory_space<vmem>>[vector<16xi32>], vector<16xf32>,
    %add3A_608 = arith.constant 1024 : i32
    %add3A_609 = vector.broadcast %add3A_608 : i32 to vector<16xi32>
    %add3A_610 = arith.addi %add3A_606, %add3A_609 : vector<16xi32>
    %gather3A_611 = tpu.vector_load_idx %arg8[%add3A_610] : memref<2048xf32, #tpu.memory_space<vmem>>[vector<16xi32>], vector<16xf32>,
    %mul3A_612 = arith.mulf %get3A_583, %gather3A_607 : vector<16xf32>
    %mul3A_613 = arith.mulf %get3A_585, %gather3A_611 : vector<16xf32>
    %add3A_614 = arith.addf %mul3A_612, %mul3A_613 : vector<16xf32>
    %get3A_615 = arith.constant 3 : i32
    %get3A_616 = arith.index_cast %get3A_615 : i32 to index
    %get3A_617 = arith.constant 112 : index
    %get3A_618 = tpu.vector_load %arg6[%get3A_616, %get3A_617] {strides = array<i32>} : memref<5x512xi32, #tpu.memory_space<vmem>>, vector<16xi32>,
    %add3A_619 = arith.addi %mul3A_588, %get3A_618 : vector<16xi32>
    %gather3A_620 = tpu.vector_load_idx %arg8[%add3A_619] : memref<2048xf32, #tpu.memory_space<vmem>>[vector<16xi32>], vector<16xf32>,
    %add3A_621 = arith.constant 1024 : i32
    %add3A_622 = vector.broadcast %add3A_621 : i32 to vector<16xi32>
    %add3A_623 = arith.addi %add3A_619, %add3A_622 : vector<16xi32>
    %gather3A_624 = tpu.vector_load_idx %arg8[%add3A_623] : memref<2048xf32, #tpu.memory_space<vmem>>[vector<16xi32>], vector<16xf32>,
    %mul3A_625 = arith.mulf %get3A_583, %gather3A_620 : vector<16xf32>
    %mul3A_626 = arith.mulf %get3A_585, %gather3A_624 : vector<16xf32>
    %add3A_627 = arith.addf %mul3A_625, %mul3A_626 : vector<16xf32>
    %get3A_628 = arith.constant 4 : i32
    %get3A_629 = arith.index_cast %get3A_628 : i32 to index
    %get3A_630 = arith.constant 112 : index
    %get3A_631 = tpu.vector_load %arg6[%get3A_629, %get3A_630] {strides = array<i32>} : memref<5x512xi32, #tpu.memory_space<vmem>>, vector<16xi32>,
    %add3A_632 = arith.addi %mul3A_588, %get3A_631 : vector<16xi32>
    %gather3A_633 = tpu.vector_load_idx %arg8[%add3A_632] : memref<2048xf32, #tpu.memory_space<vmem>>[vector<16xi32>], vector<16xf32>,
    %add3A_634 = arith.constant 1024 : i32
    %add3A_635 = vector.broadcast %add3A_634 : i32 to vector<16xi32>
    %add3A_636 = arith.addi %add3A_632, %add3A_635 : vector<16xi32>
    %gather3A_637 = tpu.vector_load_idx %arg8[%add3A_636] : memref<2048xf32, #tpu.memory_space<vmem>>[vector<16xi32>], vector<16xf32>,
    %mul3A_638 = arith.mulf %get3A_583, %gather3A_633 : vector<16xf32>
    %mul3A_639 = arith.mulf %get3A_585, %gather3A_637 : vector<16xf32>
    %add3A_640 = arith.addf %mul3A_638, %mul3A_639 : vector<16xf32>
    %add3A_641 = arith.addf %add3A_601, %add3A_614 : vector<16xf32>
    %add3A_642 = arith.addf %add3A_627, %add3A_640 : vector<16xf32>
    %add3A_643 = arith.addf %add3A_641, %add3A_642 : vector<16xf32>
    %div3A_644 = arith.constant 1.000000e+00 : f32
    %div3A_645 = vector.broadcast %div3A_644 : f32 to vector<16xf32>
    %div3A_646 = arith.divf %div3A_645, %add3A_643 : vector<16xf32>
    %mul3A_647 = arith.mulf %add3A_601, %div3A_646 : vector<16xf32>
    %swap3A_648 = arith.constant 112 : index
    %swap3A_649 = tpu.vector_load %arg9[%swap3A_648] {strides = array<i32>} : memref<2048xf32, #tpu.memory_space<vmem>>, vector<16xf32>,
    tpu.vector_store %arg9[%swap3A_648], %mul3A_647 {strides = array<i32>} : memref<2048xf32, #tpu.memory_space<vmem>>, vector<16xf32>,
    %mul3A_650 = arith.mulf %add3A_614, %div3A_646 : vector<16xf32>
    %swap3A_651 = arith.constant 240 : index
    %swap3A_652 = tpu.vector_load %arg9[%swap3A_651] {strides = array<i32>} : memref<2048xf32, #tpu.memory_space<vmem>>, vector<16xf32>,
    tpu.vector_store %arg9[%swap3A_651], %mul3A_650 {strides = array<i32>} : memref<2048xf32, #tpu.memory_space<vmem>>, vector<16xf32>,
    %mul3A_653 = arith.mulf %add3A_627, %div3A_646 : vector<16xf32>
    %swap3A_654 = arith.constant 368 : index
    %swap3A_655 = tpu.vector_load %arg9[%swap3A_654] {strides = array<i32>} : memref<2048xf32, #tpu.memory_space<vmem>>, vector<16xf32>,
    tpu.vector_store %arg9[%swap3A_654], %mul3A_653 {strides = array<i32>} : memref<2048xf32, #tpu.memory_space<vmem>>, vector<16xf32>,
    %mul3A_656 = arith.mulf %add3A_640, %div3A_646 : vector<16xf32>
    %swap3A_657 = arith.constant 496 : index
    %swap3A_658 = tpu.vector_load %arg9[%swap3A_657] {strides = array<i32>} : memref<2048xf32, #tpu.memory_space<vmem>>, vector<16xf32>,
    tpu.vector_store %arg9[%swap3A_657], %mul3A_656 {strides = array<i32>} : memref<2048xf32, #tpu.memory_space<vmem>>, vector<16xf32>,
    %mul3A_659 = arith.constant 4 : i32
    %mul3A_660 = arith.muli %mul3A_659, %mul3A_2 : i32
    %add3A_661 = arith.constant 0 : i32
    %add3A_662 = arith.addi %mul3A_660, %add3A_661 : i32
    %dma_start3A_663 = arith.constant 0 : i32
    %dma_start3A_664 = tpu.memref_slice %arg9[%dma_start3A_663] : memref<2048xf32, #tpu.memory_space<vmem>> -> memref<512xf32, #tpu.memory_space<vmem>>
    %dma_start3A_665 = tpu.memref_slice %arg5[%add3A_662] : memref<65536xf32, #tpu.memory_space<hbm>> -> memref<512xf32, #tpu.memory_space<hbm>>
    %dma_start3A_666 = tpu.memref_slice %arg5[%add3A_662] : memref<65536xf32, #tpu.memory_space<hbm>> -> memref<512xf32, #tpu.memory_space<hbm>>
    %dma_start3A_667 = arith.constant 0 : i32
    %dma_start3A_668 = tpu.memref_slice %arg9[%dma_start3A_667] : memref<2048xf32, #tpu.memory_space<vmem>> -> memref<512xf32, #tpu.memory_space<vmem>>
    tpu.enqueue_dma source(%dma_start3A_668 : memref<512xf32, #tpu.memory_space<vmem>>) target(%dma_start3A_666 : memref<512xf32, #tpu.memory_space<hbm>>) target_semaphore(%arg10 : memref<!tpu.dma_semaphore, #tpu.memory_space<semaphore_mem>>)
    %get3A_669 = arith.constant 0 : i32
    %get3A_670 = arith.index_cast %get3A_669 : i32 to index
    %get3A_671 = arith.constant 128 : index
    %get3A_672 = tpu.vector_load %arg6[%get3A_670, %get3A_671] {strides = array<i32>} : memref<5x512xi32, #tpu.memory_space<vmem>>, vector<16xi32>,
    %get3A_673 = arith.constant 256 : index
    %get3A_674 = tpu.vector_load %arg7[%get3A_673] {strides = array<i32>} : memref<1024xf32, #tpu.memory_space<vmem>>, vector<16xf32>,
    %get3A_675 = arith.constant 384 : index
    %get3A_676 = tpu.vector_load %arg7[%get3A_675] {strides = array<i32>} : memref<1024xf32, #tpu.memory_space<vmem>>, vector<16xf32>,
    %mul3A_677 = arith.constant 32 : i32
    %mul3A_678 = vector.broadcast %mul3A_677 : i32 to vector<16xi32>
    %mul3A_679 = arith.muli %get3A_672, %mul3A_678 : vector<16xi32>
    %get3A_680 = arith.constant 1 : i32
    %get3A_681 = arith.index_cast %get3A_680 : i32 to index
    %get3A_682 = arith.constant 128 : index
    %get3A_683 = tpu.vector_load %arg6[%get3A_681, %get3A_682] {strides = array<i32>} : memref<5x512xi32, #tpu.memory_space<vmem>>, vector<16xi32>,
    %add3A_684 = arith.addi %mul3A_679, %get3A_683 : vector<16xi32>
    %gather3A_685 = tpu.vector_load_idx %arg8[%add3A_684] : memref<2048xf32, #tpu.memory_space<vmem>>[vector<16xi32>], vector<16xf32>,
    %add3A_686 = arith.constant 1024 : i32
    %add3A_687 = vector.broadcast %add3A_686 : i32 to vector<16xi32>
    %add3A_688 = arith.addi %add3A_684, %add3A_687 : vector<16xi32>
    %gather3A_689 = tpu.vector_load_idx %arg8[%add3A_688] : memref<2048xf32, #tpu.memory_space<vmem>>[vector<16xi32>], vector<16xf32>,
    %mul3A_690 = arith.mulf %get3A_674, %gather3A_685 : vector<16xf32>
    %mul3A_691 = arith.mulf %get3A_676, %gather3A_689 : vector<16xf32>
    %add3A_692 = arith.addf %mul3A_690, %mul3A_691 : vector<16xf32>
    %get3A_693 = arith.constant 2 : i32
    %get3A_694 = arith.index_cast %get3A_693 : i32 to index
    %get3A_695 = arith.constant 128 : index
    %get3A_696 = tpu.vector_load %arg6[%get3A_694, %get3A_695] {strides = array<i32>} : memref<5x512xi32, #tpu.memory_space<vmem>>, vector<16xi32>,
    %add3A_697 = arith.addi %mul3A_679, %get3A_696 : vector<16xi32>
    %gather3A_698 = tpu.vector_load_idx %arg8[%add3A_697] : memref<2048xf32, #tpu.memory_space<vmem>>[vector<16xi32>], vector<16xf32>,
    %add3A_699 = arith.constant 1024 : i32
    %add3A_700 = vector.broadcast %add3A_699 : i32 to vector<16xi32>
    %add3A_701 = arith.addi %add3A_697, %add3A_700 : vector<16xi32>
    %gather3A_702 = tpu.vector_load_idx %arg8[%add3A_701] : memref<2048xf32, #tpu.memory_space<vmem>>[vector<16xi32>], vector<16xf32>,
    %mul3A_703 = arith.mulf %get3A_674, %gather3A_698 : vector<16xf32>
    %mul3A_704 = arith.mulf %get3A_676, %gather3A_702 : vector<16xf32>
    %add3A_705 = arith.addf %mul3A_703, %mul3A_704 : vector<16xf32>
    %get3A_706 = arith.constant 3 : i32
    %get3A_707 = arith.index_cast %get3A_706 : i32 to index
    %get3A_708 = arith.constant 128 : index
    %get3A_709 = tpu.vector_load %arg6[%get3A_707, %get3A_708] {strides = array<i32>} : memref<5x512xi32, #tpu.memory_space<vmem>>, vector<16xi32>,
    %add3A_710 = arith.addi %mul3A_679, %get3A_709 : vector<16xi32>
    %gather3A_711 = tpu.vector_load_idx %arg8[%add3A_710] : memref<2048xf32, #tpu.memory_space<vmem>>[vector<16xi32>], vector<16xf32>,
    %add3A_712 = arith.constant 1024 : i32
    %add3A_713 = vector.broadcast %add3A_712 : i32 to vector<16xi32>
    %add3A_714 = arith.addi %add3A_710, %add3A_713 : vector<16xi32>
    %gather3A_715 = tpu.vector_load_idx %arg8[%add3A_714] : memref<2048xf32, #tpu.memory_space<vmem>>[vector<16xi32>], vector<16xf32>,
    %mul3A_716 = arith.mulf %get3A_674, %gather3A_711 : vector<16xf32>
    %mul3A_717 = arith.mulf %get3A_676, %gather3A_715 : vector<16xf32>
    %add3A_718 = arith.addf %mul3A_716, %mul3A_717 : vector<16xf32>
    %get3A_719 = arith.constant 4 : i32
    %get3A_720 = arith.index_cast %get3A_719 : i32 to index
    %get3A_721 = arith.constant 128 : index
    %get3A_722 = tpu.vector_load %arg6[%get3A_720, %get3A_721] {strides = array<i32>} : memref<5x512xi32, #tpu.memory_space<vmem>>, vector<16xi32>,
    %add3A_723 = arith.addi %mul3A_679, %get3A_722 : vector<16xi32>
    %gather3A_724 = tpu.vector_load_idx %arg8[%add3A_723] : memref<2048xf32, #tpu.memory_space<vmem>>[vector<16xi32>], vector<16xf32>,
    %add3A_725 = arith.constant 1024 : i32
    %add3A_726 = vector.broadcast %add3A_725 : i32 to vector<16xi32>
    %add3A_727 = arith.addi %add3A_723, %add3A_726 : vector<16xi32>
    %gather3A_728 = tpu.vector_load_idx %arg8[%add3A_727] : memref<2048xf32, #tpu.memory_space<vmem>>[vector<16xi32>], vector<16xf32>,
    %mul3A_729 = arith.mulf %get3A_674, %gather3A_724 : vector<16xf32>
    %mul3A_730 = arith.mulf %get3A_676, %gather3A_728 : vector<16xf32>
    %add3A_731 = arith.addf %mul3A_729, %mul3A_730 : vector<16xf32>
    %add3A_732 = arith.addf %add3A_692, %add3A_705 : vector<16xf32>
    %add3A_733 = arith.addf %add3A_718, %add3A_731 : vector<16xf32>
    %add3A_734 = arith.addf %add3A_732, %add3A_733 : vector<16xf32>
    %div3A_735 = arith.constant 1.000000e+00 : f32
    %div3A_736 = vector.broadcast %div3A_735 : f32 to vector<16xf32>
    %div3A_737 = arith.divf %div3A_736, %add3A_734 : vector<16xf32>
    %mul3A_738 = arith.mulf %add3A_692, %div3A_737 : vector<16xf32>
    %swap3A_739 = arith.constant 512 : index
    %swap3A_740 = tpu.vector_load %arg9[%swap3A_739] {strides = array<i32>} : memref<2048xf32, #tpu.memory_space<vmem>>, vector<16xf32>,
    tpu.vector_store %arg9[%swap3A_739], %mul3A_738 {strides = array<i32>} : memref<2048xf32, #tpu.memory_space<vmem>>, vector<16xf32>,
    %mul3A_741 = arith.mulf %add3A_705, %div3A_737 : vector<16xf32>
    %swap3A_742 = arith.constant 640 : index
    %swap3A_743 = tpu.vector_load %arg9[%swap3A_742] {strides = array<i32>} : memref<2048xf32, #tpu.memory_space<vmem>>, vector<16xf32>,
    tpu.vector_store %arg9[%swap3A_742], %mul3A_741 {strides = array<i32>} : memref<2048xf32, #tpu.memory_space<vmem>>, vector<16xf32>,
    %mul3A_744 = arith.mulf %add3A_718, %div3A_737 : vector<16xf32>
    %swap3A_745 = arith.constant 768 : index
    %swap3A_746 = tpu.vector_load %arg9[%swap3A_745] {strides = array<i32>} : memref<2048xf32, #tpu.memory_space<vmem>>, vector<16xf32>,
    tpu.vector_store %arg9[%swap3A_745], %mul3A_744 {strides = array<i32>} : memref<2048xf32, #tpu.memory_space<vmem>>, vector<16xf32>,
    %mul3A_747 = arith.mulf %add3A_731, %div3A_737 : vector<16xf32>
    %swap3A_748 = arith.constant 896 : index
    %swap3A_749 = tpu.vector_load %arg9[%swap3A_748] {strides = array<i32>} : memref<2048xf32, #tpu.memory_space<vmem>>, vector<16xf32>,
    tpu.vector_store %arg9[%swap3A_748], %mul3A_747 {strides = array<i32>} : memref<2048xf32, #tpu.memory_space<vmem>>, vector<16xf32>,
    %get3A_750 = arith.constant 0 : i32
    %get3A_751 = arith.index_cast %get3A_750 : i32 to index
    %get3A_752 = arith.constant 144 : index
    %get3A_753 = tpu.vector_load %arg6[%get3A_751, %get3A_752] {strides = array<i32>} : memref<5x512xi32, #tpu.memory_space<vmem>>, vector<16xi32>,
    %get3A_754 = arith.constant 272 : index
    %get3A_755 = tpu.vector_load %arg7[%get3A_754] {strides = array<i32>} : memref<1024xf32, #tpu.memory_space<vmem>>, vector<16xf32>,
    %get3A_756 = arith.constant 400 : index
    %get3A_757 = tpu.vector_load %arg7[%get3A_756] {strides = array<i32>} : memref<1024xf32, #tpu.memory_space<vmem>>, vector<16xf32>,
    %mul3A_758 = arith.constant 32 : i32
    %mul3A_759 = vector.broadcast %mul3A_758 : i32 to vector<16xi32>
    %mul3A_760 = arith.muli %get3A_753, %mul3A_759 : vector<16xi32>
    %get3A_761 = arith.constant 1 : i32
    %get3A_762 = arith.index_cast %get3A_761 : i32 to index
    %get3A_763 = arith.constant 144 : index
    %get3A_764 = tpu.vector_load %arg6[%get3A_762, %get3A_763] {strides = array<i32>} : memref<5x512xi32, #tpu.memory_space<vmem>>, vector<16xi32>,
    %add3A_765 = arith.addi %mul3A_760, %get3A_764 : vector<16xi32>
    %gather3A_766 = tpu.vector_load_idx %arg8[%add3A_765] : memref<2048xf32, #tpu.memory_space<vmem>>[vector<16xi32>], vector<16xf32>,
    %add3A_767 = arith.constant 1024 : i32
    %add3A_768 = vector.broadcast %add3A_767 : i32 to vector<16xi32>
    %add3A_769 = arith.addi %add3A_765, %add3A_768 : vector<16xi32>
    %gather3A_770 = tpu.vector_load_idx %arg8[%add3A_769] : memref<2048xf32, #tpu.memory_space<vmem>>[vector<16xi32>], vector<16xf32>,
    %mul3A_771 = arith.mulf %get3A_755, %gather3A_766 : vector<16xf32>
    %mul3A_772 = arith.mulf %get3A_757, %gather3A_770 : vector<16xf32>
    %add3A_773 = arith.addf %mul3A_771, %mul3A_772 : vector<16xf32>
    %get3A_774 = arith.constant 2 : i32
    %get3A_775 = arith.index_cast %get3A_774 : i32 to index
    %get3A_776 = arith.constant 144 : index
    %get3A_777 = tpu.vector_load %arg6[%get3A_775, %get3A_776] {strides = array<i32>} : memref<5x512xi32, #tpu.memory_space<vmem>>, vector<16xi32>,
    %add3A_778 = arith.addi %mul3A_760, %get3A_777 : vector<16xi32>
    %gather3A_779 = tpu.vector_load_idx %arg8[%add3A_778] : memref<2048xf32, #tpu.memory_space<vmem>>[vector<16xi32>], vector<16xf32>,
    %add3A_780 = arith.constant 1024 : i32
    %add3A_781 = vector.broadcast %add3A_780 : i32 to vector<16xi32>
    %add3A_782 = arith.addi %add3A_778, %add3A_781 : vector<16xi32>
    %gather3A_783 = tpu.vector_load_idx %arg8[%add3A_782] : memref<2048xf32, #tpu.memory_space<vmem>>[vector<16xi32>], vector<16xf32>,
    %mul3A_784 = arith.mulf %get3A_755, %gather3A_779 : vector<16xf32>
    %mul3A_785 = arith.mulf %get3A_757, %gather3A_783 : vector<16xf32>
    %add3A_786 = arith.addf %mul3A_784, %mul3A_785 : vector<16xf32>
    %get3A_787 = arith.constant 3 : i32
    %get3A_788 = arith.index_cast %get3A_787 : i32 to index
    %get3A_789 = arith.constant 144 : index
    %get3A_790 = tpu.vector_load %arg6[%get3A_788, %get3A_789] {strides = array<i32>} : memref<5x512xi32, #tpu.memory_space<vmem>>, vector<16xi32>,
    %add3A_791 = arith.addi %mul3A_760, %get3A_790 : vector<16xi32>
    %gather3A_792 = tpu.vector_load_idx %arg8[%add3A_791] : memref<2048xf32, #tpu.memory_space<vmem>>[vector<16xi32>], vector<16xf32>,
    %add3A_793 = arith.constant 1024 : i32
    %add3A_794 = vector.broadcast %add3A_793 : i32 to vector<16xi32>
    %add3A_795 = arith.addi %add3A_791, %add3A_794 : vector<16xi32>
    %gather3A_796 = tpu.vector_load_idx %arg8[%add3A_795] : memref<2048xf32, #tpu.memory_space<vmem>>[vector<16xi32>], vector<16xf32>,
    %mul3A_797 = arith.mulf %get3A_755, %gather3A_792 : vector<16xf32>
    %mul3A_798 = arith.mulf %get3A_757, %gather3A_796 : vector<16xf32>
    %add3A_799 = arith.addf %mul3A_797, %mul3A_798 : vector<16xf32>
    %get3A_800 = arith.constant 4 : i32
    %get3A_801 = arith.index_cast %get3A_800 : i32 to index
    %get3A_802 = arith.constant 144 : index
    %get3A_803 = tpu.vector_load %arg6[%get3A_801, %get3A_802] {strides = array<i32>} : memref<5x512xi32, #tpu.memory_space<vmem>>, vector<16xi32>,
    %add3A_804 = arith.addi %mul3A_760, %get3A_803 : vector<16xi32>
    %gather3A_805 = tpu.vector_load_idx %arg8[%add3A_804] : memref<2048xf32, #tpu.memory_space<vmem>>[vector<16xi32>], vector<16xf32>,
    %add3A_806 = arith.constant 1024 : i32
    %add3A_807 = vector.broadcast %add3A_806 : i32 to vector<16xi32>
    %add3A_808 = arith.addi %add3A_804, %add3A_807 : vector<16xi32>
    %gather3A_809 = tpu.vector_load_idx %arg8[%add3A_808] : memref<2048xf32, #tpu.memory_space<vmem>>[vector<16xi32>], vector<16xf32>,
    %mul3A_810 = arith.mulf %get3A_755, %gather3A_805 : vector<16xf32>
    %mul3A_811 = arith.mulf %get3A_757, %gather3A_809 : vector<16xf32>
    %add3A_812 = arith.addf %mul3A_810, %mul3A_811 : vector<16xf32>
    %add3A_813 = arith.addf %add3A_773, %add3A_786 : vector<16xf32>
    %add3A_814 = arith.addf %add3A_799, %add3A_812 : vector<16xf32>
    %add3A_815 = arith.addf %add3A_813, %add3A_814 : vector<16xf32>
    %div3A_816 = arith.constant 1.000000e+00 : f32
    %div3A_817 = vector.broadcast %div3A_816 : f32 to vector<16xf32>
    %div3A_818 = arith.divf %div3A_817, %add3A_815 : vector<16xf32>
    %mul3A_819 = arith.mulf %add3A_773, %div3A_818 : vector<16xf32>
    %swap3A_820 = arith.constant 528 : index
    %swap3A_821 = tpu.vector_load %arg9[%swap3A_820] {strides = array<i32>} : memref<2048xf32, #tpu.memory_space<vmem>>, vector<16xf32>,
    tpu.vector_store %arg9[%swap3A_820], %mul3A_819 {strides = array<i32>} : memref<2048xf32, #tpu.memory_space<vmem>>, vector<16xf32>,
    %mul3A_822 = arith.mulf %add3A_786, %div3A_818 : vector<16xf32>
    %swap3A_823 = arith.constant 656 : index
    %swap3A_824 = tpu.vector_load %arg9[%swap3A_823] {strides = array<i32>} : memref<2048xf32, #tpu.memory_space<vmem>>, vector<16xf32>,
    tpu.vector_store %arg9[%swap3A_823], %mul3A_822 {strides = array<i32>} : memref<2048xf32, #tpu.memory_space<vmem>>, vector<16xf32>,
    %mul3A_825 = arith.mulf %add3A_799, %div3A_818 : vector<16xf32>
    %swap3A_826 = arith.constant 784 : index
    %swap3A_827 = tpu.vector_load %arg9[%swap3A_826] {strides = array<i32>} : memref<2048xf32, #tpu.memory_space<vmem>>, vector<16xf32>,
    tpu.vector_store %arg9[%swap3A_826], %mul3A_825 {strides = array<i32>} : memref<2048xf32, #tpu.memory_space<vmem>>, vector<16xf32>,
    %mul3A_828 = arith.mulf %add3A_812, %div3A_818 : vector<16xf32>
    %swap3A_829 = arith.constant 912 : index
    %swap3A_830 = tpu.vector_load %arg9[%swap3A_829] {strides = array<i32>} : memref<2048xf32, #tpu.memory_space<vmem>>, vector<16xf32>,
    tpu.vector_store %arg9[%swap3A_829], %mul3A_828 {strides = array<i32>} : memref<2048xf32, #tpu.memory_space<vmem>>, vector<16xf32>,
    %get3A_831 = arith.constant 0 : i32
    %get3A_832 = arith.index_cast %get3A_831 : i32 to index
    %get3A_833 = arith.constant 160 : index
    %get3A_834 = tpu.vector_load %arg6[%get3A_832, %get3A_833] {strides = array<i32>} : memref<5x512xi32, #tpu.memory_space<vmem>>, vector<16xi32>,
    %get3A_835 = arith.constant 288 : index
    %get3A_836 = tpu.vector_load %arg7[%get3A_835] {strides = array<i32>} : memref<1024xf32, #tpu.memory_space<vmem>>, vector<16xf32>,
    %get3A_837 = arith.constant 416 : index
    %get3A_838 = tpu.vector_load %arg7[%get3A_837] {strides = array<i32>} : memref<1024xf32, #tpu.memory_space<vmem>>, vector<16xf32>,
    %mul3A_839 = arith.constant 32 : i32
    %mul3A_840 = vector.broadcast %mul3A_839 : i32 to vector<16xi32>
    %mul3A_841 = arith.muli %get3A_834, %mul3A_840 : vector<16xi32>
    %get3A_842 = arith.constant 1 : i32
    %get3A_843 = arith.index_cast %get3A_842 : i32 to index
    %get3A_844 = arith.constant 160 : index
    %get3A_845 = tpu.vector_load %arg6[%get3A_843, %get3A_844] {strides = array<i32>} : memref<5x512xi32, #tpu.memory_space<vmem>>, vector<16xi32>,
    %add3A_846 = arith.addi %mul3A_841, %get3A_845 : vector<16xi32>
    %gather3A_847 = tpu.vector_load_idx %arg8[%add3A_846] : memref<2048xf32, #tpu.memory_space<vmem>>[vector<16xi32>], vector<16xf32>,
    %add3A_848 = arith.constant 1024 : i32
    %add3A_849 = vector.broadcast %add3A_848 : i32 to vector<16xi32>
    %add3A_850 = arith.addi %add3A_846, %add3A_849 : vector<16xi32>
    %gather3A_851 = tpu.vector_load_idx %arg8[%add3A_850] : memref<2048xf32, #tpu.memory_space<vmem>>[vector<16xi32>], vector<16xf32>,
    %mul3A_852 = arith.mulf %get3A_836, %gather3A_847 : vector<16xf32>
    %mul3A_853 = arith.mulf %get3A_838, %gather3A_851 : vector<16xf32>
    %add3A_854 = arith.addf %mul3A_852, %mul3A_853 : vector<16xf32>
    %get3A_855 = arith.constant 2 : i32
    %get3A_856 = arith.index_cast %get3A_855 : i32 to index
    %get3A_857 = arith.constant 160 : index
    %get3A_858 = tpu.vector_load %arg6[%get3A_856, %get3A_857] {strides = array<i32>} : memref<5x512xi32, #tpu.memory_space<vmem>>, vector<16xi32>,
    %add3A_859 = arith.addi %mul3A_841, %get3A_858 : vector<16xi32>
    %gather3A_860 = tpu.vector_load_idx %arg8[%add3A_859] : memref<2048xf32, #tpu.memory_space<vmem>>[vector<16xi32>], vector<16xf32>,
    %add3A_861 = arith.constant 1024 : i32
    %add3A_862 = vector.broadcast %add3A_861 : i32 to vector<16xi32>
    %add3A_863 = arith.addi %add3A_859, %add3A_862 : vector<16xi32>
    %gather3A_864 = tpu.vector_load_idx %arg8[%add3A_863] : memref<2048xf32, #tpu.memory_space<vmem>>[vector<16xi32>], vector<16xf32>,
    %mul3A_865 = arith.mulf %get3A_836, %gather3A_860 : vector<16xf32>
    %mul3A_866 = arith.mulf %get3A_838, %gather3A_864 : vector<16xf32>
    %add3A_867 = arith.addf %mul3A_865, %mul3A_866 : vector<16xf32>
    %get3A_868 = arith.constant 3 : i32
    %get3A_869 = arith.index_cast %get3A_868 : i32 to index
    %get3A_870 = arith.constant 160 : index
    %get3A_871 = tpu.vector_load %arg6[%get3A_869, %get3A_870] {strides = array<i32>} : memref<5x512xi32, #tpu.memory_space<vmem>>, vector<16xi32>,
    %add3A_872 = arith.addi %mul3A_841, %get3A_871 : vector<16xi32>
    %gather3A_873 = tpu.vector_load_idx %arg8[%add3A_872] : memref<2048xf32, #tpu.memory_space<vmem>>[vector<16xi32>], vector<16xf32>,
    %add3A_874 = arith.constant 1024 : i32
    %add3A_875 = vector.broadcast %add3A_874 : i32 to vector<16xi32>
    %add3A_876 = arith.addi %add3A_872, %add3A_875 : vector<16xi32>
    %gather3A_877 = tpu.vector_load_idx %arg8[%add3A_876] : memref<2048xf32, #tpu.memory_space<vmem>>[vector<16xi32>], vector<16xf32>,
    %mul3A_878 = arith.mulf %get3A_836, %gather3A_873 : vector<16xf32>
    %mul3A_879 = arith.mulf %get3A_838, %gather3A_877 : vector<16xf32>
    %add3A_880 = arith.addf %mul3A_878, %mul3A_879 : vector<16xf32>
    %get3A_881 = arith.constant 4 : i32
    %get3A_882 = arith.index_cast %get3A_881 : i32 to index
    %get3A_883 = arith.constant 160 : index
    %get3A_884 = tpu.vector_load %arg6[%get3A_882, %get3A_883] {strides = array<i32>} : memref<5x512xi32, #tpu.memory_space<vmem>>, vector<16xi32>,
    %add3A_885 = arith.addi %mul3A_841, %get3A_884 : vector<16xi32>
    %gather3A_886 = tpu.vector_load_idx %arg8[%add3A_885] : memref<2048xf32, #tpu.memory_space<vmem>>[vector<16xi32>], vector<16xf32>,
    %add3A_887 = arith.constant 1024 : i32
    %add3A_888 = vector.broadcast %add3A_887 : i32 to vector<16xi32>
    %add3A_889 = arith.addi %add3A_885, %add3A_888 : vector<16xi32>
    %gather3A_890 = tpu.vector_load_idx %arg8[%add3A_889] : memref<2048xf32, #tpu.memory_space<vmem>>[vector<16xi32>], vector<16xf32>,
    %mul3A_891 = arith.mulf %get3A_836, %gather3A_886 : vector<16xf32>
    %mul3A_892 = arith.mulf %get3A_838, %gather3A_890 : vector<16xf32>
    %add3A_893 = arith.addf %mul3A_891, %mul3A_892 : vector<16xf32>
    %add3A_894 = arith.addf %add3A_854, %add3A_867 : vector<16xf32>
    %add3A_895 = arith.addf %add3A_880, %add3A_893 : vector<16xf32>
    %add3A_896 = arith.addf %add3A_894, %add3A_895 : vector<16xf32>
    %div3A_897 = arith.constant 1.000000e+00 : f32
    %div3A_898 = vector.broadcast %div3A_897 : f32 to vector<16xf32>
    %div3A_899 = arith.divf %div3A_898, %add3A_896 : vector<16xf32>
    %mul3A_900 = arith.mulf %add3A_854, %div3A_899 : vector<16xf32>
    %swap3A_901 = arith.constant 544 : index
    %swap3A_902 = tpu.vector_load %arg9[%swap3A_901] {strides = array<i32>} : memref<2048xf32, #tpu.memory_space<vmem>>, vector<16xf32>,
    tpu.vector_store %arg9[%swap3A_901], %mul3A_900 {strides = array<i32>} : memref<2048xf32, #tpu.memory_space<vmem>>, vector<16xf32>,
    %mul3A_903 = arith.mulf %add3A_867, %div3A_899 : vector<16xf32>
    %swap3A_904 = arith.constant 672 : index
    %swap3A_905 = tpu.vector_load %arg9[%swap3A_904] {strides = array<i32>} : memref<2048xf32, #tpu.memory_space<vmem>>, vector<16xf32>,
    tpu.vector_store %arg9[%swap3A_904], %mul3A_903 {strides = array<i32>} : memref<2048xf32, #tpu.memory_space<vmem>>, vector<16xf32>,
    %mul3A_906 = arith.mulf %add3A_880, %div3A_899 : vector<16xf32>
    %swap3A_907 = arith.constant 800 : index
    %swap3A_908 = tpu.vector_load %arg9[%swap3A_907] {strides = array<i32>} : memref<2048xf32, #tpu.memory_space<vmem>>, vector<16xf32>,
    tpu.vector_store %arg9[%swap3A_907], %mul3A_906 {strides = array<i32>} : memref<2048xf32, #tpu.memory_space<vmem>>, vector<16xf32>,
    %mul3A_909 = arith.mulf %add3A_893, %div3A_899 : vector<16xf32>
    %swap3A_910 = arith.constant 928 : index
    %swap3A_911 = tpu.vector_load %arg9[%swap3A_910] {strides = array<i32>} : memref<2048xf32, #tpu.memory_space<vmem>>, vector<16xf32>,
    tpu.vector_store %arg9[%swap3A_910], %mul3A_909 {strides = array<i32>} : memref<2048xf32, #tpu.memory_space<vmem>>, vector<16xf32>,
    %get3A_912 = arith.constant 0 : i32
    %get3A_913 = arith.index_cast %get3A_912 : i32 to index
    %get3A_914 = arith.constant 176 : index
    %get3A_915 = tpu.vector_load %arg6[%get3A_913, %get3A_914] {strides = array<i32>} : memref<5x512xi32, #tpu.memory_space<vmem>>, vector<16xi32>,
    %get3A_916 = arith.constant 304 : index
    %get3A_917 = tpu.vector_load %arg7[%get3A_916] {strides = array<i32>} : memref<1024xf32, #tpu.memory_space<vmem>>, vector<16xf32>,
    %get3A_918 = arith.constant 432 : index
    %get3A_919 = tpu.vector_load %arg7[%get3A_918] {strides = array<i32>} : memref<1024xf32, #tpu.memory_space<vmem>>, vector<16xf32>,
    %mul3A_920 = arith.constant 32 : i32
    %mul3A_921 = vector.broadcast %mul3A_920 : i32 to vector<16xi32>
    %mul3A_922 = arith.muli %get3A_915, %mul3A_921 : vector<16xi32>
    %get3A_923 = arith.constant 1 : i32
    %get3A_924 = arith.index_cast %get3A_923 : i32 to index
    %get3A_925 = arith.constant 176 : index
    %get3A_926 = tpu.vector_load %arg6[%get3A_924, %get3A_925] {strides = array<i32>} : memref<5x512xi32, #tpu.memory_space<vmem>>, vector<16xi32>,
    %add3A_927 = arith.addi %mul3A_922, %get3A_926 : vector<16xi32>
    %gather3A_928 = tpu.vector_load_idx %arg8[%add3A_927] : memref<2048xf32, #tpu.memory_space<vmem>>[vector<16xi32>], vector<16xf32>,
    %add3A_929 = arith.constant 1024 : i32
    %add3A_930 = vector.broadcast %add3A_929 : i32 to vector<16xi32>
    %add3A_931 = arith.addi %add3A_927, %add3A_930 : vector<16xi32>
    %gather3A_932 = tpu.vector_load_idx %arg8[%add3A_931] : memref<2048xf32, #tpu.memory_space<vmem>>[vector<16xi32>], vector<16xf32>,
    %mul3A_933 = arith.mulf %get3A_917, %gather3A_928 : vector<16xf32>
    %mul3A_934 = arith.mulf %get3A_919, %gather3A_932 : vector<16xf32>
    %add3A_935 = arith.addf %mul3A_933, %mul3A_934 : vector<16xf32>
    %get3A_936 = arith.constant 2 : i32
    %get3A_937 = arith.index_cast %get3A_936 : i32 to index
    %get3A_938 = arith.constant 176 : index
    %get3A_939 = tpu.vector_load %arg6[%get3A_937, %get3A_938] {strides = array<i32>} : memref<5x512xi32, #tpu.memory_space<vmem>>, vector<16xi32>,
    %add3A_940 = arith.addi %mul3A_922, %get3A_939 : vector<16xi32>
    %gather3A_941 = tpu.vector_load_idx %arg8[%add3A_940] : memref<2048xf32, #tpu.memory_space<vmem>>[vector<16xi32>], vector<16xf32>,
    %add3A_942 = arith.constant 1024 : i32
    %add3A_943 = vector.broadcast %add3A_942 : i32 to vector<16xi32>
    %add3A_944 = arith.addi %add3A_940, %add3A_943 : vector<16xi32>
    %gather3A_945 = tpu.vector_load_idx %arg8[%add3A_944] : memref<2048xf32, #tpu.memory_space<vmem>>[vector<16xi32>], vector<16xf32>,
    %mul3A_946 = arith.mulf %get3A_917, %gather3A_941 : vector<16xf32>
    %mul3A_947 = arith.mulf %get3A_919, %gather3A_945 : vector<16xf32>
    %add3A_948 = arith.addf %mul3A_946, %mul3A_947 : vector<16xf32>
    %get3A_949 = arith.constant 3 : i32
    %get3A_950 = arith.index_cast %get3A_949 : i32 to index
    %get3A_951 = arith.constant 176 : index
    %get3A_952 = tpu.vector_load %arg6[%get3A_950, %get3A_951] {strides = array<i32>} : memref<5x512xi32, #tpu.memory_space<vmem>>, vector<16xi32>,
    %add3A_953 = arith.addi %mul3A_922, %get3A_952 : vector<16xi32>
    %gather3A_954 = tpu.vector_load_idx %arg8[%add3A_953] : memref<2048xf32, #tpu.memory_space<vmem>>[vector<16xi32>], vector<16xf32>,
    %add3A_955 = arith.constant 1024 : i32
    %add3A_956 = vector.broadcast %add3A_955 : i32 to vector<16xi32>
    %add3A_957 = arith.addi %add3A_953, %add3A_956 : vector<16xi32>
    %gather3A_958 = tpu.vector_load_idx %arg8[%add3A_957] : memref<2048xf32, #tpu.memory_space<vmem>>[vector<16xi32>], vector<16xf32>,
    %mul3A_959 = arith.mulf %get3A_917, %gather3A_954 : vector<16xf32>
    %mul3A_960 = arith.mulf %get3A_919, %gather3A_958 : vector<16xf32>
    %add3A_961 = arith.addf %mul3A_959, %mul3A_960 : vector<16xf32>
    %get3A_962 = arith.constant 4 : i32
    %get3A_963 = arith.index_cast %get3A_962 : i32 to index
    %get3A_964 = arith.constant 176 : index
    %get3A_965 = tpu.vector_load %arg6[%get3A_963, %get3A_964] {strides = array<i32>} : memref<5x512xi32, #tpu.memory_space<vmem>>, vector<16xi32>,
    %add3A_966 = arith.addi %mul3A_922, %get3A_965 : vector<16xi32>
    %gather3A_967 = tpu.vector_load_idx %arg8[%add3A_966] : memref<2048xf32, #tpu.memory_space<vmem>>[vector<16xi32>], vector<16xf32>,
    %add3A_968 = arith.constant 1024 : i32
    %add3A_969 = vector.broadcast %add3A_968 : i32 to vector<16xi32>
    %add3A_970 = arith.addi %add3A_966, %add3A_969 : vector<16xi32>
    %gather3A_971 = tpu.vector_load_idx %arg8[%add3A_970] : memref<2048xf32, #tpu.memory_space<vmem>>[vector<16xi32>], vector<16xf32>,
    %mul3A_972 = arith.mulf %get3A_917, %gather3A_967 : vector<16xf32>
    %mul3A_973 = arith.mulf %get3A_919, %gather3A_971 : vector<16xf32>
    %add3A_974 = arith.addf %mul3A_972, %mul3A_973 : vector<16xf32>
    %add3A_975 = arith.addf %add3A_935, %add3A_948 : vector<16xf32>
    %add3A_976 = arith.addf %add3A_961, %add3A_974 : vector<16xf32>
    %add3A_977 = arith.addf %add3A_975, %add3A_976 : vector<16xf32>
    %div3A_978 = arith.constant 1.000000e+00 : f32
    %div3A_979 = vector.broadcast %div3A_978 : f32 to vector<16xf32>
    %div3A_980 = arith.divf %div3A_979, %add3A_977 : vector<16xf32>
    %mul3A_981 = arith.mulf %add3A_935, %div3A_980 : vector<16xf32>
    %swap3A_982 = arith.constant 560 : index
    %swap3A_983 = tpu.vector_load %arg9[%swap3A_982] {strides = array<i32>} : memref<2048xf32, #tpu.memory_space<vmem>>, vector<16xf32>,
    tpu.vector_store %arg9[%swap3A_982], %mul3A_981 {strides = array<i32>} : memref<2048xf32, #tpu.memory_space<vmem>>, vector<16xf32>,
    %mul3A_984 = arith.mulf %add3A_948, %div3A_980 : vector<16xf32>
    %swap3A_985 = arith.constant 688 : index
    %swap3A_986 = tpu.vector_load %arg9[%swap3A_985] {strides = array<i32>} : memref<2048xf32, #tpu.memory_space<vmem>>, vector<16xf32>,
    tpu.vector_store %arg9[%swap3A_985], %mul3A_984 {strides = array<i32>} : memref<2048xf32, #tpu.memory_space<vmem>>, vector<16xf32>,
    %mul3A_987 = arith.mulf %add3A_961, %div3A_980 : vector<16xf32>
    %swap3A_988 = arith.constant 816 : index
    %swap3A_989 = tpu.vector_load %arg9[%swap3A_988] {strides = array<i32>} : memref<2048xf32, #tpu.memory_space<vmem>>, vector<16xf32>,
    tpu.vector_store %arg9[%swap3A_988], %mul3A_987 {strides = array<i32>} : memref<2048xf32, #tpu.memory_space<vmem>>, vector<16xf32>,
    %mul3A_990 = arith.mulf %add3A_974, %div3A_980 : vector<16xf32>
    %swap3A_991 = arith.constant 944 : index
    %swap3A_992 = tpu.vector_load %arg9[%swap3A_991] {strides = array<i32>} : memref<2048xf32, #tpu.memory_space<vmem>>, vector<16xf32>,
    tpu.vector_store %arg9[%swap3A_991], %mul3A_990 {strides = array<i32>} : memref<2048xf32, #tpu.memory_space<vmem>>, vector<16xf32>,
    %get3A_993 = arith.constant 0 : i32
    %get3A_994 = arith.index_cast %get3A_993 : i32 to index
    %get3A_995 = arith.constant 192 : index
    %get3A_996 = tpu.vector_load %arg6[%get3A_994, %get3A_995] {strides = array<i32>} : memref<5x512xi32, #tpu.memory_space<vmem>>, vector<16xi32>,
    %get3A_997 = arith.constant 320 : index
    %get3A_998 = tpu.vector_load %arg7[%get3A_997] {strides = array<i32>} : memref<1024xf32, #tpu.memory_space<vmem>>, vector<16xf32>,
    %get3A_999 = arith.constant 448 : index
    %get3A_1000 = tpu.vector_load %arg7[%get3A_999] {strides = array<i32>} : memref<1024xf32, #tpu.memory_space<vmem>>, vector<16xf32>,
    %mul3A_1001 = arith.constant 32 : i32
    %mul3A_1002 = vector.broadcast %mul3A_1001 : i32 to vector<16xi32>
    %mul3A_1003 = arith.muli %get3A_996, %mul3A_1002 : vector<16xi32>
    %get3A_1004 = arith.constant 1 : i32
    %get3A_1005 = arith.index_cast %get3A_1004 : i32 to index
    %get3A_1006 = arith.constant 192 : index
    %get3A_1007 = tpu.vector_load %arg6[%get3A_1005, %get3A_1006] {strides = array<i32>} : memref<5x512xi32, #tpu.memory_space<vmem>>, vector<16xi32>,
    %add3A_1008 = arith.addi %mul3A_1003, %get3A_1007 : vector<16xi32>
    %gather3A_1009 = tpu.vector_load_idx %arg8[%add3A_1008] : memref<2048xf32, #tpu.memory_space<vmem>>[vector<16xi32>], vector<16xf32>,
    %add3A_1010 = arith.constant 1024 : i32
    %add3A_1011 = vector.broadcast %add3A_1010 : i32 to vector<16xi32>
    %add3A_1012 = arith.addi %add3A_1008, %add3A_1011 : vector<16xi32>
    %gather3A_1013 = tpu.vector_load_idx %arg8[%add3A_1012] : memref<2048xf32, #tpu.memory_space<vmem>>[vector<16xi32>], vector<16xf32>,
    %mul3A_1014 = arith.mulf %get3A_998, %gather3A_1009 : vector<16xf32>
    %mul3A_1015 = arith.mulf %get3A_1000, %gather3A_1013 : vector<16xf32>
    %add3A_1016 = arith.addf %mul3A_1014, %mul3A_1015 : vector<16xf32>
    %get3A_1017 = arith.constant 2 : i32
    %get3A_1018 = arith.index_cast %get3A_1017 : i32 to index
    %get3A_1019 = arith.constant 192 : index
    %get3A_1020 = tpu.vector_load %arg6[%get3A_1018, %get3A_1019] {strides = array<i32>} : memref<5x512xi32, #tpu.memory_space<vmem>>, vector<16xi32>,
    %add3A_1021 = arith.addi %mul3A_1003, %get3A_1020 : vector<16xi32>
    %gather3A_1022 = tpu.vector_load_idx %arg8[%add3A_1021] : memref<2048xf32, #tpu.memory_space<vmem>>[vector<16xi32>], vector<16xf32>,
    %add3A_1023 = arith.constant 1024 : i32
    %add3A_1024 = vector.broadcast %add3A_1023 : i32 to vector<16xi32>
    %add3A_1025 = arith.addi %add3A_1021, %add3A_1024 : vector<16xi32>
    %gather3A_1026 = tpu.vector_load_idx %arg8[%add3A_1025] : memref<2048xf32, #tpu.memory_space<vmem>>[vector<16xi32>], vector<16xf32>,
    %mul3A_1027 = arith.mulf %get3A_998, %gather3A_1022 : vector<16xf32>
    %mul3A_1028 = arith.mulf %get3A_1000, %gather3A_1026 : vector<16xf32>
    %add3A_1029 = arith.addf %mul3A_1027, %mul3A_1028 : vector<16xf32>
    %get3A_1030 = arith.constant 3 : i32
    %get3A_1031 = arith.index_cast %get3A_1030 : i32 to index
    %get3A_1032 = arith.constant 192 : index
    %get3A_1033 = tpu.vector_load %arg6[%get3A_1031, %get3A_1032] {strides = array<i32>} : memref<5x512xi32, #tpu.memory_space<vmem>>, vector<16xi32>,
    %add3A_1034 = arith.addi %mul3A_1003, %get3A_1033 : vector<16xi32>
    %gather3A_1035 = tpu.vector_load_idx %arg8[%add3A_1034] : memref<2048xf32, #tpu.memory_space<vmem>>[vector<16xi32>], vector<16xf32>,
    %add3A_1036 = arith.constant 1024 : i32
    %add3A_1037 = vector.broadcast %add3A_1036 : i32 to vector<16xi32>
    %add3A_1038 = arith.addi %add3A_1034, %add3A_1037 : vector<16xi32>
    %gather3A_1039 = tpu.vector_load_idx %arg8[%add3A_1038] : memref<2048xf32, #tpu.memory_space<vmem>>[vector<16xi32>], vector<16xf32>,
    %mul3A_1040 = arith.mulf %get3A_998, %gather3A_1035 : vector<16xf32>
    %mul3A_1041 = arith.mulf %get3A_1000, %gather3A_1039 : vector<16xf32>
    %add3A_1042 = arith.addf %mul3A_1040, %mul3A_1041 : vector<16xf32>
    %get3A_1043 = arith.constant 4 : i32
    %get3A_1044 = arith.index_cast %get3A_1043 : i32 to index
    %get3A_1045 = arith.constant 192 : index
    %get3A_1046 = tpu.vector_load %arg6[%get3A_1044, %get3A_1045] {strides = array<i32>} : memref<5x512xi32, #tpu.memory_space<vmem>>, vector<16xi32>,
    %add3A_1047 = arith.addi %mul3A_1003, %get3A_1046 : vector<16xi32>
    %gather3A_1048 = tpu.vector_load_idx %arg8[%add3A_1047] : memref<2048xf32, #tpu.memory_space<vmem>>[vector<16xi32>], vector<16xf32>,
    %add3A_1049 = arith.constant 1024 : i32
    %add3A_1050 = vector.broadcast %add3A_1049 : i32 to vector<16xi32>
    %add3A_1051 = arith.addi %add3A_1047, %add3A_1050 : vector<16xi32>
    %gather3A_1052 = tpu.vector_load_idx %arg8[%add3A_1051] : memref<2048xf32, #tpu.memory_space<vmem>>[vector<16xi32>], vector<16xf32>,
    %mul3A_1053 = arith.mulf %get3A_998, %gather3A_1048 : vector<16xf32>
    %mul3A_1054 = arith.mulf %get3A_1000, %gather3A_1052 : vector<16xf32>
    %add3A_1055 = arith.addf %mul3A_1053, %mul3A_1054 : vector<16xf32>
    %add3A_1056 = arith.addf %add3A_1016, %add3A_1029 : vector<16xf32>
    %add3A_1057 = arith.addf %add3A_1042, %add3A_1055 : vector<16xf32>
    %add3A_1058 = arith.addf %add3A_1056, %add3A_1057 : vector<16xf32>
    %div3A_1059 = arith.constant 1.000000e+00 : f32
    %div3A_1060 = vector.broadcast %div3A_1059 : f32 to vector<16xf32>
    %div3A_1061 = arith.divf %div3A_1060, %add3A_1058 : vector<16xf32>
    %mul3A_1062 = arith.mulf %add3A_1016, %div3A_1061 : vector<16xf32>
    %swap3A_1063 = arith.constant 576 : index
    %swap3A_1064 = tpu.vector_load %arg9[%swap3A_1063] {strides = array<i32>} : memref<2048xf32, #tpu.memory_space<vmem>>, vector<16xf32>,
    tpu.vector_store %arg9[%swap3A_1063], %mul3A_1062 {strides = array<i32>} : memref<2048xf32, #tpu.memory_space<vmem>>, vector<16xf32>,
    %mul3A_1065 = arith.mulf %add3A_1029, %div3A_1061 : vector<16xf32>
    %swap3A_1066 = arith.constant 704 : index
    %swap3A_1067 = tpu.vector_load %arg9[%swap3A_1066] {strides = array<i32>} : memref<2048xf32, #tpu.memory_space<vmem>>, vector<16xf32>,
    tpu.vector_store %arg9[%swap3A_1066], %mul3A_1065 {strides = array<i32>} : memref<2048xf32, #tpu.memory_space<vmem>>, vector<16xf32>,
    %mul3A_1068 = arith.mulf %add3A_1042, %div3A_1061 : vector<16xf32>
    %swap3A_1069 = arith.constant 832 : index
    %swap3A_1070 = tpu.vector_load %arg9[%swap3A_1069] {strides = array<i32>} : memref<2048xf32, #tpu.memory_space<vmem>>, vector<16xf32>,
    tpu.vector_store %arg9[%swap3A_1069], %mul3A_1068 {strides = array<i32>} : memref<2048xf32, #tpu.memory_space<vmem>>, vector<16xf32>,
    %mul3A_1071 = arith.mulf %add3A_1055, %div3A_1061 : vector<16xf32>
    %swap3A_1072 = arith.constant 960 : index
    %swap3A_1073 = tpu.vector_load %arg9[%swap3A_1072] {strides = array<i32>} : memref<2048xf32, #tpu.memory_space<vmem>>, vector<16xf32>,
    tpu.vector_store %arg9[%swap3A_1072], %mul3A_1071 {strides = array<i32>} : memref<2048xf32, #tpu.memory_space<vmem>>, vector<16xf32>,
    %get3A_1074 = arith.constant 0 : i32
    %get3A_1075 = arith.index_cast %get3A_1074 : i32 to index
    %get3A_1076 = arith.constant 208 : index
    %get3A_1077 = tpu.vector_load %arg6[%get3A_1075, %get3A_1076] {strides = array<i32>} : memref<5x512xi32, #tpu.memory_space<vmem>>, vector<16xi32>,
    %get3A_1078 = arith.constant 336 : index
    %get3A_1079 = tpu.vector_load %arg7[%get3A_1078] {strides = array<i32>} : memref<1024xf32, #tpu.memory_space<vmem>>, vector<16xf32>,
    %get3A_1080 = arith.constant 464 : index
    %get3A_1081 = tpu.vector_load %arg7[%get3A_1080] {strides = array<i32>} : memref<1024xf32, #tpu.memory_space<vmem>>, vector<16xf32>,
    %mul3A_1082 = arith.constant 32 : i32
    %mul3A_1083 = vector.broadcast %mul3A_1082 : i32 to vector<16xi32>
    %mul3A_1084 = arith.muli %get3A_1077, %mul3A_1083 : vector<16xi32>
    %get3A_1085 = arith.constant 1 : i32
    %get3A_1086 = arith.index_cast %get3A_1085 : i32 to index
    %get3A_1087 = arith.constant 208 : index
    %get3A_1088 = tpu.vector_load %arg6[%get3A_1086, %get3A_1087] {strides = array<i32>} : memref<5x512xi32, #tpu.memory_space<vmem>>, vector<16xi32>,
    %add3A_1089 = arith.addi %mul3A_1084, %get3A_1088 : vector<16xi32>
    %gather3A_1090 = tpu.vector_load_idx %arg8[%add3A_1089] : memref<2048xf32, #tpu.memory_space<vmem>>[vector<16xi32>], vector<16xf32>,
    %add3A_1091 = arith.constant 1024 : i32
    %add3A_1092 = vector.broadcast %add3A_1091 : i32 to vector<16xi32>
    %add3A_1093 = arith.addi %add3A_1089, %add3A_1092 : vector<16xi32>
    %gather3A_1094 = tpu.vector_load_idx %arg8[%add3A_1093] : memref<2048xf32, #tpu.memory_space<vmem>>[vector<16xi32>], vector<16xf32>,
    %mul3A_1095 = arith.mulf %get3A_1079, %gather3A_1090 : vector<16xf32>
    %mul3A_1096 = arith.mulf %get3A_1081, %gather3A_1094 : vector<16xf32>
    %add3A_1097 = arith.addf %mul3A_1095, %mul3A_1096 : vector<16xf32>
    %get3A_1098 = arith.constant 2 : i32
    %get3A_1099 = arith.index_cast %get3A_1098 : i32 to index
    %get3A_1100 = arith.constant 208 : index
    %get3A_1101 = tpu.vector_load %arg6[%get3A_1099, %get3A_1100] {strides = array<i32>} : memref<5x512xi32, #tpu.memory_space<vmem>>, vector<16xi32>,
    %add3A_1102 = arith.addi %mul3A_1084, %get3A_1101 : vector<16xi32>
    %gather3A_1103 = tpu.vector_load_idx %arg8[%add3A_1102] : memref<2048xf32, #tpu.memory_space<vmem>>[vector<16xi32>], vector<16xf32>,
    %add3A_1104 = arith.constant 1024 : i32
    %add3A_1105 = vector.broadcast %add3A_1104 : i32 to vector<16xi32>
    %add3A_1106 = arith.addi %add3A_1102, %add3A_1105 : vector<16xi32>
    %gather3A_1107 = tpu.vector_load_idx %arg8[%add3A_1106] : memref<2048xf32, #tpu.memory_space<vmem>>[vector<16xi32>], vector<16xf32>,
    %mul3A_1108 = arith.mulf %get3A_1079, %gather3A_1103 : vector<16xf32>
    %mul3A_1109 = arith.mulf %get3A_1081, %gather3A_1107 : vector<16xf32>
    %add3A_1110 = arith.addf %mul3A_1108, %mul3A_1109 : vector<16xf32>
    %get3A_1111 = arith.constant 3 : i32
    %get3A_1112 = arith.index_cast %get3A_1111 : i32 to index
    %get3A_1113 = arith.constant 208 : index
    %get3A_1114 = tpu.vector_load %arg6[%get3A_1112, %get3A_1113] {strides = array<i32>} : memref<5x512xi32, #tpu.memory_space<vmem>>, vector<16xi32>,
    %add3A_1115 = arith.addi %mul3A_1084, %get3A_1114 : vector<16xi32>
    %gather3A_1116 = tpu.vector_load_idx %arg8[%add3A_1115] : memref<2048xf32, #tpu.memory_space<vmem>>[vector<16xi32>], vector<16xf32>,
    %add3A_1117 = arith.constant 1024 : i32
    %add3A_1118 = vector.broadcast %add3A_1117 : i32 to vector<16xi32>
    %add3A_1119 = arith.addi %add3A_1115, %add3A_1118 : vector<16xi32>
    %gather3A_1120 = tpu.vector_load_idx %arg8[%add3A_1119] : memref<2048xf32, #tpu.memory_space<vmem>>[vector<16xi32>], vector<16xf32>,
    %mul3A_1121 = arith.mulf %get3A_1079, %gather3A_1116 : vector<16xf32>
    %mul3A_1122 = arith.mulf %get3A_1081, %gather3A_1120 : vector<16xf32>
    %add3A_1123 = arith.addf %mul3A_1121, %mul3A_1122 : vector<16xf32>
    %get3A_1124 = arith.constant 4 : i32
    %get3A_1125 = arith.index_cast %get3A_1124 : i32 to index
    %get3A_1126 = arith.constant 208 : index
    %get3A_1127 = tpu.vector_load %arg6[%get3A_1125, %get3A_1126] {strides = array<i32>} : memref<5x512xi32, #tpu.memory_space<vmem>>, vector<16xi32>,
    %add3A_1128 = arith.addi %mul3A_1084, %get3A_1127 : vector<16xi32>
    %gather3A_1129 = tpu.vector_load_idx %arg8[%add3A_1128] : memref<2048xf32, #tpu.memory_space<vmem>>[vector<16xi32>], vector<16xf32>,
    %add3A_1130 = arith.constant 1024 : i32
    %add3A_1131 = vector.broadcast %add3A_1130 : i32 to vector<16xi32>
    %add3A_1132 = arith.addi %add3A_1128, %add3A_1131 : vector<16xi32>
    %gather3A_1133 = tpu.vector_load_idx %arg8[%add3A_1132] : memref<2048xf32, #tpu.memory_space<vmem>>[vector<16xi32>], vector<16xf32>,
    %mul3A_1134 = arith.mulf %get3A_1079, %gather3A_1129 : vector<16xf32>
    %mul3A_1135 = arith.mulf %get3A_1081, %gather3A_1133 : vector<16xf32>
    %add3A_1136 = arith.addf %mul3A_1134, %mul3A_1135 : vector<16xf32>
    %add3A_1137 = arith.addf %add3A_1097, %add3A_1110 : vector<16xf32>
    %add3A_1138 = arith.addf %add3A_1123, %add3A_1136 : vector<16xf32>
    %add3A_1139 = arith.addf %add3A_1137, %add3A_1138 : vector<16xf32>
    %div3A_1140 = arith.constant 1.000000e+00 : f32
    %div3A_1141 = vector.broadcast %div3A_1140 : f32 to vector<16xf32>
    %div3A_1142 = arith.divf %div3A_1141, %add3A_1139 : vector<16xf32>
    %mul3A_1143 = arith.mulf %add3A_1097, %div3A_1142 : vector<16xf32>
    %swap3A_1144 = arith.constant 592 : index
    %swap3A_1145 = tpu.vector_load %arg9[%swap3A_1144] {strides = array<i32>} : memref<2048xf32, #tpu.memory_space<vmem>>, vector<16xf32>,
    tpu.vector_store %arg9[%swap3A_1144], %mul3A_1143 {strides = array<i32>} : memref<2048xf32, #tpu.memory_space<vmem>>, vector<16xf32>,
    %mul3A_1146 = arith.mulf %add3A_1110, %div3A_1142 : vector<16xf32>
    %swap3A_1147 = arith.constant 720 : index
    %swap3A_1148 = tpu.vector_load %arg9[%swap3A_1147] {strides = array<i32>} : memref<2048xf32, #tpu.memory_space<vmem>>, vector<16xf32>,
    tpu.vector_store %arg9[%swap3A_1147], %mul3A_1146 {strides = array<i32>} : memref<2048xf32, #tpu.memory_space<vmem>>, vector<16xf32>,
    %mul3A_1149 = arith.mulf %add3A_1123, %div3A_1142 : vector<16xf32>
    %swap3A_1150 = arith.constant 848 : index
    %swap3A_1151 = tpu.vector_load %arg9[%swap3A_1150] {strides = array<i32>} : memref<2048xf32, #tpu.memory_space<vmem>>, vector<16xf32>,
    tpu.vector_store %arg9[%swap3A_1150], %mul3A_1149 {strides = array<i32>} : memref<2048xf32, #tpu.memory_space<vmem>>, vector<16xf32>,
    %mul3A_1152 = arith.mulf %add3A_1136, %div3A_1142 : vector<16xf32>
    %swap3A_1153 = arith.constant 976 : index
    %swap3A_1154 = tpu.vector_load %arg9[%swap3A_1153] {strides = array<i32>} : memref<2048xf32, #tpu.memory_space<vmem>>, vector<16xf32>,
    tpu.vector_store %arg9[%swap3A_1153], %mul3A_1152 {strides = array<i32>} : memref<2048xf32, #tpu.memory_space<vmem>>, vector<16xf32>,
    %get3A_1155 = arith.constant 0 : i32
    %get3A_1156 = arith.index_cast %get3A_1155 : i32 to index
    %get3A_1157 = arith.constant 224 : index
    %get3A_1158 = tpu.vector_load %arg6[%get3A_1156, %get3A_1157] {strides = array<i32>} : memref<5x512xi32, #tpu.memory_space<vmem>>, vector<16xi32>,
    %get3A_1159 = arith.constant 352 : index
    %get3A_1160 = tpu.vector_load %arg7[%get3A_1159] {strides = array<i32>} : memref<1024xf32, #tpu.memory_space<vmem>>, vector<16xf32>,
    %get3A_1161 = arith.constant 480 : index
    %get3A_1162 = tpu.vector_load %arg7[%get3A_1161] {strides = array<i32>} : memref<1024xf32, #tpu.memory_space<vmem>>, vector<16xf32>,
    %mul3A_1163 = arith.constant 32 : i32
    %mul3A_1164 = vector.broadcast %mul3A_1163 : i32 to vector<16xi32>
    %mul3A_1165 = arith.muli %get3A_1158, %mul3A_1164 : vector<16xi32>
    %get3A_1166 = arith.constant 1 : i32
    %get3A_1167 = arith.index_cast %get3A_1166 : i32 to index
    %get3A_1168 = arith.constant 224 : index
    %get3A_1169 = tpu.vector_load %arg6[%get3A_1167, %get3A_1168] {strides = array<i32>} : memref<5x512xi32, #tpu.memory_space<vmem>>, vector<16xi32>,
    %add3A_1170 = arith.addi %mul3A_1165, %get3A_1169 : vector<16xi32>
    %gather3A_1171 = tpu.vector_load_idx %arg8[%add3A_1170] : memref<2048xf32, #tpu.memory_space<vmem>>[vector<16xi32>], vector<16xf32>,
    %add3A_1172 = arith.constant 1024 : i32
    %add3A_1173 = vector.broadcast %add3A_1172 : i32 to vector<16xi32>
    %add3A_1174 = arith.addi %add3A_1170, %add3A_1173 : vector<16xi32>
    %gather3A_1175 = tpu.vector_load_idx %arg8[%add3A_1174] : memref<2048xf32, #tpu.memory_space<vmem>>[vector<16xi32>], vector<16xf32>,
    %mul3A_1176 = arith.mulf %get3A_1160, %gather3A_1171 : vector<16xf32>
    %mul3A_1177 = arith.mulf %get3A_1162, %gather3A_1175 : vector<16xf32>
    %add3A_1178 = arith.addf %mul3A_1176, %mul3A_1177 : vector<16xf32>
    %get3A_1179 = arith.constant 2 : i32
    %get3A_1180 = arith.index_cast %get3A_1179 : i32 to index
    %get3A_1181 = arith.constant 224 : index
    %get3A_1182 = tpu.vector_load %arg6[%get3A_1180, %get3A_1181] {strides = array<i32>} : memref<5x512xi32, #tpu.memory_space<vmem>>, vector<16xi32>,
    %add3A_1183 = arith.addi %mul3A_1165, %get3A_1182 : vector<16xi32>
    %gather3A_1184 = tpu.vector_load_idx %arg8[%add3A_1183] : memref<2048xf32, #tpu.memory_space<vmem>>[vector<16xi32>], vector<16xf32>,
    %add3A_1185 = arith.constant 1024 : i32
    %add3A_1186 = vector.broadcast %add3A_1185 : i32 to vector<16xi32>
    %add3A_1187 = arith.addi %add3A_1183, %add3A_1186 : vector<16xi32>
    %gather3A_1188 = tpu.vector_load_idx %arg8[%add3A_1187] : memref<2048xf32, #tpu.memory_space<vmem>>[vector<16xi32>], vector<16xf32>,
    %mul3A_1189 = arith.mulf %get3A_1160, %gather3A_1184 : vector<16xf32>
    %mul3A_1190 = arith.mulf %get3A_1162, %gather3A_1188 : vector<16xf32>
    %add3A_1191 = arith.addf %mul3A_1189, %mul3A_1190 : vector<16xf32>
    %get3A_1192 = arith.constant 3 : i32
    %get3A_1193 = arith.index_cast %get3A_1192 : i32 to index
    %get3A_1194 = arith.constant 224 : index
    %get3A_1195 = tpu.vector_load %arg6[%get3A_1193, %get3A_1194] {strides = array<i32>} : memref<5x512xi32, #tpu.memory_space<vmem>>, vector<16xi32>,
    %add3A_1196 = arith.addi %mul3A_1165, %get3A_1195 : vector<16xi32>
    %gather3A_1197 = tpu.vector_load_idx %arg8[%add3A_1196] : memref<2048xf32, #tpu.memory_space<vmem>>[vector<16xi32>], vector<16xf32>,
    %add3A_1198 = arith.constant 1024 : i32
    %add3A_1199 = vector.broadcast %add3A_1198 : i32 to vector<16xi32>
    %add3A_1200 = arith.addi %add3A_1196, %add3A_1199 : vector<16xi32>
    %gather3A_1201 = tpu.vector_load_idx %arg8[%add3A_1200] : memref<2048xf32, #tpu.memory_space<vmem>>[vector<16xi32>], vector<16xf32>,
    %mul3A_1202 = arith.mulf %get3A_1160, %gather3A_1197 : vector<16xf32>
    %mul3A_1203 = arith.mulf %get3A_1162, %gather3A_1201 : vector<16xf32>
    %add3A_1204 = arith.addf %mul3A_1202, %mul3A_1203 : vector<16xf32>
    %get3A_1205 = arith.constant 4 : i32
    %get3A_1206 = arith.index_cast %get3A_1205 : i32 to index
    %get3A_1207 = arith.constant 224 : index
    %get3A_1208 = tpu.vector_load %arg6[%get3A_1206, %get3A_1207] {strides = array<i32>} : memref<5x512xi32, #tpu.memory_space<vmem>>, vector<16xi32>,
    %add3A_1209 = arith.addi %mul3A_1165, %get3A_1208 : vector<16xi32>
    %gather3A_1210 = tpu.vector_load_idx %arg8[%add3A_1209] : memref<2048xf32, #tpu.memory_space<vmem>>[vector<16xi32>], vector<16xf32>,
    %add3A_1211 = arith.constant 1024 : i32
    %add3A_1212 = vector.broadcast %add3A_1211 : i32 to vector<16xi32>
    %add3A_1213 = arith.addi %add3A_1209, %add3A_1212 : vector<16xi32>
    %gather3A_1214 = tpu.vector_load_idx %arg8[%add3A_1213] : memref<2048xf32, #tpu.memory_space<vmem>>[vector<16xi32>], vector<16xf32>,
    %mul3A_1215 = arith.mulf %get3A_1160, %gather3A_1210 : vector<16xf32>
    %mul3A_1216 = arith.mulf %get3A_1162, %gather3A_1214 : vector<16xf32>
    %add3A_1217 = arith.addf %mul3A_1215, %mul3A_1216 : vector<16xf32>
    %add3A_1218 = arith.addf %add3A_1178, %add3A_1191 : vector<16xf32>
    %add3A_1219 = arith.addf %add3A_1204, %add3A_1217 : vector<16xf32>
    %add3A_1220 = arith.addf %add3A_1218, %add3A_1219 : vector<16xf32>
    %div3A_1221 = arith.constant 1.000000e+00 : f32
    %div3A_1222 = vector.broadcast %div3A_1221 : f32 to vector<16xf32>
    %div3A_1223 = arith.divf %div3A_1222, %add3A_1220 : vector<16xf32>
    %mul3A_1224 = arith.mulf %add3A_1178, %div3A_1223 : vector<16xf32>
    %swap3A_1225 = arith.constant 608 : index
    %swap3A_1226 = tpu.vector_load %arg9[%swap3A_1225] {strides = array<i32>} : memref<2048xf32, #tpu.memory_space<vmem>>, vector<16xf32>,
    tpu.vector_store %arg9[%swap3A_1225], %mul3A_1224 {strides = array<i32>} : memref<2048xf32, #tpu.memory_space<vmem>>, vector<16xf32>,
    %mul3A_1227 = arith.mulf %add3A_1191, %div3A_1223 : vector<16xf32>
    %swap3A_1228 = arith.constant 736 : index
    %swap3A_1229 = tpu.vector_load %arg9[%swap3A_1228] {strides = array<i32>} : memref<2048xf32, #tpu.memory_space<vmem>>, vector<16xf32>,
    tpu.vector_store %arg9[%swap3A_1228], %mul3A_1227 {strides = array<i32>} : memref<2048xf32, #tpu.memory_space<vmem>>, vector<16xf32>,
    %mul3A_1230 = arith.mulf %add3A_1204, %div3A_1223 : vector<16xf32>
    %swap3A_1231 = arith.constant 864 : index
    %swap3A_1232 = tpu.vector_load %arg9[%swap3A_1231] {strides = array<i32>} : memref<2048xf32, #tpu.memory_space<vmem>>, vector<16xf32>,
    tpu.vector_store %arg9[%swap3A_1231], %mul3A_1230 {strides = array<i32>} : memref<2048xf32, #tpu.memory_space<vmem>>, vector<16xf32>,
    %mul3A_1233 = arith.mulf %add3A_1217, %div3A_1223 : vector<16xf32>
    %swap3A_1234 = arith.constant 992 : index
    %swap3A_1235 = tpu.vector_load %arg9[%swap3A_1234] {strides = array<i32>} : memref<2048xf32, #tpu.memory_space<vmem>>, vector<16xf32>,
    tpu.vector_store %arg9[%swap3A_1234], %mul3A_1233 {strides = array<i32>} : memref<2048xf32, #tpu.memory_space<vmem>>, vector<16xf32>,
    %get3A_1236 = arith.constant 0 : i32
    %get3A_1237 = arith.index_cast %get3A_1236 : i32 to index
    %get3A_1238 = arith.constant 240 : index
    %get3A_1239 = tpu.vector_load %arg6[%get3A_1237, %get3A_1238] {strides = array<i32>} : memref<5x512xi32, #tpu.memory_space<vmem>>, vector<16xi32>,
    %get3A_1240 = arith.constant 368 : index
    %get3A_1241 = tpu.vector_load %arg7[%get3A_1240] {strides = array<i32>} : memref<1024xf32, #tpu.memory_space<vmem>>, vector<16xf32>,
    %get3A_1242 = arith.constant 496 : index
    %get3A_1243 = tpu.vector_load %arg7[%get3A_1242] {strides = array<i32>} : memref<1024xf32, #tpu.memory_space<vmem>>, vector<16xf32>,
    %mul3A_1244 = arith.constant 32 : i32
    %mul3A_1245 = vector.broadcast %mul3A_1244 : i32 to vector<16xi32>
    %mul3A_1246 = arith.muli %get3A_1239, %mul3A_1245 : vector<16xi32>
    %get3A_1247 = arith.constant 1 : i32
    %get3A_1248 = arith.index_cast %get3A_1247 : i32 to index
    %get3A_1249 = arith.constant 240 : index
    %get3A_1250 = tpu.vector_load %arg6[%get3A_1248, %get3A_1249] {strides = array<i32>} : memref<5x512xi32, #tpu.memory_space<vmem>>, vector<16xi32>,
    %add3A_1251 = arith.addi %mul3A_1246, %get3A_1250 : vector<16xi32>
    %gather3A_1252 = tpu.vector_load_idx %arg8[%add3A_1251] : memref<2048xf32, #tpu.memory_space<vmem>>[vector<16xi32>], vector<16xf32>,
    %add3A_1253 = arith.constant 1024 : i32
    %add3A_1254 = vector.broadcast %add3A_1253 : i32 to vector<16xi32>
    %add3A_1255 = arith.addi %add3A_1251, %add3A_1254 : vector<16xi32>
    %gather3A_1256 = tpu.vector_load_idx %arg8[%add3A_1255] : memref<2048xf32, #tpu.memory_space<vmem>>[vector<16xi32>], vector<16xf32>,
    %mul3A_1257 = arith.mulf %get3A_1241, %gather3A_1252 : vector<16xf32>
    %mul3A_1258 = arith.mulf %get3A_1243, %gather3A_1256 : vector<16xf32>
    %add3A_1259 = arith.addf %mul3A_1257, %mul3A_1258 : vector<16xf32>
    %get3A_1260 = arith.constant 2 : i32
    %get3A_1261 = arith.index_cast %get3A_1260 : i32 to index
    %get3A_1262 = arith.constant 240 : index
    %get3A_1263 = tpu.vector_load %arg6[%get3A_1261, %get3A_1262] {strides = array<i32>} : memref<5x512xi32, #tpu.memory_space<vmem>>, vector<16xi32>,
    %add3A_1264 = arith.addi %mul3A_1246, %get3A_1263 : vector<16xi32>
    %gather3A_1265 = tpu.vector_load_idx %arg8[%add3A_1264] : memref<2048xf32, #tpu.memory_space<vmem>>[vector<16xi32>], vector<16xf32>,
    %add3A_1266 = arith.constant 1024 : i32
    %add3A_1267 = vector.broadcast %add3A_1266 : i32 to vector<16xi32>
    %add3A_1268 = arith.addi %add3A_1264, %add3A_1267 : vector<16xi32>
    %gather3A_1269 = tpu.vector_load_idx %arg8[%add3A_1268] : memref<2048xf32, #tpu.memory_space<vmem>>[vector<16xi32>], vector<16xf32>,
    %mul3A_1270 = arith.mulf %get3A_1241, %gather3A_1265 : vector<16xf32>
    %mul3A_1271 = arith.mulf %get3A_1243, %gather3A_1269 : vector<16xf32>
    %add3A_1272 = arith.addf %mul3A_1270, %mul3A_1271 : vector<16xf32>
    %get3A_1273 = arith.constant 3 : i32
    %get3A_1274 = arith.index_cast %get3A_1273 : i32 to index
    %get3A_1275 = arith.constant 240 : index
    %get3A_1276 = tpu.vector_load %arg6[%get3A_1274, %get3A_1275] {strides = array<i32>} : memref<5x512xi32, #tpu.memory_space<vmem>>, vector<16xi32>,
    %add3A_1277 = arith.addi %mul3A_1246, %get3A_1276 : vector<16xi32>
    %gather3A_1278 = tpu.vector_load_idx %arg8[%add3A_1277] : memref<2048xf32, #tpu.memory_space<vmem>>[vector<16xi32>], vector<16xf32>,
    %add3A_1279 = arith.constant 1024 : i32
    %add3A_1280 = vector.broadcast %add3A_1279 : i32 to vector<16xi32>
    %add3A_1281 = arith.addi %add3A_1277, %add3A_1280 : vector<16xi32>
    %gather3A_1282 = tpu.vector_load_idx %arg8[%add3A_1281] : memref<2048xf32, #tpu.memory_space<vmem>>[vector<16xi32>], vector<16xf32>,
    %mul3A_1283 = arith.mulf %get3A_1241, %gather3A_1278 : vector<16xf32>
    %mul3A_1284 = arith.mulf %get3A_1243, %gather3A_1282 : vector<16xf32>
    %add3A_1285 = arith.addf %mul3A_1283, %mul3A_1284 : vector<16xf32>
    %get3A_1286 = arith.constant 4 : i32
    %get3A_1287 = arith.index_cast %get3A_1286 : i32 to index
    %get3A_1288 = arith.constant 240 : index
    %get3A_1289 = tpu.vector_load %arg6[%get3A_1287, %get3A_1288] {strides = array<i32>} : memref<5x512xi32, #tpu.memory_space<vmem>>, vector<16xi32>,
    %add3A_1290 = arith.addi %mul3A_1246, %get3A_1289 : vector<16xi32>
    %gather3A_1291 = tpu.vector_load_idx %arg8[%add3A_1290] : memref<2048xf32, #tpu.memory_space<vmem>>[vector<16xi32>], vector<16xf32>,
    %add3A_1292 = arith.constant 1024 : i32
    %add3A_1293 = vector.broadcast %add3A_1292 : i32 to vector<16xi32>
    %add3A_1294 = arith.addi %add3A_1290, %add3A_1293 : vector<16xi32>
    %gather3A_1295 = tpu.vector_load_idx %arg8[%add3A_1294] : memref<2048xf32, #tpu.memory_space<vmem>>[vector<16xi32>], vector<16xf32>,
    %mul3A_1296 = arith.mulf %get3A_1241, %gather3A_1291 : vector<16xf32>
    %mul3A_1297 = arith.mulf %get3A_1243, %gather3A_1295 : vector<16xf32>
    %add3A_1298 = arith.addf %mul3A_1296, %mul3A_1297 : vector<16xf32>
    %add3A_1299 = arith.addf %add3A_1259, %add3A_1272 : vector<16xf32>
    %add3A_1300 = arith.addf %add3A_1285, %add3A_1298 : vector<16xf32>
    %add3A_1301 = arith.addf %add3A_1299, %add3A_1300 : vector<16xf32>
    %div3A_1302 = arith.constant 1.000000e+00 : f32
    %div3A_1303 = vector.broadcast %div3A_1302 : f32 to vector<16xf32>
    %div3A_1304 = arith.divf %div3A_1303, %add3A_1301 : vector<16xf32>
    %mul3A_1305 = arith.mulf %add3A_1259, %div3A_1304 : vector<16xf32>
    %swap3A_1306 = arith.constant 624 : index
    %swap3A_1307 = tpu.vector_load %arg9[%swap3A_1306] {strides = array<i32>} : memref<2048xf32, #tpu.memory_space<vmem>>, vector<16xf32>,
    tpu.vector_store %arg9[%swap3A_1306], %mul3A_1305 {strides = array<i32>} : memref<2048xf32, #tpu.memory_space<vmem>>, vector<16xf32>,
    %mul3A_1308 = arith.mulf %add3A_1272, %div3A_1304 : vector<16xf32>
    %swap3A_1309 = arith.constant 752 : index
    %swap3A_1310 = tpu.vector_load %arg9[%swap3A_1309] {strides = array<i32>} : memref<2048xf32, #tpu.memory_space<vmem>>, vector<16xf32>,
    tpu.vector_store %arg9[%swap3A_1309], %mul3A_1308 {strides = array<i32>} : memref<2048xf32, #tpu.memory_space<vmem>>, vector<16xf32>,
    %mul3A_1311 = arith.mulf %add3A_1285, %div3A_1304 : vector<16xf32>
    %swap3A_1312 = arith.constant 880 : index
    %swap3A_1313 = tpu.vector_load %arg9[%swap3A_1312] {strides = array<i32>} : memref<2048xf32, #tpu.memory_space<vmem>>, vector<16xf32>,
    tpu.vector_store %arg9[%swap3A_1312], %mul3A_1311 {strides = array<i32>} : memref<2048xf32, #tpu.memory_space<vmem>>, vector<16xf32>,
    %mul3A_1314 = arith.mulf %add3A_1298, %div3A_1304 : vector<16xf32>
    %swap3A_1315 = arith.constant 1008 : index
    %swap3A_1316 = tpu.vector_load %arg9[%swap3A_1315] {strides = array<i32>} : memref<2048xf32, #tpu.memory_space<vmem>>, vector<16xf32>,
    tpu.vector_store %arg9[%swap3A_1315], %mul3A_1314 {strides = array<i32>} : memref<2048xf32, #tpu.memory_space<vmem>>, vector<16xf32>,
    %mul3A_1317 = arith.constant 4 : i32
    %mul3A_1318 = arith.muli %mul3A_1317, %mul3A_2 : i32
    %add3A_1319 = arith.constant 512 : i32
    %add3A_1320 = arith.addi %mul3A_1318, %add3A_1319 : i32
    %dma_start3A_1321 = arith.constant 512 : i32
    %dma_start3A_1322 = tpu.memref_slice %arg9[%dma_start3A_1321] : memref<2048xf32, #tpu.memory_space<vmem>> -> memref<512xf32, #tpu.memory_space<vmem>>
    %dma_start3A_1323 = tpu.memref_slice %arg5[%add3A_1320] : memref<65536xf32, #tpu.memory_space<hbm>> -> memref<512xf32, #tpu.memory_space<hbm>>
    %dma_start3A_1324 = tpu.memref_slice %arg5[%add3A_1320] : memref<65536xf32, #tpu.memory_space<hbm>> -> memref<512xf32, #tpu.memory_space<hbm>>
    %dma_start3A_1325 = arith.constant 512 : i32
    %dma_start3A_1326 = tpu.memref_slice %arg9[%dma_start3A_1325] : memref<2048xf32, #tpu.memory_space<vmem>> -> memref<512xf32, #tpu.memory_space<vmem>>
    tpu.enqueue_dma source(%dma_start3A_1326 : memref<512xf32, #tpu.memory_space<vmem>>) target(%dma_start3A_1324 : memref<512xf32, #tpu.memory_space<hbm>>) target_semaphore(%arg10 : memref<!tpu.dma_semaphore, #tpu.memory_space<semaphore_mem>>)
    %get3A_1327 = arith.constant 0 : i32
    %get3A_1328 = arith.index_cast %get3A_1327 : i32 to index
    %get3A_1329 = arith.constant 256 : index
    %get3A_1330 = tpu.vector_load %arg6[%get3A_1328, %get3A_1329] {strides = array<i32>} : memref<5x512xi32, #tpu.memory_space<vmem>>, vector<16xi32>,
    %get3A_1331 = arith.constant 512 : index
    %get3A_1332 = tpu.vector_load %arg7[%get3A_1331] {strides = array<i32>} : memref<1024xf32, #tpu.memory_space<vmem>>, vector<16xf32>,
    %get3A_1333 = arith.constant 640 : index
    %get3A_1334 = tpu.vector_load %arg7[%get3A_1333] {strides = array<i32>} : memref<1024xf32, #tpu.memory_space<vmem>>, vector<16xf32>,
    %mul3A_1335 = arith.constant 32 : i32
    %mul3A_1336 = vector.broadcast %mul3A_1335 : i32 to vector<16xi32>
    %mul3A_1337 = arith.muli %get3A_1330, %mul3A_1336 : vector<16xi32>
    %get3A_1338 = arith.constant 1 : i32
    %get3A_1339 = arith.index_cast %get3A_1338 : i32 to index
    %get3A_1340 = arith.constant 256 : index
    %get3A_1341 = tpu.vector_load %arg6[%get3A_1339, %get3A_1340] {strides = array<i32>} : memref<5x512xi32, #tpu.memory_space<vmem>>, vector<16xi32>,
    %add3A_1342 = arith.addi %mul3A_1337, %get3A_1341 : vector<16xi32>
    %gather3A_1343 = tpu.vector_load_idx %arg8[%add3A_1342] : memref<2048xf32, #tpu.memory_space<vmem>>[vector<16xi32>], vector<16xf32>,
    %add3A_1344 = arith.constant 1024 : i32
    %add3A_1345 = vector.broadcast %add3A_1344 : i32 to vector<16xi32>
    %add3A_1346 = arith.addi %add3A_1342, %add3A_1345 : vector<16xi32>
    %gather3A_1347 = tpu.vector_load_idx %arg8[%add3A_1346] : memref<2048xf32, #tpu.memory_space<vmem>>[vector<16xi32>], vector<16xf32>,
    %mul3A_1348 = arith.mulf %get3A_1332, %gather3A_1343 : vector<16xf32>
    %mul3A_1349 = arith.mulf %get3A_1334, %gather3A_1347 : vector<16xf32>
    %add3A_1350 = arith.addf %mul3A_1348, %mul3A_1349 : vector<16xf32>
    %get3A_1351 = arith.constant 2 : i32
    %get3A_1352 = arith.index_cast %get3A_1351 : i32 to index
    %get3A_1353 = arith.constant 256 : index
    %get3A_1354 = tpu.vector_load %arg6[%get3A_1352, %get3A_1353] {strides = array<i32>} : memref<5x512xi32, #tpu.memory_space<vmem>>, vector<16xi32>,
    %add3A_1355 = arith.addi %mul3A_1337, %get3A_1354 : vector<16xi32>
    %gather3A_1356 = tpu.vector_load_idx %arg8[%add3A_1355] : memref<2048xf32, #tpu.memory_space<vmem>>[vector<16xi32>], vector<16xf32>,
    %add3A_1357 = arith.constant 1024 : i32
    %add3A_1358 = vector.broadcast %add3A_1357 : i32 to vector<16xi32>
    %add3A_1359 = arith.addi %add3A_1355, %add3A_1358 : vector<16xi32>
    %gather3A_1360 = tpu.vector_load_idx %arg8[%add3A_1359] : memref<2048xf32, #tpu.memory_space<vmem>>[vector<16xi32>], vector<16xf32>,
    %mul3A_1361 = arith.mulf %get3A_1332, %gather3A_1356 : vector<16xf32>
    %mul3A_1362 = arith.mulf %get3A_1334, %gather3A_1360 : vector<16xf32>
    %add3A_1363 = arith.addf %mul3A_1361, %mul3A_1362 : vector<16xf32>
    %get3A_1364 = arith.constant 3 : i32
    %get3A_1365 = arith.index_cast %get3A_1364 : i32 to index
    %get3A_1366 = arith.constant 256 : index
    %get3A_1367 = tpu.vector_load %arg6[%get3A_1365, %get3A_1366] {strides = array<i32>} : memref<5x512xi32, #tpu.memory_space<vmem>>, vector<16xi32>,
    %add3A_1368 = arith.addi %mul3A_1337, %get3A_1367 : vector<16xi32>
    %gather3A_1369 = tpu.vector_load_idx %arg8[%add3A_1368] : memref<2048xf32, #tpu.memory_space<vmem>>[vector<16xi32>], vector<16xf32>,
    %add3A_1370 = arith.constant 1024 : i32
    %add3A_1371 = vector.broadcast %add3A_1370 : i32 to vector<16xi32>
    %add3A_1372 = arith.addi %add3A_1368, %add3A_1371 : vector<16xi32>
    %gather3A_1373 = tpu.vector_load_idx %arg8[%add3A_1372] : memref<2048xf32, #tpu.memory_space<vmem>>[vector<16xi32>], vector<16xf32>,
    %mul3A_1374 = arith.mulf %get3A_1332, %gather3A_1369 : vector<16xf32>
    %mul3A_1375 = arith.mulf %get3A_1334, %gather3A_1373 : vector<16xf32>
    %add3A_1376 = arith.addf %mul3A_1374, %mul3A_1375 : vector<16xf32>
    %get3A_1377 = arith.constant 4 : i32
    %get3A_1378 = arith.index_cast %get3A_1377 : i32 to index
    %get3A_1379 = arith.constant 256 : index
    %get3A_1380 = tpu.vector_load %arg6[%get3A_1378, %get3A_1379] {strides = array<i32>} : memref<5x512xi32, #tpu.memory_space<vmem>>, vector<16xi32>,
    %add3A_1381 = arith.addi %mul3A_1337, %get3A_1380 : vector<16xi32>
    %gather3A_1382 = tpu.vector_load_idx %arg8[%add3A_1381] : memref<2048xf32, #tpu.memory_space<vmem>>[vector<16xi32>], vector<16xf32>,
    %add3A_1383 = arith.constant 1024 : i32
    %add3A_1384 = vector.broadcast %add3A_1383 : i32 to vector<16xi32>
    %add3A_1385 = arith.addi %add3A_1381, %add3A_1384 : vector<16xi32>
    %gather3A_1386 = tpu.vector_load_idx %arg8[%add3A_1385] : memref<2048xf32, #tpu.memory_space<vmem>>[vector<16xi32>], vector<16xf32>,
    %mul3A_1387 = arith.mulf %get3A_1332, %gather3A_1382 : vector<16xf32>
    %mul3A_1388 = arith.mulf %get3A_1334, %gather3A_1386 : vector<16xf32>
    %add3A_1389 = arith.addf %mul3A_1387, %mul3A_1388 : vector<16xf32>
    %add3A_1390 = arith.addf %add3A_1350, %add3A_1363 : vector<16xf32>
    %add3A_1391 = arith.addf %add3A_1376, %add3A_1389 : vector<16xf32>
    %add3A_1392 = arith.addf %add3A_1390, %add3A_1391 : vector<16xf32>
    %div3A_1393 = arith.constant 1.000000e+00 : f32
    %div3A_1394 = vector.broadcast %div3A_1393 : f32 to vector<16xf32>
    %div3A_1395 = arith.divf %div3A_1394, %add3A_1392 : vector<16xf32>
    %mul3A_1396 = arith.mulf %add3A_1350, %div3A_1395 : vector<16xf32>
    %swap3A_1397 = arith.constant 1024 : index
    %swap3A_1398 = tpu.vector_load %arg9[%swap3A_1397] {strides = array<i32>} : memref<2048xf32, #tpu.memory_space<vmem>>, vector<16xf32>,
    tpu.vector_store %arg9[%swap3A_1397], %mul3A_1396 {strides = array<i32>} : memref<2048xf32, #tpu.memory_space<vmem>>, vector<16xf32>,
    %mul3A_1399 = arith.mulf %add3A_1363, %div3A_1395 : vector<16xf32>
    %swap3A_1400 = arith.constant 1152 : index
    %swap3A_1401 = tpu.vector_load %arg9[%swap3A_1400] {strides = array<i32>} : memref<2048xf32, #tpu.memory_space<vmem>>, vector<16xf32>,
    tpu.vector_store %arg9[%swap3A_1400], %mul3A_1399 {strides = array<i32>} : memref<2048xf32, #tpu.memory_space<vmem>>, vector<16xf32>,
    %mul3A_1402 = arith.mulf %add3A_1376, %div3A_1395 : vector<16xf32>
    %swap3A_1403 = arith.constant 1280 : index
    %swap3A_1404 = tpu.vector_load %arg9[%swap3A_1403] {strides = array<i32>} : memref<2048xf32, #tpu.memory_space<vmem>>, vector<16xf32>,
    tpu.vector_store %arg9[%swap3A_1403], %mul3A_1402 {strides = array<i32>} : memref<2048xf32, #tpu.memory_space<vmem>>, vector<16xf32>,
    %mul3A_1405 = arith.mulf %add3A_1389, %div3A_1395 : vector<16xf32>
    %swap3A_1406 = arith.constant 1408 : index
    %swap3A_1407 = tpu.vector_load %arg9[%swap3A_1406] {strides = array<i32>} : memref<2048xf32, #tpu.memory_space<vmem>>, vector<16xf32>,
    tpu.vector_store %arg9[%swap3A_1406], %mul3A_1405 {strides = array<i32>} : memref<2048xf32, #tpu.memory_space<vmem>>, vector<16xf32>,
    %get3A_1408 = arith.constant 0 : i32
    %get3A_1409 = arith.index_cast %get3A_1408 : i32 to index
    %get3A_1410 = arith.constant 272 : index
    %get3A_1411 = tpu.vector_load %arg6[%get3A_1409, %get3A_1410] {strides = array<i32>} : memref<5x512xi32, #tpu.memory_space<vmem>>, vector<16xi32>,
    %get3A_1412 = arith.constant 528 : index
    %get3A_1413 = tpu.vector_load %arg7[%get3A_1412] {strides = array<i32>} : memref<1024xf32, #tpu.memory_space<vmem>>, vector<16xf32>,
    %get3A_1414 = arith.constant 656 : index
    %get3A_1415 = tpu.vector_load %arg7[%get3A_1414] {strides = array<i32>} : memref<1024xf32, #tpu.memory_space<vmem>>, vector<16xf32>,
    %mul3A_1416 = arith.constant 32 : i32
    %mul3A_1417 = vector.broadcast %mul3A_1416 : i32 to vector<16xi32>
    %mul3A_1418 = arith.muli %get3A_1411, %mul3A_1417 : vector<16xi32>
    %get3A_1419 = arith.constant 1 : i32
    %get3A_1420 = arith.index_cast %get3A_1419 : i32 to index
    %get3A_1421 = arith.constant 272 : index
    %get3A_1422 = tpu.vector_load %arg6[%get3A_1420, %get3A_1421] {strides = array<i32>} : memref<5x512xi32, #tpu.memory_space<vmem>>, vector<16xi32>,
    %add3A_1423 = arith.addi %mul3A_1418, %get3A_1422 : vector<16xi32>
    %gather3A_1424 = tpu.vector_load_idx %arg8[%add3A_1423] : memref<2048xf32, #tpu.memory_space<vmem>>[vector<16xi32>], vector<16xf32>,
    %add3A_1425 = arith.constant 1024 : i32
    %add3A_1426 = vector.broadcast %add3A_1425 : i32 to vector<16xi32>
    %add3A_1427 = arith.addi %add3A_1423, %add3A_1426 : vector<16xi32>
    %gather3A_1428 = tpu.vector_load_idx %arg8[%add3A_1427] : memref<2048xf32, #tpu.memory_space<vmem>>[vector<16xi32>], vector<16xf32>,
    %mul3A_1429 = arith.mulf %get3A_1413, %gather3A_1424 : vector<16xf32>
    %mul3A_1430 = arith.mulf %get3A_1415, %gather3A_1428 : vector<16xf32>
    %add3A_1431 = arith.addf %mul3A_1429, %mul3A_1430 : vector<16xf32>
    %get3A_1432 = arith.constant 2 : i32
    %get3A_1433 = arith.index_cast %get3A_1432 : i32 to index
    %get3A_1434 = arith.constant 272 : index
    %get3A_1435 = tpu.vector_load %arg6[%get3A_1433, %get3A_1434] {strides = array<i32>} : memref<5x512xi32, #tpu.memory_space<vmem>>, vector<16xi32>,
    %add3A_1436 = arith.addi %mul3A_1418, %get3A_1435 : vector<16xi32>
    %gather3A_1437 = tpu.vector_load_idx %arg8[%add3A_1436] : memref<2048xf32, #tpu.memory_space<vmem>>[vector<16xi32>], vector<16xf32>,
    %add3A_1438 = arith.constant 1024 : i32
    %add3A_1439 = vector.broadcast %add3A_1438 : i32 to vector<16xi32>
    %add3A_1440 = arith.addi %add3A_1436, %add3A_1439 : vector<16xi32>
    %gather3A_1441 = tpu.vector_load_idx %arg8[%add3A_1440] : memref<2048xf32, #tpu.memory_space<vmem>>[vector<16xi32>], vector<16xf32>,
    %mul3A_1442 = arith.mulf %get3A_1413, %gather3A_1437 : vector<16xf32>
    %mul3A_1443 = arith.mulf %get3A_1415, %gather3A_1441 : vector<16xf32>
    %add3A_1444 = arith.addf %mul3A_1442, %mul3A_1443 : vector<16xf32>
    %get3A_1445 = arith.constant 3 : i32
    %get3A_1446 = arith.index_cast %get3A_1445 : i32 to index
    %get3A_1447 = arith.constant 272 : index
    %get3A_1448 = tpu.vector_load %arg6[%get3A_1446, %get3A_1447] {strides = array<i32>} : memref<5x512xi32, #tpu.memory_space<vmem>>, vector<16xi32>,
    %add3A_1449 = arith.addi %mul3A_1418, %get3A_1448 : vector<16xi32>
    %gather3A_1450 = tpu.vector_load_idx %arg8[%add3A_1449] : memref<2048xf32, #tpu.memory_space<vmem>>[vector<16xi32>], vector<16xf32>,
    %add3A_1451 = arith.constant 1024 : i32
    %add3A_1452 = vector.broadcast %add3A_1451 : i32 to vector<16xi32>
    %add3A_1453 = arith.addi %add3A_1449, %add3A_1452 : vector<16xi32>
    %gather3A_1454 = tpu.vector_load_idx %arg8[%add3A_1453] : memref<2048xf32, #tpu.memory_space<vmem>>[vector<16xi32>], vector<16xf32>,
    %mul3A_1455 = arith.mulf %get3A_1413, %gather3A_1450 : vector<16xf32>
    %mul3A_1456 = arith.mulf %get3A_1415, %gather3A_1454 : vector<16xf32>
    %add3A_1457 = arith.addf %mul3A_1455, %mul3A_1456 : vector<16xf32>
    %get3A_1458 = arith.constant 4 : i32
    %get3A_1459 = arith.index_cast %get3A_1458 : i32 to index
    %get3A_1460 = arith.constant 272 : index
    %get3A_1461 = tpu.vector_load %arg6[%get3A_1459, %get3A_1460] {strides = array<i32>} : memref<5x512xi32, #tpu.memory_space<vmem>>, vector<16xi32>,
    %add3A_1462 = arith.addi %mul3A_1418, %get3A_1461 : vector<16xi32>
    %gather3A_1463 = tpu.vector_load_idx %arg8[%add3A_1462] : memref<2048xf32, #tpu.memory_space<vmem>>[vector<16xi32>], vector<16xf32>,
    %add3A_1464 = arith.constant 1024 : i32
    %add3A_1465 = vector.broadcast %add3A_1464 : i32 to vector<16xi32>
    %add3A_1466 = arith.addi %add3A_1462, %add3A_1465 : vector<16xi32>
    %gather3A_1467 = tpu.vector_load_idx %arg8[%add3A_1466] : memref<2048xf32, #tpu.memory_space<vmem>>[vector<16xi32>], vector<16xf32>,
    %mul3A_1468 = arith.mulf %get3A_1413, %gather3A_1463 : vector<16xf32>
    %mul3A_1469 = arith.mulf %get3A_1415, %gather3A_1467 : vector<16xf32>
    %add3A_1470 = arith.addf %mul3A_1468, %mul3A_1469 : vector<16xf32>
    %add3A_1471 = arith.addf %add3A_1431, %add3A_1444 : vector<16xf32>
    %add3A_1472 = arith.addf %add3A_1457, %add3A_1470 : vector<16xf32>
    %add3A_1473 = arith.addf %add3A_1471, %add3A_1472 : vector<16xf32>
    %div3A_1474 = arith.constant 1.000000e+00 : f32
    %div3A_1475 = vector.broadcast %div3A_1474 : f32 to vector<16xf32>
    %div3A_1476 = arith.divf %div3A_1475, %add3A_1473 : vector<16xf32>
    %mul3A_1477 = arith.mulf %add3A_1431, %div3A_1476 : vector<16xf32>
    %swap3A_1478 = arith.constant 1040 : index
    %swap3A_1479 = tpu.vector_load %arg9[%swap3A_1478] {strides = array<i32>} : memref<2048xf32, #tpu.memory_space<vmem>>, vector<16xf32>,
    tpu.vector_store %arg9[%swap3A_1478], %mul3A_1477 {strides = array<i32>} : memref<2048xf32, #tpu.memory_space<vmem>>, vector<16xf32>,
    %mul3A_1480 = arith.mulf %add3A_1444, %div3A_1476 : vector<16xf32>
    %swap3A_1481 = arith.constant 1168 : index
    %swap3A_1482 = tpu.vector_load %arg9[%swap3A_1481] {strides = array<i32>} : memref<2048xf32, #tpu.memory_space<vmem>>, vector<16xf32>,
    tpu.vector_store %arg9[%swap3A_1481], %mul3A_1480 {strides = array<i32>} : memref<2048xf32, #tpu.memory_space<vmem>>, vector<16xf32>,
    %mul3A_1483 = arith.mulf %add3A_1457, %div3A_1476 : vector<16xf32>
    %swap3A_1484 = arith.constant 1296 : index
    %swap3A_1485 = tpu.vector_load %arg9[%swap3A_1484] {strides = array<i32>} : memref<2048xf32, #tpu.memory_space<vmem>>, vector<16xf32>,
    tpu.vector_store %arg9[%swap3A_1484], %mul3A_1483 {strides = array<i32>} : memref<2048xf32, #tpu.memory_space<vmem>>, vector<16xf32>,
    %mul3A_1486 = arith.mulf %add3A_1470, %div3A_1476 : vector<16xf32>
    %swap3A_1487 = arith.constant 1424 : index
    %swap3A_1488 = tpu.vector_load %arg9[%swap3A_1487] {strides = array<i32>} : memref<2048xf32, #tpu.memory_space<vmem>>, vector<16xf32>,
    tpu.vector_store %arg9[%swap3A_1487], %mul3A_1486 {strides = array<i32>} : memref<2048xf32, #tpu.memory_space<vmem>>, vector<16xf32>,
    %get3A_1489 = arith.constant 0 : i32
    %get3A_1490 = arith.index_cast %get3A_1489 : i32 to index
    %get3A_1491 = arith.constant 288 : index
    %get3A_1492 = tpu.vector_load %arg6[%get3A_1490, %get3A_1491] {strides = array<i32>} : memref<5x512xi32, #tpu.memory_space<vmem>>, vector<16xi32>,
    %get3A_1493 = arith.constant 544 : index
    %get3A_1494 = tpu.vector_load %arg7[%get3A_1493] {strides = array<i32>} : memref<1024xf32, #tpu.memory_space<vmem>>, vector<16xf32>,
    %get3A_1495 = arith.constant 672 : index
    %get3A_1496 = tpu.vector_load %arg7[%get3A_1495] {strides = array<i32>} : memref<1024xf32, #tpu.memory_space<vmem>>, vector<16xf32>,
    %mul3A_1497 = arith.constant 32 : i32
    %mul3A_1498 = vector.broadcast %mul3A_1497 : i32 to vector<16xi32>
    %mul3A_1499 = arith.muli %get3A_1492, %mul3A_1498 : vector<16xi32>
    %get3A_1500 = arith.constant 1 : i32
    %get3A_1501 = arith.index_cast %get3A_1500 : i32 to index
    %get3A_1502 = arith.constant 288 : index
    %get3A_1503 = tpu.vector_load %arg6[%get3A_1501, %get3A_1502] {strides = array<i32>} : memref<5x512xi32, #tpu.memory_space<vmem>>, vector<16xi32>,
    %add3A_1504 = arith.addi %mul3A_1499, %get3A_1503 : vector<16xi32>
    %gather3A_1505 = tpu.vector_load_idx %arg8[%add3A_1504] : memref<2048xf32, #tpu.memory_space<vmem>>[vector<16xi32>], vector<16xf32>,
    %add3A_1506 = arith.constant 1024 : i32
    %add3A_1507 = vector.broadcast %add3A_1506 : i32 to vector<16xi32>
    %add3A_1508 = arith.addi %add3A_1504, %add3A_1507 : vector<16xi32>
    %gather3A_1509 = tpu.vector_load_idx %arg8[%add3A_1508] : memref<2048xf32, #tpu.memory_space<vmem>>[vector<16xi32>], vector<16xf32>,
    %mul3A_1510 = arith.mulf %get3A_1494, %gather3A_1505 : vector<16xf32>
    %mul3A_1511 = arith.mulf %get3A_1496, %gather3A_1509 : vector<16xf32>
    %add3A_1512 = arith.addf %mul3A_1510, %mul3A_1511 : vector<16xf32>
    %get3A_1513 = arith.constant 2 : i32
    %get3A_1514 = arith.index_cast %get3A_1513 : i32 to index
    %get3A_1515 = arith.constant 288 : index
    %get3A_1516 = tpu.vector_load %arg6[%get3A_1514, %get3A_1515] {strides = array<i32>} : memref<5x512xi32, #tpu.memory_space<vmem>>, vector<16xi32>,
    %add3A_1517 = arith.addi %mul3A_1499, %get3A_1516 : vector<16xi32>
    %gather3A_1518 = tpu.vector_load_idx %arg8[%add3A_1517] : memref<2048xf32, #tpu.memory_space<vmem>>[vector<16xi32>], vector<16xf32>,
    %add3A_1519 = arith.constant 1024 : i32
    %add3A_1520 = vector.broadcast %add3A_1519 : i32 to vector<16xi32>
    %add3A_1521 = arith.addi %add3A_1517, %add3A_1520 : vector<16xi32>
    %gather3A_1522 = tpu.vector_load_idx %arg8[%add3A_1521] : memref<2048xf32, #tpu.memory_space<vmem>>[vector<16xi32>], vector<16xf32>,
    %mul3A_1523 = arith.mulf %get3A_1494, %gather3A_1518 : vector<16xf32>
    %mul3A_1524 = arith.mulf %get3A_1496, %gather3A_1522 : vector<16xf32>
    %add3A_1525 = arith.addf %mul3A_1523, %mul3A_1524 : vector<16xf32>
    %get3A_1526 = arith.constant 3 : i32
    %get3A_1527 = arith.index_cast %get3A_1526 : i32 to index
    %get3A_1528 = arith.constant 288 : index
    %get3A_1529 = tpu.vector_load %arg6[%get3A_1527, %get3A_1528] {strides = array<i32>} : memref<5x512xi32, #tpu.memory_space<vmem>>, vector<16xi32>,
    %add3A_1530 = arith.addi %mul3A_1499, %get3A_1529 : vector<16xi32>
    %gather3A_1531 = tpu.vector_load_idx %arg8[%add3A_1530] : memref<2048xf32, #tpu.memory_space<vmem>>[vector<16xi32>], vector<16xf32>,
    %add3A_1532 = arith.constant 1024 : i32
    %add3A_1533 = vector.broadcast %add3A_1532 : i32 to vector<16xi32>
    %add3A_1534 = arith.addi %add3A_1530, %add3A_1533 : vector<16xi32>
    %gather3A_1535 = tpu.vector_load_idx %arg8[%add3A_1534] : memref<2048xf32, #tpu.memory_space<vmem>>[vector<16xi32>], vector<16xf32>,
    %mul3A_1536 = arith.mulf %get3A_1494, %gather3A_1531 : vector<16xf32>
    %mul3A_1537 = arith.mulf %get3A_1496, %gather3A_1535 : vector<16xf32>
    %add3A_1538 = arith.addf %mul3A_1536, %mul3A_1537 : vector<16xf32>
    %get3A_1539 = arith.constant 4 : i32
    %get3A_1540 = arith.index_cast %get3A_1539 : i32 to index
    %get3A_1541 = arith.constant 288 : index
    %get3A_1542 = tpu.vector_load %arg6[%get3A_1540, %get3A_1541] {strides = array<i32>} : memref<5x512xi32, #tpu.memory_space<vmem>>, vector<16xi32>,
    %add3A_1543 = arith.addi %mul3A_1499, %get3A_1542 : vector<16xi32>
    %gather3A_1544 = tpu.vector_load_idx %arg8[%add3A_1543] : memref<2048xf32, #tpu.memory_space<vmem>>[vector<16xi32>], vector<16xf32>,
    %add3A_1545 = arith.constant 1024 : i32
    %add3A_1546 = vector.broadcast %add3A_1545 : i32 to vector<16xi32>
    %add3A_1547 = arith.addi %add3A_1543, %add3A_1546 : vector<16xi32>
    %gather3A_1548 = tpu.vector_load_idx %arg8[%add3A_1547] : memref<2048xf32, #tpu.memory_space<vmem>>[vector<16xi32>], vector<16xf32>,
    %mul3A_1549 = arith.mulf %get3A_1494, %gather3A_1544 : vector<16xf32>
    %mul3A_1550 = arith.mulf %get3A_1496, %gather3A_1548 : vector<16xf32>
    %add3A_1551 = arith.addf %mul3A_1549, %mul3A_1550 : vector<16xf32>
    %add3A_1552 = arith.addf %add3A_1512, %add3A_1525 : vector<16xf32>
    %add3A_1553 = arith.addf %add3A_1538, %add3A_1551 : vector<16xf32>
    %add3A_1554 = arith.addf %add3A_1552, %add3A_1553 : vector<16xf32>
    %div3A_1555 = arith.constant 1.000000e+00 : f32
    %div3A_1556 = vector.broadcast %div3A_1555 : f32 to vector<16xf32>
    %div3A_1557 = arith.divf %div3A_1556, %add3A_1554 : vector<16xf32>
    %mul3A_1558 = arith.mulf %add3A_1512, %div3A_1557 : vector<16xf32>
    %swap3A_1559 = arith.constant 1056 : index
    %swap3A_1560 = tpu.vector_load %arg9[%swap3A_1559] {strides = array<i32>} : memref<2048xf32, #tpu.memory_space<vmem>>, vector<16xf32>,
    tpu.vector_store %arg9[%swap3A_1559], %mul3A_1558 {strides = array<i32>} : memref<2048xf32, #tpu.memory_space<vmem>>, vector<16xf32>,
    %mul3A_1561 = arith.mulf %add3A_1525, %div3A_1557 : vector<16xf32>
    %swap3A_1562 = arith.constant 1184 : index
    %swap3A_1563 = tpu.vector_load %arg9[%swap3A_1562] {strides = array<i32>} : memref<2048xf32, #tpu.memory_space<vmem>>, vector<16xf32>,
    tpu.vector_store %arg9[%swap3A_1562], %mul3A_1561 {strides = array<i32>} : memref<2048xf32, #tpu.memory_space<vmem>>, vector<16xf32>,
    %mul3A_1564 = arith.mulf %add3A_1538, %div3A_1557 : vector<16xf32>
    %swap3A_1565 = arith.constant 1312 : index
    %swap3A_1566 = tpu.vector_load %arg9[%swap3A_1565] {strides = array<i32>} : memref<2048xf32, #tpu.memory_space<vmem>>, vector<16xf32>,
    tpu.vector_store %arg9[%swap3A_1565], %mul3A_1564 {strides = array<i32>} : memref<2048xf32, #tpu.memory_space<vmem>>, vector<16xf32>,
    %mul3A_1567 = arith.mulf %add3A_1551, %div3A_1557 : vector<16xf32>
    %swap3A_1568 = arith.constant 1440 : index
    %swap3A_1569 = tpu.vector_load %arg9[%swap3A_1568] {strides = array<i32>} : memref<2048xf32, #tpu.memory_space<vmem>>, vector<16xf32>,
    tpu.vector_store %arg9[%swap3A_1568], %mul3A_1567 {strides = array<i32>} : memref<2048xf32, #tpu.memory_space<vmem>>, vector<16xf32>,
    %get3A_1570 = arith.constant 0 : i32
    %get3A_1571 = arith.index_cast %get3A_1570 : i32 to index
    %get3A_1572 = arith.constant 304 : index
    %get3A_1573 = tpu.vector_load %arg6[%get3A_1571, %get3A_1572] {strides = array<i32>} : memref<5x512xi32, #tpu.memory_space<vmem>>, vector<16xi32>,
    %get3A_1574 = arith.constant 560 : index
    %get3A_1575 = tpu.vector_load %arg7[%get3A_1574] {strides = array<i32>} : memref<1024xf32, #tpu.memory_space<vmem>>, vector<16xf32>,
    %get3A_1576 = arith.constant 688 : index
    %get3A_1577 = tpu.vector_load %arg7[%get3A_1576] {strides = array<i32>} : memref<1024xf32, #tpu.memory_space<vmem>>, vector<16xf32>,
    %mul3A_1578 = arith.constant 32 : i32
    %mul3A_1579 = vector.broadcast %mul3A_1578 : i32 to vector<16xi32>
    %mul3A_1580 = arith.muli %get3A_1573, %mul3A_1579 : vector<16xi32>
    %get3A_1581 = arith.constant 1 : i32
    %get3A_1582 = arith.index_cast %get3A_1581 : i32 to index
    %get3A_1583 = arith.constant 304 : index
    %get3A_1584 = tpu.vector_load %arg6[%get3A_1582, %get3A_1583] {strides = array<i32>} : memref<5x512xi32, #tpu.memory_space<vmem>>, vector<16xi32>,
    %add3A_1585 = arith.addi %mul3A_1580, %get3A_1584 : vector<16xi32>
    %gather3A_1586 = tpu.vector_load_idx %arg8[%add3A_1585] : memref<2048xf32, #tpu.memory_space<vmem>>[vector<16xi32>], vector<16xf32>,
    %add3A_1587 = arith.constant 1024 : i32
    %add3A_1588 = vector.broadcast %add3A_1587 : i32 to vector<16xi32>
    %add3A_1589 = arith.addi %add3A_1585, %add3A_1588 : vector<16xi32>
    %gather3A_1590 = tpu.vector_load_idx %arg8[%add3A_1589] : memref<2048xf32, #tpu.memory_space<vmem>>[vector<16xi32>], vector<16xf32>,
    %mul3A_1591 = arith.mulf %get3A_1575, %gather3A_1586 : vector<16xf32>
    %mul3A_1592 = arith.mulf %get3A_1577, %gather3A_1590 : vector<16xf32>
    %add3A_1593 = arith.addf %mul3A_1591, %mul3A_1592 : vector<16xf32>
    %get3A_1594 = arith.constant 2 : i32
    %get3A_1595 = arith.index_cast %get3A_1594 : i32 to index
    %get3A_1596 = arith.constant 304 : index
    %get3A_1597 = tpu.vector_load %arg6[%get3A_1595, %get3A_1596] {strides = array<i32>} : memref<5x512xi32, #tpu.memory_space<vmem>>, vector<16xi32>,
    %add3A_1598 = arith.addi %mul3A_1580, %get3A_1597 : vector<16xi32>
    %gather3A_1599 = tpu.vector_load_idx %arg8[%add3A_1598] : memref<2048xf32, #tpu.memory_space<vmem>>[vector<16xi32>], vector<16xf32>,
    %add3A_1600 = arith.constant 1024 : i32
    %add3A_1601 = vector.broadcast %add3A_1600 : i32 to vector<16xi32>
    %add3A_1602 = arith.addi %add3A_1598, %add3A_1601 : vector<16xi32>
    %gather3A_1603 = tpu.vector_load_idx %arg8[%add3A_1602] : memref<2048xf32, #tpu.memory_space<vmem>>[vector<16xi32>], vector<16xf32>,
    %mul3A_1604 = arith.mulf %get3A_1575, %gather3A_1599 : vector<16xf32>
    %mul3A_1605 = arith.mulf %get3A_1577, %gather3A_1603 : vector<16xf32>
    %add3A_1606 = arith.addf %mul3A_1604, %mul3A_1605 : vector<16xf32>
    %get3A_1607 = arith.constant 3 : i32
    %get3A_1608 = arith.index_cast %get3A_1607 : i32 to index
    %get3A_1609 = arith.constant 304 : index
    %get3A_1610 = tpu.vector_load %arg6[%get3A_1608, %get3A_1609] {strides = array<i32>} : memref<5x512xi32, #tpu.memory_space<vmem>>, vector<16xi32>,
    %add3A_1611 = arith.addi %mul3A_1580, %get3A_1610 : vector<16xi32>
    %gather3A_1612 = tpu.vector_load_idx %arg8[%add3A_1611] : memref<2048xf32, #tpu.memory_space<vmem>>[vector<16xi32>], vector<16xf32>,
    %add3A_1613 = arith.constant 1024 : i32
    %add3A_1614 = vector.broadcast %add3A_1613 : i32 to vector<16xi32>
    %add3A_1615 = arith.addi %add3A_1611, %add3A_1614 : vector<16xi32>
    %gather3A_1616 = tpu.vector_load_idx %arg8[%add3A_1615] : memref<2048xf32, #tpu.memory_space<vmem>>[vector<16xi32>], vector<16xf32>,
    %mul3A_1617 = arith.mulf %get3A_1575, %gather3A_1612 : vector<16xf32>
    %mul3A_1618 = arith.mulf %get3A_1577, %gather3A_1616 : vector<16xf32>
    %add3A_1619 = arith.addf %mul3A_1617, %mul3A_1618 : vector<16xf32>
    %get3A_1620 = arith.constant 4 : i32
    %get3A_1621 = arith.index_cast %get3A_1620 : i32 to index
    %get3A_1622 = arith.constant 304 : index
    %get3A_1623 = tpu.vector_load %arg6[%get3A_1621, %get3A_1622] {strides = array<i32>} : memref<5x512xi32, #tpu.memory_space<vmem>>, vector<16xi32>,
    %add3A_1624 = arith.addi %mul3A_1580, %get3A_1623 : vector<16xi32>
    %gather3A_1625 = tpu.vector_load_idx %arg8[%add3A_1624] : memref<2048xf32, #tpu.memory_space<vmem>>[vector<16xi32>], vector<16xf32>,
    %add3A_1626 = arith.constant 1024 : i32
    %add3A_1627 = vector.broadcast %add3A_1626 : i32 to vector<16xi32>
    %add3A_1628 = arith.addi %add3A_1624, %add3A_1627 : vector<16xi32>
    %gather3A_1629 = tpu.vector_load_idx %arg8[%add3A_1628] : memref<2048xf32, #tpu.memory_space<vmem>>[vector<16xi32>], vector<16xf32>,
    %mul3A_1630 = arith.mulf %get3A_1575, %gather3A_1625 : vector<16xf32>
    %mul3A_1631 = arith.mulf %get3A_1577, %gather3A_1629 : vector<16xf32>
    %add3A_1632 = arith.addf %mul3A_1630, %mul3A_1631 : vector<16xf32>
    %add3A_1633 = arith.addf %add3A_1593, %add3A_1606 : vector<16xf32>
    %add3A_1634 = arith.addf %add3A_1619, %add3A_1632 : vector<16xf32>
    %add3A_1635 = arith.addf %add3A_1633, %add3A_1634 : vector<16xf32>
    %div3A_1636 = arith.constant 1.000000e+00 : f32
    %div3A_1637 = vector.broadcast %div3A_1636 : f32 to vector<16xf32>
    %div3A_1638 = arith.divf %div3A_1637, %add3A_1635 : vector<16xf32>
    %mul3A_1639 = arith.mulf %add3A_1593, %div3A_1638 : vector<16xf32>
    %swap3A_1640 = arith.constant 1072 : index
    %swap3A_1641 = tpu.vector_load %arg9[%swap3A_1640] {strides = array<i32>} : memref<2048xf32, #tpu.memory_space<vmem>>, vector<16xf32>,
    tpu.vector_store %arg9[%swap3A_1640], %mul3A_1639 {strides = array<i32>} : memref<2048xf32, #tpu.memory_space<vmem>>, vector<16xf32>,
    %mul3A_1642 = arith.mulf %add3A_1606, %div3A_1638 : vector<16xf32>
    %swap3A_1643 = arith.constant 1200 : index
    %swap3A_1644 = tpu.vector_load %arg9[%swap3A_1643] {strides = array<i32>} : memref<2048xf32, #tpu.memory_space<vmem>>, vector<16xf32>,
    tpu.vector_store %arg9[%swap3A_1643], %mul3A_1642 {strides = array<i32>} : memref<2048xf32, #tpu.memory_space<vmem>>, vector<16xf32>,
    %mul3A_1645 = arith.mulf %add3A_1619, %div3A_1638 : vector<16xf32>
    %swap3A_1646 = arith.constant 1328 : index
    %swap3A_1647 = tpu.vector_load %arg9[%swap3A_1646] {strides = array<i32>} : memref<2048xf32, #tpu.memory_space<vmem>>, vector<16xf32>,
    tpu.vector_store %arg9[%swap3A_1646], %mul3A_1645 {strides = array<i32>} : memref<2048xf32, #tpu.memory_space<vmem>>, vector<16xf32>,
    %mul3A_1648 = arith.mulf %add3A_1632, %div3A_1638 : vector<16xf32>
    %swap3A_1649 = arith.constant 1456 : index
    %swap3A_1650 = tpu.vector_load %arg9[%swap3A_1649] {strides = array<i32>} : memref<2048xf32, #tpu.memory_space<vmem>>, vector<16xf32>,
    tpu.vector_store %arg9[%swap3A_1649], %mul3A_1648 {strides = array<i32>} : memref<2048xf32, #tpu.memory_space<vmem>>, vector<16xf32>,
    %get3A_1651 = arith.constant 0 : i32
    %get3A_1652 = arith.index_cast %get3A_1651 : i32 to index
    %get3A_1653 = arith.constant 320 : index
    %get3A_1654 = tpu.vector_load %arg6[%get3A_1652, %get3A_1653] {strides = array<i32>} : memref<5x512xi32, #tpu.memory_space<vmem>>, vector<16xi32>,
    %get3A_1655 = arith.constant 576 : index
    %get3A_1656 = tpu.vector_load %arg7[%get3A_1655] {strides = array<i32>} : memref<1024xf32, #tpu.memory_space<vmem>>, vector<16xf32>,
    %get3A_1657 = arith.constant 704 : index
    %get3A_1658 = tpu.vector_load %arg7[%get3A_1657] {strides = array<i32>} : memref<1024xf32, #tpu.memory_space<vmem>>, vector<16xf32>,
    %mul3A_1659 = arith.constant 32 : i32
    %mul3A_1660 = vector.broadcast %mul3A_1659 : i32 to vector<16xi32>
    %mul3A_1661 = arith.muli %get3A_1654, %mul3A_1660 : vector<16xi32>
    %get3A_1662 = arith.constant 1 : i32
    %get3A_1663 = arith.index_cast %get3A_1662 : i32 to index
    %get3A_1664 = arith.constant 320 : index
    %get3A_1665 = tpu.vector_load %arg6[%get3A_1663, %get3A_1664] {strides = array<i32>} : memref<5x512xi32, #tpu.memory_space<vmem>>, vector<16xi32>,
    %add3A_1666 = arith.addi %mul3A_1661, %get3A_1665 : vector<16xi32>
    %gather3A_1667 = tpu.vector_load_idx %arg8[%add3A_1666] : memref<2048xf32, #tpu.memory_space<vmem>>[vector<16xi32>], vector<16xf32>,
    %add3A_1668 = arith.constant 1024 : i32
    %add3A_1669 = vector.broadcast %add3A_1668 : i32 to vector<16xi32>
    %add3A_1670 = arith.addi %add3A_1666, %add3A_1669 : vector<16xi32>
    %gather3A_1671 = tpu.vector_load_idx %arg8[%add3A_1670] : memref<2048xf32, #tpu.memory_space<vmem>>[vector<16xi32>], vector<16xf32>,
    %mul3A_1672 = arith.mulf %get3A_1656, %gather3A_1667 : vector<16xf32>
    %mul3A_1673 = arith.mulf %get3A_1658, %gather3A_1671 : vector<16xf32>
    %add3A_1674 = arith.addf %mul3A_1672, %mul3A_1673 : vector<16xf32>
    %get3A_1675 = arith.constant 2 : i32
    %get3A_1676 = arith.index_cast %get3A_1675 : i32 to index
    %get3A_1677 = arith.constant 320 : index
    %get3A_1678 = tpu.vector_load %arg6[%get3A_1676, %get3A_1677] {strides = array<i32>} : memref<5x512xi32, #tpu.memory_space<vmem>>, vector<16xi32>,
    %add3A_1679 = arith.addi %mul3A_1661, %get3A_1678 : vector<16xi32>
    %gather3A_1680 = tpu.vector_load_idx %arg8[%add3A_1679] : memref<2048xf32, #tpu.memory_space<vmem>>[vector<16xi32>], vector<16xf32>,
    %add3A_1681 = arith.constant 1024 : i32
    %add3A_1682 = vector.broadcast %add3A_1681 : i32 to vector<16xi32>
    %add3A_1683 = arith.addi %add3A_1679, %add3A_1682 : vector<16xi32>
    %gather3A_1684 = tpu.vector_load_idx %arg8[%add3A_1683] : memref<2048xf32, #tpu.memory_space<vmem>>[vector<16xi32>], vector<16xf32>,
    %mul3A_1685 = arith.mulf %get3A_1656, %gather3A_1680 : vector<16xf32>
    %mul3A_1686 = arith.mulf %get3A_1658, %gather3A_1684 : vector<16xf32>
    %add3A_1687 = arith.addf %mul3A_1685, %mul3A_1686 : vector<16xf32>
    %get3A_1688 = arith.constant 3 : i32
    %get3A_1689 = arith.index_cast %get3A_1688 : i32 to index
    %get3A_1690 = arith.constant 320 : index
    %get3A_1691 = tpu.vector_load %arg6[%get3A_1689, %get3A_1690] {strides = array<i32>} : memref<5x512xi32, #tpu.memory_space<vmem>>, vector<16xi32>,
    %add3A_1692 = arith.addi %mul3A_1661, %get3A_1691 : vector<16xi32>
    %gather3A_1693 = tpu.vector_load_idx %arg8[%add3A_1692] : memref<2048xf32, #tpu.memory_space<vmem>>[vector<16xi32>], vector<16xf32>,
    %add3A_1694 = arith.constant 1024 : i32
    %add3A_1695 = vector.broadcast %add3A_1694 : i32 to vector<16xi32>
    %add3A_1696 = arith.addi %add3A_1692, %add3A_1695 : vector<16xi32>
    %gather3A_1697 = tpu.vector_load_idx %arg8[%add3A_1696] : memref<2048xf32, #tpu.memory_space<vmem>>[vector<16xi32>], vector<16xf32>,
    %mul3A_1698 = arith.mulf %get3A_1656, %gather3A_1693 : vector<16xf32>
    %mul3A_1699 = arith.mulf %get3A_1658, %gather3A_1697 : vector<16xf32>
    %add3A_1700 = arith.addf %mul3A_1698, %mul3A_1699 : vector<16xf32>
    %get3A_1701 = arith.constant 4 : i32
    %get3A_1702 = arith.index_cast %get3A_1701 : i32 to index
    %get3A_1703 = arith.constant 320 : index
    %get3A_1704 = tpu.vector_load %arg6[%get3A_1702, %get3A_1703] {strides = array<i32>} : memref<5x512xi32, #tpu.memory_space<vmem>>, vector<16xi32>,
    %add3A_1705 = arith.addi %mul3A_1661, %get3A_1704 : vector<16xi32>
    %gather3A_1706 = tpu.vector_load_idx %arg8[%add3A_1705] : memref<2048xf32, #tpu.memory_space<vmem>>[vector<16xi32>], vector<16xf32>,
    %add3A_1707 = arith.constant 1024 : i32
    %add3A_1708 = vector.broadcast %add3A_1707 : i32 to vector<16xi32>
    %add3A_1709 = arith.addi %add3A_1705, %add3A_1708 : vector<16xi32>
    %gather3A_1710 = tpu.vector_load_idx %arg8[%add3A_1709] : memref<2048xf32, #tpu.memory_space<vmem>>[vector<16xi32>], vector<16xf32>,
    %mul3A_1711 = arith.mulf %get3A_1656, %gather3A_1706 : vector<16xf32>
    %mul3A_1712 = arith.mulf %get3A_1658, %gather3A_1710 : vector<16xf32>
    %add3A_1713 = arith.addf %mul3A_1711, %mul3A_1712 : vector<16xf32>
    %add3A_1714 = arith.addf %add3A_1674, %add3A_1687 : vector<16xf32>
    %add3A_1715 = arith.addf %add3A_1700, %add3A_1713 : vector<16xf32>
    %add3A_1716 = arith.addf %add3A_1714, %add3A_1715 : vector<16xf32>
    %div3A_1717 = arith.constant 1.000000e+00 : f32
    %div3A_1718 = vector.broadcast %div3A_1717 : f32 to vector<16xf32>
    %div3A_1719 = arith.divf %div3A_1718, %add3A_1716 : vector<16xf32>
    %mul3A_1720 = arith.mulf %add3A_1674, %div3A_1719 : vector<16xf32>
    %swap3A_1721 = arith.constant 1088 : index
    %swap3A_1722 = tpu.vector_load %arg9[%swap3A_1721] {strides = array<i32>} : memref<2048xf32, #tpu.memory_space<vmem>>, vector<16xf32>,
    tpu.vector_store %arg9[%swap3A_1721], %mul3A_1720 {strides = array<i32>} : memref<2048xf32, #tpu.memory_space<vmem>>, vector<16xf32>,
    %mul3A_1723 = arith.mulf %add3A_1687, %div3A_1719 : vector<16xf32>
    %swap3A_1724 = arith.constant 1216 : index
    %swap3A_1725 = tpu.vector_load %arg9[%swap3A_1724] {strides = array<i32>} : memref<2048xf32, #tpu.memory_space<vmem>>, vector<16xf32>,
    tpu.vector_store %arg9[%swap3A_1724], %mul3A_1723 {strides = array<i32>} : memref<2048xf32, #tpu.memory_space<vmem>>, vector<16xf32>,
    %mul3A_1726 = arith.mulf %add3A_1700, %div3A_1719 : vector<16xf32>
    %swap3A_1727 = arith.constant 1344 : index
    %swap3A_1728 = tpu.vector_load %arg9[%swap3A_1727] {strides = array<i32>} : memref<2048xf32, #tpu.memory_space<vmem>>, vector<16xf32>,
    tpu.vector_store %arg9[%swap3A_1727], %mul3A_1726 {strides = array<i32>} : memref<2048xf32, #tpu.memory_space<vmem>>, vector<16xf32>,
    %mul3A_1729 = arith.mulf %add3A_1713, %div3A_1719 : vector<16xf32>
    %swap3A_1730 = arith.constant 1472 : index
    %swap3A_1731 = tpu.vector_load %arg9[%swap3A_1730] {strides = array<i32>} : memref<2048xf32, #tpu.memory_space<vmem>>, vector<16xf32>,
    tpu.vector_store %arg9[%swap3A_1730], %mul3A_1729 {strides = array<i32>} : memref<2048xf32, #tpu.memory_space<vmem>>, vector<16xf32>,
    %get3A_1732 = arith.constant 0 : i32
    %get3A_1733 = arith.index_cast %get3A_1732 : i32 to index
    %get3A_1734 = arith.constant 336 : index
    %get3A_1735 = tpu.vector_load %arg6[%get3A_1733, %get3A_1734] {strides = array<i32>} : memref<5x512xi32, #tpu.memory_space<vmem>>, vector<16xi32>,
    %get3A_1736 = arith.constant 592 : index
    %get3A_1737 = tpu.vector_load %arg7[%get3A_1736] {strides = array<i32>} : memref<1024xf32, #tpu.memory_space<vmem>>, vector<16xf32>,
    %get3A_1738 = arith.constant 720 : index
    %get3A_1739 = tpu.vector_load %arg7[%get3A_1738] {strides = array<i32>} : memref<1024xf32, #tpu.memory_space<vmem>>, vector<16xf32>,
    %mul3A_1740 = arith.constant 32 : i32
    %mul3A_1741 = vector.broadcast %mul3A_1740 : i32 to vector<16xi32>
    %mul3A_1742 = arith.muli %get3A_1735, %mul3A_1741 : vector<16xi32>
    %get3A_1743 = arith.constant 1 : i32
    %get3A_1744 = arith.index_cast %get3A_1743 : i32 to index
    %get3A_1745 = arith.constant 336 : index
    %get3A_1746 = tpu.vector_load %arg6[%get3A_1744, %get3A_1745] {strides = array<i32>} : memref<5x512xi32, #tpu.memory_space<vmem>>, vector<16xi32>,
    %add3A_1747 = arith.addi %mul3A_1742, %get3A_1746 : vector<16xi32>
    %gather3A_1748 = tpu.vector_load_idx %arg8[%add3A_1747] : memref<2048xf32, #tpu.memory_space<vmem>>[vector<16xi32>], vector<16xf32>,
    %add3A_1749 = arith.constant 1024 : i32
    %add3A_1750 = vector.broadcast %add3A_1749 : i32 to vector<16xi32>
    %add3A_1751 = arith.addi %add3A_1747, %add3A_1750 : vector<16xi32>
    %gather3A_1752 = tpu.vector_load_idx %arg8[%add3A_1751] : memref<2048xf32, #tpu.memory_space<vmem>>[vector<16xi32>], vector<16xf32>,
    %mul3A_1753 = arith.mulf %get3A_1737, %gather3A_1748 : vector<16xf32>
    %mul3A_1754 = arith.mulf %get3A_1739, %gather3A_1752 : vector<16xf32>
    %add3A_1755 = arith.addf %mul3A_1753, %mul3A_1754 : vector<16xf32>
    %get3A_1756 = arith.constant 2 : i32
    %get3A_1757 = arith.index_cast %get3A_1756 : i32 to index
    %get3A_1758 = arith.constant 336 : index
    %get3A_1759 = tpu.vector_load %arg6[%get3A_1757, %get3A_1758] {strides = array<i32>} : memref<5x512xi32, #tpu.memory_space<vmem>>, vector<16xi32>,
    %add3A_1760 = arith.addi %mul3A_1742, %get3A_1759 : vector<16xi32>
    %gather3A_1761 = tpu.vector_load_idx %arg8[%add3A_1760] : memref<2048xf32, #tpu.memory_space<vmem>>[vector<16xi32>], vector<16xf32>,
    %add3A_1762 = arith.constant 1024 : i32
    %add3A_1763 = vector.broadcast %add3A_1762 : i32 to vector<16xi32>
    %add3A_1764 = arith.addi %add3A_1760, %add3A_1763 : vector<16xi32>
    %gather3A_1765 = tpu.vector_load_idx %arg8[%add3A_1764] : memref<2048xf32, #tpu.memory_space<vmem>>[vector<16xi32>], vector<16xf32>,
    %mul3A_1766 = arith.mulf %get3A_1737, %gather3A_1761 : vector<16xf32>
    %mul3A_1767 = arith.mulf %get3A_1739, %gather3A_1765 : vector<16xf32>
    %add3A_1768 = arith.addf %mul3A_1766, %mul3A_1767 : vector<16xf32>
    %get3A_1769 = arith.constant 3 : i32
    %get3A_1770 = arith.index_cast %get3A_1769 : i32 to index
    %get3A_1771 = arith.constant 336 : index
    %get3A_1772 = tpu.vector_load %arg6[%get3A_1770, %get3A_1771] {strides = array<i32>} : memref<5x512xi32, #tpu.memory_space<vmem>>, vector<16xi32>,
    %add3A_1773 = arith.addi %mul3A_1742, %get3A_1772 : vector<16xi32>
    %gather3A_1774 = tpu.vector_load_idx %arg8[%add3A_1773] : memref<2048xf32, #tpu.memory_space<vmem>>[vector<16xi32>], vector<16xf32>,
    %add3A_1775 = arith.constant 1024 : i32
    %add3A_1776 = vector.broadcast %add3A_1775 : i32 to vector<16xi32>
    %add3A_1777 = arith.addi %add3A_1773, %add3A_1776 : vector<16xi32>
    %gather3A_1778 = tpu.vector_load_idx %arg8[%add3A_1777] : memref<2048xf32, #tpu.memory_space<vmem>>[vector<16xi32>], vector<16xf32>,
    %mul3A_1779 = arith.mulf %get3A_1737, %gather3A_1774 : vector<16xf32>
    %mul3A_1780 = arith.mulf %get3A_1739, %gather3A_1778 : vector<16xf32>
    %add3A_1781 = arith.addf %mul3A_1779, %mul3A_1780 : vector<16xf32>
    %get3A_1782 = arith.constant 4 : i32
    %get3A_1783 = arith.index_cast %get3A_1782 : i32 to index
    %get3A_1784 = arith.constant 336 : index
    %get3A_1785 = tpu.vector_load %arg6[%get3A_1783, %get3A_1784] {strides = array<i32>} : memref<5x512xi32, #tpu.memory_space<vmem>>, vector<16xi32>,
    %add3A_1786 = arith.addi %mul3A_1742, %get3A_1785 : vector<16xi32>
    %gather3A_1787 = tpu.vector_load_idx %arg8[%add3A_1786] : memref<2048xf32, #tpu.memory_space<vmem>>[vector<16xi32>], vector<16xf32>,
    %add3A_1788 = arith.constant 1024 : i32
    %add3A_1789 = vector.broadcast %add3A_1788 : i32 to vector<16xi32>
    %add3A_1790 = arith.addi %add3A_1786, %add3A_1789 : vector<16xi32>
    %gather3A_1791 = tpu.vector_load_idx %arg8[%add3A_1790] : memref<2048xf32, #tpu.memory_space<vmem>>[vector<16xi32>], vector<16xf32>,
    %mul3A_1792 = arith.mulf %get3A_1737, %gather3A_1787 : vector<16xf32>
    %mul3A_1793 = arith.mulf %get3A_1739, %gather3A_1791 : vector<16xf32>
    %add3A_1794 = arith.addf %mul3A_1792, %mul3A_1793 : vector<16xf32>
    %add3A_1795 = arith.addf %add3A_1755, %add3A_1768 : vector<16xf32>
    %add3A_1796 = arith.addf %add3A_1781, %add3A_1794 : vector<16xf32>
    %add3A_1797 = arith.addf %add3A_1795, %add3A_1796 : vector<16xf32>
    %div3A_1798 = arith.constant 1.000000e+00 : f32
    %div3A_1799 = vector.broadcast %div3A_1798 : f32 to vector<16xf32>
    %div3A_1800 = arith.divf %div3A_1799, %add3A_1797 : vector<16xf32>
    %mul3A_1801 = arith.mulf %add3A_1755, %div3A_1800 : vector<16xf32>
    %swap3A_1802 = arith.constant 1104 : index
    %swap3A_1803 = tpu.vector_load %arg9[%swap3A_1802] {strides = array<i32>} : memref<2048xf32, #tpu.memory_space<vmem>>, vector<16xf32>,
    tpu.vector_store %arg9[%swap3A_1802], %mul3A_1801 {strides = array<i32>} : memref<2048xf32, #tpu.memory_space<vmem>>, vector<16xf32>,
    %mul3A_1804 = arith.mulf %add3A_1768, %div3A_1800 : vector<16xf32>
    %swap3A_1805 = arith.constant 1232 : index
    %swap3A_1806 = tpu.vector_load %arg9[%swap3A_1805] {strides = array<i32>} : memref<2048xf32, #tpu.memory_space<vmem>>, vector<16xf32>,
    tpu.vector_store %arg9[%swap3A_1805], %mul3A_1804 {strides = array<i32>} : memref<2048xf32, #tpu.memory_space<vmem>>, vector<16xf32>,
    %mul3A_1807 = arith.mulf %add3A_1781, %div3A_1800 : vector<16xf32>
    %swap3A_1808 = arith.constant 1360 : index
    %swap3A_1809 = tpu.vector_load %arg9[%swap3A_1808] {strides = array<i32>} : memref<2048xf32, #tpu.memory_space<vmem>>, vector<16xf32>,
    tpu.vector_store %arg9[%swap3A_1808], %mul3A_1807 {strides = array<i32>} : memref<2048xf32, #tpu.memory_space<vmem>>, vector<16xf32>,
    %mul3A_1810 = arith.mulf %add3A_1794, %div3A_1800 : vector<16xf32>
    %swap3A_1811 = arith.constant 1488 : index
    %swap3A_1812 = tpu.vector_load %arg9[%swap3A_1811] {strides = array<i32>} : memref<2048xf32, #tpu.memory_space<vmem>>, vector<16xf32>,
    tpu.vector_store %arg9[%swap3A_1811], %mul3A_1810 {strides = array<i32>} : memref<2048xf32, #tpu.memory_space<vmem>>, vector<16xf32>,
    %get3A_1813 = arith.constant 0 : i32
    %get3A_1814 = arith.index_cast %get3A_1813 : i32 to index
    %get3A_1815 = arith.constant 352 : index
    %get3A_1816 = tpu.vector_load %arg6[%get3A_1814, %get3A_1815] {strides = array<i32>} : memref<5x512xi32, #tpu.memory_space<vmem>>, vector<16xi32>,
    %get3A_1817 = arith.constant 608 : index
    %get3A_1818 = tpu.vector_load %arg7[%get3A_1817] {strides = array<i32>} : memref<1024xf32, #tpu.memory_space<vmem>>, vector<16xf32>,
    %get3A_1819 = arith.constant 736 : index
    %get3A_1820 = tpu.vector_load %arg7[%get3A_1819] {strides = array<i32>} : memref<1024xf32, #tpu.memory_space<vmem>>, vector<16xf32>,
    %mul3A_1821 = arith.constant 32 : i32
    %mul3A_1822 = vector.broadcast %mul3A_1821 : i32 to vector<16xi32>
    %mul3A_1823 = arith.muli %get3A_1816, %mul3A_1822 : vector<16xi32>
    %get3A_1824 = arith.constant 1 : i32
    %get3A_1825 = arith.index_cast %get3A_1824 : i32 to index
    %get3A_1826 = arith.constant 352 : index
    %get3A_1827 = tpu.vector_load %arg6[%get3A_1825, %get3A_1826] {strides = array<i32>} : memref<5x512xi32, #tpu.memory_space<vmem>>, vector<16xi32>,
    %add3A_1828 = arith.addi %mul3A_1823, %get3A_1827 : vector<16xi32>
    %gather3A_1829 = tpu.vector_load_idx %arg8[%add3A_1828] : memref<2048xf32, #tpu.memory_space<vmem>>[vector<16xi32>], vector<16xf32>,
    %add3A_1830 = arith.constant 1024 : i32
    %add3A_1831 = vector.broadcast %add3A_1830 : i32 to vector<16xi32>
    %add3A_1832 = arith.addi %add3A_1828, %add3A_1831 : vector<16xi32>
    %gather3A_1833 = tpu.vector_load_idx %arg8[%add3A_1832] : memref<2048xf32, #tpu.memory_space<vmem>>[vector<16xi32>], vector<16xf32>,
    %mul3A_1834 = arith.mulf %get3A_1818, %gather3A_1829 : vector<16xf32>
    %mul3A_1835 = arith.mulf %get3A_1820, %gather3A_1833 : vector<16xf32>
    %add3A_1836 = arith.addf %mul3A_1834, %mul3A_1835 : vector<16xf32>
    %get3A_1837 = arith.constant 2 : i32
    %get3A_1838 = arith.index_cast %get3A_1837 : i32 to index
    %get3A_1839 = arith.constant 352 : index
    %get3A_1840 = tpu.vector_load %arg6[%get3A_1838, %get3A_1839] {strides = array<i32>} : memref<5x512xi32, #tpu.memory_space<vmem>>, vector<16xi32>,
    %add3A_1841 = arith.addi %mul3A_1823, %get3A_1840 : vector<16xi32>
    %gather3A_1842 = tpu.vector_load_idx %arg8[%add3A_1841] : memref<2048xf32, #tpu.memory_space<vmem>>[vector<16xi32>], vector<16xf32>,
    %add3A_1843 = arith.constant 1024 : i32
    %add3A_1844 = vector.broadcast %add3A_1843 : i32 to vector<16xi32>
    %add3A_1845 = arith.addi %add3A_1841, %add3A_1844 : vector<16xi32>
    %gather3A_1846 = tpu.vector_load_idx %arg8[%add3A_1845] : memref<2048xf32, #tpu.memory_space<vmem>>[vector<16xi32>], vector<16xf32>,
    %mul3A_1847 = arith.mulf %get3A_1818, %gather3A_1842 : vector<16xf32>
    %mul3A_1848 = arith.mulf %get3A_1820, %gather3A_1846 : vector<16xf32>
    %add3A_1849 = arith.addf %mul3A_1847, %mul3A_1848 : vector<16xf32>
    %get3A_1850 = arith.constant 3 : i32
    %get3A_1851 = arith.index_cast %get3A_1850 : i32 to index
    %get3A_1852 = arith.constant 352 : index
    %get3A_1853 = tpu.vector_load %arg6[%get3A_1851, %get3A_1852] {strides = array<i32>} : memref<5x512xi32, #tpu.memory_space<vmem>>, vector<16xi32>,
    %add3A_1854 = arith.addi %mul3A_1823, %get3A_1853 : vector<16xi32>
    %gather3A_1855 = tpu.vector_load_idx %arg8[%add3A_1854] : memref<2048xf32, #tpu.memory_space<vmem>>[vector<16xi32>], vector<16xf32>,
    %add3A_1856 = arith.constant 1024 : i32
    %add3A_1857 = vector.broadcast %add3A_1856 : i32 to vector<16xi32>
    %add3A_1858 = arith.addi %add3A_1854, %add3A_1857 : vector<16xi32>
    %gather3A_1859 = tpu.vector_load_idx %arg8[%add3A_1858] : memref<2048xf32, #tpu.memory_space<vmem>>[vector<16xi32>], vector<16xf32>,
    %mul3A_1860 = arith.mulf %get3A_1818, %gather3A_1855 : vector<16xf32>
    %mul3A_1861 = arith.mulf %get3A_1820, %gather3A_1859 : vector<16xf32>
    %add3A_1862 = arith.addf %mul3A_1860, %mul3A_1861 : vector<16xf32>
    %get3A_1863 = arith.constant 4 : i32
    %get3A_1864 = arith.index_cast %get3A_1863 : i32 to index
    %get3A_1865 = arith.constant 352 : index
    %get3A_1866 = tpu.vector_load %arg6[%get3A_1864, %get3A_1865] {strides = array<i32>} : memref<5x512xi32, #tpu.memory_space<vmem>>, vector<16xi32>,
    %add3A_1867 = arith.addi %mul3A_1823, %get3A_1866 : vector<16xi32>
    %gather3A_1868 = tpu.vector_load_idx %arg8[%add3A_1867] : memref<2048xf32, #tpu.memory_space<vmem>>[vector<16xi32>], vector<16xf32>,
    %add3A_1869 = arith.constant 1024 : i32
    %add3A_1870 = vector.broadcast %add3A_1869 : i32 to vector<16xi32>
    %add3A_1871 = arith.addi %add3A_1867, %add3A_1870 : vector<16xi32>
    %gather3A_1872 = tpu.vector_load_idx %arg8[%add3A_1871] : memref<2048xf32, #tpu.memory_space<vmem>>[vector<16xi32>], vector<16xf32>,
    %mul3A_1873 = arith.mulf %get3A_1818, %gather3A_1868 : vector<16xf32>
    %mul3A_1874 = arith.mulf %get3A_1820, %gather3A_1872 : vector<16xf32>
    %add3A_1875 = arith.addf %mul3A_1873, %mul3A_1874 : vector<16xf32>
    %add3A_1876 = arith.addf %add3A_1836, %add3A_1849 : vector<16xf32>
    %add3A_1877 = arith.addf %add3A_1862, %add3A_1875 : vector<16xf32>
    %add3A_1878 = arith.addf %add3A_1876, %add3A_1877 : vector<16xf32>
    %div3A_1879 = arith.constant 1.000000e+00 : f32
    %div3A_1880 = vector.broadcast %div3A_1879 : f32 to vector<16xf32>
    %div3A_1881 = arith.divf %div3A_1880, %add3A_1878 : vector<16xf32>
    %mul3A_1882 = arith.mulf %add3A_1836, %div3A_1881 : vector<16xf32>
    %swap3A_1883 = arith.constant 1120 : index
    %swap3A_1884 = tpu.vector_load %arg9[%swap3A_1883] {strides = array<i32>} : memref<2048xf32, #tpu.memory_space<vmem>>, vector<16xf32>,
    tpu.vector_store %arg9[%swap3A_1883], %mul3A_1882 {strides = array<i32>} : memref<2048xf32, #tpu.memory_space<vmem>>, vector<16xf32>,
    %mul3A_1885 = arith.mulf %add3A_1849, %div3A_1881 : vector<16xf32>
    %swap3A_1886 = arith.constant 1248 : index
    %swap3A_1887 = tpu.vector_load %arg9[%swap3A_1886] {strides = array<i32>} : memref<2048xf32, #tpu.memory_space<vmem>>, vector<16xf32>,
    tpu.vector_store %arg9[%swap3A_1886], %mul3A_1885 {strides = array<i32>} : memref<2048xf32, #tpu.memory_space<vmem>>, vector<16xf32>,
    %mul3A_1888 = arith.mulf %add3A_1862, %div3A_1881 : vector<16xf32>
    %swap3A_1889 = arith.constant 1376 : index
    %swap3A_1890 = tpu.vector_load %arg9[%swap3A_1889] {strides = array<i32>} : memref<2048xf32, #tpu.memory_space<vmem>>, vector<16xf32>,
    tpu.vector_store %arg9[%swap3A_1889], %mul3A_1888 {strides = array<i32>} : memref<2048xf32, #tpu.memory_space<vmem>>, vector<16xf32>,
    %mul3A_1891 = arith.mulf %add3A_1875, %div3A_1881 : vector<16xf32>
    %swap3A_1892 = arith.constant 1504 : index
    %swap3A_1893 = tpu.vector_load %arg9[%swap3A_1892] {strides = array<i32>} : memref<2048xf32, #tpu.memory_space<vmem>>, vector<16xf32>,
    tpu.vector_store %arg9[%swap3A_1892], %mul3A_1891 {strides = array<i32>} : memref<2048xf32, #tpu.memory_space<vmem>>, vector<16xf32>,
    %get3A_1894 = arith.constant 0 : i32
    %get3A_1895 = arith.index_cast %get3A_1894 : i32 to index
    %get3A_1896 = arith.constant 368 : index
    %get3A_1897 = tpu.vector_load %arg6[%get3A_1895, %get3A_1896] {strides = array<i32>} : memref<5x512xi32, #tpu.memory_space<vmem>>, vector<16xi32>,
    %get3A_1898 = arith.constant 624 : index
    %get3A_1899 = tpu.vector_load %arg7[%get3A_1898] {strides = array<i32>} : memref<1024xf32, #tpu.memory_space<vmem>>, vector<16xf32>,
    %get3A_1900 = arith.constant 752 : index
    %get3A_1901 = tpu.vector_load %arg7[%get3A_1900] {strides = array<i32>} : memref<1024xf32, #tpu.memory_space<vmem>>, vector<16xf32>,
    %mul3A_1902 = arith.constant 32 : i32
    %mul3A_1903 = vector.broadcast %mul3A_1902 : i32 to vector<16xi32>
    %mul3A_1904 = arith.muli %get3A_1897, %mul3A_1903 : vector<16xi32>
    %get3A_1905 = arith.constant 1 : i32
    %get3A_1906 = arith.index_cast %get3A_1905 : i32 to index
    %get3A_1907 = arith.constant 368 : index
    %get3A_1908 = tpu.vector_load %arg6[%get3A_1906, %get3A_1907] {strides = array<i32>} : memref<5x512xi32, #tpu.memory_space<vmem>>, vector<16xi32>,
    %add3A_1909 = arith.addi %mul3A_1904, %get3A_1908 : vector<16xi32>
    %gather3A_1910 = tpu.vector_load_idx %arg8[%add3A_1909] : memref<2048xf32, #tpu.memory_space<vmem>>[vector<16xi32>], vector<16xf32>,
    %add3A_1911 = arith.constant 1024 : i32
    %add3A_1912 = vector.broadcast %add3A_1911 : i32 to vector<16xi32>
    %add3A_1913 = arith.addi %add3A_1909, %add3A_1912 : vector<16xi32>
    %gather3A_1914 = tpu.vector_load_idx %arg8[%add3A_1913] : memref<2048xf32, #tpu.memory_space<vmem>>[vector<16xi32>], vector<16xf32>,
    %mul3A_1915 = arith.mulf %get3A_1899, %gather3A_1910 : vector<16xf32>
    %mul3A_1916 = arith.mulf %get3A_1901, %gather3A_1914 : vector<16xf32>
    %add3A_1917 = arith.addf %mul3A_1915, %mul3A_1916 : vector<16xf32>
    %get3A_1918 = arith.constant 2 : i32
    %get3A_1919 = arith.index_cast %get3A_1918 : i32 to index
    %get3A_1920 = arith.constant 368 : index
    %get3A_1921 = tpu.vector_load %arg6[%get3A_1919, %get3A_1920] {strides = array<i32>} : memref<5x512xi32, #tpu.memory_space<vmem>>, vector<16xi32>,
    %add3A_1922 = arith.addi %mul3A_1904, %get3A_1921 : vector<16xi32>
    %gather3A_1923 = tpu.vector_load_idx %arg8[%add3A_1922] : memref<2048xf32, #tpu.memory_space<vmem>>[vector<16xi32>], vector<16xf32>,
    %add3A_1924 = arith.constant 1024 : i32
    %add3A_1925 = vector.broadcast %add3A_1924 : i32 to vector<16xi32>
    %add3A_1926 = arith.addi %add3A_1922, %add3A_1925 : vector<16xi32>
    %gather3A_1927 = tpu.vector_load_idx %arg8[%add3A_1926] : memref<2048xf32, #tpu.memory_space<vmem>>[vector<16xi32>], vector<16xf32>,
    %mul3A_1928 = arith.mulf %get3A_1899, %gather3A_1923 : vector<16xf32>
    %mul3A_1929 = arith.mulf %get3A_1901, %gather3A_1927 : vector<16xf32>
    %add3A_1930 = arith.addf %mul3A_1928, %mul3A_1929 : vector<16xf32>
    %get3A_1931 = arith.constant 3 : i32
    %get3A_1932 = arith.index_cast %get3A_1931 : i32 to index
    %get3A_1933 = arith.constant 368 : index
    %get3A_1934 = tpu.vector_load %arg6[%get3A_1932, %get3A_1933] {strides = array<i32>} : memref<5x512xi32, #tpu.memory_space<vmem>>, vector<16xi32>,
    %add3A_1935 = arith.addi %mul3A_1904, %get3A_1934 : vector<16xi32>
    %gather3A_1936 = tpu.vector_load_idx %arg8[%add3A_1935] : memref<2048xf32, #tpu.memory_space<vmem>>[vector<16xi32>], vector<16xf32>,
    %add3A_1937 = arith.constant 1024 : i32
    %add3A_1938 = vector.broadcast %add3A_1937 : i32 to vector<16xi32>
    %add3A_1939 = arith.addi %add3A_1935, %add3A_1938 : vector<16xi32>
    %gather3A_1940 = tpu.vector_load_idx %arg8[%add3A_1939] : memref<2048xf32, #tpu.memory_space<vmem>>[vector<16xi32>], vector<16xf32>,
    %mul3A_1941 = arith.mulf %get3A_1899, %gather3A_1936 : vector<16xf32>
    %mul3A_1942 = arith.mulf %get3A_1901, %gather3A_1940 : vector<16xf32>
    %add3A_1943 = arith.addf %mul3A_1941, %mul3A_1942 : vector<16xf32>
    %get3A_1944 = arith.constant 4 : i32
    %get3A_1945 = arith.index_cast %get3A_1944 : i32 to index
    %get3A_1946 = arith.constant 368 : index
    %get3A_1947 = tpu.vector_load %arg6[%get3A_1945, %get3A_1946] {strides = array<i32>} : memref<5x512xi32, #tpu.memory_space<vmem>>, vector<16xi32>,
    %add3A_1948 = arith.addi %mul3A_1904, %get3A_1947 : vector<16xi32>
    %gather3A_1949 = tpu.vector_load_idx %arg8[%add3A_1948] : memref<2048xf32, #tpu.memory_space<vmem>>[vector<16xi32>], vector<16xf32>,
    %add3A_1950 = arith.constant 1024 : i32
    %add3A_1951 = vector.broadcast %add3A_1950 : i32 to vector<16xi32>
    %add3A_1952 = arith.addi %add3A_1948, %add3A_1951 : vector<16xi32>
    %gather3A_1953 = tpu.vector_load_idx %arg8[%add3A_1952] : memref<2048xf32, #tpu.memory_space<vmem>>[vector<16xi32>], vector<16xf32>,
    %mul3A_1954 = arith.mulf %get3A_1899, %gather3A_1949 : vector<16xf32>
    %mul3A_1955 = arith.mulf %get3A_1901, %gather3A_1953 : vector<16xf32>
    %add3A_1956 = arith.addf %mul3A_1954, %mul3A_1955 : vector<16xf32>
    %add3A_1957 = arith.addf %add3A_1917, %add3A_1930 : vector<16xf32>
    %add3A_1958 = arith.addf %add3A_1943, %add3A_1956 : vector<16xf32>
    %add3A_1959 = arith.addf %add3A_1957, %add3A_1958 : vector<16xf32>
    %div3A_1960 = arith.constant 1.000000e+00 : f32
    %div3A_1961 = vector.broadcast %div3A_1960 : f32 to vector<16xf32>
    %div3A_1962 = arith.divf %div3A_1961, %add3A_1959 : vector<16xf32>
    %mul3A_1963 = arith.mulf %add3A_1917, %div3A_1962 : vector<16xf32>
    %swap3A_1964 = arith.constant 1136 : index
    %swap3A_1965 = tpu.vector_load %arg9[%swap3A_1964] {strides = array<i32>} : memref<2048xf32, #tpu.memory_space<vmem>>, vector<16xf32>,
    tpu.vector_store %arg9[%swap3A_1964], %mul3A_1963 {strides = array<i32>} : memref<2048xf32, #tpu.memory_space<vmem>>, vector<16xf32>,
    %mul3A_1966 = arith.mulf %add3A_1930, %div3A_1962 : vector<16xf32>
    %swap3A_1967 = arith.constant 1264 : index
    %swap3A_1968 = tpu.vector_load %arg9[%swap3A_1967] {strides = array<i32>} : memref<2048xf32, #tpu.memory_space<vmem>>, vector<16xf32>,
    tpu.vector_store %arg9[%swap3A_1967], %mul3A_1966 {strides = array<i32>} : memref<2048xf32, #tpu.memory_space<vmem>>, vector<16xf32>,
    %mul3A_1969 = arith.mulf %add3A_1943, %div3A_1962 : vector<16xf32>
    %swap3A_1970 = arith.constant 1392 : index
    %swap3A_1971 = tpu.vector_load %arg9[%swap3A_1970] {strides = array<i32>} : memref<2048xf32, #tpu.memory_space<vmem>>, vector<16xf32>,
    tpu.vector_store %arg9[%swap3A_1970], %mul3A_1969 {strides = array<i32>} : memref<2048xf32, #tpu.memory_space<vmem>>, vector<16xf32>,
    %mul3A_1972 = arith.mulf %add3A_1956, %div3A_1962 : vector<16xf32>
    %swap3A_1973 = arith.constant 1520 : index
    %swap3A_1974 = tpu.vector_load %arg9[%swap3A_1973] {strides = array<i32>} : memref<2048xf32, #tpu.memory_space<vmem>>, vector<16xf32>,
    tpu.vector_store %arg9[%swap3A_1973], %mul3A_1972 {strides = array<i32>} : memref<2048xf32, #tpu.memory_space<vmem>>, vector<16xf32>,
    %mul3A_1975 = arith.constant 4 : i32
    %mul3A_1976 = arith.muli %mul3A_1975, %mul3A_2 : i32
    %add3A_1977 = arith.constant 1024 : i32
    %add3A_1978 = arith.addi %mul3A_1976, %add3A_1977 : i32
    %dma_start3A_1979 = arith.constant 1024 : i32
    %dma_start3A_1980 = tpu.memref_slice %arg9[%dma_start3A_1979] : memref<2048xf32, #tpu.memory_space<vmem>> -> memref<512xf32, #tpu.memory_space<vmem>>
    %dma_start3A_1981 = tpu.memref_slice %arg5[%add3A_1978] : memref<65536xf32, #tpu.memory_space<hbm>> -> memref<512xf32, #tpu.memory_space<hbm>>
    %dma_start3A_1982 = tpu.memref_slice %arg5[%add3A_1978] : memref<65536xf32, #tpu.memory_space<hbm>> -> memref<512xf32, #tpu.memory_space<hbm>>
    %dma_start3A_1983 = arith.constant 1024 : i32
    %dma_start3A_1984 = tpu.memref_slice %arg9[%dma_start3A_1983] : memref<2048xf32, #tpu.memory_space<vmem>> -> memref<512xf32, #tpu.memory_space<vmem>>
    tpu.enqueue_dma source(%dma_start3A_1984 : memref<512xf32, #tpu.memory_space<vmem>>) target(%dma_start3A_1982 : memref<512xf32, #tpu.memory_space<hbm>>) target_semaphore(%arg10 : memref<!tpu.dma_semaphore, #tpu.memory_space<semaphore_mem>>)
    %get3A_1985 = arith.constant 0 : i32
    %get3A_1986 = arith.index_cast %get3A_1985 : i32 to index
    %get3A_1987 = arith.constant 384 : index
    %get3A_1988 = tpu.vector_load %arg6[%get3A_1986, %get3A_1987] {strides = array<i32>} : memref<5x512xi32, #tpu.memory_space<vmem>>, vector<16xi32>,
    %get3A_1989 = arith.constant 768 : index
    %get3A_1990 = tpu.vector_load %arg7[%get3A_1989] {strides = array<i32>} : memref<1024xf32, #tpu.memory_space<vmem>>, vector<16xf32>,
    %get3A_1991 = arith.constant 896 : index
    %get3A_1992 = tpu.vector_load %arg7[%get3A_1991] {strides = array<i32>} : memref<1024xf32, #tpu.memory_space<vmem>>, vector<16xf32>,
    %mul3A_1993 = arith.constant 32 : i32
    %mul3A_1994 = vector.broadcast %mul3A_1993 : i32 to vector<16xi32>
    %mul3A_1995 = arith.muli %get3A_1988, %mul3A_1994 : vector<16xi32>
    %get3A_1996 = arith.constant 1 : i32
    %get3A_1997 = arith.index_cast %get3A_1996 : i32 to index
    %get3A_1998 = arith.constant 384 : index
    %get3A_1999 = tpu.vector_load %arg6[%get3A_1997, %get3A_1998] {strides = array<i32>} : memref<5x512xi32, #tpu.memory_space<vmem>>, vector<16xi32>,
    %add3A_2000 = arith.addi %mul3A_1995, %get3A_1999 : vector<16xi32>
    %gather3A_2001 = tpu.vector_load_idx %arg8[%add3A_2000] : memref<2048xf32, #tpu.memory_space<vmem>>[vector<16xi32>], vector<16xf32>,
    %add3A_2002 = arith.constant 1024 : i32
    %add3A_2003 = vector.broadcast %add3A_2002 : i32 to vector<16xi32>
    %add3A_2004 = arith.addi %add3A_2000, %add3A_2003 : vector<16xi32>
    %gather3A_2005 = tpu.vector_load_idx %arg8[%add3A_2004] : memref<2048xf32, #tpu.memory_space<vmem>>[vector<16xi32>], vector<16xf32>,
    %mul3A_2006 = arith.mulf %get3A_1990, %gather3A_2001 : vector<16xf32>
    %mul3A_2007 = arith.mulf %get3A_1992, %gather3A_2005 : vector<16xf32>
    %add3A_2008 = arith.addf %mul3A_2006, %mul3A_2007 : vector<16xf32>
    %get3A_2009 = arith.constant 2 : i32
    %get3A_2010 = arith.index_cast %get3A_2009 : i32 to index
    %get3A_2011 = arith.constant 384 : index
    %get3A_2012 = tpu.vector_load %arg6[%get3A_2010, %get3A_2011] {strides = array<i32>} : memref<5x512xi32, #tpu.memory_space<vmem>>, vector<16xi32>,
    %add3A_2013 = arith.addi %mul3A_1995, %get3A_2012 : vector<16xi32>
    %gather3A_2014 = tpu.vector_load_idx %arg8[%add3A_2013] : memref<2048xf32, #tpu.memory_space<vmem>>[vector<16xi32>], vector<16xf32>,
    %add3A_2015 = arith.constant 1024 : i32
    %add3A_2016 = vector.broadcast %add3A_2015 : i32 to vector<16xi32>
    %add3A_2017 = arith.addi %add3A_2013, %add3A_2016 : vector<16xi32>
    %gather3A_2018 = tpu.vector_load_idx %arg8[%add3A_2017] : memref<2048xf32, #tpu.memory_space<vmem>>[vector<16xi32>], vector<16xf32>,
    %mul3A_2019 = arith.mulf %get3A_1990, %gather3A_2014 : vector<16xf32>
    %mul3A_2020 = arith.mulf %get3A_1992, %gather3A_2018 : vector<16xf32>
    %add3A_2021 = arith.addf %mul3A_2019, %mul3A_2020 : vector<16xf32>
    %get3A_2022 = arith.constant 3 : i32
    %get3A_2023 = arith.index_cast %get3A_2022 : i32 to index
    %get3A_2024 = arith.constant 384 : index
    %get3A_2025 = tpu.vector_load %arg6[%get3A_2023, %get3A_2024] {strides = array<i32>} : memref<5x512xi32, #tpu.memory_space<vmem>>, vector<16xi32>,
    %add3A_2026 = arith.addi %mul3A_1995, %get3A_2025 : vector<16xi32>
    %gather3A_2027 = tpu.vector_load_idx %arg8[%add3A_2026] : memref<2048xf32, #tpu.memory_space<vmem>>[vector<16xi32>], vector<16xf32>,
    %add3A_2028 = arith.constant 1024 : i32
    %add3A_2029 = vector.broadcast %add3A_2028 : i32 to vector<16xi32>
    %add3A_2030 = arith.addi %add3A_2026, %add3A_2029 : vector<16xi32>
    %gather3A_2031 = tpu.vector_load_idx %arg8[%add3A_2030] : memref<2048xf32, #tpu.memory_space<vmem>>[vector<16xi32>], vector<16xf32>,
    %mul3A_2032 = arith.mulf %get3A_1990, %gather3A_2027 : vector<16xf32>
    %mul3A_2033 = arith.mulf %get3A_1992, %gather3A_2031 : vector<16xf32>
    %add3A_2034 = arith.addf %mul3A_2032, %mul3A_2033 : vector<16xf32>
    %get3A_2035 = arith.constant 4 : i32
    %get3A_2036 = arith.index_cast %get3A_2035 : i32 to index
    %get3A_2037 = arith.constant 384 : index
    %get3A_2038 = tpu.vector_load %arg6[%get3A_2036, %get3A_2037] {strides = array<i32>} : memref<5x512xi32, #tpu.memory_space<vmem>>, vector<16xi32>,
    %add3A_2039 = arith.addi %mul3A_1995, %get3A_2038 : vector<16xi32>
    %gather3A_2040 = tpu.vector_load_idx %arg8[%add3A_2039] : memref<2048xf32, #tpu.memory_space<vmem>>[vector<16xi32>], vector<16xf32>,
    %add3A_2041 = arith.constant 1024 : i32
    %add3A_2042 = vector.broadcast %add3A_2041 : i32 to vector<16xi32>
    %add3A_2043 = arith.addi %add3A_2039, %add3A_2042 : vector<16xi32>
    %gather3A_2044 = tpu.vector_load_idx %arg8[%add3A_2043] : memref<2048xf32, #tpu.memory_space<vmem>>[vector<16xi32>], vector<16xf32>,
    %mul3A_2045 = arith.mulf %get3A_1990, %gather3A_2040 : vector<16xf32>
    %mul3A_2046 = arith.mulf %get3A_1992, %gather3A_2044 : vector<16xf32>
    %add3A_2047 = arith.addf %mul3A_2045, %mul3A_2046 : vector<16xf32>
    %add3A_2048 = arith.addf %add3A_2008, %add3A_2021 : vector<16xf32>
    %add3A_2049 = arith.addf %add3A_2034, %add3A_2047 : vector<16xf32>
    %add3A_2050 = arith.addf %add3A_2048, %add3A_2049 : vector<16xf32>
    %div3A_2051 = arith.constant 1.000000e+00 : f32
    %div3A_2052 = vector.broadcast %div3A_2051 : f32 to vector<16xf32>
    %div3A_2053 = arith.divf %div3A_2052, %add3A_2050 : vector<16xf32>
    %mul3A_2054 = arith.mulf %add3A_2008, %div3A_2053 : vector<16xf32>
    %swap3A_2055 = arith.constant 1536 : index
    %swap3A_2056 = tpu.vector_load %arg9[%swap3A_2055] {strides = array<i32>} : memref<2048xf32, #tpu.memory_space<vmem>>, vector<16xf32>,
    tpu.vector_store %arg9[%swap3A_2055], %mul3A_2054 {strides = array<i32>} : memref<2048xf32, #tpu.memory_space<vmem>>, vector<16xf32>,
    %mul3A_2057 = arith.mulf %add3A_2021, %div3A_2053 : vector<16xf32>
    %swap3A_2058 = arith.constant 1664 : index
    %swap3A_2059 = tpu.vector_load %arg9[%swap3A_2058] {strides = array<i32>} : memref<2048xf32, #tpu.memory_space<vmem>>, vector<16xf32>,
    tpu.vector_store %arg9[%swap3A_2058], %mul3A_2057 {strides = array<i32>} : memref<2048xf32, #tpu.memory_space<vmem>>, vector<16xf32>,
    %mul3A_2060 = arith.mulf %add3A_2034, %div3A_2053 : vector<16xf32>
    %swap3A_2061 = arith.constant 1792 : index
    %swap3A_2062 = tpu.vector_load %arg9[%swap3A_2061] {strides = array<i32>} : memref<2048xf32, #tpu.memory_space<vmem>>, vector<16xf32>,
    tpu.vector_store %arg9[%swap3A_2061], %mul3A_2060 {strides = array<i32>} : memref<2048xf32, #tpu.memory_space<vmem>>, vector<16xf32>,
    %mul3A_2063 = arith.mulf %add3A_2047, %div3A_2053 : vector<16xf32>
    %swap3A_2064 = arith.constant 1920 : index
    %swap3A_2065 = tpu.vector_load %arg9[%swap3A_2064] {strides = array<i32>} : memref<2048xf32, #tpu.memory_space<vmem>>, vector<16xf32>,
    tpu.vector_store %arg9[%swap3A_2064], %mul3A_2063 {strides = array<i32>} : memref<2048xf32, #tpu.memory_space<vmem>>, vector<16xf32>,
    %get3A_2066 = arith.constant 0 : i32
    %get3A_2067 = arith.index_cast %get3A_2066 : i32 to index
    %get3A_2068 = arith.constant 400 : index
    %get3A_2069 = tpu.vector_load %arg6[%get3A_2067, %get3A_2068] {strides = array<i32>} : memref<5x512xi32, #tpu.memory_space<vmem>>, vector<16xi32>,
    %get3A_2070 = arith.constant 784 : index
    %get3A_2071 = tpu.vector_load %arg7[%get3A_2070] {strides = array<i32>} : memref<1024xf32, #tpu.memory_space<vmem>>, vector<16xf32>,
    %get3A_2072 = arith.constant 912 : index
    %get3A_2073 = tpu.vector_load %arg7[%get3A_2072] {strides = array<i32>} : memref<1024xf32, #tpu.memory_space<vmem>>, vector<16xf32>,
    %mul3A_2074 = arith.constant 32 : i32
    %mul3A_2075 = vector.broadcast %mul3A_2074 : i32 to vector<16xi32>
    %mul3A_2076 = arith.muli %get3A_2069, %mul3A_2075 : vector<16xi32>
    %get3A_2077 = arith.constant 1 : i32
    %get3A_2078 = arith.index_cast %get3A_2077 : i32 to index
    %get3A_2079 = arith.constant 400 : index
    %get3A_2080 = tpu.vector_load %arg6[%get3A_2078, %get3A_2079] {strides = array<i32>} : memref<5x512xi32, #tpu.memory_space<vmem>>, vector<16xi32>,
    %add3A_2081 = arith.addi %mul3A_2076, %get3A_2080 : vector<16xi32>
    %gather3A_2082 = tpu.vector_load_idx %arg8[%add3A_2081] : memref<2048xf32, #tpu.memory_space<vmem>>[vector<16xi32>], vector<16xf32>,
    %add3A_2083 = arith.constant 1024 : i32
    %add3A_2084 = vector.broadcast %add3A_2083 : i32 to vector<16xi32>
    %add3A_2085 = arith.addi %add3A_2081, %add3A_2084 : vector<16xi32>
    %gather3A_2086 = tpu.vector_load_idx %arg8[%add3A_2085] : memref<2048xf32, #tpu.memory_space<vmem>>[vector<16xi32>], vector<16xf32>,
    %mul3A_2087 = arith.mulf %get3A_2071, %gather3A_2082 : vector<16xf32>
    %mul3A_2088 = arith.mulf %get3A_2073, %gather3A_2086 : vector<16xf32>
    %add3A_2089 = arith.addf %mul3A_2087, %mul3A_2088 : vector<16xf32>
    %get3A_2090 = arith.constant 2 : i32
    %get3A_2091 = arith.index_cast %get3A_2090 : i32 to index
    %get3A_2092 = arith.constant 400 : index
    %get3A_2093 = tpu.vector_load %arg6[%get3A_2091, %get3A_2092] {strides = array<i32>} : memref<5x512xi32, #tpu.memory_space<vmem>>, vector<16xi32>,
    %add3A_2094 = arith.addi %mul3A_2076, %get3A_2093 : vector<16xi32>
    %gather3A_2095 = tpu.vector_load_idx %arg8[%add3A_2094] : memref<2048xf32, #tpu.memory_space<vmem>>[vector<16xi32>], vector<16xf32>,
    %add3A_2096 = arith.constant 1024 : i32
    %add3A_2097 = vector.broadcast %add3A_2096 : i32 to vector<16xi32>
    %add3A_2098 = arith.addi %add3A_2094, %add3A_2097 : vector<16xi32>
    %gather3A_2099 = tpu.vector_load_idx %arg8[%add3A_2098] : memref<2048xf32, #tpu.memory_space<vmem>>[vector<16xi32>], vector<16xf32>,
    %mul3A_2100 = arith.mulf %get3A_2071, %gather3A_2095 : vector<16xf32>
    %mul3A_2101 = arith.mulf %get3A_2073, %gather3A_2099 : vector<16xf32>
    %add3A_2102 = arith.addf %mul3A_2100, %mul3A_2101 : vector<16xf32>
    %get3A_2103 = arith.constant 3 : i32
    %get3A_2104 = arith.index_cast %get3A_2103 : i32 to index
    %get3A_2105 = arith.constant 400 : index
    %get3A_2106 = tpu.vector_load %arg6[%get3A_2104, %get3A_2105] {strides = array<i32>} : memref<5x512xi32, #tpu.memory_space<vmem>>, vector<16xi32>,
    %add3A_2107 = arith.addi %mul3A_2076, %get3A_2106 : vector<16xi32>
    %gather3A_2108 = tpu.vector_load_idx %arg8[%add3A_2107] : memref<2048xf32, #tpu.memory_space<vmem>>[vector<16xi32>], vector<16xf32>,
    %add3A_2109 = arith.constant 1024 : i32
    %add3A_2110 = vector.broadcast %add3A_2109 : i32 to vector<16xi32>
    %add3A_2111 = arith.addi %add3A_2107, %add3A_2110 : vector<16xi32>
    %gather3A_2112 = tpu.vector_load_idx %arg8[%add3A_2111] : memref<2048xf32, #tpu.memory_space<vmem>>[vector<16xi32>], vector<16xf32>,
    %mul3A_2113 = arith.mulf %get3A_2071, %gather3A_2108 : vector<16xf32>
    %mul3A_2114 = arith.mulf %get3A_2073, %gather3A_2112 : vector<16xf32>
    %add3A_2115 = arith.addf %mul3A_2113, %mul3A_2114 : vector<16xf32>
    %get3A_2116 = arith.constant 4 : i32
    %get3A_2117 = arith.index_cast %get3A_2116 : i32 to index
    %get3A_2118 = arith.constant 400 : index
    %get3A_2119 = tpu.vector_load %arg6[%get3A_2117, %get3A_2118] {strides = array<i32>} : memref<5x512xi32, #tpu.memory_space<vmem>>, vector<16xi32>,
    %add3A_2120 = arith.addi %mul3A_2076, %get3A_2119 : vector<16xi32>
    %gather3A_2121 = tpu.vector_load_idx %arg8[%add3A_2120] : memref<2048xf32, #tpu.memory_space<vmem>>[vector<16xi32>], vector<16xf32>,
    %add3A_2122 = arith.constant 1024 : i32
    %add3A_2123 = vector.broadcast %add3A_2122 : i32 to vector<16xi32>
    %add3A_2124 = arith.addi %add3A_2120, %add3A_2123 : vector<16xi32>
    %gather3A_2125 = tpu.vector_load_idx %arg8[%add3A_2124] : memref<2048xf32, #tpu.memory_space<vmem>>[vector<16xi32>], vector<16xf32>,
    %mul3A_2126 = arith.mulf %get3A_2071, %gather3A_2121 : vector<16xf32>
    %mul3A_2127 = arith.mulf %get3A_2073, %gather3A_2125 : vector<16xf32>
    %add3A_2128 = arith.addf %mul3A_2126, %mul3A_2127 : vector<16xf32>
    %add3A_2129 = arith.addf %add3A_2089, %add3A_2102 : vector<16xf32>
    %add3A_2130 = arith.addf %add3A_2115, %add3A_2128 : vector<16xf32>
    %add3A_2131 = arith.addf %add3A_2129, %add3A_2130 : vector<16xf32>
    %div3A_2132 = arith.constant 1.000000e+00 : f32
    %div3A_2133 = vector.broadcast %div3A_2132 : f32 to vector<16xf32>
    %div3A_2134 = arith.divf %div3A_2133, %add3A_2131 : vector<16xf32>
    %mul3A_2135 = arith.mulf %add3A_2089, %div3A_2134 : vector<16xf32>
    %swap3A_2136 = arith.constant 1552 : index
    %swap3A_2137 = tpu.vector_load %arg9[%swap3A_2136] {strides = array<i32>} : memref<2048xf32, #tpu.memory_space<vmem>>, vector<16xf32>,
    tpu.vector_store %arg9[%swap3A_2136], %mul3A_2135 {strides = array<i32>} : memref<2048xf32, #tpu.memory_space<vmem>>, vector<16xf32>,
    %mul3A_2138 = arith.mulf %add3A_2102, %div3A_2134 : vector<16xf32>
    %swap3A_2139 = arith.constant 1680 : index
    %swap3A_2140 = tpu.vector_load %arg9[%swap3A_2139] {strides = array<i32>} : memref<2048xf32, #tpu.memory_space<vmem>>, vector<16xf32>,
    tpu.vector_store %arg9[%swap3A_2139], %mul3A_2138 {strides = array<i32>} : memref<2048xf32, #tpu.memory_space<vmem>>, vector<16xf32>,
    %mul3A_2141 = arith.mulf %add3A_2115, %div3A_2134 : vector<16xf32>
    %swap3A_2142 = arith.constant 1808 : index
    %swap3A_2143 = tpu.vector_load %arg9[%swap3A_2142] {strides = array<i32>} : memref<2048xf32, #tpu.memory_space<vmem>>, vector<16xf32>,
    tpu.vector_store %arg9[%swap3A_2142], %mul3A_2141 {strides = array<i32>} : memref<2048xf32, #tpu.memory_space<vmem>>, vector<16xf32>,
    %mul3A_2144 = arith.mulf %add3A_2128, %div3A_2134 : vector<16xf32>
    %swap3A_2145 = arith.constant 1936 : index
    %swap3A_2146 = tpu.vector_load %arg9[%swap3A_2145] {strides = array<i32>} : memref<2048xf32, #tpu.memory_space<vmem>>, vector<16xf32>,
    tpu.vector_store %arg9[%swap3A_2145], %mul3A_2144 {strides = array<i32>} : memref<2048xf32, #tpu.memory_space<vmem>>, vector<16xf32>,
    %get3A_2147 = arith.constant 0 : i32
    %get3A_2148 = arith.index_cast %get3A_2147 : i32 to index
    %get3A_2149 = arith.constant 416 : index
    %get3A_2150 = tpu.vector_load %arg6[%get3A_2148, %get3A_2149] {strides = array<i32>} : memref<5x512xi32, #tpu.memory_space<vmem>>, vector<16xi32>,
    %get3A_2151 = arith.constant 800 : index
    %get3A_2152 = tpu.vector_load %arg7[%get3A_2151] {strides = array<i32>} : memref<1024xf32, #tpu.memory_space<vmem>>, vector<16xf32>,
    %get3A_2153 = arith.constant 928 : index
    %get3A_2154 = tpu.vector_load %arg7[%get3A_2153] {strides = array<i32>} : memref<1024xf32, #tpu.memory_space<vmem>>, vector<16xf32>,
    %mul3A_2155 = arith.constant 32 : i32
    %mul3A_2156 = vector.broadcast %mul3A_2155 : i32 to vector<16xi32>
    %mul3A_2157 = arith.muli %get3A_2150, %mul3A_2156 : vector<16xi32>
    %get3A_2158 = arith.constant 1 : i32
    %get3A_2159 = arith.index_cast %get3A_2158 : i32 to index
    %get3A_2160 = arith.constant 416 : index
    %get3A_2161 = tpu.vector_load %arg6[%get3A_2159, %get3A_2160] {strides = array<i32>} : memref<5x512xi32, #tpu.memory_space<vmem>>, vector<16xi32>,
    %add3A_2162 = arith.addi %mul3A_2157, %get3A_2161 : vector<16xi32>
    %gather3A_2163 = tpu.vector_load_idx %arg8[%add3A_2162] : memref<2048xf32, #tpu.memory_space<vmem>>[vector<16xi32>], vector<16xf32>,
    %add3A_2164 = arith.constant 1024 : i32
    %add3A_2165 = vector.broadcast %add3A_2164 : i32 to vector<16xi32>
    %add3A_2166 = arith.addi %add3A_2162, %add3A_2165 : vector<16xi32>
    %gather3A_2167 = tpu.vector_load_idx %arg8[%add3A_2166] : memref<2048xf32, #tpu.memory_space<vmem>>[vector<16xi32>], vector<16xf32>,
    %mul3A_2168 = arith.mulf %get3A_2152, %gather3A_2163 : vector<16xf32>
    %mul3A_2169 = arith.mulf %get3A_2154, %gather3A_2167 : vector<16xf32>
    %add3A_2170 = arith.addf %mul3A_2168, %mul3A_2169 : vector<16xf32>
    %get3A_2171 = arith.constant 2 : i32
    %get3A_2172 = arith.index_cast %get3A_2171 : i32 to index
    %get3A_2173 = arith.constant 416 : index
    %get3A_2174 = tpu.vector_load %arg6[%get3A_2172, %get3A_2173] {strides = array<i32>} : memref<5x512xi32, #tpu.memory_space<vmem>>, vector<16xi32>,
    %add3A_2175 = arith.addi %mul3A_2157, %get3A_2174 : vector<16xi32>
    %gather3A_2176 = tpu.vector_load_idx %arg8[%add3A_2175] : memref<2048xf32, #tpu.memory_space<vmem>>[vector<16xi32>], vector<16xf32>,
    %add3A_2177 = arith.constant 1024 : i32
    %add3A_2178 = vector.broadcast %add3A_2177 : i32 to vector<16xi32>
    %add3A_2179 = arith.addi %add3A_2175, %add3A_2178 : vector<16xi32>
    %gather3A_2180 = tpu.vector_load_idx %arg8[%add3A_2179] : memref<2048xf32, #tpu.memory_space<vmem>>[vector<16xi32>], vector<16xf32>,
    %mul3A_2181 = arith.mulf %get3A_2152, %gather3A_2176 : vector<16xf32>
    %mul3A_2182 = arith.mulf %get3A_2154, %gather3A_2180 : vector<16xf32>
    %add3A_2183 = arith.addf %mul3A_2181, %mul3A_2182 : vector<16xf32>
    %get3A_2184 = arith.constant 3 : i32
    %get3A_2185 = arith.index_cast %get3A_2184 : i32 to index
    %get3A_2186 = arith.constant 416 : index
    %get3A_2187 = tpu.vector_load %arg6[%get3A_2185, %get3A_2186] {strides = array<i32>} : memref<5x512xi32, #tpu.memory_space<vmem>>, vector<16xi32>,
    %add3A_2188 = arith.addi %mul3A_2157, %get3A_2187 : vector<16xi32>
    %gather3A_2189 = tpu.vector_load_idx %arg8[%add3A_2188] : memref<2048xf32, #tpu.memory_space<vmem>>[vector<16xi32>], vector<16xf32>,
    %add3A_2190 = arith.constant 1024 : i32
    %add3A_2191 = vector.broadcast %add3A_2190 : i32 to vector<16xi32>
    %add3A_2192 = arith.addi %add3A_2188, %add3A_2191 : vector<16xi32>
    %gather3A_2193 = tpu.vector_load_idx %arg8[%add3A_2192] : memref<2048xf32, #tpu.memory_space<vmem>>[vector<16xi32>], vector<16xf32>,
    %mul3A_2194 = arith.mulf %get3A_2152, %gather3A_2189 : vector<16xf32>
    %mul3A_2195 = arith.mulf %get3A_2154, %gather3A_2193 : vector<16xf32>
    %add3A_2196 = arith.addf %mul3A_2194, %mul3A_2195 : vector<16xf32>
    %get3A_2197 = arith.constant 4 : i32
    %get3A_2198 = arith.index_cast %get3A_2197 : i32 to index
    %get3A_2199 = arith.constant 416 : index
    %get3A_2200 = tpu.vector_load %arg6[%get3A_2198, %get3A_2199] {strides = array<i32>} : memref<5x512xi32, #tpu.memory_space<vmem>>, vector<16xi32>,
    %add3A_2201 = arith.addi %mul3A_2157, %get3A_2200 : vector<16xi32>
    %gather3A_2202 = tpu.vector_load_idx %arg8[%add3A_2201] : memref<2048xf32, #tpu.memory_space<vmem>>[vector<16xi32>], vector<16xf32>,
    %add3A_2203 = arith.constant 1024 : i32
    %add3A_2204 = vector.broadcast %add3A_2203 : i32 to vector<16xi32>
    %add3A_2205 = arith.addi %add3A_2201, %add3A_2204 : vector<16xi32>
    %gather3A_2206 = tpu.vector_load_idx %arg8[%add3A_2205] : memref<2048xf32, #tpu.memory_space<vmem>>[vector<16xi32>], vector<16xf32>,
    %mul3A_2207 = arith.mulf %get3A_2152, %gather3A_2202 : vector<16xf32>
    %mul3A_2208 = arith.mulf %get3A_2154, %gather3A_2206 : vector<16xf32>
    %add3A_2209 = arith.addf %mul3A_2207, %mul3A_2208 : vector<16xf32>
    %add3A_2210 = arith.addf %add3A_2170, %add3A_2183 : vector<16xf32>
    %add3A_2211 = arith.addf %add3A_2196, %add3A_2209 : vector<16xf32>
    %add3A_2212 = arith.addf %add3A_2210, %add3A_2211 : vector<16xf32>
    %div3A_2213 = arith.constant 1.000000e+00 : f32
    %div3A_2214 = vector.broadcast %div3A_2213 : f32 to vector<16xf32>
    %div3A_2215 = arith.divf %div3A_2214, %add3A_2212 : vector<16xf32>
    %mul3A_2216 = arith.mulf %add3A_2170, %div3A_2215 : vector<16xf32>
    %swap3A_2217 = arith.constant 1568 : index
    %swap3A_2218 = tpu.vector_load %arg9[%swap3A_2217] {strides = array<i32>} : memref<2048xf32, #tpu.memory_space<vmem>>, vector<16xf32>,
    tpu.vector_store %arg9[%swap3A_2217], %mul3A_2216 {strides = array<i32>} : memref<2048xf32, #tpu.memory_space<vmem>>, vector<16xf32>,
    %mul3A_2219 = arith.mulf %add3A_2183, %div3A_2215 : vector<16xf32>
    %swap3A_2220 = arith.constant 1696 : index
    %swap3A_2221 = tpu.vector_load %arg9[%swap3A_2220] {strides = array<i32>} : memref<2048xf32, #tpu.memory_space<vmem>>, vector<16xf32>,
    tpu.vector_store %arg9[%swap3A_2220], %mul3A_2219 {strides = array<i32>} : memref<2048xf32, #tpu.memory_space<vmem>>, vector<16xf32>,
    %mul3A_2222 = arith.mulf %add3A_2196, %div3A_2215 : vector<16xf32>
    %swap3A_2223 = arith.constant 1824 : index
    %swap3A_2224 = tpu.vector_load %arg9[%swap3A_2223] {strides = array<i32>} : memref<2048xf32, #tpu.memory_space<vmem>>, vector<16xf32>,
    tpu.vector_store %arg9[%swap3A_2223], %mul3A_2222 {strides = array<i32>} : memref<2048xf32, #tpu.memory_space<vmem>>, vector<16xf32>,
    %mul3A_2225 = arith.mulf %add3A_2209, %div3A_2215 : vector<16xf32>
    %swap3A_2226 = arith.constant 1952 : index
    %swap3A_2227 = tpu.vector_load %arg9[%swap3A_2226] {strides = array<i32>} : memref<2048xf32, #tpu.memory_space<vmem>>, vector<16xf32>,
    tpu.vector_store %arg9[%swap3A_2226], %mul3A_2225 {strides = array<i32>} : memref<2048xf32, #tpu.memory_space<vmem>>, vector<16xf32>,
    %get3A_2228 = arith.constant 0 : i32
    %get3A_2229 = arith.index_cast %get3A_2228 : i32 to index
    %get3A_2230 = arith.constant 432 : index
    %get3A_2231 = tpu.vector_load %arg6[%get3A_2229, %get3A_2230] {strides = array<i32>} : memref<5x512xi32, #tpu.memory_space<vmem>>, vector<16xi32>,
    %get3A_2232 = arith.constant 816 : index
    %get3A_2233 = tpu.vector_load %arg7[%get3A_2232] {strides = array<i32>} : memref<1024xf32, #tpu.memory_space<vmem>>, vector<16xf32>,
    %get3A_2234 = arith.constant 944 : index
    %get3A_2235 = tpu.vector_load %arg7[%get3A_2234] {strides = array<i32>} : memref<1024xf32, #tpu.memory_space<vmem>>, vector<16xf32>,
    %mul3A_2236 = arith.constant 32 : i32
    %mul3A_2237 = vector.broadcast %mul3A_2236 : i32 to vector<16xi32>
    %mul3A_2238 = arith.muli %get3A_2231, %mul3A_2237 : vector<16xi32>
    %get3A_2239 = arith.constant 1 : i32
    %get3A_2240 = arith.index_cast %get3A_2239 : i32 to index
    %get3A_2241 = arith.constant 432 : index
    %get3A_2242 = tpu.vector_load %arg6[%get3A_2240, %get3A_2241] {strides = array<i32>} : memref<5x512xi32, #tpu.memory_space<vmem>>, vector<16xi32>,
    %add3A_2243 = arith.addi %mul3A_2238, %get3A_2242 : vector<16xi32>
    %gather3A_2244 = tpu.vector_load_idx %arg8[%add3A_2243] : memref<2048xf32, #tpu.memory_space<vmem>>[vector<16xi32>], vector<16xf32>,
    %add3A_2245 = arith.constant 1024 : i32
    %add3A_2246 = vector.broadcast %add3A_2245 : i32 to vector<16xi32>
    %add3A_2247 = arith.addi %add3A_2243, %add3A_2246 : vector<16xi32>
    %gather3A_2248 = tpu.vector_load_idx %arg8[%add3A_2247] : memref<2048xf32, #tpu.memory_space<vmem>>[vector<16xi32>], vector<16xf32>,
    %mul3A_2249 = arith.mulf %get3A_2233, %gather3A_2244 : vector<16xf32>
    %mul3A_2250 = arith.mulf %get3A_2235, %gather3A_2248 : vector<16xf32>
    %add3A_2251 = arith.addf %mul3A_2249, %mul3A_2250 : vector<16xf32>
    %get3A_2252 = arith.constant 2 : i32
    %get3A_2253 = arith.index_cast %get3A_2252 : i32 to index
    %get3A_2254 = arith.constant 432 : index
    %get3A_2255 = tpu.vector_load %arg6[%get3A_2253, %get3A_2254] {strides = array<i32>} : memref<5x512xi32, #tpu.memory_space<vmem>>, vector<16xi32>,
    %add3A_2256 = arith.addi %mul3A_2238, %get3A_2255 : vector<16xi32>
    %gather3A_2257 = tpu.vector_load_idx %arg8[%add3A_2256] : memref<2048xf32, #tpu.memory_space<vmem>>[vector<16xi32>], vector<16xf32>,
    %add3A_2258 = arith.constant 1024 : i32
    %add3A_2259 = vector.broadcast %add3A_2258 : i32 to vector<16xi32>
    %add3A_2260 = arith.addi %add3A_2256, %add3A_2259 : vector<16xi32>
    %gather3A_2261 = tpu.vector_load_idx %arg8[%add3A_2260] : memref<2048xf32, #tpu.memory_space<vmem>>[vector<16xi32>], vector<16xf32>,
    %mul3A_2262 = arith.mulf %get3A_2233, %gather3A_2257 : vector<16xf32>
    %mul3A_2263 = arith.mulf %get3A_2235, %gather3A_2261 : vector<16xf32>
    %add3A_2264 = arith.addf %mul3A_2262, %mul3A_2263 : vector<16xf32>
    %get3A_2265 = arith.constant 3 : i32
    %get3A_2266 = arith.index_cast %get3A_2265 : i32 to index
    %get3A_2267 = arith.constant 432 : index
    %get3A_2268 = tpu.vector_load %arg6[%get3A_2266, %get3A_2267] {strides = array<i32>} : memref<5x512xi32, #tpu.memory_space<vmem>>, vector<16xi32>,
    %add3A_2269 = arith.addi %mul3A_2238, %get3A_2268 : vector<16xi32>
    %gather3A_2270 = tpu.vector_load_idx %arg8[%add3A_2269] : memref<2048xf32, #tpu.memory_space<vmem>>[vector<16xi32>], vector<16xf32>,
    %add3A_2271 = arith.constant 1024 : i32
    %add3A_2272 = vector.broadcast %add3A_2271 : i32 to vector<16xi32>
    %add3A_2273 = arith.addi %add3A_2269, %add3A_2272 : vector<16xi32>
    %gather3A_2274 = tpu.vector_load_idx %arg8[%add3A_2273] : memref<2048xf32, #tpu.memory_space<vmem>>[vector<16xi32>], vector<16xf32>,
    %mul3A_2275 = arith.mulf %get3A_2233, %gather3A_2270 : vector<16xf32>
    %mul3A_2276 = arith.mulf %get3A_2235, %gather3A_2274 : vector<16xf32>
    %add3A_2277 = arith.addf %mul3A_2275, %mul3A_2276 : vector<16xf32>
    %get3A_2278 = arith.constant 4 : i32
    %get3A_2279 = arith.index_cast %get3A_2278 : i32 to index
    %get3A_2280 = arith.constant 432 : index
    %get3A_2281 = tpu.vector_load %arg6[%get3A_2279, %get3A_2280] {strides = array<i32>} : memref<5x512xi32, #tpu.memory_space<vmem>>, vector<16xi32>,
    %add3A_2282 = arith.addi %mul3A_2238, %get3A_2281 : vector<16xi32>
    %gather3A_2283 = tpu.vector_load_idx %arg8[%add3A_2282] : memref<2048xf32, #tpu.memory_space<vmem>>[vector<16xi32>], vector<16xf32>,
    %add3A_2284 = arith.constant 1024 : i32
    %add3A_2285 = vector.broadcast %add3A_2284 : i32 to vector<16xi32>
    %add3A_2286 = arith.addi %add3A_2282, %add3A_2285 : vector<16xi32>
    %gather3A_2287 = tpu.vector_load_idx %arg8[%add3A_2286] : memref<2048xf32, #tpu.memory_space<vmem>>[vector<16xi32>], vector<16xf32>,
    %mul3A_2288 = arith.mulf %get3A_2233, %gather3A_2283 : vector<16xf32>
    %mul3A_2289 = arith.mulf %get3A_2235, %gather3A_2287 : vector<16xf32>
    %add3A_2290 = arith.addf %mul3A_2288, %mul3A_2289 : vector<16xf32>
    %add3A_2291 = arith.addf %add3A_2251, %add3A_2264 : vector<16xf32>
    %add3A_2292 = arith.addf %add3A_2277, %add3A_2290 : vector<16xf32>
    %add3A_2293 = arith.addf %add3A_2291, %add3A_2292 : vector<16xf32>
    %div3A_2294 = arith.constant 1.000000e+00 : f32
    %div3A_2295 = vector.broadcast %div3A_2294 : f32 to vector<16xf32>
    %div3A_2296 = arith.divf %div3A_2295, %add3A_2293 : vector<16xf32>
    %mul3A_2297 = arith.mulf %add3A_2251, %div3A_2296 : vector<16xf32>
    %swap3A_2298 = arith.constant 1584 : index
    %swap3A_2299 = tpu.vector_load %arg9[%swap3A_2298] {strides = array<i32>} : memref<2048xf32, #tpu.memory_space<vmem>>, vector<16xf32>,
    tpu.vector_store %arg9[%swap3A_2298], %mul3A_2297 {strides = array<i32>} : memref<2048xf32, #tpu.memory_space<vmem>>, vector<16xf32>,
    %mul3A_2300 = arith.mulf %add3A_2264, %div3A_2296 : vector<16xf32>
    %swap3A_2301 = arith.constant 1712 : index
    %swap3A_2302 = tpu.vector_load %arg9[%swap3A_2301] {strides = array<i32>} : memref<2048xf32, #tpu.memory_space<vmem>>, vector<16xf32>,
    tpu.vector_store %arg9[%swap3A_2301], %mul3A_2300 {strides = array<i32>} : memref<2048xf32, #tpu.memory_space<vmem>>, vector<16xf32>,
    %mul3A_2303 = arith.mulf %add3A_2277, %div3A_2296 : vector<16xf32>
    %swap3A_2304 = arith.constant 1840 : index
    %swap3A_2305 = tpu.vector_load %arg9[%swap3A_2304] {strides = array<i32>} : memref<2048xf32, #tpu.memory_space<vmem>>, vector<16xf32>,
    tpu.vector_store %arg9[%swap3A_2304], %mul3A_2303 {strides = array<i32>} : memref<2048xf32, #tpu.memory_space<vmem>>, vector<16xf32>,
    %mul3A_2306 = arith.mulf %add3A_2290, %div3A_2296 : vector<16xf32>
    %swap3A_2307 = arith.constant 1968 : index
    %swap3A_2308 = tpu.vector_load %arg9[%swap3A_2307] {strides = array<i32>} : memref<2048xf32, #tpu.memory_space<vmem>>, vector<16xf32>,
    tpu.vector_store %arg9[%swap3A_2307], %mul3A_2306 {strides = array<i32>} : memref<2048xf32, #tpu.memory_space<vmem>>, vector<16xf32>,
    %get3A_2309 = arith.constant 0 : i32
    %get3A_2310 = arith.index_cast %get3A_2309 : i32 to index
    %get3A_2311 = arith.constant 448 : index
    %get3A_2312 = tpu.vector_load %arg6[%get3A_2310, %get3A_2311] {strides = array<i32>} : memref<5x512xi32, #tpu.memory_space<vmem>>, vector<16xi32>,
    %get3A_2313 = arith.constant 832 : index
    %get3A_2314 = tpu.vector_load %arg7[%get3A_2313] {strides = array<i32>} : memref<1024xf32, #tpu.memory_space<vmem>>, vector<16xf32>,
    %get3A_2315 = arith.constant 960 : index
    %get3A_2316 = tpu.vector_load %arg7[%get3A_2315] {strides = array<i32>} : memref<1024xf32, #tpu.memory_space<vmem>>, vector<16xf32>,
    %mul3A_2317 = arith.constant 32 : i32
    %mul3A_2318 = vector.broadcast %mul3A_2317 : i32 to vector<16xi32>
    %mul3A_2319 = arith.muli %get3A_2312, %mul3A_2318 : vector<16xi32>
    %get3A_2320 = arith.constant 1 : i32
    %get3A_2321 = arith.index_cast %get3A_2320 : i32 to index
    %get3A_2322 = arith.constant 448 : index
    %get3A_2323 = tpu.vector_load %arg6[%get3A_2321, %get3A_2322] {strides = array<i32>} : memref<5x512xi32, #tpu.memory_space<vmem>>, vector<16xi32>,
    %add3A_2324 = arith.addi %mul3A_2319, %get3A_2323 : vector<16xi32>
    %gather3A_2325 = tpu.vector_load_idx %arg8[%add3A_2324] : memref<2048xf32, #tpu.memory_space<vmem>>[vector<16xi32>], vector<16xf32>,
    %add3A_2326 = arith.constant 1024 : i32
    %add3A_2327 = vector.broadcast %add3A_2326 : i32 to vector<16xi32>
    %add3A_2328 = arith.addi %add3A_2324, %add3A_2327 : vector<16xi32>
    %gather3A_2329 = tpu.vector_load_idx %arg8[%add3A_2328] : memref<2048xf32, #tpu.memory_space<vmem>>[vector<16xi32>], vector<16xf32>,
    %mul3A_2330 = arith.mulf %get3A_2314, %gather3A_2325 : vector<16xf32>
    %mul3A_2331 = arith.mulf %get3A_2316, %gather3A_2329 : vector<16xf32>
    %add3A_2332 = arith.addf %mul3A_2330, %mul3A_2331 : vector<16xf32>
    %get3A_2333 = arith.constant 2 : i32
    %get3A_2334 = arith.index_cast %get3A_2333 : i32 to index
    %get3A_2335 = arith.constant 448 : index
    %get3A_2336 = tpu.vector_load %arg6[%get3A_2334, %get3A_2335] {strides = array<i32>} : memref<5x512xi32, #tpu.memory_space<vmem>>, vector<16xi32>,
    %add3A_2337 = arith.addi %mul3A_2319, %get3A_2336 : vector<16xi32>
    %gather3A_2338 = tpu.vector_load_idx %arg8[%add3A_2337] : memref<2048xf32, #tpu.memory_space<vmem>>[vector<16xi32>], vector<16xf32>,
    %add3A_2339 = arith.constant 1024 : i32
    %add3A_2340 = vector.broadcast %add3A_2339 : i32 to vector<16xi32>
    %add3A_2341 = arith.addi %add3A_2337, %add3A_2340 : vector<16xi32>
    %gather3A_2342 = tpu.vector_load_idx %arg8[%add3A_2341] : memref<2048xf32, #tpu.memory_space<vmem>>[vector<16xi32>], vector<16xf32>,
    %mul3A_2343 = arith.mulf %get3A_2314, %gather3A_2338 : vector<16xf32>
    %mul3A_2344 = arith.mulf %get3A_2316, %gather3A_2342 : vector<16xf32>
    %add3A_2345 = arith.addf %mul3A_2343, %mul3A_2344 : vector<16xf32>
    %get3A_2346 = arith.constant 3 : i32
    %get3A_2347 = arith.index_cast %get3A_2346 : i32 to index
    %get3A_2348 = arith.constant 448 : index
    %get3A_2349 = tpu.vector_load %arg6[%get3A_2347, %get3A_2348] {strides = array<i32>} : memref<5x512xi32, #tpu.memory_space<vmem>>, vector<16xi32>,
    %add3A_2350 = arith.addi %mul3A_2319, %get3A_2349 : vector<16xi32>
    %gather3A_2351 = tpu.vector_load_idx %arg8[%add3A_2350] : memref<2048xf32, #tpu.memory_space<vmem>>[vector<16xi32>], vector<16xf32>,
    %add3A_2352 = arith.constant 1024 : i32
    %add3A_2353 = vector.broadcast %add3A_2352 : i32 to vector<16xi32>
    %add3A_2354 = arith.addi %add3A_2350, %add3A_2353 : vector<16xi32>
    %gather3A_2355 = tpu.vector_load_idx %arg8[%add3A_2354] : memref<2048xf32, #tpu.memory_space<vmem>>[vector<16xi32>], vector<16xf32>,
    %mul3A_2356 = arith.mulf %get3A_2314, %gather3A_2351 : vector<16xf32>
    %mul3A_2357 = arith.mulf %get3A_2316, %gather3A_2355 : vector<16xf32>
    %add3A_2358 = arith.addf %mul3A_2356, %mul3A_2357 : vector<16xf32>
    %get3A_2359 = arith.constant 4 : i32
    %get3A_2360 = arith.index_cast %get3A_2359 : i32 to index
    %get3A_2361 = arith.constant 448 : index
    %get3A_2362 = tpu.vector_load %arg6[%get3A_2360, %get3A_2361] {strides = array<i32>} : memref<5x512xi32, #tpu.memory_space<vmem>>, vector<16xi32>,
    %add3A_2363 = arith.addi %mul3A_2319, %get3A_2362 : vector<16xi32>
    %gather3A_2364 = tpu.vector_load_idx %arg8[%add3A_2363] : memref<2048xf32, #tpu.memory_space<vmem>>[vector<16xi32>], vector<16xf32>,
    %add3A_2365 = arith.constant 1024 : i32
    %add3A_2366 = vector.broadcast %add3A_2365 : i32 to vector<16xi32>
    %add3A_2367 = arith.addi %add3A_2363, %add3A_2366 : vector<16xi32>
    %gather3A_2368 = tpu.vector_load_idx %arg8[%add3A_2367] : memref<2048xf32, #tpu.memory_space<vmem>>[vector<16xi32>], vector<16xf32>,
    %mul3A_2369 = arith.mulf %get3A_2314, %gather3A_2364 : vector<16xf32>
    %mul3A_2370 = arith.mulf %get3A_2316, %gather3A_2368 : vector<16xf32>
    %add3A_2371 = arith.addf %mul3A_2369, %mul3A_2370 : vector<16xf32>
    %add3A_2372 = arith.addf %add3A_2332, %add3A_2345 : vector<16xf32>
    %add3A_2373 = arith.addf %add3A_2358, %add3A_2371 : vector<16xf32>
    %add3A_2374 = arith.addf %add3A_2372, %add3A_2373 : vector<16xf32>
    %div3A_2375 = arith.constant 1.000000e+00 : f32
    %div3A_2376 = vector.broadcast %div3A_2375 : f32 to vector<16xf32>
    %div3A_2377 = arith.divf %div3A_2376, %add3A_2374 : vector<16xf32>
    %mul3A_2378 = arith.mulf %add3A_2332, %div3A_2377 : vector<16xf32>
    %swap3A_2379 = arith.constant 1600 : index
    %swap3A_2380 = tpu.vector_load %arg9[%swap3A_2379] {strides = array<i32>} : memref<2048xf32, #tpu.memory_space<vmem>>, vector<16xf32>,
    tpu.vector_store %arg9[%swap3A_2379], %mul3A_2378 {strides = array<i32>} : memref<2048xf32, #tpu.memory_space<vmem>>, vector<16xf32>,
    %mul3A_2381 = arith.mulf %add3A_2345, %div3A_2377 : vector<16xf32>
    %swap3A_2382 = arith.constant 1728 : index
    %swap3A_2383 = tpu.vector_load %arg9[%swap3A_2382] {strides = array<i32>} : memref<2048xf32, #tpu.memory_space<vmem>>, vector<16xf32>,
    tpu.vector_store %arg9[%swap3A_2382], %mul3A_2381 {strides = array<i32>} : memref<2048xf32, #tpu.memory_space<vmem>>, vector<16xf32>,
    %mul3A_2384 = arith.mulf %add3A_2358, %div3A_2377 : vector<16xf32>
    %swap3A_2385 = arith.constant 1856 : index
    %swap3A_2386 = tpu.vector_load %arg9[%swap3A_2385] {strides = array<i32>} : memref<2048xf32, #tpu.memory_space<vmem>>, vector<16xf32>,
    tpu.vector_store %arg9[%swap3A_2385], %mul3A_2384 {strides = array<i32>} : memref<2048xf32, #tpu.memory_space<vmem>>, vector<16xf32>,
    %mul3A_2387 = arith.mulf %add3A_2371, %div3A_2377 : vector<16xf32>
    %swap3A_2388 = arith.constant 1984 : index
    %swap3A_2389 = tpu.vector_load %arg9[%swap3A_2388] {strides = array<i32>} : memref<2048xf32, #tpu.memory_space<vmem>>, vector<16xf32>,
    tpu.vector_store %arg9[%swap3A_2388], %mul3A_2387 {strides = array<i32>} : memref<2048xf32, #tpu.memory_space<vmem>>, vector<16xf32>,
    %get3A_2390 = arith.constant 0 : i32
    %get3A_2391 = arith.index_cast %get3A_2390 : i32 to index
    %get3A_2392 = arith.constant 464 : index
    %get3A_2393 = tpu.vector_load %arg6[%get3A_2391, %get3A_2392] {strides = array<i32>} : memref<5x512xi32, #tpu.memory_space<vmem>>, vector<16xi32>,
    %get3A_2394 = arith.constant 848 : index
    %get3A_2395 = tpu.vector_load %arg7[%get3A_2394] {strides = array<i32>} : memref<1024xf32, #tpu.memory_space<vmem>>, vector<16xf32>,
    %get3A_2396 = arith.constant 976 : index
    %get3A_2397 = tpu.vector_load %arg7[%get3A_2396] {strides = array<i32>} : memref<1024xf32, #tpu.memory_space<vmem>>, vector<16xf32>,
    %mul3A_2398 = arith.constant 32 : i32
    %mul3A_2399 = vector.broadcast %mul3A_2398 : i32 to vector<16xi32>
    %mul3A_2400 = arith.muli %get3A_2393, %mul3A_2399 : vector<16xi32>
    %get3A_2401 = arith.constant 1 : i32
    %get3A_2402 = arith.index_cast %get3A_2401 : i32 to index
    %get3A_2403 = arith.constant 464 : index
    %get3A_2404 = tpu.vector_load %arg6[%get3A_2402, %get3A_2403] {strides = array<i32>} : memref<5x512xi32, #tpu.memory_space<vmem>>, vector<16xi32>,
    %add3A_2405 = arith.addi %mul3A_2400, %get3A_2404 : vector<16xi32>
    %gather3A_2406 = tpu.vector_load_idx %arg8[%add3A_2405] : memref<2048xf32, #tpu.memory_space<vmem>>[vector<16xi32>], vector<16xf32>,
    %add3A_2407 = arith.constant 1024 : i32
    %add3A_2408 = vector.broadcast %add3A_2407 : i32 to vector<16xi32>
    %add3A_2409 = arith.addi %add3A_2405, %add3A_2408 : vector<16xi32>
    %gather3A_2410 = tpu.vector_load_idx %arg8[%add3A_2409] : memref<2048xf32, #tpu.memory_space<vmem>>[vector<16xi32>], vector<16xf32>,
    %mul3A_2411 = arith.mulf %get3A_2395, %gather3A_2406 : vector<16xf32>
    %mul3A_2412 = arith.mulf %get3A_2397, %gather3A_2410 : vector<16xf32>
    %add3A_2413 = arith.addf %mul3A_2411, %mul3A_2412 : vector<16xf32>
    %get3A_2414 = arith.constant 2 : i32
    %get3A_2415 = arith.index_cast %get3A_2414 : i32 to index
    %get3A_2416 = arith.constant 464 : index
    %get3A_2417 = tpu.vector_load %arg6[%get3A_2415, %get3A_2416] {strides = array<i32>} : memref<5x512xi32, #tpu.memory_space<vmem>>, vector<16xi32>,
    %add3A_2418 = arith.addi %mul3A_2400, %get3A_2417 : vector<16xi32>
    %gather3A_2419 = tpu.vector_load_idx %arg8[%add3A_2418] : memref<2048xf32, #tpu.memory_space<vmem>>[vector<16xi32>], vector<16xf32>,
    %add3A_2420 = arith.constant 1024 : i32
    %add3A_2421 = vector.broadcast %add3A_2420 : i32 to vector<16xi32>
    %add3A_2422 = arith.addi %add3A_2418, %add3A_2421 : vector<16xi32>
    %gather3A_2423 = tpu.vector_load_idx %arg8[%add3A_2422] : memref<2048xf32, #tpu.memory_space<vmem>>[vector<16xi32>], vector<16xf32>,
    %mul3A_2424 = arith.mulf %get3A_2395, %gather3A_2419 : vector<16xf32>
    %mul3A_2425 = arith.mulf %get3A_2397, %gather3A_2423 : vector<16xf32>
    %add3A_2426 = arith.addf %mul3A_2424, %mul3A_2425 : vector<16xf32>
    %get3A_2427 = arith.constant 3 : i32
    %get3A_2428 = arith.index_cast %get3A_2427 : i32 to index
    %get3A_2429 = arith.constant 464 : index
    %get3A_2430 = tpu.vector_load %arg6[%get3A_2428, %get3A_2429] {strides = array<i32>} : memref<5x512xi32, #tpu.memory_space<vmem>>, vector<16xi32>,
    %add3A_2431 = arith.addi %mul3A_2400, %get3A_2430 : vector<16xi32>
    %gather3A_2432 = tpu.vector_load_idx %arg8[%add3A_2431] : memref<2048xf32, #tpu.memory_space<vmem>>[vector<16xi32>], vector<16xf32>,
    %add3A_2433 = arith.constant 1024 : i32
    %add3A_2434 = vector.broadcast %add3A_2433 : i32 to vector<16xi32>
    %add3A_2435 = arith.addi %add3A_2431, %add3A_2434 : vector<16xi32>
    %gather3A_2436 = tpu.vector_load_idx %arg8[%add3A_2435] : memref<2048xf32, #tpu.memory_space<vmem>>[vector<16xi32>], vector<16xf32>,
    %mul3A_2437 = arith.mulf %get3A_2395, %gather3A_2432 : vector<16xf32>
    %mul3A_2438 = arith.mulf %get3A_2397, %gather3A_2436 : vector<16xf32>
    %add3A_2439 = arith.addf %mul3A_2437, %mul3A_2438 : vector<16xf32>
    %get3A_2440 = arith.constant 4 : i32
    %get3A_2441 = arith.index_cast %get3A_2440 : i32 to index
    %get3A_2442 = arith.constant 464 : index
    %get3A_2443 = tpu.vector_load %arg6[%get3A_2441, %get3A_2442] {strides = array<i32>} : memref<5x512xi32, #tpu.memory_space<vmem>>, vector<16xi32>,
    %add3A_2444 = arith.addi %mul3A_2400, %get3A_2443 : vector<16xi32>
    %gather3A_2445 = tpu.vector_load_idx %arg8[%add3A_2444] : memref<2048xf32, #tpu.memory_space<vmem>>[vector<16xi32>], vector<16xf32>,
    %add3A_2446 = arith.constant 1024 : i32
    %add3A_2447 = vector.broadcast %add3A_2446 : i32 to vector<16xi32>
    %add3A_2448 = arith.addi %add3A_2444, %add3A_2447 : vector<16xi32>
    %gather3A_2449 = tpu.vector_load_idx %arg8[%add3A_2448] : memref<2048xf32, #tpu.memory_space<vmem>>[vector<16xi32>], vector<16xf32>,
    %mul3A_2450 = arith.mulf %get3A_2395, %gather3A_2445 : vector<16xf32>
    %mul3A_2451 = arith.mulf %get3A_2397, %gather3A_2449 : vector<16xf32>
    %add3A_2452 = arith.addf %mul3A_2450, %mul3A_2451 : vector<16xf32>
    %add3A_2453 = arith.addf %add3A_2413, %add3A_2426 : vector<16xf32>
    %add3A_2454 = arith.addf %add3A_2439, %add3A_2452 : vector<16xf32>
    %add3A_2455 = arith.addf %add3A_2453, %add3A_2454 : vector<16xf32>
    %div3A_2456 = arith.constant 1.000000e+00 : f32
    %div3A_2457 = vector.broadcast %div3A_2456 : f32 to vector<16xf32>
    %div3A_2458 = arith.divf %div3A_2457, %add3A_2455 : vector<16xf32>
    %mul3A_2459 = arith.mulf %add3A_2413, %div3A_2458 : vector<16xf32>
    %swap3A_2460 = arith.constant 1616 : index
    %swap3A_2461 = tpu.vector_load %arg9[%swap3A_2460] {strides = array<i32>} : memref<2048xf32, #tpu.memory_space<vmem>>, vector<16xf32>,
    tpu.vector_store %arg9[%swap3A_2460], %mul3A_2459 {strides = array<i32>} : memref<2048xf32, #tpu.memory_space<vmem>>, vector<16xf32>,
    %mul3A_2462 = arith.mulf %add3A_2426, %div3A_2458 : vector<16xf32>
    %swap3A_2463 = arith.constant 1744 : index
    %swap3A_2464 = tpu.vector_load %arg9[%swap3A_2463] {strides = array<i32>} : memref<2048xf32, #tpu.memory_space<vmem>>, vector<16xf32>,
    tpu.vector_store %arg9[%swap3A_2463], %mul3A_2462 {strides = array<i32>} : memref<2048xf32, #tpu.memory_space<vmem>>, vector<16xf32>,
    %mul3A_2465 = arith.mulf %add3A_2439, %div3A_2458 : vector<16xf32>
    %swap3A_2466 = arith.constant 1872 : index
    %swap3A_2467 = tpu.vector_load %arg9[%swap3A_2466] {strides = array<i32>} : memref<2048xf32, #tpu.memory_space<vmem>>, vector<16xf32>,
    tpu.vector_store %arg9[%swap3A_2466], %mul3A_2465 {strides = array<i32>} : memref<2048xf32, #tpu.memory_space<vmem>>, vector<16xf32>,
    %mul3A_2468 = arith.mulf %add3A_2452, %div3A_2458 : vector<16xf32>
    %swap3A_2469 = arith.constant 2000 : index
    %swap3A_2470 = tpu.vector_load %arg9[%swap3A_2469] {strides = array<i32>} : memref<2048xf32, #tpu.memory_space<vmem>>, vector<16xf32>,
    tpu.vector_store %arg9[%swap3A_2469], %mul3A_2468 {strides = array<i32>} : memref<2048xf32, #tpu.memory_space<vmem>>, vector<16xf32>,
    %get3A_2471 = arith.constant 0 : i32
    %get3A_2472 = arith.index_cast %get3A_2471 : i32 to index
    %get3A_2473 = arith.constant 480 : index
    %get3A_2474 = tpu.vector_load %arg6[%get3A_2472, %get3A_2473] {strides = array<i32>} : memref<5x512xi32, #tpu.memory_space<vmem>>, vector<16xi32>,
    %get3A_2475 = arith.constant 864 : index
    %get3A_2476 = tpu.vector_load %arg7[%get3A_2475] {strides = array<i32>} : memref<1024xf32, #tpu.memory_space<vmem>>, vector<16xf32>,
    %get3A_2477 = arith.constant 992 : index
    %get3A_2478 = tpu.vector_load %arg7[%get3A_2477] {strides = array<i32>} : memref<1024xf32, #tpu.memory_space<vmem>>, vector<16xf32>,
    %mul3A_2479 = arith.constant 32 : i32
    %mul3A_2480 = vector.broadcast %mul3A_2479 : i32 to vector<16xi32>
    %mul3A_2481 = arith.muli %get3A_2474, %mul3A_2480 : vector<16xi32>
    %get3A_2482 = arith.constant 1 : i32
    %get3A_2483 = arith.index_cast %get3A_2482 : i32 to index
    %get3A_2484 = arith.constant 480 : index
    %get3A_2485 = tpu.vector_load %arg6[%get3A_2483, %get3A_2484] {strides = array<i32>} : memref<5x512xi32, #tpu.memory_space<vmem>>, vector<16xi32>,
    %add3A_2486 = arith.addi %mul3A_2481, %get3A_2485 : vector<16xi32>
    %gather3A_2487 = tpu.vector_load_idx %arg8[%add3A_2486] : memref<2048xf32, #tpu.memory_space<vmem>>[vector<16xi32>], vector<16xf32>,
    %add3A_2488 = arith.constant 1024 : i32
    %add3A_2489 = vector.broadcast %add3A_2488 : i32 to vector<16xi32>
    %add3A_2490 = arith.addi %add3A_2486, %add3A_2489 : vector<16xi32>
    %gather3A_2491 = tpu.vector_load_idx %arg8[%add3A_2490] : memref<2048xf32, #tpu.memory_space<vmem>>[vector<16xi32>], vector<16xf32>,
    %mul3A_2492 = arith.mulf %get3A_2476, %gather3A_2487 : vector<16xf32>
    %mul3A_2493 = arith.mulf %get3A_2478, %gather3A_2491 : vector<16xf32>
    %add3A_2494 = arith.addf %mul3A_2492, %mul3A_2493 : vector<16xf32>
    %get3A_2495 = arith.constant 2 : i32
    %get3A_2496 = arith.index_cast %get3A_2495 : i32 to index
    %get3A_2497 = arith.constant 480 : index
    %get3A_2498 = tpu.vector_load %arg6[%get3A_2496, %get3A_2497] {strides = array<i32>} : memref<5x512xi32, #tpu.memory_space<vmem>>, vector<16xi32>,
    %add3A_2499 = arith.addi %mul3A_2481, %get3A_2498 : vector<16xi32>
    %gather3A_2500 = tpu.vector_load_idx %arg8[%add3A_2499] : memref<2048xf32, #tpu.memory_space<vmem>>[vector<16xi32>], vector<16xf32>,
    %add3A_2501 = arith.constant 1024 : i32
    %add3A_2502 = vector.broadcast %add3A_2501 : i32 to vector<16xi32>
    %add3A_2503 = arith.addi %add3A_2499, %add3A_2502 : vector<16xi32>
    %gather3A_2504 = tpu.vector_load_idx %arg8[%add3A_2503] : memref<2048xf32, #tpu.memory_space<vmem>>[vector<16xi32>], vector<16xf32>,
    %mul3A_2505 = arith.mulf %get3A_2476, %gather3A_2500 : vector<16xf32>
    %mul3A_2506 = arith.mulf %get3A_2478, %gather3A_2504 : vector<16xf32>
    %add3A_2507 = arith.addf %mul3A_2505, %mul3A_2506 : vector<16xf32>
    %get3A_2508 = arith.constant 3 : i32
    %get3A_2509 = arith.index_cast %get3A_2508 : i32 to index
    %get3A_2510 = arith.constant 480 : index
    %get3A_2511 = tpu.vector_load %arg6[%get3A_2509, %get3A_2510] {strides = array<i32>} : memref<5x512xi32, #tpu.memory_space<vmem>>, vector<16xi32>,
    %add3A_2512 = arith.addi %mul3A_2481, %get3A_2511 : vector<16xi32>
    %gather3A_2513 = tpu.vector_load_idx %arg8[%add3A_2512] : memref<2048xf32, #tpu.memory_space<vmem>>[vector<16xi32>], vector<16xf32>,
    %add3A_2514 = arith.constant 1024 : i32
    %add3A_2515 = vector.broadcast %add3A_2514 : i32 to vector<16xi32>
    %add3A_2516 = arith.addi %add3A_2512, %add3A_2515 : vector<16xi32>
    %gather3A_2517 = tpu.vector_load_idx %arg8[%add3A_2516] : memref<2048xf32, #tpu.memory_space<vmem>>[vector<16xi32>], vector<16xf32>,
    %mul3A_2518 = arith.mulf %get3A_2476, %gather3A_2513 : vector<16xf32>
    %mul3A_2519 = arith.mulf %get3A_2478, %gather3A_2517 : vector<16xf32>
    %add3A_2520 = arith.addf %mul3A_2518, %mul3A_2519 : vector<16xf32>
    %get3A_2521 = arith.constant 4 : i32
    %get3A_2522 = arith.index_cast %get3A_2521 : i32 to index
    %get3A_2523 = arith.constant 480 : index
    %get3A_2524 = tpu.vector_load %arg6[%get3A_2522, %get3A_2523] {strides = array<i32>} : memref<5x512xi32, #tpu.memory_space<vmem>>, vector<16xi32>,
    %add3A_2525 = arith.addi %mul3A_2481, %get3A_2524 : vector<16xi32>
    %gather3A_2526 = tpu.vector_load_idx %arg8[%add3A_2525] : memref<2048xf32, #tpu.memory_space<vmem>>[vector<16xi32>], vector<16xf32>,
    %add3A_2527 = arith.constant 1024 : i32
    %add3A_2528 = vector.broadcast %add3A_2527 : i32 to vector<16xi32>
    %add3A_2529 = arith.addi %add3A_2525, %add3A_2528 : vector<16xi32>
    %gather3A_2530 = tpu.vector_load_idx %arg8[%add3A_2529] : memref<2048xf32, #tpu.memory_space<vmem>>[vector<16xi32>], vector<16xf32>,
    %mul3A_2531 = arith.mulf %get3A_2476, %gather3A_2526 : vector<16xf32>
    %mul3A_2532 = arith.mulf %get3A_2478, %gather3A_2530 : vector<16xf32>
    %add3A_2533 = arith.addf %mul3A_2531, %mul3A_2532 : vector<16xf32>
    %add3A_2534 = arith.addf %add3A_2494, %add3A_2507 : vector<16xf32>
    %add3A_2535 = arith.addf %add3A_2520, %add3A_2533 : vector<16xf32>
    %add3A_2536 = arith.addf %add3A_2534, %add3A_2535 : vector<16xf32>
    %div3A_2537 = arith.constant 1.000000e+00 : f32
    %div3A_2538 = vector.broadcast %div3A_2537 : f32 to vector<16xf32>
    %div3A_2539 = arith.divf %div3A_2538, %add3A_2536 : vector<16xf32>
    %mul3A_2540 = arith.mulf %add3A_2494, %div3A_2539 : vector<16xf32>
    %swap3A_2541 = arith.constant 1632 : index
    %swap3A_2542 = tpu.vector_load %arg9[%swap3A_2541] {strides = array<i32>} : memref<2048xf32, #tpu.memory_space<vmem>>, vector<16xf32>,
    tpu.vector_store %arg9[%swap3A_2541], %mul3A_2540 {strides = array<i32>} : memref<2048xf32, #tpu.memory_space<vmem>>, vector<16xf32>,
    %mul3A_2543 = arith.mulf %add3A_2507, %div3A_2539 : vector<16xf32>
    %swap3A_2544 = arith.constant 1760 : index
    %swap3A_2545 = tpu.vector_load %arg9[%swap3A_2544] {strides = array<i32>} : memref<2048xf32, #tpu.memory_space<vmem>>, vector<16xf32>,
    tpu.vector_store %arg9[%swap3A_2544], %mul3A_2543 {strides = array<i32>} : memref<2048xf32, #tpu.memory_space<vmem>>, vector<16xf32>,
    %mul3A_2546 = arith.mulf %add3A_2520, %div3A_2539 : vector<16xf32>
    %swap3A_2547 = arith.constant 1888 : index
    %swap3A_2548 = tpu.vector_load %arg9[%swap3A_2547] {strides = array<i32>} : memref<2048xf32, #tpu.memory_space<vmem>>, vector<16xf32>,
    tpu.vector_store %arg9[%swap3A_2547], %mul3A_2546 {strides = array<i32>} : memref<2048xf32, #tpu.memory_space<vmem>>, vector<16xf32>,
    %mul3A_2549 = arith.mulf %add3A_2533, %div3A_2539 : vector<16xf32>
    %swap3A_2550 = arith.constant 2016 : index
    %swap3A_2551 = tpu.vector_load %arg9[%swap3A_2550] {strides = array<i32>} : memref<2048xf32, #tpu.memory_space<vmem>>, vector<16xf32>,
    tpu.vector_store %arg9[%swap3A_2550], %mul3A_2549 {strides = array<i32>} : memref<2048xf32, #tpu.memory_space<vmem>>, vector<16xf32>,
    %get3A_2552 = arith.constant 0 : i32
    %get3A_2553 = arith.index_cast %get3A_2552 : i32 to index
    %get3A_2554 = arith.constant 496 : index
    %get3A_2555 = tpu.vector_load %arg6[%get3A_2553, %get3A_2554] {strides = array<i32>} : memref<5x512xi32, #tpu.memory_space<vmem>>, vector<16xi32>,
    %get3A_2556 = arith.constant 880 : index
    %get3A_2557 = tpu.vector_load %arg7[%get3A_2556] {strides = array<i32>} : memref<1024xf32, #tpu.memory_space<vmem>>, vector<16xf32>,
    %get3A_2558 = arith.constant 1008 : index
    %get3A_2559 = tpu.vector_load %arg7[%get3A_2558] {strides = array<i32>} : memref<1024xf32, #tpu.memory_space<vmem>>, vector<16xf32>,
    %mul3A_2560 = arith.constant 32 : i32
    %mul3A_2561 = vector.broadcast %mul3A_2560 : i32 to vector<16xi32>
    %mul3A_2562 = arith.muli %get3A_2555, %mul3A_2561 : vector<16xi32>
    %get3A_2563 = arith.constant 1 : i32
    %get3A_2564 = arith.index_cast %get3A_2563 : i32 to index
    %get3A_2565 = arith.constant 496 : index
    %get3A_2566 = tpu.vector_load %arg6[%get3A_2564, %get3A_2565] {strides = array<i32>} : memref<5x512xi32, #tpu.memory_space<vmem>>, vector<16xi32>,
    %add3A_2567 = arith.addi %mul3A_2562, %get3A_2566 : vector<16xi32>
    %gather3A_2568 = tpu.vector_load_idx %arg8[%add3A_2567] : memref<2048xf32, #tpu.memory_space<vmem>>[vector<16xi32>], vector<16xf32>,
    %add3A_2569 = arith.constant 1024 : i32
    %add3A_2570 = vector.broadcast %add3A_2569 : i32 to vector<16xi32>
    %add3A_2571 = arith.addi %add3A_2567, %add3A_2570 : vector<16xi32>
    %gather3A_2572 = tpu.vector_load_idx %arg8[%add3A_2571] : memref<2048xf32, #tpu.memory_space<vmem>>[vector<16xi32>], vector<16xf32>,
    %mul3A_2573 = arith.mulf %get3A_2557, %gather3A_2568 : vector<16xf32>
    %mul3A_2574 = arith.mulf %get3A_2559, %gather3A_2572 : vector<16xf32>
    %add3A_2575 = arith.addf %mul3A_2573, %mul3A_2574 : vector<16xf32>
    %get3A_2576 = arith.constant 2 : i32
    %get3A_2577 = arith.index_cast %get3A_2576 : i32 to index
    %get3A_2578 = arith.constant 496 : index
    %get3A_2579 = tpu.vector_load %arg6[%get3A_2577, %get3A_2578] {strides = array<i32>} : memref<5x512xi32, #tpu.memory_space<vmem>>, vector<16xi32>,
    %add3A_2580 = arith.addi %mul3A_2562, %get3A_2579 : vector<16xi32>
    %gather3A_2581 = tpu.vector_load_idx %arg8[%add3A_2580] : memref<2048xf32, #tpu.memory_space<vmem>>[vector<16xi32>], vector<16xf32>,
    %add3A_2582 = arith.constant 1024 : i32
    %add3A_2583 = vector.broadcast %add3A_2582 : i32 to vector<16xi32>
    %add3A_2584 = arith.addi %add3A_2580, %add3A_2583 : vector<16xi32>
    %gather3A_2585 = tpu.vector_load_idx %arg8[%add3A_2584] : memref<2048xf32, #tpu.memory_space<vmem>>[vector<16xi32>], vector<16xf32>,
    %mul3A_2586 = arith.mulf %get3A_2557, %gather3A_2581 : vector<16xf32>
    %mul3A_2587 = arith.mulf %get3A_2559, %gather3A_2585 : vector<16xf32>
    %add3A_2588 = arith.addf %mul3A_2586, %mul3A_2587 : vector<16xf32>
    %get3A_2589 = arith.constant 3 : i32
    %get3A_2590 = arith.index_cast %get3A_2589 : i32 to index
    %get3A_2591 = arith.constant 496 : index
    %get3A_2592 = tpu.vector_load %arg6[%get3A_2590, %get3A_2591] {strides = array<i32>} : memref<5x512xi32, #tpu.memory_space<vmem>>, vector<16xi32>,
    %add3A_2593 = arith.addi %mul3A_2562, %get3A_2592 : vector<16xi32>
    %gather3A_2594 = tpu.vector_load_idx %arg8[%add3A_2593] : memref<2048xf32, #tpu.memory_space<vmem>>[vector<16xi32>], vector<16xf32>,
    %add3A_2595 = arith.constant 1024 : i32
    %add3A_2596 = vector.broadcast %add3A_2595 : i32 to vector<16xi32>
    %add3A_2597 = arith.addi %add3A_2593, %add3A_2596 : vector<16xi32>
    %gather3A_2598 = tpu.vector_load_idx %arg8[%add3A_2597] : memref<2048xf32, #tpu.memory_space<vmem>>[vector<16xi32>], vector<16xf32>,
    %mul3A_2599 = arith.mulf %get3A_2557, %gather3A_2594 : vector<16xf32>
    %mul3A_2600 = arith.mulf %get3A_2559, %gather3A_2598 : vector<16xf32>
    %add3A_2601 = arith.addf %mul3A_2599, %mul3A_2600 : vector<16xf32>
    %get3A_2602 = arith.constant 4 : i32
    %get3A_2603 = arith.index_cast %get3A_2602 : i32 to index
    %get3A_2604 = arith.constant 496 : index
    %get3A_2605 = tpu.vector_load %arg6[%get3A_2603, %get3A_2604] {strides = array<i32>} : memref<5x512xi32, #tpu.memory_space<vmem>>, vector<16xi32>,
    %add3A_2606 = arith.addi %mul3A_2562, %get3A_2605 : vector<16xi32>
    %gather3A_2607 = tpu.vector_load_idx %arg8[%add3A_2606] : memref<2048xf32, #tpu.memory_space<vmem>>[vector<16xi32>], vector<16xf32>,
    %add3A_2608 = arith.constant 1024 : i32
    %add3A_2609 = vector.broadcast %add3A_2608 : i32 to vector<16xi32>
    %add3A_2610 = arith.addi %add3A_2606, %add3A_2609 : vector<16xi32>
    %gather3A_2611 = tpu.vector_load_idx %arg8[%add3A_2610] : memref<2048xf32, #tpu.memory_space<vmem>>[vector<16xi32>], vector<16xf32>,
    %mul3A_2612 = arith.mulf %get3A_2557, %gather3A_2607 : vector<16xf32>
    %mul3A_2613 = arith.mulf %get3A_2559, %gather3A_2611 : vector<16xf32>
    %add3A_2614 = arith.addf %mul3A_2612, %mul3A_2613 : vector<16xf32>
    %add3A_2615 = arith.addf %add3A_2575, %add3A_2588 : vector<16xf32>
    %add3A_2616 = arith.addf %add3A_2601, %add3A_2614 : vector<16xf32>
    %add3A_2617 = arith.addf %add3A_2615, %add3A_2616 : vector<16xf32>
    %div3A_2618 = arith.constant 1.000000e+00 : f32
    %div3A_2619 = vector.broadcast %div3A_2618 : f32 to vector<16xf32>
    %div3A_2620 = arith.divf %div3A_2619, %add3A_2617 : vector<16xf32>
    %mul3A_2621 = arith.mulf %add3A_2575, %div3A_2620 : vector<16xf32>
    %swap3A_2622 = arith.constant 1648 : index
    %swap3A_2623 = tpu.vector_load %arg9[%swap3A_2622] {strides = array<i32>} : memref<2048xf32, #tpu.memory_space<vmem>>, vector<16xf32>,
    tpu.vector_store %arg9[%swap3A_2622], %mul3A_2621 {strides = array<i32>} : memref<2048xf32, #tpu.memory_space<vmem>>, vector<16xf32>,
    %mul3A_2624 = arith.mulf %add3A_2588, %div3A_2620 : vector<16xf32>
    %swap3A_2625 = arith.constant 1776 : index
    %swap3A_2626 = tpu.vector_load %arg9[%swap3A_2625] {strides = array<i32>} : memref<2048xf32, #tpu.memory_space<vmem>>, vector<16xf32>,
    tpu.vector_store %arg9[%swap3A_2625], %mul3A_2624 {strides = array<i32>} : memref<2048xf32, #tpu.memory_space<vmem>>, vector<16xf32>,
    %mul3A_2627 = arith.mulf %add3A_2601, %div3A_2620 : vector<16xf32>
    %swap3A_2628 = arith.constant 1904 : index
    %swap3A_2629 = tpu.vector_load %arg9[%swap3A_2628] {strides = array<i32>} : memref<2048xf32, #tpu.memory_space<vmem>>, vector<16xf32>,
    tpu.vector_store %arg9[%swap3A_2628], %mul3A_2627 {strides = array<i32>} : memref<2048xf32, #tpu.memory_space<vmem>>, vector<16xf32>,
    %mul3A_2630 = arith.mulf %add3A_2614, %div3A_2620 : vector<16xf32>
    %swap3A_2631 = arith.constant 2032 : index
    %swap3A_2632 = tpu.vector_load %arg9[%swap3A_2631] {strides = array<i32>} : memref<2048xf32, #tpu.memory_space<vmem>>, vector<16xf32>,
    tpu.vector_store %arg9[%swap3A_2631], %mul3A_2630 {strides = array<i32>} : memref<2048xf32, #tpu.memory_space<vmem>>, vector<16xf32>,
    %mul3A_2633 = arith.constant 4 : i32
    %mul3A_2634 = arith.muli %mul3A_2633, %mul3A_2 : i32
    %add3A_2635 = arith.constant 1536 : i32
    %add3A_2636 = arith.addi %mul3A_2634, %add3A_2635 : i32
    %dma_start3A_2637 = arith.constant 1536 : i32
    %dma_start3A_2638 = tpu.memref_slice %arg9[%dma_start3A_2637] : memref<2048xf32, #tpu.memory_space<vmem>> -> memref<512xf32, #tpu.memory_space<vmem>>
    %dma_start3A_2639 = tpu.memref_slice %arg5[%add3A_2636] : memref<65536xf32, #tpu.memory_space<hbm>> -> memref<512xf32, #tpu.memory_space<hbm>>
    %dma_start3A_2640 = tpu.memref_slice %arg5[%add3A_2636] : memref<65536xf32, #tpu.memory_space<hbm>> -> memref<512xf32, #tpu.memory_space<hbm>>
    %dma_start3A_2641 = arith.constant 1536 : i32
    %dma_start3A_2642 = tpu.memref_slice %arg9[%dma_start3A_2641] : memref<2048xf32, #tpu.memory_space<vmem>> -> memref<512xf32, #tpu.memory_space<vmem>>
    tpu.enqueue_dma source(%dma_start3A_2642 : memref<512xf32, #tpu.memory_space<vmem>>) target(%dma_start3A_2640 : memref<512xf32, #tpu.memory_space<hbm>>) target_semaphore(%arg10 : memref<!tpu.dma_semaphore, #tpu.memory_space<semaphore_mem>>)
    %dma_wait3A_2643 = arith.constant 0 : i32
    %dma_wait3A_2644 = tpu.memref_slice %arg9[%dma_wait3A_2643] : memref<2048xf32, #tpu.memory_space<vmem>> -> memref<512xf32, #tpu.memory_space<vmem>>
    %dma_wait3A_2645 = tpu.memref_slice %arg5[%add3A_662] : memref<65536xf32, #tpu.memory_space<hbm>> -> memref<512xf32, #tpu.memory_space<hbm>>
    %dma_wait3A_2646 = tpu.memref_slice %arg5[%add3A_662] : memref<65536xf32, #tpu.memory_space<hbm>> -> memref<512xf32, #tpu.memory_space<hbm>>
    %dma_wait3A_2647 = arith.constant 0 : i32
    %dma_wait3A_2648 = tpu.memref_slice %arg9[%dma_wait3A_2647] : memref<2048xf32, #tpu.memory_space<vmem>> -> memref<512xf32, #tpu.memory_space<vmem>>
    tpu.wait_dma2 semaphore(%arg10 : memref<!tpu.dma_semaphore, #tpu.memory_space<semaphore_mem>>) src(%dma_wait3A_2648 : memref<512xf32, #tpu.memory_space<vmem>>) dst(%dma_wait3A_2646 : memref<512xf32, #tpu.memory_space<hbm>>)
    %dma_wait3A_2649 = arith.constant 512 : i32
    %dma_wait3A_2650 = tpu.memref_slice %arg9[%dma_wait3A_2649] : memref<2048xf32, #tpu.memory_space<vmem>> -> memref<512xf32, #tpu.memory_space<vmem>>
    %dma_wait3A_2651 = tpu.memref_slice %arg5[%add3A_1320] : memref<65536xf32, #tpu.memory_space<hbm>> -> memref<512xf32, #tpu.memory_space<hbm>>
    %dma_wait3A_2652 = tpu.memref_slice %arg5[%add3A_1320] : memref<65536xf32, #tpu.memory_space<hbm>> -> memref<512xf32, #tpu.memory_space<hbm>>
    %dma_wait3A_2653 = arith.constant 512 : i32
    %dma_wait3A_2654 = tpu.memref_slice %arg9[%dma_wait3A_2653] : memref<2048xf32, #tpu.memory_space<vmem>> -> memref<512xf32, #tpu.memory_space<vmem>>
    tpu.wait_dma2 semaphore(%arg10 : memref<!tpu.dma_semaphore, #tpu.memory_space<semaphore_mem>>) src(%dma_wait3A_2654 : memref<512xf32, #tpu.memory_space<vmem>>) dst(%dma_wait3A_2652 : memref<512xf32, #tpu.memory_space<hbm>>)
    %dma_wait3A_2655 = arith.constant 1024 : i32
    %dma_wait3A_2656 = tpu.memref_slice %arg9[%dma_wait3A_2655] : memref<2048xf32, #tpu.memory_space<vmem>> -> memref<512xf32, #tpu.memory_space<vmem>>
    %dma_wait3A_2657 = tpu.memref_slice %arg5[%add3A_1978] : memref<65536xf32, #tpu.memory_space<hbm>> -> memref<512xf32, #tpu.memory_space<hbm>>
    %dma_wait3A_2658 = tpu.memref_slice %arg5[%add3A_1978] : memref<65536xf32, #tpu.memory_space<hbm>> -> memref<512xf32, #tpu.memory_space<hbm>>
    %dma_wait3A_2659 = arith.constant 1024 : i32
    %dma_wait3A_2660 = tpu.memref_slice %arg9[%dma_wait3A_2659] : memref<2048xf32, #tpu.memory_space<vmem>> -> memref<512xf32, #tpu.memory_space<vmem>>
    tpu.wait_dma2 semaphore(%arg10 : memref<!tpu.dma_semaphore, #tpu.memory_space<semaphore_mem>>) src(%dma_wait3A_2660 : memref<512xf32, #tpu.memory_space<vmem>>) dst(%dma_wait3A_2658 : memref<512xf32, #tpu.memory_space<hbm>>)
    %dma_wait3A_2661 = arith.constant 1536 : i32
    %dma_wait3A_2662 = tpu.memref_slice %arg9[%dma_wait3A_2661] : memref<2048xf32, #tpu.memory_space<vmem>> -> memref<512xf32, #tpu.memory_space<vmem>>
    %dma_wait3A_2663 = tpu.memref_slice %arg5[%add3A_2636] : memref<65536xf32, #tpu.memory_space<hbm>> -> memref<512xf32, #tpu.memory_space<hbm>>
    %dma_wait3A_2664 = tpu.memref_slice %arg5[%add3A_2636] : memref<65536xf32, #tpu.memory_space<hbm>> -> memref<512xf32, #tpu.memory_space<hbm>>
    %dma_wait3A_2665 = arith.constant 1536 : i32
    %dma_wait3A_2666 = tpu.memref_slice %arg9[%dma_wait3A_2665] : memref<2048xf32, #tpu.memory_space<vmem>> -> memref<512xf32, #tpu.memory_space<vmem>>
    tpu.wait_dma2 semaphore(%arg10 : memref<!tpu.dma_semaphore, #tpu.memory_space<semaphore_mem>>) src(%dma_wait3A_2666 : memref<512xf32, #tpu.memory_space<vmem>>) dst(%dma_wait3A_2664 : memref<512xf32, #tpu.memory_space<hbm>>)
    return
  }
}

module attributes {stable_mosaic.version = 14 : i64} {
  func.func @_table_body(%arg0: memref<10x31xf32, #tpu.memory_space<vmem>>, %arg1: memref<1x10xf32, #tpu.memory_space<vmem>>, %arg2: memref<1x10xf32, #tpu.memory_space<vmem>>, %arg3: memref<2048xf32, #tpu.memory_space<vmem>>) attributes {dimension_semantics = [], scalar_prefetch = 0 : i64, scratch_operands = 0 : i64, tpu.core_type = #tpu.core_type<tc>} {
    %get3A = arith.constant 0 : index
    %get3A_0 = arith.constant 0 : index
    %get3A_1 = vector.load %arg0[%get3A, %get3A_0] : memref<10x31xf32, #tpu.memory_space<vmem>>, vector<10x31xf32>
    %broadcast_in_dim3A = arith.constant 0.000000e+00 : f32
    %broadcast_in_dim3A_2 = vector.broadcast %broadcast_in_dim3A : f32 to vector<10x1xf32>
    %concatenate3A = tpu.concatenate %get3A_1, %broadcast_in_dim3A_2 in 1 : vector<10x31xf32>, vector<10x1xf32> -> vector<10x32xf32>
    %transpose3A = tpu.transpose %concatenate3A, [1, 0] : vector<10x32xf32> -> vector<32x10xf32>
    %broadcast_in_dim3A_3 = arith.constant 0.000000e+00 : f32
    %broadcast_in_dim3A_4 = vector.broadcast %broadcast_in_dim3A_3 : f32 to vector<32x32xf32>
    %broadcast_in_dim3A_5 = arith.constant 0.000000e+00 : f32
    %broadcast_in_dim3A_6 = vector.broadcast %broadcast_in_dim3A_5 : f32 to vector<32x32xf32>
    %slice3A = vector.extract_strided_slice %transpose3A {offsets = [0, 0], sizes = [32, 1], strides = [1, 1]} : vector<32x10xf32> to vector<32x1xf32>
    %slice3A_7 = vector.extract_strided_slice %concatenate3A {offsets = [0, 0], sizes = [1, 32], strides = [1, 1]} : vector<10x32xf32> to vector<1x32xf32>
    %sub3A = vector.broadcast %slice3A : vector<32x1xf32> to vector<32x32xf32>
    %sub3A_8 = vector.broadcast %slice3A_7 : vector<1x32xf32> to vector<32x32xf32>
    %sub3A_9 = arith.subf %sub3A, %sub3A_8 : vector<32x32xf32>
    %mul3A = arith.mulf %sub3A_9, %sub3A_9 : vector<32x32xf32>
    %get3A_10 = arith.constant 0 : index
    %get3A_11 = arith.constant 0 : index
    %get3A_12 = vector.load %arg1[%get3A_10, %get3A_11] : memref<1x10xf32, #tpu.memory_space<vmem>>, vector<1x1xf32>
    %mul3A_13 = vector.broadcast %get3A_12 : vector<1x1xf32> to vector<32x32xf32>
    %mul3A_14 = arith.mulf %mul3A_13, %mul3A : vector<32x32xf32>
    %add3A = arith.addf %broadcast_in_dim3A_4, %mul3A_14 : vector<32x32xf32>
    %get3A_15 = arith.constant 0 : index
    %get3A_16 = arith.constant 0 : index
    %get3A_17 = vector.load %arg2[%get3A_15, %get3A_16] : memref<1x10xf32, #tpu.memory_space<vmem>>, vector<1x1xf32>
    %mul3A_18 = vector.broadcast %get3A_17 : vector<1x1xf32> to vector<32x32xf32>
    %mul3A_19 = arith.mulf %mul3A_18, %mul3A : vector<32x32xf32>
    %add3A_20 = arith.addf %broadcast_in_dim3A_6, %mul3A_19 : vector<32x32xf32>
    %slice3A_21 = vector.extract_strided_slice %transpose3A {offsets = [0, 1], sizes = [32, 1], strides = [1, 1]} : vector<32x10xf32> to vector<32x1xf32>
    %slice3A_22 = vector.extract_strided_slice %concatenate3A {offsets = [1, 0], sizes = [1, 32], strides = [1, 1]} : vector<10x32xf32> to vector<1x32xf32>
    %sub3A_23 = vector.broadcast %slice3A_21 : vector<32x1xf32> to vector<32x32xf32>
    %sub3A_24 = vector.broadcast %slice3A_22 : vector<1x32xf32> to vector<32x32xf32>
    %sub3A_25 = arith.subf %sub3A_23, %sub3A_24 : vector<32x32xf32>
    %mul3A_26 = arith.mulf %sub3A_25, %sub3A_25 : vector<32x32xf32>
    %get3A_27 = arith.constant 0 : index
    %get3A_28 = arith.constant 1 : index
    %get3A_29 = vector.load %arg1[%get3A_27, %get3A_28] : memref<1x10xf32, #tpu.memory_space<vmem>>, vector<1x1xf32>
    %mul3A_30 = vector.broadcast %get3A_29 : vector<1x1xf32> to vector<32x32xf32>
    %mul3A_31 = arith.mulf %mul3A_30, %mul3A_26 : vector<32x32xf32>
    %add3A_32 = arith.addf %add3A, %mul3A_31 : vector<32x32xf32>
    %get3A_33 = arith.constant 0 : index
    %get3A_34 = arith.constant 1 : index
    %get3A_35 = vector.load %arg2[%get3A_33, %get3A_34] : memref<1x10xf32, #tpu.memory_space<vmem>>, vector<1x1xf32>
    %mul3A_36 = vector.broadcast %get3A_35 : vector<1x1xf32> to vector<32x32xf32>
    %mul3A_37 = arith.mulf %mul3A_36, %mul3A_26 : vector<32x32xf32>
    %add3A_38 = arith.addf %add3A_20, %mul3A_37 : vector<32x32xf32>
    %slice3A_39 = vector.extract_strided_slice %transpose3A {offsets = [0, 2], sizes = [32, 1], strides = [1, 1]} : vector<32x10xf32> to vector<32x1xf32>
    %slice3A_40 = vector.extract_strided_slice %concatenate3A {offsets = [2, 0], sizes = [1, 32], strides = [1, 1]} : vector<10x32xf32> to vector<1x32xf32>
    %sub3A_41 = vector.broadcast %slice3A_39 : vector<32x1xf32> to vector<32x32xf32>
    %sub3A_42 = vector.broadcast %slice3A_40 : vector<1x32xf32> to vector<32x32xf32>
    %sub3A_43 = arith.subf %sub3A_41, %sub3A_42 : vector<32x32xf32>
    %mul3A_44 = arith.mulf %sub3A_43, %sub3A_43 : vector<32x32xf32>
    %get3A_45 = arith.constant 0 : index
    %get3A_46 = arith.constant 2 : index
    %get3A_47 = vector.load %arg1[%get3A_45, %get3A_46] : memref<1x10xf32, #tpu.memory_space<vmem>>, vector<1x1xf32>
    %mul3A_48 = vector.broadcast %get3A_47 : vector<1x1xf32> to vector<32x32xf32>
    %mul3A_49 = arith.mulf %mul3A_48, %mul3A_44 : vector<32x32xf32>
    %add3A_50 = arith.addf %add3A_32, %mul3A_49 : vector<32x32xf32>
    %get3A_51 = arith.constant 0 : index
    %get3A_52 = arith.constant 2 : index
    %get3A_53 = vector.load %arg2[%get3A_51, %get3A_52] : memref<1x10xf32, #tpu.memory_space<vmem>>, vector<1x1xf32>
    %mul3A_54 = vector.broadcast %get3A_53 : vector<1x1xf32> to vector<32x32xf32>
    %mul3A_55 = arith.mulf %mul3A_54, %mul3A_44 : vector<32x32xf32>
    %add3A_56 = arith.addf %add3A_38, %mul3A_55 : vector<32x32xf32>
    %slice3A_57 = vector.extract_strided_slice %transpose3A {offsets = [0, 3], sizes = [32, 1], strides = [1, 1]} : vector<32x10xf32> to vector<32x1xf32>
    %slice3A_58 = vector.extract_strided_slice %concatenate3A {offsets = [3, 0], sizes = [1, 32], strides = [1, 1]} : vector<10x32xf32> to vector<1x32xf32>
    %sub3A_59 = vector.broadcast %slice3A_57 : vector<32x1xf32> to vector<32x32xf32>
    %sub3A_60 = vector.broadcast %slice3A_58 : vector<1x32xf32> to vector<32x32xf32>
    %sub3A_61 = arith.subf %sub3A_59, %sub3A_60 : vector<32x32xf32>
    %mul3A_62 = arith.mulf %sub3A_61, %sub3A_61 : vector<32x32xf32>
    %get3A_63 = arith.constant 0 : index
    %get3A_64 = arith.constant 3 : index
    %get3A_65 = vector.load %arg1[%get3A_63, %get3A_64] : memref<1x10xf32, #tpu.memory_space<vmem>>, vector<1x1xf32>
    %mul3A_66 = vector.broadcast %get3A_65 : vector<1x1xf32> to vector<32x32xf32>
    %mul3A_67 = arith.mulf %mul3A_66, %mul3A_62 : vector<32x32xf32>
    %add3A_68 = arith.addf %add3A_50, %mul3A_67 : vector<32x32xf32>
    %get3A_69 = arith.constant 0 : index
    %get3A_70 = arith.constant 3 : index
    %get3A_71 = vector.load %arg2[%get3A_69, %get3A_70] : memref<1x10xf32, #tpu.memory_space<vmem>>, vector<1x1xf32>
    %mul3A_72 = vector.broadcast %get3A_71 : vector<1x1xf32> to vector<32x32xf32>
    %mul3A_73 = arith.mulf %mul3A_72, %mul3A_62 : vector<32x32xf32>
    %add3A_74 = arith.addf %add3A_56, %mul3A_73 : vector<32x32xf32>
    %slice3A_75 = vector.extract_strided_slice %transpose3A {offsets = [0, 4], sizes = [32, 1], strides = [1, 1]} : vector<32x10xf32> to vector<32x1xf32>
    %slice3A_76 = vector.extract_strided_slice %concatenate3A {offsets = [4, 0], sizes = [1, 32], strides = [1, 1]} : vector<10x32xf32> to vector<1x32xf32>
    %sub3A_77 = vector.broadcast %slice3A_75 : vector<32x1xf32> to vector<32x32xf32>
    %sub3A_78 = vector.broadcast %slice3A_76 : vector<1x32xf32> to vector<32x32xf32>
    %sub3A_79 = arith.subf %sub3A_77, %sub3A_78 : vector<32x32xf32>
    %mul3A_80 = arith.mulf %sub3A_79, %sub3A_79 : vector<32x32xf32>
    %get3A_81 = arith.constant 0 : index
    %get3A_82 = arith.constant 4 : index
    %get3A_83 = vector.load %arg1[%get3A_81, %get3A_82] : memref<1x10xf32, #tpu.memory_space<vmem>>, vector<1x1xf32>
    %mul3A_84 = vector.broadcast %get3A_83 : vector<1x1xf32> to vector<32x32xf32>
    %mul3A_85 = arith.mulf %mul3A_84, %mul3A_80 : vector<32x32xf32>
    %add3A_86 = arith.addf %add3A_68, %mul3A_85 : vector<32x32xf32>
    %get3A_87 = arith.constant 0 : index
    %get3A_88 = arith.constant 4 : index
    %get3A_89 = vector.load %arg2[%get3A_87, %get3A_88] : memref<1x10xf32, #tpu.memory_space<vmem>>, vector<1x1xf32>
    %mul3A_90 = vector.broadcast %get3A_89 : vector<1x1xf32> to vector<32x32xf32>
    %mul3A_91 = arith.mulf %mul3A_90, %mul3A_80 : vector<32x32xf32>
    %add3A_92 = arith.addf %add3A_74, %mul3A_91 : vector<32x32xf32>
    %slice3A_93 = vector.extract_strided_slice %transpose3A {offsets = [0, 5], sizes = [32, 1], strides = [1, 1]} : vector<32x10xf32> to vector<32x1xf32>
    %slice3A_94 = vector.extract_strided_slice %concatenate3A {offsets = [5, 0], sizes = [1, 32], strides = [1, 1]} : vector<10x32xf32> to vector<1x32xf32>
    %sub3A_95 = vector.broadcast %slice3A_93 : vector<32x1xf32> to vector<32x32xf32>
    %sub3A_96 = vector.broadcast %slice3A_94 : vector<1x32xf32> to vector<32x32xf32>
    %sub3A_97 = arith.subf %sub3A_95, %sub3A_96 : vector<32x32xf32>
    %mul3A_98 = arith.mulf %sub3A_97, %sub3A_97 : vector<32x32xf32>
    %get3A_99 = arith.constant 0 : index
    %get3A_100 = arith.constant 5 : index
    %get3A_101 = vector.load %arg1[%get3A_99, %get3A_100] : memref<1x10xf32, #tpu.memory_space<vmem>>, vector<1x1xf32>
    %mul3A_102 = vector.broadcast %get3A_101 : vector<1x1xf32> to vector<32x32xf32>
    %mul3A_103 = arith.mulf %mul3A_102, %mul3A_98 : vector<32x32xf32>
    %add3A_104 = arith.addf %add3A_86, %mul3A_103 : vector<32x32xf32>
    %get3A_105 = arith.constant 0 : index
    %get3A_106 = arith.constant 5 : index
    %get3A_107 = vector.load %arg2[%get3A_105, %get3A_106] : memref<1x10xf32, #tpu.memory_space<vmem>>, vector<1x1xf32>
    %mul3A_108 = vector.broadcast %get3A_107 : vector<1x1xf32> to vector<32x32xf32>
    %mul3A_109 = arith.mulf %mul3A_108, %mul3A_98 : vector<32x32xf32>
    %add3A_110 = arith.addf %add3A_92, %mul3A_109 : vector<32x32xf32>
    %slice3A_111 = vector.extract_strided_slice %transpose3A {offsets = [0, 6], sizes = [32, 1], strides = [1, 1]} : vector<32x10xf32> to vector<32x1xf32>
    %slice3A_112 = vector.extract_strided_slice %concatenate3A {offsets = [6, 0], sizes = [1, 32], strides = [1, 1]} : vector<10x32xf32> to vector<1x32xf32>
    %sub3A_113 = vector.broadcast %slice3A_111 : vector<32x1xf32> to vector<32x32xf32>
    %sub3A_114 = vector.broadcast %slice3A_112 : vector<1x32xf32> to vector<32x32xf32>
    %sub3A_115 = arith.subf %sub3A_113, %sub3A_114 : vector<32x32xf32>
    %mul3A_116 = arith.mulf %sub3A_115, %sub3A_115 : vector<32x32xf32>
    %get3A_117 = arith.constant 0 : index
    %get3A_118 = arith.constant 6 : index
    %get3A_119 = vector.load %arg1[%get3A_117, %get3A_118] : memref<1x10xf32, #tpu.memory_space<vmem>>, vector<1x1xf32>
    %mul3A_120 = vector.broadcast %get3A_119 : vector<1x1xf32> to vector<32x32xf32>
    %mul3A_121 = arith.mulf %mul3A_120, %mul3A_116 : vector<32x32xf32>
    %add3A_122 = arith.addf %add3A_104, %mul3A_121 : vector<32x32xf32>
    %get3A_123 = arith.constant 0 : index
    %get3A_124 = arith.constant 6 : index
    %get3A_125 = vector.load %arg2[%get3A_123, %get3A_124] : memref<1x10xf32, #tpu.memory_space<vmem>>, vector<1x1xf32>
    %mul3A_126 = vector.broadcast %get3A_125 : vector<1x1xf32> to vector<32x32xf32>
    %mul3A_127 = arith.mulf %mul3A_126, %mul3A_116 : vector<32x32xf32>
    %add3A_128 = arith.addf %add3A_110, %mul3A_127 : vector<32x32xf32>
    %slice3A_129 = vector.extract_strided_slice %transpose3A {offsets = [0, 7], sizes = [32, 1], strides = [1, 1]} : vector<32x10xf32> to vector<32x1xf32>
    %slice3A_130 = vector.extract_strided_slice %concatenate3A {offsets = [7, 0], sizes = [1, 32], strides = [1, 1]} : vector<10x32xf32> to vector<1x32xf32>
    %sub3A_131 = vector.broadcast %slice3A_129 : vector<32x1xf32> to vector<32x32xf32>
    %sub3A_132 = vector.broadcast %slice3A_130 : vector<1x32xf32> to vector<32x32xf32>
    %sub3A_133 = arith.subf %sub3A_131, %sub3A_132 : vector<32x32xf32>
    %mul3A_134 = arith.mulf %sub3A_133, %sub3A_133 : vector<32x32xf32>
    %get3A_135 = arith.constant 0 : index
    %get3A_136 = arith.constant 7 : index
    %get3A_137 = vector.load %arg1[%get3A_135, %get3A_136] : memref<1x10xf32, #tpu.memory_space<vmem>>, vector<1x1xf32>
    %mul3A_138 = vector.broadcast %get3A_137 : vector<1x1xf32> to vector<32x32xf32>
    %mul3A_139 = arith.mulf %mul3A_138, %mul3A_134 : vector<32x32xf32>
    %add3A_140 = arith.addf %add3A_122, %mul3A_139 : vector<32x32xf32>
    %get3A_141 = arith.constant 0 : index
    %get3A_142 = arith.constant 7 : index
    %get3A_143 = vector.load %arg2[%get3A_141, %get3A_142] : memref<1x10xf32, #tpu.memory_space<vmem>>, vector<1x1xf32>
    %mul3A_144 = vector.broadcast %get3A_143 : vector<1x1xf32> to vector<32x32xf32>
    %mul3A_145 = arith.mulf %mul3A_144, %mul3A_134 : vector<32x32xf32>
    %add3A_146 = arith.addf %add3A_128, %mul3A_145 : vector<32x32xf32>
    %slice3A_147 = vector.extract_strided_slice %transpose3A {offsets = [0, 8], sizes = [32, 1], strides = [1, 1]} : vector<32x10xf32> to vector<32x1xf32>
    %slice3A_148 = vector.extract_strided_slice %concatenate3A {offsets = [8, 0], sizes = [1, 32], strides = [1, 1]} : vector<10x32xf32> to vector<1x32xf32>
    %sub3A_149 = vector.broadcast %slice3A_147 : vector<32x1xf32> to vector<32x32xf32>
    %sub3A_150 = vector.broadcast %slice3A_148 : vector<1x32xf32> to vector<32x32xf32>
    %sub3A_151 = arith.subf %sub3A_149, %sub3A_150 : vector<32x32xf32>
    %mul3A_152 = arith.mulf %sub3A_151, %sub3A_151 : vector<32x32xf32>
    %get3A_153 = arith.constant 0 : index
    %get3A_154 = arith.constant 8 : index
    %get3A_155 = vector.load %arg1[%get3A_153, %get3A_154] : memref<1x10xf32, #tpu.memory_space<vmem>>, vector<1x1xf32>
    %mul3A_156 = vector.broadcast %get3A_155 : vector<1x1xf32> to vector<32x32xf32>
    %mul3A_157 = arith.mulf %mul3A_156, %mul3A_152 : vector<32x32xf32>
    %add3A_158 = arith.addf %add3A_140, %mul3A_157 : vector<32x32xf32>
    %get3A_159 = arith.constant 0 : index
    %get3A_160 = arith.constant 8 : index
    %get3A_161 = vector.load %arg2[%get3A_159, %get3A_160] : memref<1x10xf32, #tpu.memory_space<vmem>>, vector<1x1xf32>
    %mul3A_162 = vector.broadcast %get3A_161 : vector<1x1xf32> to vector<32x32xf32>
    %mul3A_163 = arith.mulf %mul3A_162, %mul3A_152 : vector<32x32xf32>
    %add3A_164 = arith.addf %add3A_146, %mul3A_163 : vector<32x32xf32>
    %slice3A_165 = vector.extract_strided_slice %transpose3A {offsets = [0, 9], sizes = [32, 1], strides = [1, 1]} : vector<32x10xf32> to vector<32x1xf32>
    %slice3A_166 = vector.extract_strided_slice %concatenate3A {offsets = [9, 0], sizes = [1, 32], strides = [1, 1]} : vector<10x32xf32> to vector<1x32xf32>
    %sub3A_167 = vector.broadcast %slice3A_165 : vector<32x1xf32> to vector<32x32xf32>
    %sub3A_168 = vector.broadcast %slice3A_166 : vector<1x32xf32> to vector<32x32xf32>
    %sub3A_169 = arith.subf %sub3A_167, %sub3A_168 : vector<32x32xf32>
    %mul3A_170 = arith.mulf %sub3A_169, %sub3A_169 : vector<32x32xf32>
    %get3A_171 = arith.constant 0 : index
    %get3A_172 = arith.constant 9 : index
    %get3A_173 = vector.load %arg1[%get3A_171, %get3A_172] : memref<1x10xf32, #tpu.memory_space<vmem>>, vector<1x1xf32>
    %mul3A_174 = vector.broadcast %get3A_173 : vector<1x1xf32> to vector<32x32xf32>
    %mul3A_175 = arith.mulf %mul3A_174, %mul3A_170 : vector<32x32xf32>
    %add3A_176 = arith.addf %add3A_158, %mul3A_175 : vector<32x32xf32>
    %get3A_177 = arith.constant 0 : index
    %get3A_178 = arith.constant 9 : index
    %get3A_179 = vector.load %arg2[%get3A_177, %get3A_178] : memref<1x10xf32, #tpu.memory_space<vmem>>, vector<1x1xf32>
    %mul3A_180 = vector.broadcast %get3A_179 : vector<1x1xf32> to vector<32x32xf32>
    %mul3A_181 = arith.mulf %mul3A_180, %mul3A_170 : vector<32x32xf32>
    %add3A_182 = arith.addf %add3A_164, %mul3A_181 : vector<32x32xf32>
    %sqrt3A = math.sqrt %add3A_176 : vector<32x32xf32>
    %mul3A_183 = arith.constant -1.000000e+01 : f32
    %mul3A_184 = vector.broadcast %mul3A_183 : f32 to vector<32x32xf32>
    %mul3A_185 = arith.mulf %mul3A_184, %sqrt3A : vector<32x32xf32>
    %exp3A = math.exp %mul3A_185 : vector<32x32xf32>
    %slice3A_186 = vector.extract_strided_slice %exp3A {offsets = [0, 0], sizes = [1, 32], strides = [1, 1]} : vector<32x32xf32> to vector<1x32xf32>
    %slice3A_187 = vector.extract_strided_slice %exp3A {offsets = [1, 0], sizes = [1, 32], strides = [1, 1]} : vector<32x32xf32> to vector<1x32xf32>
    %slice3A_188 = vector.extract_strided_slice %exp3A {offsets = [2, 0], sizes = [1, 32], strides = [1, 1]} : vector<32x32xf32> to vector<1x32xf32>
    %slice3A_189 = vector.extract_strided_slice %exp3A {offsets = [3, 0], sizes = [1, 32], strides = [1, 1]} : vector<32x32xf32> to vector<1x32xf32>
    %slice3A_190 = vector.extract_strided_slice %exp3A {offsets = [4, 0], sizes = [1, 32], strides = [1, 1]} : vector<32x32xf32> to vector<1x32xf32>
    %slice3A_191 = vector.extract_strided_slice %exp3A {offsets = [5, 0], sizes = [1, 32], strides = [1, 1]} : vector<32x32xf32> to vector<1x32xf32>
    %slice3A_192 = vector.extract_strided_slice %exp3A {offsets = [6, 0], sizes = [1, 32], strides = [1, 1]} : vector<32x32xf32> to vector<1x32xf32>
    %slice3A_193 = vector.extract_strided_slice %exp3A {offsets = [7, 0], sizes = [1, 32], strides = [1, 1]} : vector<32x32xf32> to vector<1x32xf32>
    %concatenate3A_194 = tpu.concatenate %slice3A_186, %slice3A_187, %slice3A_188, %slice3A_189, %slice3A_190, %slice3A_191, %slice3A_192, %slice3A_193 in 1 : vector<1x32xf32>, vector<1x32xf32>, vector<1x32xf32>, vector<1x32xf32>, vector<1x32xf32>, vector<1x32xf32>, vector<1x32xf32>, vector<1x32xf32> -> vector<1x256xf32>
    %reshape3A = vector.shape_cast %concatenate3A_194 : vector<1x256xf32> to vector<256xf32>
    %swap3A = arith.constant 0 : index
    %swap3A_195 = vector.load %arg3[%swap3A] : memref<2048xf32, #tpu.memory_space<vmem>>, vector<256xf32>
    tpu.vector_store %arg3[%swap3A], %reshape3A {strides = array<i32>} : memref<2048xf32, #tpu.memory_space<vmem>>, vector<256xf32>,
    %slice3A_196 = vector.extract_strided_slice %exp3A {offsets = [8, 0], sizes = [1, 32], strides = [1, 1]} : vector<32x32xf32> to vector<1x32xf32>
    %slice3A_197 = vector.extract_strided_slice %exp3A {offsets = [9, 0], sizes = [1, 32], strides = [1, 1]} : vector<32x32xf32> to vector<1x32xf32>
    %slice3A_198 = vector.extract_strided_slice %exp3A {offsets = [10, 0], sizes = [1, 32], strides = [1, 1]} : vector<32x32xf32> to vector<1x32xf32>
    %slice3A_199 = vector.extract_strided_slice %exp3A {offsets = [11, 0], sizes = [1, 32], strides = [1, 1]} : vector<32x32xf32> to vector<1x32xf32>
    %slice3A_200 = vector.extract_strided_slice %exp3A {offsets = [12, 0], sizes = [1, 32], strides = [1, 1]} : vector<32x32xf32> to vector<1x32xf32>
    %slice3A_201 = vector.extract_strided_slice %exp3A {offsets = [13, 0], sizes = [1, 32], strides = [1, 1]} : vector<32x32xf32> to vector<1x32xf32>
    %slice3A_202 = vector.extract_strided_slice %exp3A {offsets = [14, 0], sizes = [1, 32], strides = [1, 1]} : vector<32x32xf32> to vector<1x32xf32>
    %slice3A_203 = vector.extract_strided_slice %exp3A {offsets = [15, 0], sizes = [1, 32], strides = [1, 1]} : vector<32x32xf32> to vector<1x32xf32>
    %concatenate3A_204 = tpu.concatenate %slice3A_196, %slice3A_197, %slice3A_198, %slice3A_199, %slice3A_200, %slice3A_201, %slice3A_202, %slice3A_203 in 1 : vector<1x32xf32>, vector<1x32xf32>, vector<1x32xf32>, vector<1x32xf32>, vector<1x32xf32>, vector<1x32xf32>, vector<1x32xf32>, vector<1x32xf32> -> vector<1x256xf32>
    %reshape3A_205 = vector.shape_cast %concatenate3A_204 : vector<1x256xf32> to vector<256xf32>
    %swap3A_206 = arith.constant 256 : index
    %swap3A_207 = vector.load %arg3[%swap3A_206] : memref<2048xf32, #tpu.memory_space<vmem>>, vector<256xf32>
    tpu.vector_store %arg3[%swap3A_206], %reshape3A_205 {strides = array<i32>} : memref<2048xf32, #tpu.memory_space<vmem>>, vector<256xf32>,
    %slice3A_208 = vector.extract_strided_slice %exp3A {offsets = [16, 0], sizes = [1, 32], strides = [1, 1]} : vector<32x32xf32> to vector<1x32xf32>
    %slice3A_209 = vector.extract_strided_slice %exp3A {offsets = [17, 0], sizes = [1, 32], strides = [1, 1]} : vector<32x32xf32> to vector<1x32xf32>
    %slice3A_210 = vector.extract_strided_slice %exp3A {offsets = [18, 0], sizes = [1, 32], strides = [1, 1]} : vector<32x32xf32> to vector<1x32xf32>
    %slice3A_211 = vector.extract_strided_slice %exp3A {offsets = [19, 0], sizes = [1, 32], strides = [1, 1]} : vector<32x32xf32> to vector<1x32xf32>
    %slice3A_212 = vector.extract_strided_slice %exp3A {offsets = [20, 0], sizes = [1, 32], strides = [1, 1]} : vector<32x32xf32> to vector<1x32xf32>
    %slice3A_213 = vector.extract_strided_slice %exp3A {offsets = [21, 0], sizes = [1, 32], strides = [1, 1]} : vector<32x32xf32> to vector<1x32xf32>
    %slice3A_214 = vector.extract_strided_slice %exp3A {offsets = [22, 0], sizes = [1, 32], strides = [1, 1]} : vector<32x32xf32> to vector<1x32xf32>
    %slice3A_215 = vector.extract_strided_slice %exp3A {offsets = [23, 0], sizes = [1, 32], strides = [1, 1]} : vector<32x32xf32> to vector<1x32xf32>
    %concatenate3A_216 = tpu.concatenate %slice3A_208, %slice3A_209, %slice3A_210, %slice3A_211, %slice3A_212, %slice3A_213, %slice3A_214, %slice3A_215 in 1 : vector<1x32xf32>, vector<1x32xf32>, vector<1x32xf32>, vector<1x32xf32>, vector<1x32xf32>, vector<1x32xf32>, vector<1x32xf32>, vector<1x32xf32> -> vector<1x256xf32>
    %reshape3A_217 = vector.shape_cast %concatenate3A_216 : vector<1x256xf32> to vector<256xf32>
    %swap3A_218 = arith.constant 512 : index
    %swap3A_219 = vector.load %arg3[%swap3A_218] : memref<2048xf32, #tpu.memory_space<vmem>>, vector<256xf32>
    tpu.vector_store %arg3[%swap3A_218], %reshape3A_217 {strides = array<i32>} : memref<2048xf32, #tpu.memory_space<vmem>>, vector<256xf32>,
    %slice3A_220 = vector.extract_strided_slice %exp3A {offsets = [24, 0], sizes = [1, 32], strides = [1, 1]} : vector<32x32xf32> to vector<1x32xf32>
    %slice3A_221 = vector.extract_strided_slice %exp3A {offsets = [25, 0], sizes = [1, 32], strides = [1, 1]} : vector<32x32xf32> to vector<1x32xf32>
    %slice3A_222 = vector.extract_strided_slice %exp3A {offsets = [26, 0], sizes = [1, 32], strides = [1, 1]} : vector<32x32xf32> to vector<1x32xf32>
    %slice3A_223 = vector.extract_strided_slice %exp3A {offsets = [27, 0], sizes = [1, 32], strides = [1, 1]} : vector<32x32xf32> to vector<1x32xf32>
    %slice3A_224 = vector.extract_strided_slice %exp3A {offsets = [28, 0], sizes = [1, 32], strides = [1, 1]} : vector<32x32xf32> to vector<1x32xf32>
    %slice3A_225 = vector.extract_strided_slice %exp3A {offsets = [29, 0], sizes = [1, 32], strides = [1, 1]} : vector<32x32xf32> to vector<1x32xf32>
    %slice3A_226 = vector.extract_strided_slice %exp3A {offsets = [30, 0], sizes = [1, 32], strides = [1, 1]} : vector<32x32xf32> to vector<1x32xf32>
    %slice3A_227 = vector.extract_strided_slice %exp3A {offsets = [31, 0], sizes = [1, 32], strides = [1, 1]} : vector<32x32xf32> to vector<1x32xf32>
    %concatenate3A_228 = tpu.concatenate %slice3A_220, %slice3A_221, %slice3A_222, %slice3A_223, %slice3A_224, %slice3A_225, %slice3A_226, %slice3A_227 in 1 : vector<1x32xf32>, vector<1x32xf32>, vector<1x32xf32>, vector<1x32xf32>, vector<1x32xf32>, vector<1x32xf32>, vector<1x32xf32>, vector<1x32xf32> -> vector<1x256xf32>
    %reshape3A_229 = vector.shape_cast %concatenate3A_228 : vector<1x256xf32> to vector<256xf32>
    %swap3A_230 = arith.constant 768 : index
    %swap3A_231 = vector.load %arg3[%swap3A_230] : memref<2048xf32, #tpu.memory_space<vmem>>, vector<256xf32>
    tpu.vector_store %arg3[%swap3A_230], %reshape3A_229 {strides = array<i32>} : memref<2048xf32, #tpu.memory_space<vmem>>, vector<256xf32>,
    %sqrt3A_232 = math.sqrt %add3A_182 : vector<32x32xf32>
    %mul3A_233 = arith.constant -1.000000e+01 : f32
    %mul3A_234 = vector.broadcast %mul3A_233 : f32 to vector<32x32xf32>
    %mul3A_235 = arith.mulf %mul3A_234, %sqrt3A_232 : vector<32x32xf32>
    %exp3A_236 = math.exp %mul3A_235 : vector<32x32xf32>
    %slice3A_237 = vector.extract_strided_slice %exp3A_236 {offsets = [0, 0], sizes = [1, 32], strides = [1, 1]} : vector<32x32xf32> to vector<1x32xf32>
    %slice3A_238 = vector.extract_strided_slice %exp3A_236 {offsets = [1, 0], sizes = [1, 32], strides = [1, 1]} : vector<32x32xf32> to vector<1x32xf32>
    %slice3A_239 = vector.extract_strided_slice %exp3A_236 {offsets = [2, 0], sizes = [1, 32], strides = [1, 1]} : vector<32x32xf32> to vector<1x32xf32>
    %slice3A_240 = vector.extract_strided_slice %exp3A_236 {offsets = [3, 0], sizes = [1, 32], strides = [1, 1]} : vector<32x32xf32> to vector<1x32xf32>
    %slice3A_241 = vector.extract_strided_slice %exp3A_236 {offsets = [4, 0], sizes = [1, 32], strides = [1, 1]} : vector<32x32xf32> to vector<1x32xf32>
    %slice3A_242 = vector.extract_strided_slice %exp3A_236 {offsets = [5, 0], sizes = [1, 32], strides = [1, 1]} : vector<32x32xf32> to vector<1x32xf32>
    %slice3A_243 = vector.extract_strided_slice %exp3A_236 {offsets = [6, 0], sizes = [1, 32], strides = [1, 1]} : vector<32x32xf32> to vector<1x32xf32>
    %slice3A_244 = vector.extract_strided_slice %exp3A_236 {offsets = [7, 0], sizes = [1, 32], strides = [1, 1]} : vector<32x32xf32> to vector<1x32xf32>
    %concatenate3A_245 = tpu.concatenate %slice3A_237, %slice3A_238, %slice3A_239, %slice3A_240, %slice3A_241, %slice3A_242, %slice3A_243, %slice3A_244 in 1 : vector<1x32xf32>, vector<1x32xf32>, vector<1x32xf32>, vector<1x32xf32>, vector<1x32xf32>, vector<1x32xf32>, vector<1x32xf32>, vector<1x32xf32> -> vector<1x256xf32>
    %reshape3A_246 = vector.shape_cast %concatenate3A_245 : vector<1x256xf32> to vector<256xf32>
    %swap3A_247 = arith.constant 1024 : index
    %swap3A_248 = vector.load %arg3[%swap3A_247] : memref<2048xf32, #tpu.memory_space<vmem>>, vector<256xf32>
    tpu.vector_store %arg3[%swap3A_247], %reshape3A_246 {strides = array<i32>} : memref<2048xf32, #tpu.memory_space<vmem>>, vector<256xf32>,
    %slice3A_249 = vector.extract_strided_slice %exp3A_236 {offsets = [8, 0], sizes = [1, 32], strides = [1, 1]} : vector<32x32xf32> to vector<1x32xf32>
    %slice3A_250 = vector.extract_strided_slice %exp3A_236 {offsets = [9, 0], sizes = [1, 32], strides = [1, 1]} : vector<32x32xf32> to vector<1x32xf32>
    %slice3A_251 = vector.extract_strided_slice %exp3A_236 {offsets = [10, 0], sizes = [1, 32], strides = [1, 1]} : vector<32x32xf32> to vector<1x32xf32>
    %slice3A_252 = vector.extract_strided_slice %exp3A_236 {offsets = [11, 0], sizes = [1, 32], strides = [1, 1]} : vector<32x32xf32> to vector<1x32xf32>
    %slice3A_253 = vector.extract_strided_slice %exp3A_236 {offsets = [12, 0], sizes = [1, 32], strides = [1, 1]} : vector<32x32xf32> to vector<1x32xf32>
    %slice3A_254 = vector.extract_strided_slice %exp3A_236 {offsets = [13, 0], sizes = [1, 32], strides = [1, 1]} : vector<32x32xf32> to vector<1x32xf32>
    %slice3A_255 = vector.extract_strided_slice %exp3A_236 {offsets = [14, 0], sizes = [1, 32], strides = [1, 1]} : vector<32x32xf32> to vector<1x32xf32>
    %slice3A_256 = vector.extract_strided_slice %exp3A_236 {offsets = [15, 0], sizes = [1, 32], strides = [1, 1]} : vector<32x32xf32> to vector<1x32xf32>
    %concatenate3A_257 = tpu.concatenate %slice3A_249, %slice3A_250, %slice3A_251, %slice3A_252, %slice3A_253, %slice3A_254, %slice3A_255, %slice3A_256 in 1 : vector<1x32xf32>, vector<1x32xf32>, vector<1x32xf32>, vector<1x32xf32>, vector<1x32xf32>, vector<1x32xf32>, vector<1x32xf32>, vector<1x32xf32> -> vector<1x256xf32>
    %reshape3A_258 = vector.shape_cast %concatenate3A_257 : vector<1x256xf32> to vector<256xf32>
    %swap3A_259 = arith.constant 1280 : index
    %swap3A_260 = vector.load %arg3[%swap3A_259] : memref<2048xf32, #tpu.memory_space<vmem>>, vector<256xf32>
    tpu.vector_store %arg3[%swap3A_259], %reshape3A_258 {strides = array<i32>} : memref<2048xf32, #tpu.memory_space<vmem>>, vector<256xf32>,
    %slice3A_261 = vector.extract_strided_slice %exp3A_236 {offsets = [16, 0], sizes = [1, 32], strides = [1, 1]} : vector<32x32xf32> to vector<1x32xf32>
    %slice3A_262 = vector.extract_strided_slice %exp3A_236 {offsets = [17, 0], sizes = [1, 32], strides = [1, 1]} : vector<32x32xf32> to vector<1x32xf32>
    %slice3A_263 = vector.extract_strided_slice %exp3A_236 {offsets = [18, 0], sizes = [1, 32], strides = [1, 1]} : vector<32x32xf32> to vector<1x32xf32>
    %slice3A_264 = vector.extract_strided_slice %exp3A_236 {offsets = [19, 0], sizes = [1, 32], strides = [1, 1]} : vector<32x32xf32> to vector<1x32xf32>
    %slice3A_265 = vector.extract_strided_slice %exp3A_236 {offsets = [20, 0], sizes = [1, 32], strides = [1, 1]} : vector<32x32xf32> to vector<1x32xf32>
    %slice3A_266 = vector.extract_strided_slice %exp3A_236 {offsets = [21, 0], sizes = [1, 32], strides = [1, 1]} : vector<32x32xf32> to vector<1x32xf32>
    %slice3A_267 = vector.extract_strided_slice %exp3A_236 {offsets = [22, 0], sizes = [1, 32], strides = [1, 1]} : vector<32x32xf32> to vector<1x32xf32>
    %slice3A_268 = vector.extract_strided_slice %exp3A_236 {offsets = [23, 0], sizes = [1, 32], strides = [1, 1]} : vector<32x32xf32> to vector<1x32xf32>
    %concatenate3A_269 = tpu.concatenate %slice3A_261, %slice3A_262, %slice3A_263, %slice3A_264, %slice3A_265, %slice3A_266, %slice3A_267, %slice3A_268 in 1 : vector<1x32xf32>, vector<1x32xf32>, vector<1x32xf32>, vector<1x32xf32>, vector<1x32xf32>, vector<1x32xf32>, vector<1x32xf32>, vector<1x32xf32> -> vector<1x256xf32>
    %reshape3A_270 = vector.shape_cast %concatenate3A_269 : vector<1x256xf32> to vector<256xf32>
    %swap3A_271 = arith.constant 1536 : index
    %swap3A_272 = vector.load %arg3[%swap3A_271] : memref<2048xf32, #tpu.memory_space<vmem>>, vector<256xf32>
    tpu.vector_store %arg3[%swap3A_271], %reshape3A_270 {strides = array<i32>} : memref<2048xf32, #tpu.memory_space<vmem>>, vector<256xf32>,
    %slice3A_273 = vector.extract_strided_slice %exp3A_236 {offsets = [24, 0], sizes = [1, 32], strides = [1, 1]} : vector<32x32xf32> to vector<1x32xf32>
    %slice3A_274 = vector.extract_strided_slice %exp3A_236 {offsets = [25, 0], sizes = [1, 32], strides = [1, 1]} : vector<32x32xf32> to vector<1x32xf32>
    %slice3A_275 = vector.extract_strided_slice %exp3A_236 {offsets = [26, 0], sizes = [1, 32], strides = [1, 1]} : vector<32x32xf32> to vector<1x32xf32>
    %slice3A_276 = vector.extract_strided_slice %exp3A_236 {offsets = [27, 0], sizes = [1, 32], strides = [1, 1]} : vector<32x32xf32> to vector<1x32xf32>
    %slice3A_277 = vector.extract_strided_slice %exp3A_236 {offsets = [28, 0], sizes = [1, 32], strides = [1, 1]} : vector<32x32xf32> to vector<1x32xf32>
    %slice3A_278 = vector.extract_strided_slice %exp3A_236 {offsets = [29, 0], sizes = [1, 32], strides = [1, 1]} : vector<32x32xf32> to vector<1x32xf32>
    %slice3A_279 = vector.extract_strided_slice %exp3A_236 {offsets = [30, 0], sizes = [1, 32], strides = [1, 1]} : vector<32x32xf32> to vector<1x32xf32>
    %slice3A_280 = vector.extract_strided_slice %exp3A_236 {offsets = [31, 0], sizes = [1, 32], strides = [1, 1]} : vector<32x32xf32> to vector<1x32xf32>
    %concatenate3A_281 = tpu.concatenate %slice3A_273, %slice3A_274, %slice3A_275, %slice3A_276, %slice3A_277, %slice3A_278, %slice3A_279, %slice3A_280 in 1 : vector<1x32xf32>, vector<1x32xf32>, vector<1x32xf32>, vector<1x32xf32>, vector<1x32xf32>, vector<1x32xf32>, vector<1x32xf32>, vector<1x32xf32> -> vector<1x256xf32>
    %reshape3A_282 = vector.shape_cast %concatenate3A_281 : vector<1x256xf32> to vector<256xf32>
    %swap3A_283 = arith.constant 1792 : index
    %swap3A_284 = vector.load %arg3[%swap3A_283] : memref<2048xf32, #tpu.memory_space<vmem>>, vector<256xf32>
    tpu.vector_store %arg3[%swap3A_283], %reshape3A_282 {strides = array<i32>} : memref<2048xf32, #tpu.memory_space<vmem>>, vector<256xf32>,
    return
  }
}

</mosaic_0001>

<sc_bundles>
// kernel: kernel.4.cloned.1.call-start
scs
__scs_entry_jumppad:
0x0: {  	(pc) =	sbr.rel $0x88, $3  }
0x1: {  	(tag) =	ssettag $0x0;
	lr =	simm.s32 $0x1  }
0x2: {  	[smem:$0x3F9C] =	sst lr;
	_ =	strace $0xD0000000  }
0x3: {  	_ = 	snop  }
0x4: {  	_ = 	snop  }
0x5: {  	_ = 	snop  }
0x6: {  	_ = 	snop  }
0x7: {  	_ = 	snop  }
__scs_overlays_trampoline_lowered:
0x8: {  	[smem:$0x3FAB] =	sst s0  }
0x9: {  	[smem:$0x3FAC] =	sst s1  }
0xa: {  	[smem:$0x3FAD] =	sst s2  }
0xb: {  	[smem:$0x3FAE] =	sst s3  }
0xc: {  	[smem:$0x3FAF] =	sst s4  }
0xd: {  	[smem:$0x3FB0] =	sst s5  }
0xe: {  	[smem:$0x3FB1] =	sst s6  }
0xf: {  	[smem:$0x3FB2] =	sst s7  }
0x10: {  	[smem:$0x3FB3] =	sst s8  }
0x11: {  	[smem:$0x3FB4] =	sst s9;
	s0 =	simm.s32 @!p0 $0x0  }
0x12: {  	s1 =	sld [smem:$0x3F9A];
	s0 =	simm.s32 @p0 $0x1  }
0x13: {  	[smem:$0x3FB5] =	sst s0;
	s0 =	simm.s32 @!p1 $0x0  }
0x14: {  	s2 =	sld [smem:$0x3F99];
	s0 =	simm.s32 @p1 $0x1  }
0x15: {  	[smem:$0x3FB6] =	sst s0;
	s0 =	simm.s32 @!p2 $0x0  }
0x16: {  	s3 =	sld [smem:$0x3FDB];
	s0 =	simm.s32 @p2 $0x1  }
0x17: {  	s4 =	simm.s32 $0x1BF5;
	[smem:$0x3FB8] =	sst s0  }
0x18: {  	s0 =	sld [smem:$0x3F9B];
	_ =	swait.ge [sflag:s4], $0x0  }
0x19: {  	s7 =	sld [smem:$0x3F9C]  }
0x1a: {  	s8 =	sadd.s32 $0xFFFFE003, lr  }
0x1b: {  	s9 =	sadd.s32 $0xFFFFFEF7, lr;
	s5 =	simm.s32 $0xFFFFFFFF;
	p2 =	slt.u32 s8, $0xFFFFF086  }
0x1c: {  	p1 =	slt.u32 s9, $0xF7A;
	s5 =	simm.s32 @!p2 $0x0  }
0x1d: {  	s5 =	simm.s32 @p1 $0x1;
	p0 =	seq.s32 s7, s2  }
0x1e: {  	s7 =	smul.u32 @!p0 $0xF7A, s2;
	p2 =	seq.s32 @!p0 s5, $0x0  }
0x1f: {  	s9 =	smul.u32 $0xF7A, s1;
	s8 =	simm.s32 @!p0 $0x1BF5;
	p2 =	por !p2, p0  }
0x20: {  	[sflag:s8] =	ssyncset.s32 @!p0 $0xFFFFF086;
	s6 =	sadd.s32 @!p0 s3, s7;
	s7 =	simm.s32 @!p0 $0x108  }
0x21: {  	s3 =	sadd.s32 s3, s9;
	s6 =	sadd.s32 @!p0 $0x88, s6;
	s7 =	simm.s32 @p2 $0x1082  }
0x22: {  	[simem:s7], [sflag:s8] =	dma.local @!p0 [hbm:s6], $0xF7A  }
0x23: {  	s9 =	sor.u32 $0xD0000000, s2;
	s6 =	simm.s32 $0x108;
	_ =	swait.ge @!p0 [sflag:s8], $0x0  }
0x24: {  	s3 =	sadd.s32 $0x88, s3;
	s6 =	simm.s32 @!p1 $0x1082;
	[sflag:s4] =	ssyncset.s32 $0xFFFFF086  }
0x25: {  	[simem:s6], [sflag:s4] =	dma.local [hbm:s3], $0xF7A  }
0x26: {  	[smem:$0x3F9C] =	sst s1;
	(tag) =	ssettag s2;
	_ =	strace s9  }
0x27: {  	s1 =	sld [smem:$0x3FAC]  }
0x28: {  	s2 =	sld [smem:$0x3FAD]  }
0x29: {  	s4 =	sld [smem:$0x3FAF]  }
0x2a: {  	p0 =	seq.s32 s5, $0x0;
	s5 =	sld [smem:$0x3FB0]  }
0x2b: {  	s6 =	sld [smem:$0x3FB1]  }
0x2c: {  	s7 =	sld [smem:$0x3FB2]  }
0x2d: {  	s3 =	simm.s32 $0x108;
	s8 =	sld [smem:$0x3FB3]  }
0x2e: {  	s3 =	simm.s32 @!p0 $0x1082;
	s9 =	sld [smem:$0x3FB4]  }
0x2f: {  	lr =	sadd.s32 s0, s3;
	s0 =	sld [smem:$0x3FAB]  }
0x30: {  	s3 =	sld [smem:$0x3FAE]  }
0x31: {  	[smem:$0x3FB7] =	sst s10  }
0x32: {  	s10 =	sld [smem:$0x3FB5];
	_ =	sdelay $0x3  }
0x33: {  	p0 =	seq.s32 s10, $0x1;
	s10 =	sld [smem:$0x3FB7];
	_ =	sdelay $0x3  }
0x34: {  	[smem:$0x3FB7] =	sst s10  }
0x35: {  	s10 =	sld [smem:$0x3FB6];
	_ =	sdelay $0x3  }
0x36: {  	p1 =	seq.s32 s10, $0x1;
	s10 =	sld [smem:$0x3FB7];
	_ =	sdelay $0x3  }
0x37: {  	[smem:$0x3FB7] =	sst s10  }
0x38: {  	s10 =	sld [smem:$0x3FB8]  }
0x39: {  	_ = 	snop;
	(pc) =	sbr.ind lr, $3  }
0x3a: {  	_ = 	snop  }
0x3b: {  	_ = 	snop  }
0x3c: {  	p2 =	seq.s32 s10, $0x1;
	s10 =	sld [smem:$0x3FB7]  }
0x3d: {  	_ =	shalt  }
0x3e: {  	_ =	shalt  }
0x3f: {  	_ =	shalt  }
0x40: {  	_ =	shalt  }
0x41: {  	_ =	shalt  }
0x42: {  	_ =	shalt  }
0x43: {  	_ =	shalt  }
0x44: {  	_ =	shalt  }
0x45: {  	_ =	shalt  }
0x46: {  	_ =	shalt  }
0x47: {  	_ =	shalt  }
0x48: {  	_ =	shalt  }
0x49: {  	_ =	shalt  }
0x4a: {  	_ =	shalt  }
0x4b: {  	_ =	shalt  }
0x4c: {  	_ =	shalt  }
0x4d: {  	_ =	shalt  }
0x4e: {  	_ =	shalt  }
0x4f: {  	_ =	shalt  }
0x50: {  	_ =	shalt  }
0x51: {  	_ =	shalt  }
0x52: {  	_ =	shalt  }
0x53: {  	_ =	shalt  }
0x54: {  	_ =	shalt  }
0x55: {  	_ =	shalt  }
0x56: {  	_ =	shalt  }
0x57: {  	_ =	shalt  }
0x58: {  	_ =	shalt  }
0x59: {  	_ =	shalt  }
0x5a: {  	_ =	shalt  }
0x5b: {  	_ =	shalt  }
0x5c: {  	_ =	shalt  }
0x5d: {  	_ =	shalt  }
0x5e: {  	_ =	shalt  }
0x5f: {  	_ =	shalt  }
0x60: {  	_ =	shalt  }
0x61: {  	_ =	shalt  }
0x62: {  	_ =	shalt  }
0x63: {  	_ =	shalt  }
0x64: {  	_ =	shalt  }
0x65: {  	_ =	shalt  }
0x66: {  	_ =	shalt  }
0x67: {  	_ =	shalt  }
0x68: {  	_ =	shalt  }
0x69: {  	_ =	shalt  }
0x6a: {  	_ =	shalt  }
0x6b: {  	_ =	shalt  }
0x6c: {  	_ =	shalt  }
0x6d: {  	_ =	shalt  }
0x6e: {  	_ =	shalt  }
0x6f: {  	_ =	shalt  }
0x70: {  	_ =	shalt  }
0x71: {  	_ =	shalt  }
0x72: {  	_ =	shalt  }
0x73: {  	_ =	shalt  }
0x74: {  	_ =	shalt  }
0x75: {  	_ =	shalt  }
0x76: {  	_ =	shalt  }
0x77: {  	_ =	shalt  }
0x78: {  	_ =	shalt  }
0x79: {  	_ =	shalt  }
0x7a: {  	_ =	shalt  }
0x7b: {  	_ =	shalt  }
0x7c: {  	_ =	shalt  }
0x7d: {  	_ =	shalt  }
0x7e: {  	_ =	shalt  }
0x7f: {  	_ =	shalt  }
0x80: {  	_ =	shalt  }
0x81: {  	_ =	shalt  }
0x82: {  	_ =	shalt  }
0x83: {  	_ =	shalt  }
0x84: {  	_ =	shalt  }
0x85: {  	_ =	shalt  }
0x86: {  	_ =	shalt  }
0x87: {  	_ =	shalt  }
.Lfunc_end0:
.L_simem_size_0:
called_computation_lowered:
.L_overlay_start_0:
0x88: {  	s2 =	sld [smem:$0x3FD9]  }
0x89: {  	s3 =	sld [smem:$0x3FFE];
	_ =	sdelay $0x1  }
0x8a: {  	s1 =	srdreg.scid  }
0x8b: {  	s0 =	sand.u32 $0x1, s1  }
0x8c: {  	s17 =	sshll.u32 s0, $0xA;
	s2 =	sadd.s32 s3, s2  }
0x8d: {  	s2 =	sadd.s32 s2, s17  }
0x8e: {  	[smem:$0x3FC3] =	sst s2  }
0x8f: {  	_ = 	snop  }
0x90: {  	s2 =	sld [smem:$0x3FC9]  }
0x91: {  	s18 =	sld [smem:$0x3FC8]  }
0x92: {  	s4 =	sld [smem:$0x3FD0];
	(tm) =	ssettm $0x1  }
0x93: {  	s5 =	sld [smem:$0x3FFB];
	_ =	sdelay $0x3  }
0x94: {  	_ =	strace s5  }
0x95: {  	s5 =	sld [smem:$0x3FFC];
	_ =	sdelay $0x3  }
0x96: {  	_ =	strace s5  }
0x97: {  	s5 =	sld [smem:$0x3FFD];
	_ =	sdelay $0x3  }
0x98: {  	_ =	strace s5  }
0x99: {  	_ =	strace $0x8FFFFFFF  }
0x9a: {  	s19 =	sld [smem:$0x3FDB];
	_ =	sdelay $0x1  }
0x9b: {  	s6 =	simm.s32 $_scs_section_size  }
0x9c: {  	s7 =	simm.s32 $_size__tile_overlayer_lowered;
	s8 =	simm.s32 $_tile_overlayer_lowered  }
0x9d: {  	s22 =	simm.s32 $0x1BFF;
	s21 =	sshll.u32 s8, $0x1;
	s5 =	sadd.s32 s6, s19  }
0x9e: {  	s9 =	simm.s32 $0x0;
	s20 =	sshll.u32 s7, $0x1;
	s7 =	sadd.s32 s21, s5  }
0x9f: {  	[timem:s9], [sflag:s22] =	dma.local [hbm:s7], s20  }
0xa0: {  	_ =	swait.ge [sflag:s22], s20  }
0xa1: {  	s6 =	ssub.s32 $0x0, s20;
	[sflag:s22] =	ssyncset.done $0x0  }
0xa2: {  	[sflag:s22] =	ssyncadd.s32 s6;
	_ =	sdelay $0x1  }
0xa3: {  	s23 =	simm.s32 $0x1B8B  }
0xa4: {  	_ =	swait.ge [sflag:s23], $0x1  }
0xa5: {  	[sflag:s23] =	ssyncset.done $0x0  }
0xa6: {  	s25 =	simm.s32 $0x1B8E;
	s24 =	sld [smem:$0x3FFE];
	[sflag:s23] =	ssyncadd.s32 $0xFFFFFFFF  }
0xa7: {  	s26 =	simm.s32 $execute0_lowered;
	[smem:$0x3FD2] =	sst s25  }
0xa8: {  	s7 =	sshll.u32 s26, $0x1;
	_ =	strace $0x80000046;
	[dreg:$0x1] =	wrdreg $0xFFFFFFFF  }
0xa9: {  	s28 =	simm.s32 $_size_execute0_lowered;
	s5 =	sadd.s32 s5, s7;
	[dreg:$0x0] =	wrdreg $0x0  }
0xaa: {  	s7 =	sshll.u32 s28, $0x1;
	[dreg:$0x2] =	wrdreg s5  }
0xab: {  	[dreg:$0x3] =	wrdreg s7  }
0xac: {  	[dreg:$0x4] =	wrdreg $0xC0  }
0xad: {  	_ =	task [dreg:s9], $0x5FFFF  }
0xae: {  	[dreg:$0x1] =	wrdreg $0xFFFFFFFF  }
0xaf: {  	[dreg:$0x0] =	wrdreg $0x60  }
0xb0: {  	[dreg:$0x2] =	wrdreg s2  }
0xb1: {  	[dreg:$0x3] =	wrdreg s18  }
0xb2: {  	[dreg:$0x4] =	wrdreg s24  }
0xb3: {  	[dreg:$0x5] =	wrdreg s4  }
0xb4: {  	[dreg:$0x6] =	wrdreg $0x9  }
0xb5: {  	_ =	task.clear_ibuf [dreg:s9], $0x7FFFF;
	_ =	strace $0x90000046  }
0xb6: {  	s29 =	simm.s32 $0x9;
	_ =	strace $0x80000048  }
0xb7: {  	_ =	swait.ge [sflag:s29], $0x1  }
0xb8: {  	[sflag:s29] =	ssyncadd.s32 $0xFFFFFFFF  }
0xb9: {  	_ =	strace $0x90000048  }
0xba: {  	_ =	sfence  }
0xbb: {  	s30 =	sld [smem:$0x0];
	_ =	sdelay $0x2  }
0xbc: {  	s31 =	sshll.u32 s1, $0xD;
	s1 =	sshrl.u32 s1, $0x2  }
0xbd: {  	s3 =	sand.u32 $0x4000, s31;
	s1 =	sadd.s32 s1, s30  }
0xbe: {  	s0 =	sor.u32 s3, s0;
	s1 =	sshll.u32 s1, $0x11  }
0xbf: {  	s0 =	sor.u32 s1, s0  }
0xc0: {  	s0 =	sadd.s32 $0x8F2B, s0  }
0xc1: {  	[sflag:s0] =	ssyncadd.remote.s32 $0x1  }
0xc2: {  	_ =	sfence.sel $0xFFFF  }
0xc3: {  	[dreg:$0x0] =	wrdreg $0xFFFFFFFF;
	(pc) =	sbr.abs _section_cstart, $3  }
0xc4: {  	[dreg:$0x1] =	wrdreg $0xFFFFFFFF  }
0xc5: {  	_ =	task.clear_ibuf [dreg:s9], $0x2FFFF;
	_ =	strace $0x9FFFFFFF  }
0xc6: {  	(tm) =	ssettm $0x7FFFFFFF  }
0xc7: {  	_ =	shalt  }
tec
execute0_lowered:
.L_overlay_start_1:
0x0: {  	(tag) =	ssettag $0x1  }
0x1: {  	s4 =	rddreg [dreg:$0x0]  }
0x2: {  	s6 =	rddreg [dreg:$0x1]  }
0x3: {  	s3 =	rddreg [dreg:$0x2]  }
0x4: {  	s5 =	rddreg [dreg:$0x3]  }
0x5: {  	s0 =	rddreg [dreg:$0x4];
	s2 =	simm.s32 $0x0;
	s7 =	srdreg.scid  }
0x6: {  	s1 =	stileid.u32;
	s11 =	simm.s32 $0x1000;
	s12 =	simm.s32 $0x1400  }
0x7: {  	s13 =	simm.s32 $0x1;
	s14 =	simm.s32 $0x1C00;
	s15 =	simm.s32 $0x1E00  }
0x8: {  	s16 =	simm.s32 $0x2000;
	s17 =	simm.s32 $0x2200;
	[smem:$0x7FF] =	sst s2  }
0x9: {  	s7 =	sand.u32 $0x1, s7;
	s9 =	sshll.u32 s1, $0x1;
	s3 =	sadd.s32 $0xC00, s3  }
0xa: {  	_ =	strace $0x80000047;
	s8 =	ssub.s32 $0x2, s7;
	s7 =	sor.u32 s7, s9  }
0xb: {  	s10 =	sshrl.u32 s8, $0x1;
	s31 =	sshll.u32 s7, $0x9;
	s9 =	sshll.u32 s7, $0x8  }
0xc: {  	s7 =	sshll.u32 s7, $0x7;
	s10 =	ssub.s32 s8, s10;
	s5 =	sadd.s32 s5, s9  }
0xd: {  	s4 =	sadd.s32 s4, s31;
	s6 =	sadd.s32 s6, s7;
	s7 =	sadd.s32 $0x40, s5  }
0xe: {  	s8 =	sadd.s32 $0x80, s5;
	s9 =	sadd.s32 $0xC0, s5;
	s10 =	smax.u32 s10, $0x1  }
.LBB2_1:
0xf: {  	[tilespmem:s2], [sflag:$0x1] =	stream.linear.gather [hbm4b:s4+s2], $0x1000, $0x38;
	[tilespmem:$0x2400] =	vst v63  }
0x10: {  	_ = 	snop  }
0x11: {  	[tilespmem:s11], [sflag:$0x1] =	stream.linear.gather [hbm4b:s6+s2], $0x400, $0x38;
	[tilespmem:$0x2400] =	vst v63  }
0x12: {  	_ = 	snop  }
0x13: {  	[tilespmem:s12], [sflag:$0x1] =	stream.linear.gather [hbm4b:s3+s2], $0x800, $0x38;
	[tilespmem:$0x2400] =	vst v63  }
0x14: {  	_ =	swait.ge [sflag:s13], $0x1000  }
0x15: {  	[sflag:s13] =	ssyncset.done $0x0  }
0x16: {  	[sflag:s13] =	ssyncadd.s32 $0xFFFFF000  }
0x17: {  	_ =	swait.ge [sflag:s13], $0x400  }
0x18: {  	[sflag:s13] =	ssyncset.done $0x0  }
0x19: {  	[sflag:s13] =	ssyncadd.s32 $0xFFFFFC00  }
0x1a: {  	_ =	swait.ge [sflag:s13], $0x800  }
0x1b: {  	[sflag:s13] =	ssyncset.done $0x0  }
0x1c: {  	[sflag:s13] =	ssyncadd.s32 $0xFFFFF800  }
0x1d: {  	v0 =	vld [tilespmem:$0x0]  }
0x1e: {  	v1 =	vld [tilespmem:$0x80]  }
0x1f: {  	v2 =	vld [tilespmem:$0x100]  }
0x20: {  	v3 =	vld [tilespmem:$0x180]  }
0x21: {  	v5 =	vld [tilespmem:$0x200]  }
0x22: {  	v0 =	vshll.u32 v0, $0x5  }
0x23: {  	v1 =	vadd.s32 v0, v1  }
0x24: {  	v2 =	vadd.s32 v0, v2  }
0x25: {  	v3 =	vadd.s32 v0, v3  }
0x26: {  	v6 =	vld [tilespmem:$0x1000];
	v0 =	vadd.s32 v0, v5  }
0x27: {  	v8 =	vld [tilespmem:$0x1080];
	v4 =	vadd.s32 $0x400, v1  }
0x28: {  	v7 =	vadd.s32 $0x400, v2;
	v1 =	vld.idx.msk [tilespmem:v1+s12+$0x0], $0xffff  }
0x29: {  	v9 =	vadd.s32 $0x400, v3;
	v2 =	vld.idx.msk [tilespmem:v2+s12+$0x0], $0xffff  }
0x2a: {  	v5 =	vadd.s32 $0x400, v0;
	v3 =	vld.idx.msk [tilespmem:v3+s12+$0x0], $0xffff  }
0x2b: {  	v0 =	vld.idx.msk [tilespmem:v0+s12+$0x0], $0xffff  }
0x2c: {  	v4 =	vld.idx.msk [tilespmem:v4+s12+$0x0], $0xffff  }
0x2d: {  	v7 =	vld.idx.msk [tilespmem:v7+s12+$0x0], $0xffff  }
0x2e: {  	v9 =	vld.idx.msk [tilespmem:v9+s12+$0x0], $0xffff  }
0x2f: {  	v5 =	vld.idx.msk [tilespmem:v5+s12+$0x0], $0xffff;
	_ =	sdelay $0x1  }
0x30: {  	v1 =	vmul.f32 v1, v6;
	v2 =	vmul.f32 v2, v6  }
0x31: {  	v3 =	vmul.f32 v3, v6;
	v0 =	vmul.f32 v0, v6  }
0x32: {  	v4 =	vmul.f32 v4, v8;
	v7 =	vmul.f32 v7, v8  }
0x33: {  	v9 =	vmul.f32 v9, v8;
	v5 =	vmul.f32 v5, v8  }
0x34: {  	v1 =	vadd.f32 v4, v1;
	v2 =	vadd.f32 v7, v2  }
0x35: {  	v3 =	vadd.f32 v9, v3;
	v0 =	vadd.f32 v5, v0;
	_ =	sdelay $0x1  }
0x36: {  	v4 =	vadd.f32 v2, v1;
	v5 =	vadd.f32 v0, v3;
	_ =	sdelay $0x1  }
0x37: {  	v4 =	vadd.f32 v5, v4;
	_ =	sdelay $0x1  }
0x38: {  	(erf) = vrcp.f32 v4;
	_ =	sdelay $0x4  }
0x39: {  	v61 =	vld [tilespmem:$0x10]  }
0x3a: {  	v62 =	vld [tilespmem:$0x90];
	_ =	sdelay $0x1  }
0x3b: {  	v63 =	vld [tilespmem:$0x110]  }
0x3c: {  	v12 =	vpop (erf)  }
0x3d: {  	v13 =	vld [tilespmem:$0x190];
	v4 =	vshll.u32 v61, $0x5;
	v1 =	vmul.f32 v12, v1  }
0x3e: {  	v5 =	vadd.s32 v4, v62;
	v2 =	vmul.f32 v12, v2  }
0x3f: {  	v16 =	vld [tilespmem:$0x210];
	v15 =	vadd.s32 $0x400, v5;
	v14 =	vmul.f32 v12, v3;
	[tilespmem:$0x1C00] =	vst v1  }
0x40: {  	v17 =	vadd.s32 v4, v63;
	v0 =	vmul.f32 v12, v0;
	[tilespmem:$0x1C80] =	vst v2  }
0x41: {  	v18 =	vld [tilespmem:$0x1010];
	v6 =	vadd.s32 $0x400, v17;
	[tilespmem:$0x1D00] =	vst v14  }
0x42: {  	v19 =	vld [tilespmem:$0x1090];
	v20 =	vadd.s32 v4, v13;
	[tilespmem:$0x1D80] =	vst v0  }
0x43: {  	v8 =	vadd.s32 $0x400, v20;
	v5 =	vld.idx.msk [tilespmem:v5+s12+$0x0], $0xffff  }
0x44: {  	v4 =	vadd.s32 v4, v16;
	v3 =	vld.idx.msk [tilespmem:v15+s12+$0x0], $0xffff  }
0x45: {  	v9 =	vadd.s32 $0x400, v4;
	v2 =	vld.idx.msk [tilespmem:v17+s12+$0x0], $0xffff  }
0x46: {  	v6 =	vld.idx.msk [tilespmem:v6+s12+$0x0], $0xffff  }
0x47: {  	v7 =	vld.idx.msk [tilespmem:v20+s12+$0x0], $0xffff  }
0x48: {  	v8 =	vld.idx.msk [tilespmem:v8+s12+$0x0], $0xffff  }
0x49: {  	v4 =	vld.idx.msk [tilespmem:v4+s12+$0x0], $0xffff  }
0x4a: {  	v9 =	vld.idx.msk [tilespmem:v9+s12+$0x0], $0xffff;
	_ =	sdelay $0x1  }
0x4b: {  	v5 =	vmul.f32 v5, v18;
	v3 =	vmul.f32 v3, v19  }
0x4c: {  	v2 =	vmul.f32 v2, v18;
	v6 =	vmul.f32 v6, v19  }
0x4d: {  	v7 =	vmul.f32 v7, v18;
	v8 =	vmul.f32 v8, v19  }
0x4e: {  	v1 =	vmul.f32 v4, v18;
	v0 =	vmul.f32 v9, v19  }
0x4f: {  	v3 =	vadd.f32 v3, v5;
	v2 =	vadd.f32 v6, v2  }
0x50: {  	v21 =	vadd.f32 v8, v7;
	v0 =	vadd.f32 v0, v1;
	_ =	sdelay $0x1  }
0x51: {  	v22 =	vadd.f32 v2, v3;
	v23 =	vadd.f32 v0, v21;
	_ =	sdelay $0x1  }
0x52: {  	v1 =	vadd.f32 v23, v22;
	_ =	sdelay $0x1  }
0x53: {  	(erf) = vrcp.f32 v1;
	_ =	sdelay $0x4  }
0x54: {  	v24 =	vld [tilespmem:$0x20]  }
0x55: {  	v25 =	vld [tilespmem:$0xA0];
	_ =	sdelay $0x1  }
0x56: {  	v26 =	vld [tilespmem:$0x120]  }
0x57: {  	v27 =	vpop (erf)  }
0x58: {  	v28 =	vld [tilespmem:$0x1A0];
	v1 =	vshll.u32 v24, $0x5;
	v3 =	vmul.f32 v27, v3  }
0x59: {  	v5 =	vadd.s32 v1, v25;
	v2 =	vmul.f32 v27, v2  }
0x5a: {  	v31 =	vld [tilespmem:$0x220];
	v30 =	vadd.s32 $0x400, v5;
	v29 =	vmul.f32 v27, v21;
	[tilespmem:$0x1C10] =	vst v3  }
0x5b: {  	v32 =	vadd.s32 v1, v26;
	v0 =	vmul.f32 v27, v0;
	[tilespmem:$0x1C90] =	vst v2  }
0x5c: {  	v33 =	vld [tilespmem:$0x1020];
	v6 =	vadd.s32 $0x400, v32;
	[tilespmem:$0x1D10] =	vst v29  }
0x5d: {  	v34 =	vld [tilespmem:$0x10A0];
	v35 =	vadd.s32 v1, v28;
	[tilespmem:$0x1D90] =	vst v0  }
0x5e: {  	v8 =	vadd.s32 $0x400, v35;
	v5 =	vld.idx.msk [tilespmem:v5+s12+$0x0], $0xffff  }
0x5f: {  	v1 =	vadd.s32 v1, v31;
	v4 =	vld.idx.msk [tilespmem:v30+s12+$0x0], $0xffff  }
0x60: {  	v9 =	vadd.s32 $0x400, v1;
	v2 =	vld.idx.msk [tilespmem:v32+s12+$0x0], $0xffff  }
0x61: {  	v6 =	vld.idx.msk [tilespmem:v6+s12+$0x0], $0xffff  }
0x62: {  	v7 =	vld.idx.msk [tilespmem:v35+s12+$0x0], $0xffff  }
0x63: {  	v8 =	vld.idx.msk [tilespmem:v8+s12+$0x0], $0xffff  }
0x64: {  	v1 =	vld.idx.msk [tilespmem:v1+s12+$0x0], $0xffff  }
0x65: {  	v9 =	vld.idx.msk [tilespmem:v9+s12+$0x0], $0xffff;
	_ =	sdelay $0x1  }
0x66: {  	v5 =	vmul.f32 v5, v33;
	v4 =	vmul.f32 v4, v34  }
0x67: {  	v2 =	vmul.f32 v2, v33;
	v6 =	vmul.f32 v6, v34  }
0x68: {  	v7 =	vmul.f32 v7, v33;
	v8 =	vmul.f32 v8, v34  }
0x69: {  	v1 =	vmul.f32 v1, v33;
	v0 =	vmul.f32 v9, v34  }
0x6a: {  	v36 =	vadd.f32 v4, v5;
	v2 =	vadd.f32 v6, v2  }
0x6b: {  	v37 =	vadd.f32 v8, v7;
	v0 =	vadd.f32 v0, v1;
	_ =	sdelay $0x1  }
0x6c: {  	v38 =	vadd.f32 v2, v36;
	v39 =	vadd.f32 v0, v37;
	_ =	sdelay $0x1  }
0x6d: {  	v1 =	vadd.f32 v39, v38;
	_ =	sdelay $0x1  }
0x6e: {  	(erf) = vrcp.f32 v1;
	_ =	sdelay $0x4  }
0x6f: {  	v40 =	vld [tilespmem:$0x30]  }
0x70: {  	v41 =	vld [tilespmem:$0xB0];
	_ =	sdelay $0x1  }
0x71: {  	v42 =	vld [tilespmem:$0x130]  }
0x72: {  	v43 =	vpop (erf)  }
0x73: {  	v44 =	vld [tilespmem:$0x1B0];
	v1 =	vshll.u32 v40, $0x5;
	v3 =	vmul.f32 v43, v36  }
0x74: {  	v5 =	vadd.s32 v1, v41;
	v2 =	vmul.f32 v43, v2  }
0x75: {  	v47 =	vld [tilespmem:$0x230];
	v46 =	vadd.s32 $0x400, v5;
	v45 =	vmul.f32 v43, v37;
	[tilespmem:$0x1C20] =	vst v3  }
0x76: {  	v48 =	vadd.s32 v1, v42;
	v0 =	vmul.f32 v43, v0;
	[tilespmem:$0x1CA0] =	vst v2  }
0x77: {  	v49 =	vld [tilespmem:$0x1030];
	v6 =	vadd.s32 $0x400, v48;
	[tilespmem:$0x1D20] =	vst v45  }
0x78: {  	v50 =	vld [tilespmem:$0x10B0];
	v51 =	vadd.s32 v1, v44;
	[tilespmem:$0x1DA0] =	vst v0  }
0x79: {  	v8 =	vadd.s32 $0x400, v51;
	v5 =	vld.idx.msk [tilespmem:v5+s12+$0x0], $0xffff  }
0x7a: {  	v1 =	vadd.s32 v1, v47;
	v4 =	vld.idx.msk [tilespmem:v46+s12+$0x0], $0xffff  }
0x7b: {  	v9 =	vadd.s32 $0x400, v1;
	v2 =	vld.idx.msk [tilespmem:v48+s12+$0x0], $0xffff  }
0x7c: {  	v6 =	vld.idx.msk [tilespmem:v6+s12+$0x0], $0xffff  }
0x7d: {  	v7 =	vld.idx.msk [tilespmem:v51+s12+$0x0], $0xffff  }
0x7e: {  	v8 =	vld.idx.msk [tilespmem:v8+s12+$0x0], $0xffff  }
0x7f: {  	v1 =	vld.idx.msk [tilespmem:v1+s12+$0x0], $0xffff  }
0x80: {  	v9 =	vld.idx.msk [tilespmem:v9+s12+$0x0], $0xffff;
	_ =	sdelay $0x1  }
0x81: {  	v5 =	vmul.f32 v5, v49;
	v4 =	vmul.f32 v4, v50  }
0x82: {  	v2 =	vmul.f32 v2, v49;
	v6 =	vmul.f32 v6, v50  }
0x83: {  	v7 =	vmul.f32 v7, v49;
	v8 =	vmul.f32 v8, v50  }
0x84: {  	v1 =	vmul.f32 v1, v49;
	v0 =	vmul.f32 v9, v50  }
0x85: {  	v52 =	vadd.f32 v4, v5;
	v2 =	vadd.f32 v6, v2  }
0x86: {  	v53 =	vadd.f32 v8, v7;
	v0 =	vadd.f32 v0, v1;
	_ =	sdelay $0x1  }
0x87: {  	v54 =	vadd.f32 v2, v52;
	v55 =	vadd.f32 v0, v53;
	_ =	sdelay $0x1  }
0x88: {  	v1 =	vadd.f32 v55, v54;
	_ =	sdelay $0x1  }
0x89: {  	(erf) = vrcp.f32 v1;
	_ =	sdelay $0x4  }
0x8a: {  	v56 =	vld [tilespmem:$0x40]  }
0x8b: {  	v57 =	vld [tilespmem:$0xC0];
	_ =	sdelay $0x1  }
0x8c: {  	v58 =	vld [tilespmem:$0x140]  }
0x8d: {  	v59 =	vpop (erf)  }
0x8e: {  	v60 =	vld [tilespmem:$0x1C0];
	v1 =	vshll.u32 v56, $0x5;
	v3 =	vmul.f32 v59, v52  }
0x8f: {  	v5 =	vadd.s32 v1, v57;
	v2 =	vmul.f32 v59, v2  }
0x90: {  	v63 =	vld [tilespmem:$0x240];
	v62 =	vadd.s32 $0x400, v5;
	v61 =	vmul.f32 v59, v53;
	[tilespmem:$0x1C30] =	vst v3  }
0x91: {  	v12 =	vadd.s32 v1, v58;
	v0 =	vmul.f32 v59, v0;
	[tilespmem:$0x1CB0] =	vst v2  }
0x92: {  	v13 =	vld [tilespmem:$0x1040];
	v6 =	vadd.s32 $0x400, v12;
	[tilespmem:$0x1D30] =	vst v61  }
0x93: {  	v14 =	vld [tilespmem:$0x10C0];
	v15 =	vadd.s32 v1, v60;
	[tilespmem:$0x1DB0] =	vst v0  }
0x94: {  	v8 =	vadd.s32 $0x400, v15;
	v5 =	vld.idx.msk [tilespmem:v5+s12+$0x0], $0xffff  }
0x95: {  	v1 =	vadd.s32 v1, v63;
	v4 =	vld.idx.msk [tilespmem:v62+s12+$0x0], $0xffff  }
0x96: {  	v9 =	vadd.s32 $0x400, v1;
	v2 =	vld.idx.msk [tilespmem:v12+s12+$0x0], $0xffff  }
0x97: {  	v6 =	vld.idx.msk [tilespmem:v6+s12+$0x0], $0xffff  }
0x98: {  	v7 =	vld.idx.msk [tilespmem:v15+s12+$0x0], $0xffff  }
0x99: {  	v8 =	vld.idx.msk [tilespmem:v8+s12+$0x0], $0xffff  }
0x9a: {  	v1 =	vld.idx.msk [tilespmem:v1+s12+$0x0], $0xffff  }
0x9b: {  	v9 =	vld.idx.msk [tilespmem:v9+s12+$0x0], $0xffff;
	_ =	sdelay $0x1  }
0x9c: {  	v5 =	vmul.f32 v5, v13;
	v4 =	vmul.f32 v4, v14  }
0x9d: {  	v2 =	vmul.f32 v2, v13;
	v6 =	vmul.f32 v6, v14  }
0x9e: {  	v7 =	vmul.f32 v7, v13;
	v8 =	vmul.f32 v8, v14  }
0x9f: {  	v1 =	vmul.f32 v1, v13;
	v0 =	vmul.f32 v9, v14  }
0xa0: {  	v16 =	vadd.f32 v4, v5;
	v2 =	vadd.f32 v6, v2  }
0xa1: {  	v17 =	vadd.f32 v8, v7;
	v0 =	vadd.f32 v0, v1;
	_ =	sdelay $0x1  }
0xa2: {  	v18 =	vadd.f32 v2, v16;
	v19 =	vadd.f32 v0, v17;
	_ =	sdelay $0x1  }
0xa3: {  	v1 =	vadd.f32 v19, v18;
	_ =	sdelay $0x1  }
0xa4: {  	(erf) = vrcp.f32 v1;
	_ =	sdelay $0x4  }
0xa5: {  	v20 =	vld [tilespmem:$0x50]  }
0xa6: {  	v21 =	vld [tilespmem:$0xD0];
	_ =	sdelay $0x1  }
0xa7: {  	v22 =	vld [tilespmem:$0x150]  }
0xa8: {  	v23 =	vpop (erf)  }
0xa9: {  	v24 =	vld [tilespmem:$0x1D0];
	v1 =	vshll.u32 v20, $0x5;
	v3 =	vmul.f32 v23, v16  }
0xaa: {  	v5 =	vadd.s32 v1, v21;
	v2 =	vmul.f32 v23, v2  }
0xab: {  	v27 =	vld [tilespmem:$0x250];
	v26 =	vadd.s32 $0x400, v5;
	v25 =	vmul.f32 v23, v17;
	[tilespmem:$0x1C40] =	vst v3  }
0xac: {  	v28 =	vadd.s32 v1, v22;
	v0 =	vmul.f32 v23, v0;
	[tilespmem:$0x1CC0] =	vst v2  }
0xad: {  	v29 =	vld [tilespmem:$0x1050];
	v6 =	vadd.s32 $0x400, v28;
	[tilespmem:$0x1D40] =	vst v25  }
0xae: {  	v30 =	vld [tilespmem:$0x10D0];
	v31 =	vadd.s32 v1, v24;
	[tilespmem:$0x1DC0] =	vst v0  }
0xaf: {  	v8 =	vadd.s32 $0x400, v31;
	v5 =	vld.idx.msk [tilespmem:v5+s12+$0x0], $0xffff  }
0xb0: {  	v1 =	vadd.s32 v1, v27;
	v4 =	vld.idx.msk [tilespmem:v26+s12+$0x0], $0xffff  }
0xb1: {  	v9 =	vadd.s32 $0x400, v1;
	v2 =	vld.idx.msk [tilespmem:v28+s12+$0x0], $0xffff  }
0xb2: {  	v6 =	vld.idx.msk [tilespmem:v6+s12+$0x0], $0xffff  }
0xb3: {  	v7 =	vld.idx.msk [tilespmem:v31+s12+$0x0], $0xffff  }
0xb4: {  	v8 =	vld.idx.msk [tilespmem:v8+s12+$0x0], $0xffff  }
0xb5: {  	v1 =	vld.idx.msk [tilespmem:v1+s12+$0x0], $0xffff  }
0xb6: {  	v9 =	vld.idx.msk [tilespmem:v9+s12+$0x0], $0xffff;
	_ =	sdelay $0x1  }
0xb7: {  	v5 =	vmul.f32 v5, v29;
	v4 =	vmul.f32 v4, v30  }
0xb8: {  	v2 =	vmul.f32 v2, v29;
	v6 =	vmul.f32 v6, v30  }
0xb9: {  	v7 =	vmul.f32 v7, v29;
	v8 =	vmul.f32 v8, v30  }
0xba: {  	v1 =	vmul.f32 v1, v29;
	v0 =	vmul.f32 v9, v30  }
0xbb: {  	v32 =	vadd.f32 v4, v5;
	v2 =	vadd.f32 v6, v2  }
0xbc: {  	v33 =	vadd.f32 v8, v7;
	v0 =	vadd.f32 v0, v1;
	_ =	sdelay $0x1  }
0xbd: {  	v34 =	vadd.f32 v2, v32;
	v35 =	vadd.f32 v0, v33;
	_ =	sdelay $0x1  }
0xbe: {  	v1 =	vadd.f32 v35, v34;
	_ =	sdelay $0x1  }
0xbf: {  	(erf) = vrcp.f32 v1;
	_ =	sdelay $0x4  }
0xc0: {  	v36 =	vld [tilespmem:$0x60]  }
0xc1: {  	v37 =	vld [tilespmem:$0xE0];
	_ =	sdelay $0x1  }
0xc2: {  	v38 =	vld [tilespmem:$0x160]  }
0xc3: {  	v39 =	vpop (erf)  }
0xc4: {  	v40 =	vld [tilespmem:$0x1E0];
	v1 =	vshll.u32 v36, $0x5;
	v3 =	vmul.f32 v39, v32  }
0xc5: {  	v5 =	vadd.s32 v1, v37;
	v2 =	vmul.f32 v39, v2  }
0xc6: {  	v43 =	vld [tilespmem:$0x260];
	v42 =	vadd.s32 $0x400, v5;
	v41 =	vmul.f32 v39, v33;
	[tilespmem:$0x1C50] =	vst v3  }
0xc7: {  	v44 =	vadd.s32 v1, v38;
	v0 =	vmul.f32 v39, v0;
	[tilespmem:$0x1CD0] =	vst v2  }
0xc8: {  	v45 =	vld [tilespmem:$0x1060];
	v6 =	vadd.s32 $0x400, v44;
	[tilespmem:$0x1D50] =	vst v41  }
0xc9: {  	v46 =	vld [tilespmem:$0x10E0];
	v47 =	vadd.s32 v1, v40;
	[tilespmem:$0x1DD0] =	vst v0  }
0xca: {  	v8 =	vadd.s32 $0x400, v47;
	v5 =	vld.idx.msk [tilespmem:v5+s12+$0x0], $0xffff  }
0xcb: {  	v1 =	vadd.s32 v1, v43;
	v4 =	vld.idx.msk [tilespmem:v42+s12+$0x0], $0xffff  }
0xcc: {  	v9 =	vadd.s32 $0x400, v1;
	v2 =	vld.idx.msk [tilespmem:v44+s12+$0x0], $0xffff  }
0xcd: {  	v6 =	vld.idx.msk [tilespmem:v6+s12+$0x0], $0xffff  }
0xce: {  	v7 =	vld.idx.msk [tilespmem:v47+s12+$0x0], $0xffff  }
0xcf: {  	v8 =	vld.idx.msk [tilespmem:v8+s12+$0x0], $0xffff  }
0xd0: {  	v1 =	vld.idx.msk [tilespmem:v1+s12+$0x0], $0xffff  }
0xd1: {  	v9 =	vld.idx.msk [tilespmem:v9+s12+$0x0], $0xffff;
	_ =	sdelay $0x1  }
0xd2: {  	v5 =	vmul.f32 v5, v45;
	v4 =	vmul.f32 v4, v46  }
0xd3: {  	v2 =	vmul.f32 v2, v45;
	v6 =	vmul.f32 v6, v46  }
0xd4: {  	v7 =	vmul.f32 v7, v45;
	v8 =	vmul.f32 v8, v46  }
0xd5: {  	v1 =	vmul.f32 v1, v45;
	v0 =	vmul.f32 v9, v46  }
0xd6: {  	v48 =	vadd.f32 v4, v5;
	v2 =	vadd.f32 v6, v2  }
0xd7: {  	v49 =	vadd.f32 v8, v7;
	v0 =	vadd.f32 v0, v1;
	_ =	sdelay $0x1  }
0xd8: {  	v50 =	vadd.f32 v2, v48;
	v51 =	vadd.f32 v0, v49;
	_ =	sdelay $0x1  }
0xd9: {  	v1 =	vadd.f32 v51, v50;
	_ =	sdelay $0x1  }
0xda: {  	(erf) = vrcp.f32 v1;
	_ =	sdelay $0x4  }
0xdb: {  	v52 =	vld [tilespmem:$0x70]  }
0xdc: {  	v53 =	vld [tilespmem:$0xF0];
	_ =	sdelay $0x1  }
0xdd: {  	v54 =	vld [tilespmem:$0x170]  }
0xde: {  	v55 =	vpop (erf)  }
0xdf: {  	v56 =	vld [tilespmem:$0x1F0];
	v1 =	vshll.u32 v52, $0x5;
	v3 =	vmul.f32 v55, v48  }
0xe0: {  	v5 =	vadd.s32 v1, v53;
	v2 =	vmul.f32 v55, v2  }
0xe1: {  	v59 =	vld [tilespmem:$0x270];
	v58 =	vadd.s32 $0x400, v5;
	v57 =	vmul.f32 v55, v49;
	[tilespmem:$0x1C60] =	vst v3  }
0xe2: {  	v60 =	vadd.s32 v1, v54;
	v0 =	vmul.f32 v55, v0;
	[tilespmem:$0x1CE0] =	vst v2  }
0xe3: {  	v61 =	vld [tilespmem:$0x1070];
	v6 =	vadd.s32 $0x400, v60;
	[tilespmem:$0x1D60] =	vst v57  }
0xe4: {  	v62 =	vld [tilespmem:$0x10F0];
	v63 =	vadd.s32 v1, v56;
	[tilespmem:$0x1DE0] =	vst v0  }
0xe5: {  	v8 =	vadd.s32 $0x400, v63;
	v5 =	vld.idx.msk [tilespmem:v5+s12+$0x0], $0xffff  }
0xe6: {  	v1 =	vadd.s32 v1, v59;
	v4 =	vld.idx.msk [tilespmem:v58+s12+$0x0], $0xffff  }
0xe7: {  	v9 =	vadd.s32 $0x400, v1;
	v2 =	vld.idx.msk [tilespmem:v60+s12+$0x0], $0xffff  }
0xe8: {  	v6 =	vld.idx.msk [tilespmem:v6+s12+$0x0], $0xffff  }
0xe9: {  	v7 =	vld.idx.msk [tilespmem:v63+s12+$0x0], $0xffff  }
0xea: {  	v8 =	vld.idx.msk [tilespmem:v8+s12+$0x0], $0xffff  }
0xeb: {  	v1 =	vld.idx.msk [tilespmem:v1+s12+$0x0], $0xffff  }
0xec: {  	v9 =	vld.idx.msk [tilespmem:v9+s12+$0x0], $0xffff;
	_ =	sdelay $0x1  }
0xed: {  	v5 =	vmul.f32 v5, v61;
	v4 =	vmul.f32 v4, v62  }
0xee: {  	v2 =	vmul.f32 v2, v61;
	v6 =	vmul.f32 v6, v62  }
0xef: {  	v7 =	vmul.f32 v7, v61;
	v8 =	vmul.f32 v8, v62  }
0xf0: {  	v1 =	vmul.f32 v1, v61;
	v0 =	vmul.f32 v9, v62  }
0xf1: {  	v9 =	vadd.f32 v4, v5;
	v2 =	vadd.f32 v6, v2  }
0xf2: {  	v10 =	vadd.f32 v8, v7;
	v0 =	vadd.f32 v0, v1;
	_ =	sdelay $0x1  }
0xf3: {  	v11 =	vadd.f32 v2, v9;
	v12 =	vadd.f32 v0, v10;
	_ =	sdelay $0x1  }
0xf4: {  	v1 =	vadd.f32 v12, v11;
	_ =	sdelay $0x1  }
0xf5: {  	(erf) = vrcp.f32 v1;
	_ =	sdelay $0x8  }
0xf6: {  	v1 =	vpop (erf)  }
0xf7: {  	v3 =	vmul.f32 v1, v9  }
0xf8: {  	v2 =	vmul.f32 v1, v2  }
0xf9: {  	v13 =	vmul.f32 v1, v10;
	[tilespmem:$0x1C70] =	vst v3  }
0xfa: {  	v0 =	vmul.f32 v1, v0;
	[tilespmem:$0x1CF0] =	vst v2  }
0xfb: {  	[tilespmem:$0x1D70] =	vst v13  }
0xfc: {  	[tilespmem:$0x1DF0] =	vst v0  }
0xfd: {  	[hbm4b:s5+s2] =	stream.linear.scatter [tilespmem:s14], [sflag:$0x1], $0x200, $0x38;
	[tilespmem:$0x2400] =	vst v63  }
0xfe: {  	v14 =	vld [tilespmem:$0x400]  }
0xff: {  	v15 =	vld [tilespmem:$0x480]  }
0x100: {  	v16 =	vld [tilespmem:$0x500]  }
0x101: {  	v17 =	vld [tilespmem:$0x580]  }
0x102: {  	v19 =	vld [tilespmem:$0x600]  }
0x103: {  	v0 =	vshll.u32 v14, $0x5  }
0x104: {  	v1 =	vadd.s32 v0, v15  }
0x105: {  	v2 =	vadd.s32 v0, v16  }
0x106: {  	v3 =	vadd.s32 v0, v17  }
0x107: {  	v20 =	vld [tilespmem:$0x1100];
	v0 =	vadd.s32 v0, v19  }
0x108: {  	v22 =	vld [tilespmem:$0x1180];
	v18 =	vadd.s32 $0x400, v1  }
0x109: {  	v21 =	vadd.s32 $0x400, v2;
	v1 =	vld.idx.msk [tilespmem:v1+s12+$0x0], $0xffff  }
0x10a: {  	v23 =	vadd.s32 $0x400, v3;
	v2 =	vld.idx.msk [tilespmem:v2+s12+$0x0], $0xffff  }
0x10b: {  	v5 =	vadd.s32 $0x400, v0;
	v3 =	vld.idx.msk [tilespmem:v3+s12+$0x0], $0xffff  }
0x10c: {  	v0 =	vld.idx.msk [tilespmem:v0+s12+$0x0], $0xffff  }
0x10d: {  	v4 =	vld.idx.msk [tilespmem:v18+s12+$0x0], $0xffff  }
0x10e: {  	v7 =	vld.idx.msk [tilespmem:v21+s12+$0x0], $0xffff  }
0x10f: {  	v9 =	vld.idx.msk [tilespmem:v23+s12+$0x0], $0xffff  }
0x110: {  	v5 =	vld.idx.msk [tilespmem:v5+s12+$0x0], $0xffff;
	_ =	sdelay $0x1  }
0x111: {  	v1 =	vmul.f32 v1, v20;
	v2 =	vmul.f32 v2, v20  }
0x112: {  	v3 =	vmul.f32 v3, v20;
	v0 =	vmul.f32 v0, v20  }
0x113: {  	v4 =	vmul.f32 v4, v22;
	v7 =	vmul.f32 v7, v22  }
0x114: {  	v9 =	vmul.f32 v9, v22;
	v5 =	vmul.f32 v5, v22  }
0x115: {  	v1 =	vadd.f32 v4, v1;
	v2 =	vadd.f32 v7, v2  }
0x116: {  	v3 =	vadd.f32 v9, v3;
	v0 =	vadd.f32 v5, v0;
	_ =	sdelay $0x1  }
0x117: {  	v4 =	vadd.f32 v2, v1;
	v5 =	vadd.f32 v0, v3;
	_ =	sdelay $0x1  }
0x118: {  	v4 =	vadd.f32 v5, v4;
	_ =	sdelay $0x1  }
0x119: {  	(erf) = vrcp.f32 v4;
	_ =	sdelay $0x4  }
0x11a: {  	v4 =	vld [tilespmem:$0x410]  }
0x11b: {  	v24 =	vld [tilespmem:$0x490];
	_ =	sdelay $0x1  }
0x11c: {  	v25 =	vld [tilespmem:$0x510]  }
0x11d: {  	v26 =	vpop (erf)  }
0x11e: {  	v27 =	vld [tilespmem:$0x590];
	v4 =	vshll.u32 v4, $0x5;
	v1 =	vmul.f32 v26, v1  }
0x11f: {  	v5 =	vadd.s32 v4, v24;
	v2 =	vmul.f32 v26, v2  }
0x120: {  	v30 =	vld [tilespmem:$0x610];
	v29 =	vadd.s32 $0x400, v5;
	v28 =	vmul.f32 v26, v3;
	[tilespmem:$0x1E00] =	vst v1  }
0x121: {  	v31 =	vadd.s32 v4, v25;
	v0 =	vmul.f32 v26, v0;
	[tilespmem:$0x1E80] =	vst v2  }
0x122: {  	v32 =	vld [tilespmem:$0x1110];
	v6 =	vadd.s32 $0x400, v31;
	[tilespmem:$0x1F00] =	vst v28  }
0x123: {  	v33 =	vld [tilespmem:$0x1190];
	v34 =	vadd.s32 v4, v27;
	[tilespmem:$0x1F80] =	vst v0  }
0x124: {  	v8 =	vadd.s32 $0x400, v34;
	v5 =	vld.idx.msk [tilespmem:v5+s12+$0x0], $0xffff  }
0x125: {  	v4 =	vadd.s32 v4, v30;
	v3 =	vld.idx.msk [tilespmem:v29+s12+$0x0], $0xffff  }
0x126: {  	v9 =	vadd.s32 $0x400, v4;
	v2 =	vld.idx.msk [tilespmem:v31+s12+$0x0], $0xffff  }
0x127: {  	v6 =	vld.idx.msk [tilespmem:v6+s12+$0x0], $0xffff  }
0x128: {  	v7 =	vld.idx.msk [tilespmem:v34+s12+$0x0], $0xffff  }
0x129: {  	v8 =	vld.idx.msk [tilespmem:v8+s12+$0x0], $0xffff  }
0x12a: {  	v4 =	vld.idx.msk [tilespmem:v4+s12+$0x0], $0xffff  }
0x12b: {  	v9 =	vld.idx.msk [tilespmem:v9+s12+$0x0], $0xffff;
	_ =	sdelay $0x1  }
0x12c: {  	v5 =	vmul.f32 v5, v32;
	v3 =	vmul.f32 v3, v33  }
0x12d: {  	v2 =	vmul.f32 v2, v32;
	v6 =	vmul.f32 v6, v33  }
0x12e: {  	v7 =	vmul.f32 v7, v32;
	v8 =	vmul.f32 v8, v33  }
0x12f: {  	v1 =	vmul.f32 v4, v32;
	v0 =	vmul.f32 v9, v33  }
0x130: {  	v3 =	vadd.f32 v3, v5;
	v2 =	vadd.f32 v6, v2  }
0x131: {  	v35 =	vadd.f32 v8, v7;
	v0 =	vadd.f32 v0, v1;
	_ =	sdelay $0x1  }
0x132: {  	v36 =	vadd.f32 v2, v3;
	v37 =	vadd.f32 v0, v35;
	_ =	sdelay $0x1  }
0x133: {  	v1 =	vadd.f32 v37, v36;
	_ =	sdelay $0x1  }
0x134: {  	(erf) = vrcp.f32 v1;
	_ =	sdelay $0x4  }
0x135: {  	v38 =	vld [tilespmem:$0x420]  }
0x136: {  	v39 =	vld [tilespmem:$0x4A0];
	_ =	sdelay $0x1  }
0x137: {  	v40 =	vld [tilespmem:$0x520]  }
0x138: {  	v41 =	vpop (erf)  }
0x139: {  	v42 =	vld [tilespmem:$0x5A0];
	v1 =	vshll.u32 v38, $0x5;
	v3 =	vmul.f32 v41, v3  }
0x13a: {  	v5 =	vadd.s32 v1, v39;
	v2 =	vmul.f32 v41, v2  }
0x13b: {  	v45 =	vld [tilespmem:$0x620];
	v44 =	vadd.s32 $0x400, v5;
	v43 =	vmul.f32 v41, v35;
	[tilespmem:$0x1E10] =	vst v3  }
0x13c: {  	v46 =	vadd.s32 v1, v40;
	v0 =	vmul.f32 v41, v0;
	[tilespmem:$0x1E90] =	vst v2  }
0x13d: {  	v47 =	vld [tilespmem:$0x1120];
	v6 =	vadd.s32 $0x400, v46;
	[tilespmem:$0x1F10] =	vst v43  }
0x13e: {  	v48 =	vld [tilespmem:$0x11A0];
	v49 =	vadd.s32 v1, v42;
	[tilespmem:$0x1F90] =	vst v0  }
0x13f: {  	v8 =	vadd.s32 $0x400, v49;
	v5 =	vld.idx.msk [tilespmem:v5+s12+$0x0], $0xffff  }
0x140: {  	v1 =	vadd.s32 v1, v45;
	v4 =	vld.idx.msk [tilespmem:v44+s12+$0x0], $0xffff  }
0x141: {  	v9 =	vadd.s32 $0x400, v1;
	v2 =	vld.idx.msk [tilespmem:v46+s12+$0x0], $0xffff  }
0x142: {  	v6 =	vld.idx.msk [tilespmem:v6+s12+$0x0], $0xffff  }
0x143: {  	v7 =	vld.idx.msk [tilespmem:v49+s12+$0x0], $0xffff  }
0x144: {  	v8 =	vld.idx.msk [tilespmem:v8+s12+$0x0], $0xffff  }
0x145: {  	v1 =	vld.idx.msk [tilespmem:v1+s12+$0x0], $0xffff  }
0x146: {  	v9 =	vld.idx.msk [tilespmem:v9+s12+$0x0], $0xffff;
	_ =	sdelay $0x1  }
0x147: {  	v5 =	vmul.f32 v5, v47;
	v4 =	vmul.f32 v4, v48  }
0x148: {  	v2 =	vmul.f32 v2, v47;
	v6 =	vmul.f32 v6, v48  }
0x149: {  	v7 =	vmul.f32 v7, v47;
	v8 =	vmul.f32 v8, v48  }
0x14a: {  	v1 =	vmul.f32 v1, v47;
	v0 =	vmul.f32 v9, v48  }
0x14b: {  	v50 =	vadd.f32 v4, v5;
	v2 =	vadd.f32 v6, v2  }
0x14c: {  	v51 =	vadd.f32 v8, v7;
	v0 =	vadd.f32 v0, v1;
	_ =	sdelay $0x1  }
0x14d: {  	v52 =	vadd.f32 v2, v50;
	v53 =	vadd.f32 v0, v51;
	_ =	sdelay $0x1  }
0x14e: {  	v1 =	vadd.f32 v53, v52;
	_ =	sdelay $0x1  }
0x14f: {  	(erf) = vrcp.f32 v1;
	_ =	sdelay $0x4  }
0x150: {  	v54 =	vld [tilespmem:$0x430]  }
0x151: {  	v55 =	vld [tilespmem:$0x4B0];
	_ =	sdelay $0x1  }
0x152: {  	v56 =	vld [tilespmem:$0x530]  }
0x153: {  	v57 =	vpop (erf)  }
0x154: {  	v58 =	vld [tilespmem:$0x5B0];
	v1 =	vshll.u32 v54, $0x5;
	v3 =	vmul.f32 v57, v50  }
0x155: {  	v5 =	vadd.s32 v1, v55;
	v2 =	vmul.f32 v57, v2  }
0x156: {  	v61 =	vld [tilespmem:$0x630];
	v60 =	vadd.s32 $0x400, v5;
	v59 =	vmul.f32 v57, v51;
	[tilespmem:$0x1E20] =	vst v3  }
0x157: {  	v62 =	vadd.s32 v1, v56;
	v0 =	vmul.f32 v57, v0;
	[tilespmem:$0x1EA0] =	vst v2  }
0x158: {  	v63 =	vld [tilespmem:$0x1130];
	v6 =	vadd.s32 $0x400, v62;
	[tilespmem:$0x1F20] =	vst v59  }
0x159: {  	v12 =	vld [tilespmem:$0x11B0];
	v13 =	vadd.s32 v1, v58;
	[tilespmem:$0x1FA0] =	vst v0  }
0x15a: {  	v8 =	vadd.s32 $0x400, v13;
	v5 =	vld.idx.msk [tilespmem:v5+s12+$0x0], $0xffff  }
0x15b: {  	v1 =	vadd.s32 v1, v61;
	v4 =	vld.idx.msk [tilespmem:v60+s12+$0x0], $0xffff  }
0x15c: {  	v9 =	vadd.s32 $0x400, v1;
	v2 =	vld.idx.msk [tilespmem:v62+s12+$0x0], $0xffff  }
0x15d: {  	v6 =	vld.idx.msk [tilespmem:v6+s12+$0x0], $0xffff  }
0x15e: {  	v7 =	vld.idx.msk [tilespmem:v13+s12+$0x0], $0xffff  }
0x15f: {  	v8 =	vld.idx.msk [tilespmem:v8+s12+$0x0], $0xffff  }
0x160: {  	v1 =	vld.idx.msk [tilespmem:v1+s12+$0x0], $0xffff  }
0x161: {  	v9 =	vld.idx.msk [tilespmem:v9+s12+$0x0], $0xffff;
	_ =	sdelay $0x1  }
0x162: {  	v5 =	vmul.f32 v5, v63;
	v4 =	vmul.f32 v4, v12  }
0x163: {  	v2 =	vmul.f32 v2, v63;
	v6 =	vmul.f32 v6, v12  }
0x164: {  	v7 =	vmul.f32 v7, v63;
	v8 =	vmul.f32 v8, v12  }
0x165: {  	v1 =	vmul.f32 v1, v63;
	v0 =	vmul.f32 v9, v12  }
0x166: {  	v14 =	vadd.f32 v4, v5;
	v2 =	vadd.f32 v6, v2  }
0x167: {  	v15 =	vadd.f32 v8, v7;
	v0 =	vadd.f32 v0, v1;
	_ =	sdelay $0x1  }
0x168: {  	v16 =	vadd.f32 v2, v14;
	v17 =	vadd.f32 v0, v15;
	_ =	sdelay $0x1  }
0x169: {  	v1 =	vadd.f32 v17, v16;
	_ =	sdelay $0x1  }
0x16a: {  	(erf) = vrcp.f32 v1;
	_ =	sdelay $0x4  }
0x16b: {  	v18 =	vld [tilespmem:$0x440]  }
0x16c: {  	v19 =	vld [tilespmem:$0x4C0];
	_ =	sdelay $0x1  }
0x16d: {  	v20 =	vld [tilespmem:$0x540]  }
0x16e: {  	v21 =	vpop (erf)  }
0x16f: {  	v22 =	vld [tilespmem:$0x5C0];
	v1 =	vshll.u32 v18, $0x5;
	v3 =	vmul.f32 v21, v14  }
0x170: {  	v5 =	vadd.s32 v1, v19;
	v2 =	vmul.f32 v21, v2  }
0x171: {  	v25 =	vld [tilespmem:$0x640];
	v24 =	vadd.s32 $0x400, v5;
	v23 =	vmul.f32 v21, v15;
	[tilespmem:$0x1E30] =	vst v3  }
0x172: {  	v26 =	vadd.s32 v1, v20;
	v0 =	vmul.f32 v21, v0;
	[tilespmem:$0x1EB0] =	vst v2  }
0x173: {  	v27 =	vld [tilespmem:$0x1140];
	v6 =	vadd.s32 $0x400, v26;
	[tilespmem:$0x1F30] =	vst v23  }
0x174: {  	v28 =	vld [tilespmem:$0x11C0];
	v29 =	vadd.s32 v1, v22;
	[tilespmem:$0x1FB0] =	vst v0  }
0x175: {  	v8 =	vadd.s32 $0x400, v29;
	v5 =	vld.idx.msk [tilespmem:v5+s12+$0x0], $0xffff  }
0x176: {  	v1 =	vadd.s32 v1, v25;
	v4 =	vld.idx.msk [tilespmem:v24+s12+$0x0], $0xffff  }
0x177: {  	v9 =	vadd.s32 $0x400, v1;
	v2 =	vld.idx.msk [tilespmem:v26+s12+$0x0], $0xffff  }
0x178: {  	v6 =	vld.idx.msk [tilespmem:v6+s12+$0x0], $0xffff  }
0x179: {  	v7 =	vld.idx.msk [tilespmem:v29+s12+$0x0], $0xffff  }
0x17a: {  	v8 =	vld.idx.msk [tilespmem:v8+s12+$0x0], $0xffff  }
0x17b: {  	v1 =	vld.idx.msk [tilespmem:v1+s12+$0x0], $0xffff  }
0x17c: {  	v9 =	vld.idx.msk [tilespmem:v9+s12+$0x0], $0xffff;
	_ =	sdelay $0x1  }
0x17d: {  	v5 =	vmul.f32 v5, v27;
	v4 =	vmul.f32 v4, v28  }
0x17e: {  	v2 =	vmul.f32 v2, v27;
	v6 =	vmul.f32 v6, v28  }
0x17f: {  	v7 =	vmul.f32 v7, v27;
	v8 =	vmul.f32 v8, v28  }
0x180: {  	v1 =	vmul.f32 v1, v27;
	v0 =	vmul.f32 v9, v28  }
0x181: {  	v30 =	vadd.f32 v4, v5;
	v2 =	vadd.f32 v6, v2  }
0x182: {  	v31 =	vadd.f32 v8, v7;
	v0 =	vadd.f32 v0, v1;
	_ =	sdelay $0x1  }
0x183: {  	v32 =	vadd.f32 v2, v30;
	v33 =	vadd.f32 v0, v31;
	_ =	sdelay $0x1  }
0x184: {  	v1 =	vadd.f32 v33, v32;
	_ =	sdelay $0x1  }
0x185: {  	(erf) = vrcp.f32 v1;
	_ =	sdelay $0x4  }
0x186: {  	v34 =	vld [tilespmem:$0x450]  }
0x187: {  	v35 =	vld [tilespmem:$0x4D0];
	_ =	sdelay $0x1  }
0x188: {  	v36 =	vld [tilespmem:$0x550]  }
0x189: {  	v37 =	vpop (erf)  }
0x18a: {  	v38 =	vld [tilespmem:$0x5D0];
	v1 =	vshll.u32 v34, $0x5;
	v3 =	vmul.f32 v37, v30  }
0x18b: {  	v5 =	vadd.s32 v1, v35;
	v2 =	vmul.f32 v37, v2  }
0x18c: {  	v41 =	vld [tilespmem:$0x650];
	v40 =	vadd.s32 $0x400, v5;
	v39 =	vmul.f32 v37, v31;
	[tilespmem:$0x1E40] =	vst v3  }
0x18d: {  	v42 =	vadd.s32 v1, v36;
	v0 =	vmul.f32 v37, v0;
	[tilespmem:$0x1EC0] =	vst v2  }
0x18e: {  	v43 =	vld [tilespmem:$0x1150];
	v6 =	vadd.s32 $0x400, v42;
	[tilespmem:$0x1F40] =	vst v39  }
0x18f: {  	v44 =	vld [tilespmem:$0x11D0];
	v45 =	vadd.s32 v1, v38;
	[tilespmem:$0x1FC0] =	vst v0  }
0x190: {  	v8 =	vadd.s32 $0x400, v45;
	v5 =	vld.idx.msk [tilespmem:v5+s12+$0x0], $0xffff  }
0x191: {  	v1 =	vadd.s32 v1, v41;
	v4 =	vld.idx.msk [tilespmem:v40+s12+$0x0], $0xffff  }
0x192: {  	v9 =	vadd.s32 $0x400, v1;
	v2 =	vld.idx.msk [tilespmem:v42+s12+$0x0], $0xffff  }
0x193: {  	v6 =	vld.idx.msk [tilespmem:v6+s12+$0x0], $0xffff  }
0x194: {  	v7 =	vld.idx.msk [tilespmem:v45+s12+$0x0], $0xffff  }
0x195: {  	v8 =	vld.idx.msk [tilespmem:v8+s12+$0x0], $0xffff  }
0x196: {  	v1 =	vld.idx.msk [tilespmem:v1+s12+$0x0], $0xffff  }
0x197: {  	v9 =	vld.idx.msk [tilespmem:v9+s12+$0x0], $0xffff;
	_ =	sdelay $0x1  }
0x198: {  	v5 =	vmul.f32 v5, v43;
	v4 =	vmul.f32 v4, v44  }
0x199: {  	v2 =	vmul.f32 v2, v43;
	v6 =	vmul.f32 v6, v44  }
0x19a: {  	v7 =	vmul.f32 v7, v43;
	v8 =	vmul.f32 v8, v44  }
0x19b: {  	v1 =	vmul.f32 v1, v43;
	v0 =	vmul.f32 v9, v44  }
0x19c: {  	v46 =	vadd.f32 v4, v5;
	v2 =	vadd.f32 v6, v2  }
0x19d: {  	v47 =	vadd.f32 v8, v7;
	v0 =	vadd.f32 v0, v1;
	_ =	sdelay $0x1  }
0x19e: {  	v48 =	vadd.f32 v2, v46;
	v49 =	vadd.f32 v0, v47;
	_ =	sdelay $0x1  }
0x19f: {  	v1 =	vadd.f32 v49, v48;
	_ =	sdelay $0x1  }
0x1a0: {  	(erf) = vrcp.f32 v1;
	_ =	sdelay $0x4  }
0x1a1: {  	v50 =	vld [tilespmem:$0x460]  }
0x1a2: {  	v51 =	vld [tilespmem:$0x4E0];
	_ =	sdelay $0x1  }
0x1a3: {  	v52 =	vld [tilespmem:$0x560]  }
0x1a4: {  	v53 =	vpop (erf)  }
0x1a5: {  	v54 =	vld [tilespmem:$0x5E0];
	v1 =	vshll.u32 v50, $0x5;
	v3 =	vmul.f32 v53, v46  }
0x1a6: {  	v5 =	vadd.s32 v1, v51;
	v2 =	vmul.f32 v53, v2  }
0x1a7: {  	v57 =	vld [tilespmem:$0x660];
	v56 =	vadd.s32 $0x400, v5;
	v55 =	vmul.f32 v53, v47;
	[tilespmem:$0x1E50] =	vst v3  }
0x1a8: {  	v58 =	vadd.s32 v1, v52;
	v0 =	vmul.f32 v53, v0;
	[tilespmem:$0x1ED0] =	vst v2  }
0x1a9: {  	v59 =	vld [tilespmem:$0x1160];
	v6 =	vadd.s32 $0x400, v58;
	[tilespmem:$0x1F50] =	vst v55  }
0x1aa: {  	v60 =	vld [tilespmem:$0x11E0];
	v61 =	vadd.s32 v1, v54;
	[tilespmem:$0x1FD0] =	vst v0  }
0x1ab: {  	v8 =	vadd.s32 $0x400, v61;
	v5 =	vld.idx.msk [tilespmem:v5+s12+$0x0], $0xffff  }
0x1ac: {  	v1 =	vadd.s32 v1, v57;
	v4 =	vld.idx.msk [tilespmem:v56+s12+$0x0], $0xffff  }
0x1ad: {  	v9 =	vadd.s32 $0x400, v1;
	v2 =	vld.idx.msk [tilespmem:v58+s12+$0x0], $0xffff  }
0x1ae: {  	v6 =	vld.idx.msk [tilespmem:v6+s12+$0x0], $0xffff  }
0x1af: {  	v7 =	vld.idx.msk [tilespmem:v61+s12+$0x0], $0xffff  }
0x1b0: {  	v8 =	vld.idx.msk [tilespmem:v8+s12+$0x0], $0xffff  }
0x1b1: {  	v1 =	vld.idx.msk [tilespmem:v1+s12+$0x0], $0xffff  }
0x1b2: {  	v9 =	vld.idx.msk [tilespmem:v9+s12+$0x0], $0xffff;
	_ =	sdelay $0x1  }
0x1b3: {  	v5 =	vmul.f32 v5, v59;
	v4 =	vmul.f32 v4, v60  }
0x1b4: {  	v2 =	vmul.f32 v2, v59;
	v6 =	vmul.f32 v6, v60  }
0x1b5: {  	v7 =	vmul.f32 v7, v59;
	v8 =	vmul.f32 v8, v60  }
0x1b6: {  	v1 =	vmul.f32 v1, v59;
	v0 =	vmul.f32 v9, v60  }
0x1b7: {  	v62 =	vadd.f32 v4, v5;
	v2 =	vadd.f32 v6, v2  }
0x1b8: {  	v63 =	vadd.f32 v8, v7;
	v0 =	vadd.f32 v0, v1;
	_ =	sdelay $0x1  }
0x1b9: {  	v10 =	vadd.f32 v2, v62;
	v11 =	vadd.f32 v0, v63;
	_ =	sdelay $0x1  }
0x1ba: {  	v1 =	vadd.f32 v11, v10;
	_ =	sdelay $0x1  }
0x1bb: {  	(erf) = vrcp.f32 v1;
	_ =	sdelay $0x4  }
0x1bc: {  	v12 =	vld [tilespmem:$0x470]  }
0x1bd: {  	v13 =	vld [tilespmem:$0x4F0];
	_ =	sdelay $0x1  }
0x1be: {  	v14 =	vld [tilespmem:$0x570]  }
0x1bf: {  	v15 =	vpop (erf)  }
0x1c0: {  	v16 =	vld [tilespmem:$0x5F0];
	v1 =	vshll.u32 v12, $0x5;
	v3 =	vmul.f32 v15, v62  }
0x1c1: {  	v5 =	vadd.s32 v1, v13;
	v2 =	vmul.f32 v15, v2  }
0x1c2: {  	v19 =	vld [tilespmem:$0x670];
	v18 =	vadd.s32 $0x400, v5;
	v17 =	vmul.f32 v15, v63;
	[tilespmem:$0x1E60] =	vst v3  }
0x1c3: {  	v20 =	vadd.s32 v1, v14;
	v0 =	vmul.f32 v15, v0;
	[tilespmem:$0x1EE0] =	vst v2  }
0x1c4: {  	v22 =	vld [tilespmem:$0x11F0];
	v6 =	vadd.s32 $0x400, v20;
	[tilespmem:$0x1F60] =	vst v17  }
0x1c5: {  	v21 =	vld [tilespmem:$0x1170];
	v23 =	vadd.s32 v1, v16;
	[tilespmem:$0x1FE0] =	vst v0  }
0x1c6: {  	v8 =	vadd.s32 $0x400, v23;
	v5 =	vld.idx.msk [tilespmem:v5+s12+$0x0], $0xffff  }
0x1c7: {  	v1 =	vadd.s32 v1, v19;
	v4 =	vld.idx.msk [tilespmem:v18+s12+$0x0], $0xffff  }
0x1c8: {  	v9 =	vadd.s32 $0x400, v1;
	v2 =	vld.idx.msk [tilespmem:v20+s12+$0x0], $0xffff  }
0x1c9: {  	v6 =	vld.idx.msk [tilespmem:v6+s12+$0x0], $0xffff  }
0x1ca: {  	v7 =	vld.idx.msk [tilespmem:v23+s12+$0x0], $0xffff  }
0x1cb: {  	v8 =	vld.idx.msk [tilespmem:v8+s12+$0x0], $0xffff  }
0x1cc: {  	v1 =	vld.idx.msk [tilespmem:v1+s12+$0x0], $0xffff  }
0x1cd: {  	v9 =	vld.idx.msk [tilespmem:v9+s12+$0x0], $0xffff;
	_ =	sdelay $0x1  }
0x1ce: {  	v5 =	vmul.f32 v5, v21;
	v4 =	vmul.f32 v4, v22  }
0x1cf: {  	v2 =	vmul.f32 v2, v21;
	v6 =	vmul.f32 v6, v22  }
0x1d0: {  	v7 =	vmul.f32 v7, v21;
	v8 =	vmul.f32 v8, v22  }
0x1d1: {  	v1 =	vmul.f32 v1, v21;
	v0 =	vmul.f32 v9, v22  }
0x1d2: {  	v24 =	vadd.f32 v4, v5;
	v2 =	vadd.f32 v6, v2  }
0x1d3: {  	v25 =	vadd.f32 v8, v7;
	v0 =	vadd.f32 v0, v1;
	_ =	sdelay $0x1  }
0x1d4: {  	v26 =	vadd.f32 v2, v24;
	v27 =	vadd.f32 v0, v25;
	_ =	sdelay $0x1  }
0x1d5: {  	v1 =	vadd.f32 v27, v26;
	_ =	sdelay $0x1  }
0x1d6: {  	(erf) = vrcp.f32 v1;
	_ =	sdelay $0x8  }
0x1d7: {  	v1 =	vpop (erf)  }
0x1d8: {  	v3 =	vmul.f32 v1, v24  }
0x1d9: {  	v2 =	vmul.f32 v1, v2  }
0x1da: {  	v28 =	vmul.f32 v1, v25;
	[tilespmem:$0x1E70] =	vst v3  }
0x1db: {  	v0 =	vmul.f32 v1, v0;
	[tilespmem:$0x1EF0] =	vst v2  }
0x1dc: {  	[tilespmem:$0x1F70] =	vst v28  }
0x1dd: {  	[tilespmem:$0x1FF0] =	vst v0  }
0x1de: {  	[hbm4b:s7+s2] =	stream.linear.scatter [tilespmem:s15], [sflag:$0x1], $0x200, $0x38;
	[tilespmem:$0x2400] =	vst v63  }
0x1df: {  	v29 =	vld [tilespmem:$0x800]  }
0x1e0: {  	v30 =	vld [tilespmem:$0x880]  }
0x1e1: {  	v31 =	vld [tilespmem:$0x900]  }
0x1e2: {  	v32 =	vld [tilespmem:$0x980]  }
0x1e3: {  	v34 =	vld [tilespmem:$0xA00]  }
0x1e4: {  	v0 =	vshll.u32 v29, $0x5  }
0x1e5: {  	v1 =	vadd.s32 v0, v30  }
0x1e6: {  	v2 =	vadd.s32 v0, v31  }
0x1e7: {  	v3 =	vadd.s32 v0, v32  }
0x1e8: {  	v35 =	vld [tilespmem:$0x1200];
	v0 =	vadd.s32 v0, v34  }
0x1e9: {  	v37 =	vld [tilespmem:$0x1280];
	v33 =	vadd.s32 $0x400, v1  }
0x1ea: {  	v36 =	vadd.s32 $0x400, v2;
	v1 =	vld.idx.msk [tilespmem:v1+s12+$0x0], $0xffff  }
0x1eb: {  	v38 =	vadd.s32 $0x400, v3;
	v2 =	vld.idx.msk [tilespmem:v2+s12+$0x0], $0xffff  }
0x1ec: {  	v5 =	vadd.s32 $0x400, v0;
	v3 =	vld.idx.msk [tilespmem:v3+s12+$0x0], $0xffff  }
0x1ed: {  	v0 =	vld.idx.msk [tilespmem:v0+s12+$0x0], $0xffff  }
0x1ee: {  	v4 =	vld.idx.msk [tilespmem:v33+s12+$0x0], $0xffff  }
0x1ef: {  	v7 =	vld.idx.msk [tilespmem:v36+s12+$0x0], $0xffff  }
0x1f0: {  	v9 =	vld.idx.msk [tilespmem:v38+s12+$0x0], $0xffff  }
0x1f1: {  	v5 =	vld.idx.msk [tilespmem:v5+s12+$0x0], $0xffff;
	_ =	sdelay $0x1  }
0x1f2: {  	v1 =	vmul.f32 v1, v35;
	v2 =	vmul.f32 v2, v35  }
0x1f3: {  	v3 =	vmul.f32 v3, v35;
	v0 =	vmul.f32 v0, v35  }
0x1f4: {  	v4 =	vmul.f32 v4, v37;
	v7 =	vmul.f32 v7, v37  }
0x1f5: {  	v9 =	vmul.f32 v9, v37;
	v5 =	vmul.f32 v5, v37  }
0x1f6: {  	v1 =	vadd.f32 v4, v1;
	v2 =	vadd.f32 v7, v2  }
0x1f7: {  	v3 =	vadd.f32 v9, v3;
	v0 =	vadd.f32 v5, v0;
	_ =	sdelay $0x1  }
0x1f8: {  	v4 =	vadd.f32 v2, v1;
	v5 =	vadd.f32 v0, v3;
	_ =	sdelay $0x1  }
0x1f9: {  	v4 =	vadd.f32 v5, v4;
	_ =	sdelay $0x1  }
0x1fa: {  	(erf) = vrcp.f32 v4;
	_ =	sdelay $0x4  }
0x1fb: {  	v39 =	vld [tilespmem:$0x810]  }
0x1fc: {  	v40 =	vld [tilespmem:$0x890];
	_ =	sdelay $0x1  }
0x1fd: {  	v41 =	vld [tilespmem:$0x910]  }
0x1fe: {  	v42 =	vpop (erf)  }
0x1ff: {  	v43 =	vld [tilespmem:$0x990];
	v4 =	vshll.u32 v39, $0x5;
	v1 =	vmul.f32 v42, v1  }
0x200: {  	v5 =	vadd.s32 v4, v40;
	v2 =	vmul.f32 v42, v2  }
0x201: {  	v46 =	vld [tilespmem:$0xA10];
	v45 =	vadd.s32 $0x400, v5;
	v44 =	vmul.f32 v42, v3;
	[tilespmem:$0x2000] =	vst v1  }
0x202: {  	v47 =	vadd.s32 v4, v41;
	v0 =	vmul.f32 v42, v0;
	[tilespmem:$0x2080] =	vst v2  }
0x203: {  	v48 =	vld [tilespmem:$0x1210];
	v6 =	vadd.s32 $0x400, v47;
	[tilespmem:$0x2100] =	vst v44  }
0x204: {  	v49 =	vld [tilespmem:$0x1290];
	v50 =	vadd.s32 v4, v43;
	[tilespmem:$0x2180] =	vst v0  }
0x205: {  	v8 =	vadd.s32 $0x400, v50;
	v5 =	vld.idx.msk [tilespmem:v5+s12+$0x0], $0xffff  }
0x206: {  	v4 =	vadd.s32 v4, v46;
	v3 =	vld.idx.msk [tilespmem:v45+s12+$0x0], $0xffff  }
0x207: {  	v9 =	vadd.s32 $0x400, v4;
	v2 =	vld.idx.msk [tilespmem:v47+s12+$0x0], $0xffff  }
0x208: {  	v6 =	vld.idx.msk [tilespmem:v6+s12+$0x0], $0xffff  }
0x209: {  	v7 =	vld.idx.msk [tilespmem:v50+s12+$0x0], $0xffff  }
0x20a: {  	v8 =	vld.idx.msk [tilespmem:v8+s12+$0x0], $0xffff  }
0x20b: {  	v4 =	vld.idx.msk [tilespmem:v4+s12+$0x0], $0xffff  }
0x20c: {  	v9 =	vld.idx.msk [tilespmem:v9+s12+$0x0], $0xffff;
	_ =	sdelay $0x1  }
0x20d: {  	v5 =	vmul.f32 v5, v48;
	v3 =	vmul.f32 v3, v49  }
0x20e: {  	v2 =	vmul.f32 v2, v48;
	v6 =	vmul.f32 v6, v49  }
0x20f: {  	v7 =	vmul.f32 v7, v48;
	v8 =	vmul.f32 v8, v49  }
0x210: {  	v1 =	vmul.f32 v4, v48;
	v0 =	vmul.f32 v9, v49  }
0x211: {  	v3 =	vadd.f32 v3, v5;
	v2 =	vadd.f32 v6, v2  }
0x212: {  	v51 =	vadd.f32 v8, v7;
	v0 =	vadd.f32 v0, v1;
	_ =	sdelay $0x1  }
0x213: {  	v52 =	vadd.f32 v2, v3;
	v53 =	vadd.f32 v0, v51;
	_ =	sdelay $0x1  }
0x214: {  	v1 =	vadd.f32 v53, v52;
	_ =	sdelay $0x1  }
0x215: {  	(erf) = vrcp.f32 v1;
	_ =	sdelay $0x4  }
0x216: {  	v54 =	vld [tilespmem:$0x820]  }
0x217: {  	v55 =	vld [tilespmem:$0x8A0];
	_ =	sdelay $0x1  }
0x218: {  	v56 =	vld [tilespmem:$0x920]  }
0x219: {  	v57 =	vpop (erf)  }
0x21a: {  	v58 =	vld [tilespmem:$0x9A0];
	v1 =	vshll.u32 v54, $0x5;
	v3 =	vmul.f32 v57, v3  }
0x21b: {  	v5 =	vadd.s32 v1, v55;
	v2 =	vmul.f32 v57, v2  }
0x21c: {  	v61 =	vld [tilespmem:$0xA20];
	v60 =	vadd.s32 $0x400, v5;
	v59 =	vmul.f32 v57, v51;
	[tilespmem:$0x2010] =	vst v3  }
0x21d: {  	v62 =	vadd.s32 v1, v56;
	v0 =	vmul.f32 v57, v0;
	[tilespmem:$0x2090] =	vst v2  }
0x21e: {  	v63 =	vld [tilespmem:$0x1220];
	v6 =	vadd.s32 $0x400, v62;
	[tilespmem:$0x2110] =	vst v59  }
0x21f: {  	v12 =	vld [tilespmem:$0x12A0];
	v13 =	vadd.s32 v1, v58;
	[tilespmem:$0x2190] =	vst v0  }
0x220: {  	v8 =	vadd.s32 $0x400, v13;
	v5 =	vld.idx.msk [tilespmem:v5+s12+$0x0], $0xffff  }
0x221: {  	v1 =	vadd.s32 v1, v61;
	v4 =	vld.idx.msk [tilespmem:v60+s12+$0x0], $0xffff  }
0x222: {  	v9 =	vadd.s32 $0x400, v1;
	v2 =	vld.idx.msk [tilespmem:v62+s12+$0x0], $0xffff  }
0x223: {  	v6 =	vld.idx.msk [tilespmem:v6+s12+$0x0], $0xffff  }
0x224: {  	v7 =	vld.idx.msk [tilespmem:v13+s12+$0x0], $0xffff  }
0x225: {  	v8 =	vld.idx.msk [tilespmem:v8+s12+$0x0], $0xffff  }
0x226: {  	v1 =	vld.idx.msk [tilespmem:v1+s12+$0x0], $0xffff  }
0x227: {  	v9 =	vld.idx.msk [tilespmem:v9+s12+$0x0], $0xffff;
	_ =	sdelay $0x1  }
0x228: {  	v5 =	vmul.f32 v5, v63;
	v4 =	vmul.f32 v4, v12  }
0x229: {  	v2 =	vmul.f32 v2, v63;
	v6 =	vmul.f32 v6, v12  }
0x22a: {  	v7 =	vmul.f32 v7, v63;
	v8 =	vmul.f32 v8, v12  }
0x22b: {  	v1 =	vmul.f32 v1, v63;
	v0 =	vmul.f32 v9, v12  }
0x22c: {  	v14 =	vadd.f32 v4, v5;
	v2 =	vadd.f32 v6, v2  }
0x22d: {  	v15 =	vadd.f32 v8, v7;
	v0 =	vadd.f32 v0, v1;
	_ =	sdelay $0x1  }
0x22e: {  	v16 =	vadd.f32 v2, v14;
	v17 =	vadd.f32 v0, v15;
	_ =	sdelay $0x1  }
0x22f: {  	v1 =	vadd.f32 v17, v16;
	_ =	sdelay $0x1  }
0x230: {  	(erf) = vrcp.f32 v1;
	_ =	sdelay $0x4  }
0x231: {  	v18 =	vld [tilespmem:$0x830]  }
0x232: {  	v19 =	vld [tilespmem:$0x8B0];
	_ =	sdelay $0x1  }
0x233: {  	v20 =	vld [tilespmem:$0x930]  }
0x234: {  	v21 =	vpop (erf)  }
0x235: {  	v22 =	vld [tilespmem:$0x9B0];
	v1 =	vshll.u32 v18, $0x5;
	v3 =	vmul.f32 v21, v14  }
0x236: {  	v5 =	vadd.s32 v1, v19;
	v2 =	vmul.f32 v21, v2  }
0x237: {  	v25 =	vld [tilespmem:$0xA30];
	v24 =	vadd.s32 $0x400, v5;
	v23 =	vmul.f32 v21, v15;
	[tilespmem:$0x2020] =	vst v3  }
0x238: {  	v26 =	vadd.s32 v1, v20;
	v0 =	vmul.f32 v21, v0;
	[tilespmem:$0x20A0] =	vst v2  }
0x239: {  	v27 =	vld [tilespmem:$0x1230];
	v6 =	vadd.s32 $0x400, v26;
	[tilespmem:$0x2120] =	vst v23  }
0x23a: {  	v28 =	vld [tilespmem:$0x12B0];
	v29 =	vadd.s32 v1, v22;
	[tilespmem:$0x21A0] =	vst v0  }
0x23b: {  	v8 =	vadd.s32 $0x400, v29;
	v5 =	vld.idx.msk [tilespmem:v5+s12+$0x0], $0xffff  }
0x23c: {  	v1 =	vadd.s32 v1, v25;
	v4 =	vld.idx.msk [tilespmem:v24+s12+$0x0], $0xffff  }
0x23d: {  	v9 =	vadd.s32 $0x400, v1;
	v2 =	vld.idx.msk [tilespmem:v26+s12+$0x0], $0xffff  }
0x23e: {  	v6 =	vld.idx.msk [tilespmem:v6+s12+$0x0], $0xffff  }
0x23f: {  	v7 =	vld.idx.msk [tilespmem:v29+s12+$0x0], $0xffff  }
0x240: {  	v8 =	vld.idx.msk [tilespmem:v8+s12+$0x0], $0xffff  }
0x241: {  	v1 =	vld.idx.msk [tilespmem:v1+s12+$0x0], $0xffff  }
0x242: {  	v9 =	vld.idx.msk [tilespmem:v9+s12+$0x0], $0xffff;
	_ =	sdelay $0x1  }
0x243: {  	v5 =	vmul.f32 v5, v27;
	v4 =	vmul.f32 v4, v28  }
0x244: {  	v2 =	vmul.f32 v2, v27;
	v6 =	vmul.f32 v6, v28  }
0x245: {  	v7 =	vmul.f32 v7, v27;
	v8 =	vmul.f32 v8, v28  }
0x246: {  	v1 =	vmul.f32 v1, v27;
	v0 =	vmul.f32 v9, v28  }
0x247: {  	v30 =	vadd.f32 v4, v5;
	v2 =	vadd.f32 v6, v2  }
0x248: {  	v31 =	vadd.f32 v8, v7;
	v0 =	vadd.f32 v0, v1;
	_ =	sdelay $0x1  }
0x249: {  	v32 =	vadd.f32 v2, v30;
	v33 =	vadd.f32 v0, v31;
	_ =	sdelay $0x1  }
0x24a: {  	v1 =	vadd.f32 v33, v32;
	_ =	sdelay $0x1  }
0x24b: {  	(erf) = vrcp.f32 v1;
	_ =	sdelay $0x4  }
0x24c: {  	v34 =	vld [tilespmem:$0x840]  }
0x24d: {  	v35 =	vld [tilespmem:$0x8C0];
	_ =	sdelay $0x1  }
0x24e: {  	v36 =	vld [tilespmem:$0x940]  }
0x24f: {  	v37 =	vpop (erf)  }
0x250: {  	v38 =	vld [tilespmem:$0x9C0];
	v1 =	vshll.u32 v34, $0x5;
	v3 =	vmul.f32 v37, v30  }
0x251: {  	v5 =	vadd.s32 v1, v35;
	v2 =	vmul.f32 v37, v2  }
0x252: {  	v41 =	vld [tilespmem:$0xA40];
	v40 =	vadd.s32 $0x400, v5;
	v39 =	vmul.f32 v37, v31;
	[tilespmem:$0x2030] =	vst v3  }
0x253: {  	v42 =	vadd.s32 v1, v36;
	v0 =	vmul.f32 v37, v0;
	[tilespmem:$0x20B0] =	vst v2  }
0x254: {  	v43 =	vld [tilespmem:$0x1240];
	v6 =	vadd.s32 $0x400, v42;
	[tilespmem:$0x2130] =	vst v39  }
0x255: {  	v44 =	vld [tilespmem:$0x12C0];
	v45 =	vadd.s32 v1, v38;
	[tilespmem:$0x21B0] =	vst v0  }
0x256: {  	v8 =	vadd.s32 $0x400, v45;
	v5 =	vld.idx.msk [tilespmem:v5+s12+$0x0], $0xffff  }
0x257: {  	v1 =	vadd.s32 v1, v41;
	v4 =	vld.idx.msk [tilespmem:v40+s12+$0x0], $0xffff  }
0x258: {  	v9 =	vadd.s32 $0x400, v1;
	v2 =	vld.idx.msk [tilespmem:v42+s12+$0x0], $0xffff  }
0x259: {  	v6 =	vld.idx.msk [tilespmem:v6+s12+$0x0], $0xffff  }
0x25a: {  	v7 =	vld.idx.msk [tilespmem:v45+s12+$0x0], $0xffff  }
0x25b: {  	v8 =	vld.idx.msk [tilespmem:v8+s12+$0x0], $0xffff  }
0x25c: {  	v1 =	vld.idx.msk [tilespmem:v1+s12+$0x0], $0xffff  }
0x25d: {  	v9 =	vld.idx.msk [tilespmem:v9+s12+$0x0], $0xffff;
	_ =	sdelay $0x1  }
0x25e: {  	v5 =	vmul.f32 v5, v43;
	v4 =	vmul.f32 v4, v44  }
0x25f: {  	v2 =	vmul.f32 v2, v43;
	v6 =	vmul.f32 v6, v44  }
0x260: {  	v7 =	vmul.f32 v7, v43;
	v8 =	vmul.f32 v8, v44  }
0x261: {  	v1 =	vmul.f32 v1, v43;
	v0 =	vmul.f32 v9, v44  }
0x262: {  	v46 =	vadd.f32 v4, v5;
	v2 =	vadd.f32 v6, v2  }
0x263: {  	v47 =	vadd.f32 v8, v7;
	v0 =	vadd.f32 v0, v1;
	_ =	sdelay $0x1  }
0x264: {  	v48 =	vadd.f32 v2, v46;
	v49 =	vadd.f32 v0, v47;
	_ =	sdelay $0x1  }
0x265: {  	v1 =	vadd.f32 v49, v48;
	_ =	sdelay $0x1  }
0x266: {  	(erf) = vrcp.f32 v1;
	_ =	sdelay $0x4  }
0x267: {  	v50 =	vld [tilespmem:$0x850]  }
0x268: {  	v51 =	vld [tilespmem:$0x8D0];
	_ =	sdelay $0x1  }
0x269: {  	v52 =	vld [tilespmem:$0x950]  }
0x26a: {  	v53 =	vpop (erf)  }
0x26b: {  	v54 =	vld [tilespmem:$0x9D0];
	v1 =	vshll.u32 v50, $0x5;
	v3 =	vmul.f32 v53, v46  }
0x26c: {  	v5 =	vadd.s32 v1, v51;
	v2 =	vmul.f32 v53, v2  }
0x26d: {  	v57 =	vld [tilespmem:$0xA50];
	v56 =	vadd.s32 $0x400, v5;
	v55 =	vmul.f32 v53, v47;
	[tilespmem:$0x2040] =	vst v3  }
0x26e: {  	v58 =	vadd.s32 v1, v52;
	v0 =	vmul.f32 v53, v0;
	[tilespmem:$0x20C0] =	vst v2  }
0x26f: {  	v59 =	vld [tilespmem:$0x1250];
	v6 =	vadd.s32 $0x400, v58;
	[tilespmem:$0x2140] =	vst v55  }
0x270: {  	v60 =	vld [tilespmem:$0x12D0];
	v61 =	vadd.s32 v1, v54;
	[tilespmem:$0x21C0] =	vst v0  }
0x271: {  	v8 =	vadd.s32 $0x400, v61;
	v5 =	vld.idx.msk [tilespmem:v5+s12+$0x0], $0xffff  }
0x272: {  	v1 =	vadd.s32 v1, v57;
	v4 =	vld.idx.msk [tilespmem:v56+s12+$0x0], $0xffff  }
0x273: {  	v9 =	vadd.s32 $0x400, v1;
	v2 =	vld.idx.msk [tilespmem:v58+s12+$0x0], $0xffff  }
0x274: {  	v6 =	vld.idx.msk [tilespmem:v6+s12+$0x0], $0xffff  }
0x275: {  	v7 =	vld.idx.msk [tilespmem:v61+s12+$0x0], $0xffff  }
0x276: {  	v8 =	vld.idx.msk [tilespmem:v8+s12+$0x0], $0xffff  }
0x277: {  	v1 =	vld.idx.msk [tilespmem:v1+s12+$0x0], $0xffff  }
0x278: {  	v9 =	vld.idx.msk [tilespmem:v9+s12+$0x0], $0xffff;
	_ =	sdelay $0x1  }
0x279: {  	v5 =	vmul.f32 v5, v59;
	v4 =	vmul.f32 v4, v60  }
0x27a: {  	v2 =	vmul.f32 v2, v59;
	v6 =	vmul.f32 v6, v60  }
0x27b: {  	v7 =	vmul.f32 v7, v59;
	v8 =	vmul.f32 v8, v60  }
0x27c: {  	v1 =	vmul.f32 v1, v59;
	v0 =	vmul.f32 v9, v60  }
0x27d: {  	v62 =	vadd.f32 v4, v5;
	v2 =	vadd.f32 v6, v2  }
0x27e: {  	v63 =	vadd.f32 v8, v7;
	v0 =	vadd.f32 v0, v1;
	_ =	sdelay $0x1  }
0x27f: {  	v10 =	vadd.f32 v2, v62;
	v11 =	vadd.f32 v0, v63;
	_ =	sdelay $0x1  }
0x280: {  	v1 =	vadd.f32 v11, v10;
	_ =	sdelay $0x1  }
0x281: {  	(erf) = vrcp.f32 v1;
	_ =	sdelay $0x4  }
0x282: {  	v12 =	vld [tilespmem:$0x860]  }
0x283: {  	v13 =	vld [tilespmem:$0x8E0];
	_ =	sdelay $0x1  }
0x284: {  	v14 =	vld [tilespmem:$0x960]  }
0x285: {  	v15 =	vpop (erf)  }
0x286: {  	v16 =	vld [tilespmem:$0x9E0];
	v1 =	vshll.u32 v12, $0x5;
	v3 =	vmul.f32 v15, v62  }
0x287: {  	v5 =	vadd.s32 v1, v13;
	v2 =	vmul.f32 v15, v2  }
0x288: {  	v19 =	vld [tilespmem:$0xA60];
	v18 =	vadd.s32 $0x400, v5;
	v17 =	vmul.f32 v15, v63;
	[tilespmem:$0x2050] =	vst v3  }
0x289: {  	v20 =	vadd.s32 v1, v14;
	v0 =	vmul.f32 v15, v0;
	[tilespmem:$0x20D0] =	vst v2  }
0x28a: {  	v22 =	vld [tilespmem:$0x12E0];
	v6 =	vadd.s32 $0x400, v20;
	[tilespmem:$0x2150] =	vst v17  }
0x28b: {  	v21 =	vld [tilespmem:$0x1260];
	v23 =	vadd.s32 v1, v16;
	[tilespmem:$0x21D0] =	vst v0  }
0x28c: {  	v8 =	vadd.s32 $0x400, v23;
	v5 =	vld.idx.msk [tilespmem:v5+s12+$0x0], $0xffff  }
0x28d: {  	v1 =	vadd.s32 v1, v19;
	v4 =	vld.idx.msk [tilespmem:v18+s12+$0x0], $0xffff  }
0x28e: {  	v9 =	vadd.s32 $0x400, v1;
	v2 =	vld.idx.msk [tilespmem:v20+s12+$0x0], $0xffff  }
0x28f: {  	v6 =	vld.idx.msk [tilespmem:v6+s12+$0x0], $0xffff  }
0x290: {  	v7 =	vld.idx.msk [tilespmem:v23+s12+$0x0], $0xffff  }
0x291: {  	v8 =	vld.idx.msk [tilespmem:v8+s12+$0x0], $0xffff  }
0x292: {  	v1 =	vld.idx.msk [tilespmem:v1+s12+$0x0], $0xffff  }
0x293: {  	v9 =	vld.idx.msk [tilespmem:v9+s12+$0x0], $0xffff;
	_ =	sdelay $0x1  }
0x294: {  	v5 =	vmul.f32 v5, v21;
	v4 =	vmul.f32 v4, v22  }
0x295: {  	v2 =	vmul.f32 v2, v21;
	v6 =	vmul.f32 v6, v22  }
0x296: {  	v7 =	vmul.f32 v7, v21;
	v8 =	vmul.f32 v8, v22  }
0x297: {  	v1 =	vmul.f32 v1, v21;
	v0 =	vmul.f32 v9, v22  }
0x298: {  	v24 =	vadd.f32 v4, v5;
	v2 =	vadd.f32 v6, v2  }
0x299: {  	v25 =	vadd.f32 v8, v7;
	v0 =	vadd.f32 v0, v1;
	_ =	sdelay $0x1  }
0x29a: {  	v26 =	vadd.f32 v2, v24;
	v27 =	vadd.f32 v0, v25;
	_ =	sdelay $0x1  }
0x29b: {  	v1 =	vadd.f32 v27, v26;
	_ =	sdelay $0x1  }
0x29c: {  	(erf) = vrcp.f32 v1;
	_ =	sdelay $0x4  }
0x29d: {  	v28 =	vld [tilespmem:$0x870]  }
0x29e: {  	v29 =	vld [tilespmem:$0x8F0];
	_ =	sdelay $0x1  }
0x29f: {  	v30 =	vld [tilespmem:$0x970]  }
0x2a0: {  	v31 =	vpop (erf)  }
0x2a1: {  	v32 =	vld [tilespmem:$0x9F0];
	v1 =	vshll.u32 v28, $0x5;
	v3 =	vmul.f32 v31, v24  }
0x2a2: {  	v5 =	vadd.s32 v1, v29;
	v2 =	vmul.f32 v31, v2  }
0x2a3: {  	v35 =	vld [tilespmem:$0xA70];
	v34 =	vadd.s32 $0x400, v5;
	v33 =	vmul.f32 v31, v25;
	[tilespmem:$0x2060] =	vst v3  }
0x2a4: {  	v36 =	vadd.s32 v1, v30;
	v0 =	vmul.f32 v31, v0;
	[tilespmem:$0x20E0] =	vst v2  }
0x2a5: {  	v38 =	vld [tilespmem:$0x12F0];
	v6 =	vadd.s32 $0x400, v36;
	[tilespmem:$0x2160] =	vst v33  }
0x2a6: {  	v37 =	vld [tilespmem:$0x1270];
	v39 =	vadd.s32 v1, v32;
	[tilespmem:$0x21E0] =	vst v0  }
0x2a7: {  	v8 =	vadd.s32 $0x400, v39;
	v5 =	vld.idx.msk [tilespmem:v5+s12+$0x0], $0xffff  }
0x2a8: {  	v1 =	vadd.s32 v1, v35;
	v4 =	vld.idx.msk [tilespmem:v34+s12+$0x0], $0xffff  }
0x2a9: {  	v9 =	vadd.s32 $0x400, v1;
	v2 =	vld.idx.msk [tilespmem:v36+s12+$0x0], $0xffff  }
0x2aa: {  	v6 =	vld.idx.msk [tilespmem:v6+s12+$0x0], $0xffff  }
0x2ab: {  	v7 =	vld.idx.msk [tilespmem:v39+s12+$0x0], $0xffff  }
0x2ac: {  	v8 =	vld.idx.msk [tilespmem:v8+s12+$0x0], $0xffff  }
0x2ad: {  	v1 =	vld.idx.msk [tilespmem:v1+s12+$0x0], $0xffff  }
0x2ae: {  	v9 =	vld.idx.msk [tilespmem:v9+s12+$0x0], $0xffff;
	_ =	sdelay $0x1  }
0x2af: {  	v5 =	vmul.f32 v5, v37;
	v4 =	vmul.f32 v4, v38  }
0x2b0: {  	v2 =	vmul.f32 v2, v37;
	v6 =	vmul.f32 v6, v38  }
0x2b1: {  	v7 =	vmul.f32 v7, v37;
	v8 =	vmul.f32 v8, v38  }
0x2b2: {  	v1 =	vmul.f32 v1, v37;
	v0 =	vmul.f32 v9, v38  }
0x2b3: {  	v40 =	vadd.f32 v4, v5;
	v2 =	vadd.f32 v6, v2  }
0x2b4: {  	v41 =	vadd.f32 v8, v7;
	v0 =	vadd.f32 v0, v1;
	_ =	sdelay $0x1  }
0x2b5: {  	v42 =	vadd.f32 v2, v40;
	v43 =	vadd.f32 v0, v41;
	_ =	sdelay $0x1  }
0x2b6: {  	v1 =	vadd.f32 v43, v42;
	_ =	sdelay $0x1  }
0x2b7: {  	(erf) = vrcp.f32 v1;
	_ =	sdelay $0x8  }
0x2b8: {  	v1 =	vpop (erf)  }
0x2b9: {  	v3 =	vmul.f32 v1, v40  }
0x2ba: {  	v2 =	vmul.f32 v1, v2  }
0x2bb: {  	v44 =	vmul.f32 v1, v41;
	[tilespmem:$0x2070] =	vst v3  }
0x2bc: {  	v0 =	vmul.f32 v1, v0;
	[tilespmem:$0x20F0] =	vst v2  }
0x2bd: {  	[tilespmem:$0x2170] =	vst v44  }
0x2be: {  	[tilespmem:$0x21F0] =	vst v0  }
0x2bf: {  	[hbm4b:s8+s2] =	stream.linear.scatter [tilespmem:s16], [sflag:$0x1], $0x200, $0x38;
	[tilespmem:$0x2400] =	vst v63  }
0x2c0: {  	v45 =	vld [tilespmem:$0xC00]  }
0x2c1: {  	v46 =	vld [tilespmem:$0xC80]  }
0x2c2: {  	v47 =	vld [tilespmem:$0xD00]  }
0x2c3: {  	v48 =	vld [tilespmem:$0xD80]  }
0x2c4: {  	v50 =	vld [tilespmem:$0xE00]  }
0x2c5: {  	v0 =	vshll.u32 v45, $0x5  }
0x2c6: {  	v1 =	vadd.s32 v0, v46  }
0x2c7: {  	v2 =	vadd.s32 v0, v47  }
0x2c8: {  	v3 =	vadd.s32 v0, v48  }
0x2c9: {  	v51 =	vld [tilespmem:$0x1300];
	v0 =	vadd.s32 v0, v50  }
0x2ca: {  	v53 =	vld [tilespmem:$0x1380];
	v49 =	vadd.s32 $0x400, v1  }
0x2cb: {  	v52 =	vadd.s32 $0x400, v2;
	v1 =	vld.idx.msk [tilespmem:v1+s12+$0x0], $0xffff  }
0x2cc: {  	v54 =	vadd.s32 $0x400, v3;
	v2 =	vld.idx.msk [tilespmem:v2+s12+$0x0], $0xffff  }
0x2cd: {  	v5 =	vadd.s32 $0x400, v0;
	v3 =	vld.idx.msk [tilespmem:v3+s12+$0x0], $0xffff  }
0x2ce: {  	v0 =	vld.idx.msk [tilespmem:v0+s12+$0x0], $0xffff  }
0x2cf: {  	v4 =	vld.idx.msk [tilespmem:v49+s12+$0x0], $0xffff  }
0x2d0: {  	v7 =	vld.idx.msk [tilespmem:v52+s12+$0x0], $0xffff  }
0x2d1: {  	v9 =	vld.idx.msk [tilespmem:v54+s12+$0x0], $0xffff  }
0x2d2: {  	v5 =	vld.idx.msk [tilespmem:v5+s12+$0x0], $0xffff;
	_ =	sdelay $0x1  }
0x2d3: {  	v1 =	vmul.f32 v1, v51;
	v2 =	vmul.f32 v2, v51  }
0x2d4: {  	v3 =	vmul.f32 v3, v51;
	v0 =	vmul.f32 v0, v51  }
0x2d5: {  	v4 =	vmul.f32 v4, v53;
	v7 =	vmul.f32 v7, v53  }
0x2d6: {  	v9 =	vmul.f32 v9, v53;
	v5 =	vmul.f32 v5, v53  }
0x2d7: {  	v1 =	vadd.f32 v4, v1;
	v2 =	vadd.f32 v7, v2  }
0x2d8: {  	v3 =	vadd.f32 v9, v3;
	v0 =	vadd.f32 v5, v0;
	_ =	sdelay $0x1  }
0x2d9: {  	v4 =	vadd.f32 v2, v1;
	v5 =	vadd.f32 v0, v3;
	_ =	sdelay $0x1  }
0x2da: {  	v4 =	vadd.f32 v5, v4;
	_ =	sdelay $0x1  }
0x2db: {  	(erf) = vrcp.f32 v4;
	_ =	sdelay $0x4  }
0x2dc: {  	v55 =	vld [tilespmem:$0xC10]  }
0x2dd: {  	v56 =	vld [tilespmem:$0xC90];
	_ =	sdelay $0x1  }
0x2de: {  	v57 =	vld [tilespmem:$0xD10]  }
0x2df: {  	v58 =	vpop (erf)  }
0x2e0: {  	v59 =	vld [tilespmem:$0xD90];
	v4 =	vshll.u32 v55, $0x5;
	v1 =	vmul.f32 v58, v1  }
0x2e1: {  	v5 =	vadd.s32 v4, v56;
	v2 =	vmul.f32 v58, v2  }
0x2e2: {  	v62 =	vld [tilespmem:$0xE10];
	v61 =	vadd.s32 $0x400, v5;
	v60 =	vmul.f32 v58, v3;
	[tilespmem:$0x2200] =	vst v1  }
0x2e3: {  	v63 =	vadd.s32 v4, v57;
	v0 =	vmul.f32 v58, v0;
	[tilespmem:$0x2280] =	vst v2  }
0x2e4: {  	v12 =	vld [tilespmem:$0x1310];
	v6 =	vadd.s32 $0x400, v63;
	[tilespmem:$0x2300] =	vst v60  }
0x2e5: {  	v13 =	vld [tilespmem:$0x1390];
	v14 =	vadd.s32 v4, v59;
	[tilespmem:$0x2380] =	vst v0  }
0x2e6: {  	v8 =	vadd.s32 $0x400, v14;
	v5 =	vld.idx.msk [tilespmem:v5+s12+$0x0], $0xffff  }
0x2e7: {  	v4 =	vadd.s32 v4, v62;
	v3 =	vld.idx.msk [tilespmem:v61+s12+$0x0], $0xffff  }
0x2e8: {  	v9 =	vadd.s32 $0x400, v4;
	v2 =	vld.idx.msk [tilespmem:v63+s12+$0x0], $0xffff  }
0x2e9: {  	v6 =	vld.idx.msk [tilespmem:v6+s12+$0x0], $0xffff  }
0x2ea: {  	v7 =	vld.idx.msk [tilespmem:v14+s12+$0x0], $0xffff  }
0x2eb: {  	v8 =	vld.idx.msk [tilespmem:v8+s12+$0x0], $0xffff  }
0x2ec: {  	v4 =	vld.idx.msk [tilespmem:v4+s12+$0x0], $0xffff  }
0x2ed: {  	v9 =	vld.idx.msk [tilespmem:v9+s12+$0x0], $0xffff;
	_ =	sdelay $0x1  }
0x2ee: {  	v5 =	vmul.f32 v5, v12;
	v3 =	vmul.f32 v3, v13  }
0x2ef: {  	v2 =	vmul.f32 v2, v12;
	v6 =	vmul.f32 v6, v13  }
0x2f0: {  	v7 =	vmul.f32 v7, v12;
	v8 =	vmul.f32 v8, v13  }
0x2f1: {  	v1 =	vmul.f32 v4, v12;
	v0 =	vmul.f32 v9, v13  }
0x2f2: {  	v3 =	vadd.f32 v3, v5;
	v2 =	vadd.f32 v6, v2  }
0x2f3: {  	v15 =	vadd.f32 v8, v7;
	v0 =	vadd.f32 v0, v1;
	_ =	sdelay $0x1  }
0x2f4: {  	v16 =	vadd.f32 v2, v3;
	v17 =	vadd.f32 v0, v15;
	_ =	sdelay $0x1  }
0x2f5: {  	v1 =	vadd.f32 v17, v16;
	_ =	sdelay $0x1  }
0x2f6: {  	(erf) = vrcp.f32 v1;
	_ =	sdelay $0x4  }
0x2f7: {  	v18 =	vld [tilespmem:$0xC20]  }
0x2f8: {  	v19 =	vld [tilespmem:$0xCA0];
	_ =	sdelay $0x1  }
0x2f9: {  	v20 =	vld [tilespmem:$0xD20]  }
0x2fa: {  	v21 =	vpop (erf)  }
0x2fb: {  	v22 =	vld [tilespmem:$0xDA0];
	v1 =	vshll.u32 v18, $0x5;
	v3 =	vmul.f32 v21, v3  }
0x2fc: {  	v5 =	vadd.s32 v1, v19;
	v2 =	vmul.f32 v21, v2  }
0x2fd: {  	v25 =	vld [tilespmem:$0xE20];
	v24 =	vadd.s32 $0x400, v5;
	v23 =	vmul.f32 v21, v15;
	[tilespmem:$0x2210] =	vst v3  }
0x2fe: {  	v26 =	vadd.s32 v1, v20;
	v0 =	vmul.f32 v21, v0;
	[tilespmem:$0x2290] =	vst v2  }
0x2ff: {  	v27 =	vld [tilespmem:$0x1320];
	v6 =	vadd.s32 $0x400, v26;
	[tilespmem:$0x2310] =	vst v23  }
0x300: {  	v28 =	vld [tilespmem:$0x13A0];
	v29 =	vadd.s32 v1, v22;
	[tilespmem:$0x2390] =	vst v0  }
0x301: {  	v8 =	vadd.s32 $0x400, v29;
	v5 =	vld.idx.msk [tilespmem:v5+s12+$0x0], $0xffff  }
0x302: {  	v1 =	vadd.s32 v1, v25;
	v4 =	vld.idx.msk [tilespmem:v24+s12+$0x0], $0xffff  }
0x303: {  	v9 =	vadd.s32 $0x400, v1;
	v2 =	vld.idx.msk [tilespmem:v26+s12+$0x0], $0xffff  }
0x304: {  	v6 =	vld.idx.msk [tilespmem:v6+s12+$0x0], $0xffff  }
0x305: {  	v7 =	vld.idx.msk [tilespmem:v29+s12+$0x0], $0xffff  }
0x306: {  	v8 =	vld.idx.msk [tilespmem:v8+s12+$0x0], $0xffff  }
0x307: {  	v1 =	vld.idx.msk [tilespmem:v1+s12+$0x0], $0xffff  }
0x308: {  	v9 =	vld.idx.msk [tilespmem:v9+s12+$0x0], $0xffff;
	_ =	sdelay $0x1  }
0x309: {  	v5 =	vmul.f32 v5, v27;
	v4 =	vmul.f32 v4, v28  }
0x30a: {  	v2 =	vmul.f32 v2, v27;
	v6 =	vmul.f32 v6, v28  }
0x30b: {  	v7 =	vmul.f32 v7, v27;
	v8 =	vmul.f32 v8, v28  }
0x30c: {  	v1 =	vmul.f32 v1, v27;
	v0 =	vmul.f32 v9, v28  }
0x30d: {  	v30 =	vadd.f32 v4, v5;
	v2 =	vadd.f32 v6, v2  }
0x30e: {  	v31 =	vadd.f32 v8, v7;
	v0 =	vadd.f32 v0, v1;
	_ =	sdelay $0x1  }
0x30f: {  	v32 =	vadd.f32 v2, v30;
	v33 =	vadd.f32 v0, v31;
	_ =	sdelay $0x1  }
0x310: {  	v1 =	vadd.f32 v33, v32;
	_ =	sdelay $0x1  }
0x311: {  	(erf) = vrcp.f32 v1;
	_ =	sdelay $0x4  }
0x312: {  	v34 =	vld [tilespmem:$0xC30]  }
0x313: {  	v35 =	vld [tilespmem:$0xCB0];
	_ =	sdelay $0x1  }
0x314: {  	v36 =	vld [tilespmem:$0xD30]  }
0x315: {  	v37 =	vpop (erf)  }
0x316: {  	v38 =	vld [tilespmem:$0xDB0];
	v1 =	vshll.u32 v34, $0x5;
	v3 =	vmul.f32 v37, v30  }
0x317: {  	v5 =	vadd.s32 v1, v35;
	v2 =	vmul.f32 v37, v2  }
0x318: {  	v41 =	vld [tilespmem:$0xE30];
	v40 =	vadd.s32 $0x400, v5;
	v39 =	vmul.f32 v37, v31;
	[tilespmem:$0x2220] =	vst v3  }
0x319: {  	v42 =	vadd.s32 v1, v36;
	v0 =	vmul.f32 v37, v0;
	[tilespmem:$0x22A0] =	vst v2  }
0x31a: {  	v43 =	vld [tilespmem:$0x1330];
	v6 =	vadd.s32 $0x400, v42;
	[tilespmem:$0x2320] =	vst v39  }
0x31b: {  	v44 =	vld [tilespmem:$0x13B0];
	v45 =	vadd.s32 v1, v38;
	[tilespmem:$0x23A0] =	vst v0  }
0x31c: {  	v8 =	vadd.s32 $0x400, v45;
	v5 =	vld.idx.msk [tilespmem:v5+s12+$0x0], $0xffff  }
0x31d: {  	v1 =	vadd.s32 v1, v41;
	v4 =	vld.idx.msk [tilespmem:v40+s12+$0x0], $0xffff  }
0x31e: {  	v9 =	vadd.s32 $0x400, v1;
	v2 =	vld.idx.msk [tilespmem:v42+s12+$0x0], $0xffff  }
0x31f: {  	v6 =	vld.idx.msk [tilespmem:v6+s12+$0x0], $0xffff  }
0x320: {  	v7 =	vld.idx.msk [tilespmem:v45+s12+$0x0], $0xffff  }
0x321: {  	v8 =	vld.idx.msk [tilespmem:v8+s12+$0x0], $0xffff  }
0x322: {  	v1 =	vld.idx.msk [tilespmem:v1+s12+$0x0], $0xffff  }
0x323: {  	v9 =	vld.idx.msk [tilespmem:v9+s12+$0x0], $0xffff;
	_ =	sdelay $0x1  }
0x324: {  	v5 =	vmul.f32 v5, v43;
	v4 =	vmul.f32 v4, v44  }
0x325: {  	v2 =	vmul.f32 v2, v43;
	v6 =	vmul.f32 v6, v44  }
0x326: {  	v7 =	vmul.f32 v7, v43;
	v8 =	vmul.f32 v8, v44  }
0x327: {  	v1 =	vmul.f32 v1, v43;
	v0 =	vmul.f32 v9, v44  }
0x328: {  	v46 =	vadd.f32 v4, v5;
	v2 =	vadd.f32 v6, v2  }
0x329: {  	v47 =	vadd.f32 v8, v7;
	v0 =	vadd.f32 v0, v1;
	_ =	sdelay $0x1  }
0x32a: {  	v48 =	vadd.f32 v2, v46;
	v49 =	vadd.f32 v0, v47;
	_ =	sdelay $0x1  }
0x32b: {  	v1 =	vadd.f32 v49, v48;
	_ =	sdelay $0x1  }
0x32c: {  	(erf) = vrcp.f32 v1;
	_ =	sdelay $0x4  }
0x32d: {  	v50 =	vld [tilespmem:$0xC40]  }
0x32e: {  	v51 =	vld [tilespmem:$0xCC0];
	_ =	sdelay $0x1  }
0x32f: {  	v52 =	vld [tilespmem:$0xD40]  }
0x330: {  	v53 =	vpop (erf)  }
0x331: {  	v54 =	vld [tilespmem:$0xDC0];
	v1 =	vshll.u32 v50, $0x5;
	v3 =	vmul.f32 v53, v46  }
0x332: {  	v5 =	vadd.s32 v1, v51;
	v2 =	vmul.f32 v53, v2  }
0x333: {  	v57 =	vld [tilespmem:$0xE40];
	v56 =	vadd.s32 $0x400, v5;
	v55 =	vmul.f32 v53, v47;
	[tilespmem:$0x2230] =	vst v3  }
0x334: {  	v58 =	vadd.s32 v1, v52;
	v0 =	vmul.f32 v53, v0;
	[tilespmem:$0x22B0] =	vst v2  }
0x335: {  	v59 =	vld [tilespmem:$0x1340];
	v6 =	vadd.s32 $0x400, v58;
	[tilespmem:$0x2330] =	vst v55  }
0x336: {  	v60 =	vld [tilespmem:$0x13C0];
	v61 =	vadd.s32 v1, v54;
	[tilespmem:$0x23B0] =	vst v0  }
0x337: {  	v8 =	vadd.s32 $0x400, v61;
	v5 =	vld.idx.msk [tilespmem:v5+s12+$0x0], $0xffff  }
0x338: {  	v1 =	vadd.s32 v1, v57;
	v4 =	vld.idx.msk [tilespmem:v56+s12+$0x0], $0xffff  }
0x339: {  	v9 =	vadd.s32 $0x400, v1;
	v2 =	vld.idx.msk [tilespmem:v58+s12+$0x0], $0xffff  }
0x33a: {  	v6 =	vld.idx.msk [tilespmem:v6+s12+$0x0], $0xffff  }
0x33b: {  	v7 =	vld.idx.msk [tilespmem:v61+s12+$0x0], $0xffff  }
0x33c: {  	v8 =	vld.idx.msk [tilespmem:v8+s12+$0x0], $0xffff  }
0x33d: {  	v1 =	vld.idx.msk [tilespmem:v1+s12+$0x0], $0xffff  }
0x33e: {  	v9 =	vld.idx.msk [tilespmem:v9+s12+$0x0], $0xffff;
	_ =	sdelay $0x1  }
0x33f: {  	v5 =	vmul.f32 v5, v59;
	v4 =	vmul.f32 v4, v60  }
0x340: {  	v2 =	vmul.f32 v2, v59;
	v6 =	vmul.f32 v6, v60  }
0x341: {  	v7 =	vmul.f32 v7, v59;
	v8 =	vmul.f32 v8, v60  }
0x342: {  	v1 =	vmul.f32 v1, v59;
	v0 =	vmul.f32 v9, v60  }
0x343: {  	v62 =	vadd.f32 v4, v5;
	v2 =	vadd.f32 v6, v2  }
0x344: {  	v63 =	vadd.f32 v8, v7;
	v0 =	vadd.f32 v0, v1;
	_ =	sdelay $0x1  }
0x345: {  	v11 =	vadd.f32 v2, v62;
	v12 =	vadd.f32 v0, v63;
	_ =	sdelay $0x1  }
0x346: {  	v1 =	vadd.f32 v12, v11;
	_ =	sdelay $0x1  }
0x347: {  	(erf) = vrcp.f32 v1;
	_ =	sdelay $0x4  }
0x348: {  	v13 =	vld [tilespmem:$0xC50]  }
0x349: {  	v14 =	vld [tilespmem:$0xCD0];
	_ =	sdelay $0x1  }
0x34a: {  	v15 =	vld [tilespmem:$0xD50]  }
0x34b: {  	v16 =	vpop (erf)  }
0x34c: {  	v17 =	vld [tilespmem:$0xDD0];
	v1 =	vshll.u32 v13, $0x5;
	v3 =	vmul.f32 v16, v62  }
0x34d: {  	v5 =	vadd.s32 v1, v14;
	v2 =	vmul.f32 v16, v2  }
0x34e: {  	v20 =	vld [tilespmem:$0xE50];
	v19 =	vadd.s32 $0x400, v5;
	v18 =	vmul.f32 v16, v63;
	[tilespmem:$0x2240] =	vst v3  }
0x34f: {  	v21 =	vadd.s32 v1, v15;
	v0 =	vmul.f32 v16, v0;
	[tilespmem:$0x22C0] =	vst v2  }
0x350: {  	v22 =	vld [tilespmem:$0x1350];
	v6 =	vadd.s32 $0x400, v21;
	[tilespmem:$0x2340] =	vst v18  }
0x351: {  	v23 =	vld [tilespmem:$0x13D0];
	v24 =	vadd.s32 v1, v17;
	[tilespmem:$0x23C0] =	vst v0  }
0x352: {  	v8 =	vadd.s32 $0x400, v24;
	v5 =	vld.idx.msk [tilespmem:v5+s12+$0x0], $0xffff  }
0x353: {  	v1 =	vadd.s32 v1, v20;
	v4 =	vld.idx.msk [tilespmem:v19+s12+$0x0], $0xffff  }
0x354: {  	v9 =	vadd.s32 $0x400, v1;
	v2 =	vld.idx.msk [tilespmem:v21+s12+$0x0], $0xffff  }
0x355: {  	v6 =	vld.idx.msk [tilespmem:v6+s12+$0x0], $0xffff  }
0x356: {  	v7 =	vld.idx.msk [tilespmem:v24+s12+$0x0], $0xffff  }
0x357: {  	v8 =	vld.idx.msk [tilespmem:v8+s12+$0x0], $0xffff  }
0x358: {  	v1 =	vld.idx.msk [tilespmem:v1+s12+$0x0], $0xffff  }
0x359: {  	v9 =	vld.idx.msk [tilespmem:v9+s12+$0x0], $0xffff;
	_ =	sdelay $0x1  }
0x35a: {  	v5 =	vmul.f32 v5, v22;
	v4 =	vmul.f32 v4, v23  }
0x35b: {  	v2 =	vmul.f32 v2, v22;
	v6 =	vmul.f32 v6, v23  }
0x35c: {  	v7 =	vmul.f32 v7, v22;
	v8 =	vmul.f32 v8, v23  }
0x35d: {  	v1 =	vmul.f32 v1, v22;
	v0 =	vmul.f32 v9, v23  }
0x35e: {  	v25 =	vadd.f32 v4, v5;
	v2 =	vadd.f32 v6, v2  }
0x35f: {  	v26 =	vadd.f32 v8, v7;
	v0 =	vadd.f32 v0, v1;
	_ =	sdelay $0x1  }
0x360: {  	v27 =	vadd.f32 v2, v25;
	v28 =	vadd.f32 v0, v26;
	_ =	sdelay $0x1  }
0x361: {  	v1 =	vadd.f32 v28, v27;
	_ =	sdelay $0x1  }
0x362: {  	(erf) = vrcp.f32 v1;
	_ =	sdelay $0x4  }
0x363: {  	v29 =	vld [tilespmem:$0xC60]  }
0x364: {  	v30 =	vld [tilespmem:$0xCE0];
	_ =	sdelay $0x1  }
0x365: {  	v31 =	vld [tilespmem:$0xD60]  }
0x366: {  	v32 =	vpop (erf)  }
0x367: {  	v33 =	vld [tilespmem:$0xDE0];
	v1 =	vshll.u32 v29, $0x5;
	v3 =	vmul.f32 v32, v25  }
0x368: {  	v5 =	vadd.s32 v1, v30;
	v2 =	vmul.f32 v32, v2  }
0x369: {  	v36 =	vld [tilespmem:$0xE60];
	v35 =	vadd.s32 $0x400, v5;
	v34 =	vmul.f32 v32, v26;
	[tilespmem:$0x2250] =	vst v3  }
0x36a: {  	v37 =	vadd.s32 v1, v31;
	v0 =	vmul.f32 v32, v0;
	[tilespmem:$0x22D0] =	vst v2  }
0x36b: {  	v38 =	vld [tilespmem:$0x1360];
	v6 =	vadd.s32 $0x400, v37;
	[tilespmem:$0x2350] =	vst v34  }
0x36c: {  	v39 =	vld [tilespmem:$0x13E0];
	v40 =	vadd.s32 v1, v33;
	[tilespmem:$0x23D0] =	vst v0  }
0x36d: {  	v8 =	vadd.s32 $0x400, v40;
	v5 =	vld.idx.msk [tilespmem:v5+s12+$0x0], $0xffff  }
0x36e: {  	v1 =	vadd.s32 v1, v36;
	v4 =	vld.idx.msk [tilespmem:v35+s12+$0x0], $0xffff  }
0x36f: {  	v9 =	vadd.s32 $0x400, v1;
	v2 =	vld.idx.msk [tilespmem:v37+s12+$0x0], $0xffff  }
0x370: {  	v6 =	vld.idx.msk [tilespmem:v6+s12+$0x0], $0xffff  }
0x371: {  	v7 =	vld.idx.msk [tilespmem:v40+s12+$0x0], $0xffff  }
0x372: {  	v8 =	vld.idx.msk [tilespmem:v8+s12+$0x0], $0xffff  }
0x373: {  	v1 =	vld.idx.msk [tilespmem:v1+s12+$0x0], $0xffff  }
0x374: {  	v9 =	vld.idx.msk [tilespmem:v9+s12+$0x0], $0xffff;
	_ =	sdelay $0x1  }
0x375: {  	v5 =	vmul.f32 v5, v38;
	v4 =	vmul.f32 v4, v39  }
0x376: {  	v2 =	vmul.f32 v2, v38;
	v6 =	vmul.f32 v6, v39  }
0x377: {  	v7 =	vmul.f32 v7, v38;
	v8 =	vmul.f32 v8, v39  }
0x378: {  	v1 =	vmul.f32 v1, v38;
	v0 =	vmul.f32 v9, v39  }
0x379: {  	v41 =	vadd.f32 v4, v5;
	v2 =	vadd.f32 v6, v2  }
0x37a: {  	v42 =	vadd.f32 v8, v7;
	v0 =	vadd.f32 v0, v1;
	_ =	sdelay $0x1  }
0x37b: {  	v43 =	vadd.f32 v2, v41;
	v44 =	vadd.f32 v0, v42;
	_ =	sdelay $0x1  }
0x37c: {  	v1 =	vadd.f32 v44, v43;
	_ =	sdelay $0x1  }
0x37d: {  	(erf) = vrcp.f32 v1;
	_ =	sdelay $0x4  }
0x37e: {  	v45 =	vld [tilespmem:$0xC70]  }
0x37f: {  	v46 =	vld [tilespmem:$0xCF0];
	_ =	sdelay $0x1  }
0x380: {  	v47 =	vld [tilespmem:$0xD70]  }
0x381: {  	v48 =	vpop (erf)  }
0x382: {  	v49 =	vld [tilespmem:$0xDF0];
	v1 =	vshll.u32 v45, $0x5;
	v3 =	vmul.f32 v48, v41  }
0x383: {  	v50 =	vld [tilespmem:$0xE70];
	v5 =	vadd.s32 v1, v46;
	v2 =	vmul.f32 v48, v2  }
0x384: {  	v52 =	vadd.s32 $0x400, v5;
	v51 =	vmul.f32 v48, v42;
	[tilespmem:$0x2260] =	vst v3  }
0x385: {  	v53 =	vadd.s32 v1, v47;
	v0 =	vmul.f32 v48, v0;
	[tilespmem:$0x22E0] =	vst v2  }
0x386: {  	v54 =	vld [tilespmem:$0x1370];
	v6 =	vadd.s32 $0x400, v53;
	[tilespmem:$0x2360] =	vst v51  }
0x387: {  	v55 =	vld [tilespmem:$0x13F0];
	v56 =	vadd.s32 v1, v49;
	[tilespmem:$0x23E0] =	vst v0  }
0x388: {  	v1 =	vadd.s32 v1, v50;
	v5 =	vld.idx.msk [tilespmem:v5+s12+$0x0], $0xffff  }
0x389: {  	v8 =	vadd.s32 $0x400, v56;
	v4 =	vld.idx.msk [tilespmem:v52+s12+$0x0], $0xffff  }
0x38a: {  	v9 =	vadd.s32 $0x400, v1;
	v2 =	vld.idx.msk [tilespmem:v53+s12+$0x0], $0xffff  }
0x38b: {  	v6 =	vld.idx.msk [tilespmem:v6+s12+$0x0], $0xffff  }
0x38c: {  	v7 =	vld.idx.msk [tilespmem:v56+s12+$0x0], $0xffff  }
0x38d: {  	v1 =	vld.idx.msk [tilespmem:v1+s12+$0x0], $0xffff  }
0x38e: {  	v8 =	vld.idx.msk [tilespmem:v8+s12+$0x0], $0xffff  }
0x38f: {  	v9 =	vld.idx.msk [tilespmem:v9+s12+$0x0], $0xffff;
	_ =	sdelay $0x1  }
0x390: {  	v5 =	vmul.f32 v5, v54;
	v2 =	vmul.f32 v2, v54  }
0x391: {  	v7 =	vmul.f32 v7, v54;
	v1 =	vmul.f32 v1, v54  }
0x392: {  	v57 =	vmul.f32 v4, v55;
	v58 =	vmul.f32 v6, v55  }
0x393: {  	v59 =	vmul.f32 v8, v55;
	v0 =	vmul.f32 v9, v55  }
0x394: {  	v3 =	vadd.f32 v57, v5;
	v2 =	vadd.f32 v58, v2  }
0x395: {  	v60 =	vadd.f32 v59, v7;
	v0 =	vadd.f32 v0, v1;
	_ =	sdelay $0x1  }
0x396: {  	v61 =	vadd.f32 v2, v3;
	v62 =	vadd.f32 v0, v60;
	_ =	sdelay $0x1  }
0x397: {  	v1 =	vadd.f32 v62, v61;
	_ =	sdelay $0x1  }
0x398: {  	(erf) = vrcp.f32 v1;
	_ =	sdelay $0x8  }
0x399: {  	v1 =	vpop (erf)  }
0x39a: {  	v3 =	vmul.f32 v1, v3  }
0x39b: {  	v2 =	vmul.f32 v1, v2  }
0x39c: {  	v63 =	vmul.f32 v1, v60;
	[tilespmem:$0x2270] =	vst v3  }
0x39d: {  	v0 =	vmul.f32 v1, v0;
	[tilespmem:$0x22F0] =	vst v2  }
0x39e: {  	[tilespmem:$0x2370] =	vst v63  }
0x39f: {  	[tilespmem:$0x23F0] =	vst v0  }
0x3a0: {  	[hbm4b:s9+s2] =	stream.linear.scatter [tilespmem:s17], [sflag:$0x1], $0x200, $0x38;
	[tilespmem:$0x2400] =	vst v63  }
0x3a1: {  	_ =	swait.ge [sflag:s13], $0x200  }
0x3a2: {  	[sflag:s13] =	ssyncset.done $0x0  }
0x3a3: {  	[sflag:s13] =	ssyncadd.s32 $0xFFFFFE00  }
0x3a4: {  	_ =	swait.ge [sflag:s13], $0x200  }
0x3a5: {  	[sflag:s13] =	ssyncset.done $0x0  }
0x3a6: {  	[sflag:s13] =	ssyncadd.s32 $0xFFFFFE00  }
0x3a7: {  	p0 =	sne.s32 s10, $0x1;
	_ =	swait.ge [sflag:s13], $0x200  }
.Ltmp0:
0x3a8: {  	[sflag:s13] =	ssyncset.done $0x0;
	(pc) =	sbr.rel @p0 .LBB2_1-.Ltmp0, $4  }
0x3a9: {  	[sflag:s13] =	ssyncadd.s32 $0xFFFFFE00  }
0x3aa: {  	_ =	swait.ge [sflag:s13], $0x200  }
0x3ab: {  	[sflag:s13] =	ssyncset.done $0x0  }
0x3ac: {  	s10 =	sadd.s32 $0xFFFFFFFF, s10;
	[sflag:s13] =	ssyncadd.s32 $0xFFFFFE00  }
0x3ad: {  	_ =	sfence.sel $0x180000  }
0x3ae: {  	[bflag:$0x0] =	sbarrier.arrive $0xFFFF  }
0x3af: {  	p0 =	sne.s32 s1, $0x0;
	_ =	strace $0x90000047  }
0x3b0: {  	s0 =	sadd.s32 @!p0 $0x100000, s0;
	[bflag:$0x2] =	sbarrier.arrive $0xFFFF  }
0x3b1: {  	[sflag:s0] =	ssyncadd.tile.s32 @!p0 $0x1;
	_ =	shalt  }
.Lfunc_end2:
_tile_overlayer_lowered:
.L_overlay_start_2:
0x3b2: {  	(tag) =	ssettag $0x2  }
0x3b3: {  	s0 =	rddreg [dreg:$0x0];
	s2 =	stileid.u32  }
0x3b4: {  	s1 =	rddreg [dreg:$0x1];
	p0 =	sne.s32 s2, $0x0  }
0x3b5: {  	s3 =	rddreg [dreg:$0x2];
	[bflag:$0x3] =	sbarrier.arrive $0xFFFF;
	s2 =	simm.s32 @!p0 $0x1C02  }
0x3b6: {  	[timem:s3], [sflag:s2] =	dma.local @!p0 [hbm:s0], s1  }
0x3b7: {  	s0 =	simm.s32 @!p0 $0x2  }
0x3b8: {  	_ =	swait.ge @!p0 [sflag:s0], s1  }
0x3b9: {  	s1 =	ssub.s32 @!p0 $0x0, s1;
	[sflag:s0] =	ssyncset.done @!p0 $0x0  }
0x3ba: {  	[sflag:s0] =	ssyncadd.s32 @!p0 s1  }
0x3bb: {  	[bflag:$0x3] =	sbarrier.arrive $0xFFFF  }
0x3bc: {  	_ =	shalt  }

</sc_bundles>
